<compile_context>
chip_gen: v7x
topology: tpu7x:2x2x1
jax: 0.10.2.dev20260603
libtpu: 0.0.44.dev20260713+nightly
codegen_flags: <defaults>
</compile_context>

<pallas_src>
import functools

import jax
import jax.numpy as jnp
from jax import lax
from jax.experimental import pallas as pl
from jax.experimental.pallas import tpu as pltpu
from jax.experimental.pallas import tpu_sc as plsc

N = 10000
F = 128
H = 16
CLS = 10
G = 64
NT = 32
C = 128
E = 320000
NCH = E // C
CH = NCH // NT
LEFT = NCH - CH * NT
NPAD = 10240
STRIPE = NPAD // 16
NB = 4
KG = 26
NG = CH // KG

_mesh = plsc.VectorSubcoreMesh(core_axis_name="c", subcore_axis_name="s")


def _deg_body(dst_hbm, out_hbm, dst_v, ones_v, zb_v, deg_sh, dsem):
    c = lax.axis_index("c")
    s = lax.axis_index("s")
    wid = c * 16 + s
    for i in range(C // 16):
        ones_v[pl.ds(i * 16, 16)] = jnp.full((16,), 1.0, jnp.float32)
    for i in range(STRIPE // 16):
        zb_v[pl.ds(i * 16, 16)] = jnp.zeros((16,), jnp.float32)
    pltpu.sync_copy(zb_v, deg_sh.at[pl.ds(s * STRIPE, STRIPE)])
    pltpu.sync_copy(dst_hbm.at[pl.ds(wid * CH, CH)], dst_v.at[pl.ds(0, CH)])

    @pl.when(wid < LEFT)
    def _load_left():
        pltpu.sync_copy(dst_hbm.at[pl.ds(NT * CH + wid, 1)],
                        dst_v.at[pl.ds(CH, 1)])

    plsc.subcore_barrier()

    def chunk(j, carry):
        pltpu.async_copy(ones_v, deg_sh.at[dst_v.at[j]], dsem, add=True)
        return carry

    lax.fori_loop(0, CH, chunk, 0)

    def chunk_drain(j, carry):
        pltpu.make_async_copy(ones_v, deg_sh.at[dst_v.at[j]], dsem).wait()
        return carry

    lax.fori_loop(0, CH, chunk_drain, 0)

    @pl.when(wid < LEFT)
    def _scatter_left():
        pltpu.sync_copy(ones_v, deg_sh.at[dst_v.at[CH]], add=True)

    plsc.subcore_barrier()
    pltpu.sync_copy(deg_sh.at[pl.ds(s * STRIPE, STRIPE)],
                    out_hbm.at[c, pl.ds(s * STRIPE, STRIPE)])


_sc_params = pltpu.CompilerParams(use_tc_tiling_on_sc=False)

_deg_call = pl.kernel(
    _deg_body,
    out_type=jax.ShapeDtypeStruct((2, NPAD), jnp.float32),
    mesh=_mesh,
    compiler_params=_sc_params,
    scratch_types=[
        pltpu.VMEM((CH + 1, C), jnp.int32),
        pltpu.VMEM((C,), jnp.float32),
        pltpu.VMEM((STRIPE,), jnp.float32),
        pltpu.VMEM_SHARED((NPAD,), jnp.float32),
        pltpu.SemaphoreType.DMA,
    ],
)


def _conv_body(g_hbm, src_hbm, dst_hbm, out_hbm,
               src_v, dst_v, rows0, rows1, rows_l, zr_v, acc_sh,
               gsem0, gsem1, ssem0, ssem1):
    rows = (rows0, rows1)
    gsems = (gsem0, gsem1)
    ssems = (ssem0, ssem1)
    c = lax.axis_index("c")
    s = lax.axis_index("s")
    wid = c * 16 + s
    for i in range(STRIPE // NB // 2):
        zr_v[pl.ds(2 * i, 2), :] = jnp.zeros((2, 16), jnp.bfloat16)
    for q in range(NB):
        pltpu.sync_copy(
            zr_v, acc_sh.at[pl.ds(s * STRIPE + q * (STRIPE // NB), STRIPE // NB)])
    pltpu.sync_copy(src_hbm.at[pl.ds(wid * CH * C, CH * C)],
                    src_v.at[pl.ds(0, CH * C)])
    pltpu.sync_copy(dst_hbm.at[pl.ds(wid * CH, CH)], dst_v.at[pl.ds(0, CH)])

    @pl.when(wid < LEFT)
    def _load_left():
        pltpu.sync_copy(src_hbm.at[pl.ds((NT * CH + wid) * C, C)],
                        src_v.at[pl.ds(CH * C, C)])
        pltpu.sync_copy(dst_hbm.at[pl.ds(NT * CH + wid, 1)],
                        dst_v.at[pl.ds(CH, 1)])

    plsc.subcore_barrier()

    def _fire(t, b):
        def body(j, carry):
            pltpu.async_copy(
                rows[b].at[pl.ds(j * C, C)],
                acc_sh.at[dst_v.at[t * KG + j]], ssems[b], add=True)
            return carry
        lax.fori_loop(0, KG, body, 0)

    def _drain(t, b):
        def body(j, carry):
            pltpu.make_async_copy(
                rows[b].at[pl.ds(j * C, C)],
                acc_sh.at[dst_v.at[t * KG + j]], ssems[b]).wait()
            return carry
        lax.fori_loop(0, KG, body, 0)

    gcps = [None, None]
    gcps[0] = pltpu.async_copy(
        g_hbm.at[src_v.at[pl.ds(0, KG * C)]], rows[0], gsems[0])
    for t in range(NG):
        b = t % 2
        nb = (t + 1) % 2
        gcps[b].wait()
        _fire(t, b)
        if t + 1 < NG:
            if t > 0:
                _drain(t - 1, nb)
            gcps[nb] = pltpu.async_copy(
                g_hbm.at[src_v.at[pl.ds((t + 1) * KG * C, KG * C)]],
                rows[nb], gsems[nb])
    _drain(NG - 2, 1)
    _drain(NG - 1, 0)

    @pl.when(wid < LEFT)
    def _do_left():
        pltpu.async_copy(
            g_hbm.at[src_v.at[pl.ds(CH * C, C)]], rows_l, gsems[0]).wait()
        pltpu.sync_copy(rows_l, acc_sh.at[dst_v.at[CH]], add=True)

    plsc.subcore_barrier()
    pltpu.sync_copy(acc_sh.at[pl.ds(s * STRIPE, STRIPE)],
                    out_hbm.at[c, pl.ds(s * STRIPE, STRIPE)])


_conv_call = pl.kernel(
    _conv_body,
    out_type=jax.ShapeDtypeStruct((2, NPAD, H), jnp.bfloat16),
    mesh=_mesh,
    compiler_params=_sc_params,
    scratch_types=[
        pltpu.VMEM(((CH + 1) * C,), jnp.int32),
        pltpu.VMEM((CH + 1, C), jnp.int32),
        pltpu.VMEM((KG * C, H), jnp.bfloat16),
        pltpu.VMEM((KG * C, H), jnp.bfloat16),
        pltpu.VMEM((C, H), jnp.bfloat16),
        pltpu.VMEM((STRIPE // NB, H), jnp.bfloat16),
        pltpu.VMEM_SHARED((NPAD, H), jnp.bfloat16),
        pltpu.SemaphoreType.DMA,
        pltpu.SemaphoreType.DMA,
        pltpu.SemaphoreType.DMA,
        pltpu.SemaphoreType.DMA,
    ],
)


def _tc1_body(x_ref, w_ref, degp_ref, g_ref, dinv_ref):
    deg = degp_ref[0, :] + degp_ref[1, :] + 1.0
    dinv = lax.rsqrt(jnp.maximum(deg, 1.0))[:N][:, None]
    h = jnp.dot(x_ref[...], w_ref[...], preferred_element_type=jnp.float32)
    g_ref[...] = (h * dinv).astype(jnp.bfloat16)
    dinv_ref[...] = dinv


def _tc2_body(acc_ref, g1_ref, dc_ref, w2_ref, b1_ref, g2_ref):
    dinv = dc_ref[...]
    ssum = (acc_ref[0, :N, :].astype(jnp.float32)
            + acc_ref[1, :N, :].astype(jnp.float32)
            + g1_ref[...].astype(jnp.float32))
    out1 = jnp.maximum(ssum * dinv + b1_ref[...], 0.0)
    h2 = jnp.dot(out1, w2_ref[...], preferred_element_type=jnp.float32)
    g2_ref[...] = (h2 * dinv).astype(jnp.bfloat16)


def _tc3_body(acc_ref, g2_ref, dc_ref, b2_ref, batch_ref, out_ref):
    dinv = dc_ref[...]
    out2 = (acc_ref[0, :N, :].astype(jnp.float32)
            + acc_ref[1, :N, :].astype(jnp.float32)
            + g2_ref[...].astype(jnp.float32)) * dinv + b2_ref[...]
    gid = lax.broadcasted_iota(jnp.int32, (G, N), 0)
    ind = jnp.where(gid == batch_ref[...], 1.0, 0.0)
    seg = jnp.dot(ind, out2, preferred_element_type=jnp.float32)
    cnt = jnp.sum(ind, axis=1, keepdims=True)
    pooled = seg[:, :CLS] / jnp.maximum(cnt, 1.0)
    m = jnp.max(pooled, axis=1, keepdims=True)
    ex = pooled - m
    lse = jnp.log(jnp.sum(jnp.exp(ex), axis=1, keepdims=True))
    out_ref[...] = ex - lse


_tc1 = pl.pallas_call(
    _tc1_body, out_shape=(jax.ShapeDtypeStruct((N, H), jnp.bfloat16),
                          jax.ShapeDtypeStruct((N, 1), jnp.float32)))
_tc2 = pl.pallas_call(
    _tc2_body, out_shape=jax.ShapeDtypeStruct((N, H), jnp.bfloat16))
_tc3 = pl.pallas_call(
    _tc3_body, out_shape=jax.ShapeDtypeStruct((G, CLS), jnp.float32))


def kernel(x, edge_index, batch, W1, b1, W2, b2):
    src = edge_index[0].astype(jnp.int32)
    dst2 = edge_index[1].astype(jnp.int32).reshape(NCH, C)

    degp = _deg_call(dst2)

    w2p = jnp.pad(W2, ((0, 0), (0, H - CLS)))
    b1r = b1.reshape(1, H)
    b2p = jnp.pad(b2, (0, H - CLS)).reshape(1, H)
    batch2 = batch.astype(jnp.int32).reshape(1, N)

    g1, dinv_col = _tc1(x, W1, degp)
    acc1 = _conv_call(g1, src, dst2)
    g2 = _tc2(acc1, g1, dinv_col, w2p, b1r)
    acc2 = _conv_call(g2, src, dst2)
    return _tc3(acc2, g2, dinv_col, b2p, batch2)

# --- scband reference (transcript-rebuilt; emitter-appended) ---
"""Pipeline reference for scband-gcn-11175504904923 (READ-ONLY COPY).

The authoritative reference and input builder live on the scoring server;
editing this copy changes nothing except your own understanding.
"""

import jax, jax.numpy as jnp
import numpy as np

NUM_NODES = 10000
NUM_EDGES = 320000
NUM_FEATURES = 128
HIDDEN = 16
NUM_CLASSES = 10
NUM_GRAPHS = 64


def setup_inputs(seed: int = 0) -> dict:
    key = jax.random.key(seed)
    k1, k2, k3, k4, k5, k6, k7 = jax.random.split(key, 7)
    x = jax.random.normal(k1, (NUM_NODES, NUM_FEATURES), dtype=jnp.float32)
    edge_index = jax.random.randint(k2, (2, NUM_EDGES), 0, NUM_NODES, dtype=jnp.int64)
    batch = jnp.sort(jax.random.randint(k3, (NUM_NODES,), 0, NUM_GRAPHS, dtype=jnp.int64))
    # GCNConv parameters (glorot-ish init)
    W1 = jax.random.normal(k4, (NUM_FEATURES, HIDDEN), dtype=jnp.float32) * (1.0 / np.sqrt(NUM_FEATURES))
    b1 = jnp.zeros((HIDDEN,), dtype=jnp.float32)
    W2 = jax.random.normal(k5, (HIDDEN, NUM_CLASSES), dtype=jnp.float32) * (1.0 / np.sqrt(HIDDEN))
    b2 = jnp.zeros((NUM_CLASSES,), dtype=jnp.float32)
    return {"x": x, "edge_index": edge_index, "batch": batch, "W1": W1, "b1": b1, "W2": W2, "b2": b2}


def _gcn_conv(x, edge_index, W, b, num_nodes):
    # PyG GCNConv: x' = D^{-1/2} (A + I) D^{-1/2} X W + b
    src = edge_index[0]
    dst = edge_index[1]
    loop = jnp.arange(num_nodes, dtype=src.dtype)
    src = jnp.concatenate([src, loop])
    dst = jnp.concatenate([dst, loop])
    deg = jnp.zeros((num_nodes,), dtype=jnp.float32).at[dst].add(1.0)
    dinv = 1.0 / jnp.sqrt(jnp.clip(deg, 1.0))
    norm = dinv[src] * dinv[dst]
    h = x @ W
    msg = h[src] * norm[:, None]
    out = jnp.zeros((num_nodes, h.shape[1]), dtype=h.dtype).at[dst].add(msg)
    return out + b


def _global_mean_pool(x, batch, num_graphs):
    sums = jax.ops.segment_sum(x, batch, num_segments=num_graphs)
    counts = jax.ops.segment_sum(jnp.ones((x.shape[0],), dtype=x.dtype), batch, num_segments=num_graphs)
    return sums / jnp.clip(counts, 1.0)[:, None]


def reference(x, edge_index, batch, W1, b1, W2, b2):
    h = _gcn_conv(x, edge_index, W1, b1, NUM_NODES)
    h = jax.nn.relu(h)
    # F.dropout(x, training=self.training): eval mode -> identity
    h = _gcn_conv(h, edge_index, W2, b2, NUM_NODES)
    pooled = _global_mean_pool(h, batch, NUM_GRAPHS)
    return jax.nn.log_softmax(pooled, axis=1)

if __name__ == "__main__":
    import jax
    _d = setup_inputs()
    print(jax.jit(kernel)(*tuple(_d.values())))

</pallas_src>

<mosaic_0001>
#map = affine_map<(d0, d1) -> (0, 0)>
module attributes {stable_mosaic.version = 14 : i64} {
  func.func @_deg_body(%arg0: i32, %arg1: i32, %arg2: memref<2500x128xi32, #tpu.memory_space<hbm>>, %arg3: memref<2x10240xf32, #tpu.memory_space<hbm>>, %arg4: memref<79x128xi32, #tpu.memory_space<vmem>>, %arg5: memref<128xf32, #tpu.memory_space<vmem>>, %arg6: memref<640xf32, #tpu.memory_space<vmem>>, %arg7: memref<10240xf32, #tpu.memory_space<vmem_shared>>, %arg8: memref<!tpu.dma_semaphore, #tpu.memory_space<semaphore_mem>>) attributes {dimension_semantics = [#tpu.dimension_semantics<core_parallel>, #tpu.dimension_semantics<subcore_parallel>], iteration_bounds = array<i64: 2, 16>, scalar_prefetch = 0 : i64, scratch_operands = 5 : i64, tpu.core_type = #tpu.core_type<sc_vector_subcore>, window_params = [{transform_indices = #map}, {transform_indices = #map}]} {
    %mul3A = arith.constant 16 : i32
    %mul3A_0 = arith.muli %arg0, %mul3A : i32
    %add3A = arith.addi %mul3A_0, %arg1 : i32
    %broadcast_in_dim3A = arith.constant 1.000000e+00 : f32
    %broadcast_in_dim3A_1 = vector.broadcast %broadcast_in_dim3A : f32 to vector<16xf32>
    %swap3A = arith.constant 0 : index
    %swap3A_2 = tpu.vector_load %arg5[%swap3A] {strides = array<i32>} : memref<128xf32, #tpu.memory_space<vmem>>, vector<16xf32>,
    %swap3A_3 = vector.shape_cast %swap3A_2 : vector<16xf32> to vector<16xf32>
    %swap3A_4 = vector.shape_cast %broadcast_in_dim3A_1 : vector<16xf32> to vector<16xf32>
    tpu.vector_store %arg5[%swap3A], %swap3A_4 {strides = array<i32>} : memref<128xf32, #tpu.memory_space<vmem>>, vector<16xf32>,
    %broadcast_in_dim3A_5 = arith.constant 1.000000e+00 : f32
    %broadcast_in_dim3A_6 = vector.broadcast %broadcast_in_dim3A_5 : f32 to vector<16xf32>
    %swap3A_7 = arith.constant 16 : index
    %swap3A_8 = tpu.vector_load %arg5[%swap3A_7] {strides = array<i32>} : memref<128xf32, #tpu.memory_space<vmem>>, vector<16xf32>,
    %swap3A_9 = vector.shape_cast %swap3A_8 : vector<16xf32> to vector<16xf32>
    %swap3A_10 = vector.shape_cast %broadcast_in_dim3A_6 : vector<16xf32> to vector<16xf32>
    tpu.vector_store %arg5[%swap3A_7], %swap3A_10 {strides = array<i32>} : memref<128xf32, #tpu.memory_space<vmem>>, vector<16xf32>,
    %broadcast_in_dim3A_11 = arith.constant 1.000000e+00 : f32
    %broadcast_in_dim3A_12 = vector.broadcast %broadcast_in_dim3A_11 : f32 to vector<16xf32>
    %swap3A_13 = arith.constant 32 : index
    %swap3A_14 = tpu.vector_load %arg5[%swap3A_13] {strides = array<i32>} : memref<128xf32, #tpu.memory_space<vmem>>, vector<16xf32>,
    %swap3A_15 = vector.shape_cast %swap3A_14 : vector<16xf32> to vector<16xf32>
    %swap3A_16 = vector.shape_cast %broadcast_in_dim3A_12 : vector<16xf32> to vector<16xf32>
    tpu.vector_store %arg5[%swap3A_13], %swap3A_16 {strides = array<i32>} : memref<128xf32, #tpu.memory_space<vmem>>, vector<16xf32>,
    %broadcast_in_dim3A_17 = arith.constant 1.000000e+00 : f32
    %broadcast_in_dim3A_18 = vector.broadcast %broadcast_in_dim3A_17 : f32 to vector<16xf32>
    %swap3A_19 = arith.constant 48 : index
    %swap3A_20 = tpu.vector_load %arg5[%swap3A_19] {strides = array<i32>} : memref<128xf32, #tpu.memory_space<vmem>>, vector<16xf32>,
    %swap3A_21 = vector.shape_cast %swap3A_20 : vector<16xf32> to vector<16xf32>
    %swap3A_22 = vector.shape_cast %broadcast_in_dim3A_18 : vector<16xf32> to vector<16xf32>
    tpu.vector_store %arg5[%swap3A_19], %swap3A_22 {strides = array<i32>} : memref<128xf32, #tpu.memory_space<vmem>>, vector<16xf32>,
    %broadcast_in_dim3A_23 = arith.constant 1.000000e+00 : f32
    %broadcast_in_dim3A_24 = vector.broadcast %broadcast_in_dim3A_23 : f32 to vector<16xf32>
    %swap3A_25 = arith.constant 64 : index
    %swap3A_26 = tpu.vector_load %arg5[%swap3A_25] {strides = array<i32>} : memref<128xf32, #tpu.memory_space<vmem>>, vector<16xf32>,
    %swap3A_27 = vector.shape_cast %swap3A_26 : vector<16xf32> to vector<16xf32>
    %swap3A_28 = vector.shape_cast %broadcast_in_dim3A_24 : vector<16xf32> to vector<16xf32>
    tpu.vector_store %arg5[%swap3A_25], %swap3A_28 {strides = array<i32>} : memref<128xf32, #tpu.memory_space<vmem>>, vector<16xf32>,
    %broadcast_in_dim3A_29 = arith.constant 1.000000e+00 : f32
    %broadcast_in_dim3A_30 = vector.broadcast %broadcast_in_dim3A_29 : f32 to vector<16xf32>
    %swap3A_31 = arith.constant 80 : index
    %swap3A_32 = tpu.vector_load %arg5[%swap3A_31] {strides = array<i32>} : memref<128xf32, #tpu.memory_space<vmem>>, vector<16xf32>,
    %swap3A_33 = vector.shape_cast %swap3A_32 : vector<16xf32> to vector<16xf32>
    %swap3A_34 = vector.shape_cast %broadcast_in_dim3A_30 : vector<16xf32> to vector<16xf32>
    tpu.vector_store %arg5[%swap3A_31], %swap3A_34 {strides = array<i32>} : memref<128xf32, #tpu.memory_space<vmem>>, vector<16xf32>,
    %broadcast_in_dim3A_35 = arith.constant 1.000000e+00 : f32
    %broadcast_in_dim3A_36 = vector.broadcast %broadcast_in_dim3A_35 : f32 to vector<16xf32>
    %swap3A_37 = arith.constant 96 : index
    %swap3A_38 = tpu.vector_load %arg5[%swap3A_37] {strides = array<i32>} : memref<128xf32, #tpu.memory_space<vmem>>, vector<16xf32>,
    %swap3A_39 = vector.shape_cast %swap3A_38 : vector<16xf32> to vector<16xf32>
    %swap3A_40 = vector.shape_cast %broadcast_in_dim3A_36 : vector<16xf32> to vector<16xf32>
    tpu.vector_store %arg5[%swap3A_37], %swap3A_40 {strides = array<i32>} : memref<128xf32, #tpu.memory_space<vmem>>, vector<16xf32>,
    %broadcast_in_dim3A_41 = arith.constant 1.000000e+00 : f32
    %broadcast_in_dim3A_42 = vector.broadcast %broadcast_in_dim3A_41 : f32 to vector<16xf32>
    %swap3A_43 = arith.constant 112 : index
    %swap3A_44 = tpu.vector_load %arg5[%swap3A_43] {strides = array<i32>} : memref<128xf32, #tpu.memory_space<vmem>>, vector<16xf32>,
    %swap3A_45 = vector.shape_cast %swap3A_44 : vector<16xf32> to vector<16xf32>
    %swap3A_46 = vector.shape_cast %broadcast_in_dim3A_42 : vector<16xf32> to vector<16xf32>
    tpu.vector_store %arg5[%swap3A_43], %swap3A_46 {strides = array<i32>} : memref<128xf32, #tpu.memory_space<vmem>>, vector<16xf32>,
    %broadcast_in_dim3A_47 = arith.constant 0.000000e+00 : f32
    %broadcast_in_dim3A_48 = vector.broadcast %broadcast_in_dim3A_47 : f32 to vector<16xf32>
    %swap3A_49 = arith.constant 0 : index
    %swap3A_50 = tpu.vector_load %arg6[%swap3A_49] {strides = array<i32>} : memref<640xf32, #tpu.memory_space<vmem>>, vector<16xf32>,
    %swap3A_51 = vector.shape_cast %swap3A_50 : vector<16xf32> to vector<16xf32>
    %swap3A_52 = vector.shape_cast %broadcast_in_dim3A_48 : vector<16xf32> to vector<16xf32>
    tpu.vector_store %arg6[%swap3A_49], %swap3A_52 {strides = array<i32>} : memref<640xf32, #tpu.memory_space<vmem>>, vector<16xf32>,
    %broadcast_in_dim3A_53 = arith.constant 0.000000e+00 : f32
    %broadcast_in_dim3A_54 = vector.broadcast %broadcast_in_dim3A_53 : f32 to vector<16xf32>
    %swap3A_55 = arith.constant 16 : index
    %swap3A_56 = tpu.vector_load %arg6[%swap3A_55] {strides = array<i32>} : memref<640xf32, #tpu.memory_space<vmem>>, vector<16xf32>,
    %swap3A_57 = vector.shape_cast %swap3A_56 : vector<16xf32> to vector<16xf32>
    %swap3A_58 = vector.shape_cast %broadcast_in_dim3A_54 : vector<16xf32> to vector<16xf32>
    tpu.vector_store %arg6[%swap3A_55], %swap3A_58 {strides = array<i32>} : memref<640xf32, #tpu.memory_space<vmem>>, vector<16xf32>,
    %broadcast_in_dim3A_59 = arith.constant 0.000000e+00 : f32
    %broadcast_in_dim3A_60 = vector.broadcast %broadcast_in_dim3A_59 : f32 to vector<16xf32>
    %swap3A_61 = arith.constant 32 : index
    %swap3A_62 = tpu.vector_load %arg6[%swap3A_61] {strides = array<i32>} : memref<640xf32, #tpu.memory_space<vmem>>, vector<16xf32>,
    %swap3A_63 = vector.shape_cast %swap3A_62 : vector<16xf32> to vector<16xf32>
    %swap3A_64 = vector.shape_cast %broadcast_in_dim3A_60 : vector<16xf32> to vector<16xf32>
    tpu.vector_store %arg6[%swap3A_61], %swap3A_64 {strides = array<i32>} : memref<640xf32, #tpu.memory_space<vmem>>, vector<16xf32>,
    %broadcast_in_dim3A_65 = arith.constant 0.000000e+00 : f32
    %broadcast_in_dim3A_66 = vector.broadcast %broadcast_in_dim3A_65 : f32 to vector<16xf32>
    %swap3A_67 = arith.constant 48 : index
    %swap3A_68 = tpu.vector_load %arg6[%swap3A_67] {strides = array<i32>} : memref<640xf32, #tpu.memory_space<vmem>>, vector<16xf32>,
    %swap3A_69 = vector.shape_cast %swap3A_68 : vector<16xf32> to vector<16xf32>
    %swap3A_70 = vector.shape_cast %broadcast_in_dim3A_66 : vector<16xf32> to vector<16xf32>
    tpu.vector_store %arg6[%swap3A_67], %swap3A_70 {strides = array<i32>} : memref<640xf32, #tpu.memory_space<vmem>>, vector<16xf32>,
    %broadcast_in_dim3A_71 = arith.constant 0.000000e+00 : f32
    %broadcast_in_dim3A_72 = vector.broadcast %broadcast_in_dim3A_71 : f32 to vector<16xf32>
    %swap3A_73 = arith.constant 64 : index
    %swap3A_74 = tpu.vector_load %arg6[%swap3A_73] {strides = array<i32>} : memref<640xf32, #tpu.memory_space<vmem>>, vector<16xf32>,
    %swap3A_75 = vector.shape_cast %swap3A_74 : vector<16xf32> to vector<16xf32>
    %swap3A_76 = vector.shape_cast %broadcast_in_dim3A_72 : vector<16xf32> to vector<16xf32>
    tpu.vector_store %arg6[%swap3A_73], %swap3A_76 {strides = array<i32>} : memref<640xf32, #tpu.memory_space<vmem>>, vector<16xf32>,
    %broadcast_in_dim3A_77 = arith.constant 0.000000e+00 : f32
    %broadcast_in_dim3A_78 = vector.broadcast %broadcast_in_dim3A_77 : f32 to vector<16xf32>
    %swap3A_79 = arith.constant 80 : index
    %swap3A_80 = tpu.vector_load %arg6[%swap3A_79] {strides = array<i32>} : memref<640xf32, #tpu.memory_space<vmem>>, vector<16xf32>,
    %swap3A_81 = vector.shape_cast %swap3A_80 : vector<16xf32> to vector<16xf32>
    %swap3A_82 = vector.shape_cast %broadcast_in_dim3A_78 : vector<16xf32> to vector<16xf32>
    tpu.vector_store %arg6[%swap3A_79], %swap3A_82 {strides = array<i32>} : memref<640xf32, #tpu.memory_space<vmem>>, vector<16xf32>,
    %broadcast_in_dim3A_83 = arith.constant 0.000000e+00 : f32
    %broadcast_in_dim3A_84 = vector.broadcast %broadcast_in_dim3A_83 : f32 to vector<16xf32>
    %swap3A_85 = arith.constant 96 : index
    %swap3A_86 = tpu.vector_load %arg6[%swap3A_85] {strides = array<i32>} : memref<640xf32, #tpu.memory_space<vmem>>, vector<16xf32>,
    %swap3A_87 = vector.shape_cast %swap3A_86 : vector<16xf32> to vector<16xf32>
    %swap3A_88 = vector.shape_cast %broadcast_in_dim3A_84 : vector<16xf32> to vector<16xf32>
    tpu.vector_store %arg6[%swap3A_85], %swap3A_88 {strides = array<i32>} : memref<640xf32, #tpu.memory_space<vmem>>, vector<16xf32>,
    %broadcast_in_dim3A_89 = arith.constant 0.000000e+00 : f32
    %broadcast_in_dim3A_90 = vector.broadcast %broadcast_in_dim3A_89 : f32 to vector<16xf32>
    %swap3A_91 = arith.constant 112 : index
    %swap3A_92 = tpu.vector_load %arg6[%swap3A_91] {strides = array<i32>} : memref<640xf32, #tpu.memory_space<vmem>>, vector<16xf32>,
    %swap3A_93 = vector.shape_cast %swap3A_92 : vector<16xf32> to vector<16xf32>
    %swap3A_94 = vector.shape_cast %broadcast_in_dim3A_90 : vector<16xf32> to vector<16xf32>
    tpu.vector_store %arg6[%swap3A_91], %swap3A_94 {strides = array<i32>} : memref<640xf32, #tpu.memory_space<vmem>>, vector<16xf32>,
    %broadcast_in_dim3A_95 = arith.constant 0.000000e+00 : f32
    %broadcast_in_dim3A_96 = vector.broadcast %broadcast_in_dim3A_95 : f32 to vector<16xf32>
    %swap3A_97 = arith.constant 128 : index
    %swap3A_98 = tpu.vector_load %arg6[%swap3A_97] {strides = array<i32>} : memref<640xf32, #tpu.memory_space<vmem>>, vector<16xf32>,
    %swap3A_99 = vector.shape_cast %swap3A_98 : vector<16xf32> to vector<16xf32>
    %swap3A_100 = vector.shape_cast %broadcast_in_dim3A_96 : vector<16xf32> to vector<16xf32>
    tpu.vector_store %arg6[%swap3A_97], %swap3A_100 {strides = array<i32>} : memref<640xf32, #tpu.memory_space<vmem>>, vector<16xf32>,
    %broadcast_in_dim3A_101 = arith.constant 0.000000e+00 : f32
    %broadcast_in_dim3A_102 = vector.broadcast %broadcast_in_dim3A_101 : f32 to vector<16xf32>
    %swap3A_103 = arith.constant 144 : index
    %swap3A_104 = tpu.vector_load %arg6[%swap3A_103] {strides = array<i32>} : memref<640xf32, #tpu.memory_space<vmem>>, vector<16xf32>,
    %swap3A_105 = vector.shape_cast %swap3A_104 : vector<16xf32> to vector<16xf32>
    %swap3A_106 = vector.shape_cast %broadcast_in_dim3A_102 : vector<16xf32> to vector<16xf32>
    tpu.vector_store %arg6[%swap3A_103], %swap3A_106 {strides = array<i32>} : memref<640xf32, #tpu.memory_space<vmem>>, vector<16xf32>,
    %broadcast_in_dim3A_107 = arith.constant 0.000000e+00 : f32
    %broadcast_in_dim3A_108 = vector.broadcast %broadcast_in_dim3A_107 : f32 to vector<16xf32>
    %swap3A_109 = arith.constant 160 : index
    %swap3A_110 = tpu.vector_load %arg6[%swap3A_109] {strides = array<i32>} : memref<640xf32, #tpu.memory_space<vmem>>, vector<16xf32>,
    %swap3A_111 = vector.shape_cast %swap3A_110 : vector<16xf32> to vector<16xf32>
    %swap3A_112 = vector.shape_cast %broadcast_in_dim3A_108 : vector<16xf32> to vector<16xf32>
    tpu.vector_store %arg6[%swap3A_109], %swap3A_112 {strides = array<i32>} : memref<640xf32, #tpu.memory_space<vmem>>, vector<16xf32>,
    %broadcast_in_dim3A_113 = arith.constant 0.000000e+00 : f32
    %broadcast_in_dim3A_114 = vector.broadcast %broadcast_in_dim3A_113 : f32 to vector<16xf32>
    %swap3A_115 = arith.constant 176 : index
    %swap3A_116 = tpu.vector_load %arg6[%swap3A_115] {strides = array<i32>} : memref<640xf32, #tpu.memory_space<vmem>>, vector<16xf32>,
    %swap3A_117 = vector.shape_cast %swap3A_116 : vector<16xf32> to vector<16xf32>
    %swap3A_118 = vector.shape_cast %broadcast_in_dim3A_114 : vector<16xf32> to vector<16xf32>
    tpu.vector_store %arg6[%swap3A_115], %swap3A_118 {strides = array<i32>} : memref<640xf32, #tpu.memory_space<vmem>>, vector<16xf32>,
    %broadcast_in_dim3A_119 = arith.constant 0.000000e+00 : f32
    %broadcast_in_dim3A_120 = vector.broadcast %broadcast_in_dim3A_119 : f32 to vector<16xf32>
    %swap3A_121 = arith.constant 192 : index
    %swap3A_122 = tpu.vector_load %arg6[%swap3A_121] {strides = array<i32>} : memref<640xf32, #tpu.memory_space<vmem>>, vector<16xf32>,
    %swap3A_123 = vector.shape_cast %swap3A_122 : vector<16xf32> to vector<16xf32>
    %swap3A_124 = vector.shape_cast %broadcast_in_dim3A_120 : vector<16xf32> to vector<16xf32>
    tpu.vector_store %arg6[%swap3A_121], %swap3A_124 {strides = array<i32>} : memref<640xf32, #tpu.memory_space<vmem>>, vector<16xf32>,
    %broadcast_in_dim3A_125 = arith.constant 0.000000e+00 : f32
    %broadcast_in_dim3A_126 = vector.broadcast %broadcast_in_dim3A_125 : f32 to vector<16xf32>
    %swap3A_127 = arith.constant 208 : index
    %swap3A_128 = tpu.vector_load %arg6[%swap3A_127] {strides = array<i32>} : memref<640xf32, #tpu.memory_space<vmem>>, vector<16xf32>,
    %swap3A_129 = vector.shape_cast %swap3A_128 : vector<16xf32> to vector<16xf32>
    %swap3A_130 = vector.shape_cast %broadcast_in_dim3A_126 : vector<16xf32> to vector<16xf32>
    tpu.vector_store %arg6[%swap3A_127], %swap3A_130 {strides = array<i32>} : memref<640xf32, #tpu.memory_space<vmem>>, vector<16xf32>,
    %broadcast_in_dim3A_131 = arith.constant 0.000000e+00 : f32
    %broadcast_in_dim3A_132 = vector.broadcast %broadcast_in_dim3A_131 : f32 to vector<16xf32>
    %swap3A_133 = arith.constant 224 : index
    %swap3A_134 = tpu.vector_load %arg6[%swap3A_133] {strides = array<i32>} : memref<640xf32, #tpu.memory_space<vmem>>, vector<16xf32>,
    %swap3A_135 = vector.shape_cast %swap3A_134 : vector<16xf32> to vector<16xf32>
    %swap3A_136 = vector.shape_cast %broadcast_in_dim3A_132 : vector<16xf32> to vector<16xf32>
    tpu.vector_store %arg6[%swap3A_133], %swap3A_136 {strides = array<i32>} : memref<640xf32, #tpu.memory_space<vmem>>, vector<16xf32>,
    %broadcast_in_dim3A_137 = arith.constant 0.000000e+00 : f32
    %broadcast_in_dim3A_138 = vector.broadcast %broadcast_in_dim3A_137 : f32 to vector<16xf32>
    %swap3A_139 = arith.constant 240 : index
    %swap3A_140 = tpu.vector_load %arg6[%swap3A_139] {strides = array<i32>} : memref<640xf32, #tpu.memory_space<vmem>>, vector<16xf32>,
    %swap3A_141 = vector.shape_cast %swap3A_140 : vector<16xf32> to vector<16xf32>
    %swap3A_142 = vector.shape_cast %broadcast_in_dim3A_138 : vector<16xf32> to vector<16xf32>
    tpu.vector_store %arg6[%swap3A_139], %swap3A_142 {strides = array<i32>} : memref<640xf32, #tpu.memory_space<vmem>>, vector<16xf32>,
    %broadcast_in_dim3A_143 = arith.constant 0.000000e+00 : f32
    %broadcast_in_dim3A_144 = vector.broadcast %broadcast_in_dim3A_143 : f32 to vector<16xf32>
    %swap3A_145 = arith.constant 256 : index
    %swap3A_146 = tpu.vector_load %arg6[%swap3A_145] {strides = array<i32>} : memref<640xf32, #tpu.memory_space<vmem>>, vector<16xf32>,
    %swap3A_147 = vector.shape_cast %swap3A_146 : vector<16xf32> to vector<16xf32>
    %swap3A_148 = vector.shape_cast %broadcast_in_dim3A_144 : vector<16xf32> to vector<16xf32>
    tpu.vector_store %arg6[%swap3A_145], %swap3A_148 {strides = array<i32>} : memref<640xf32, #tpu.memory_space<vmem>>, vector<16xf32>,
    %broadcast_in_dim3A_149 = arith.constant 0.000000e+00 : f32
    %broadcast_in_dim3A_150 = vector.broadcast %broadcast_in_dim3A_149 : f32 to vector<16xf32>
    %swap3A_151 = arith.constant 272 : index
    %swap3A_152 = tpu.vector_load %arg6[%swap3A_151] {strides = array<i32>} : memref<640xf32, #tpu.memory_space<vmem>>, vector<16xf32>,
    %swap3A_153 = vector.shape_cast %swap3A_152 : vector<16xf32> to vector<16xf32>
    %swap3A_154 = vector.shape_cast %broadcast_in_dim3A_150 : vector<16xf32> to vector<16xf32>
    tpu.vector_store %arg6[%swap3A_151], %swap3A_154 {strides = array<i32>} : memref<640xf32, #tpu.memory_space<vmem>>, vector<16xf32>,
    %broadcast_in_dim3A_155 = arith.constant 0.000000e+00 : f32
    %broadcast_in_dim3A_156 = vector.broadcast %broadcast_in_dim3A_155 : f32 to vector<16xf32>
    %swap3A_157 = arith.constant 288 : index
    %swap3A_158 = tpu.vector_load %arg6[%swap3A_157] {strides = array<i32>} : memref<640xf32, #tpu.memory_space<vmem>>, vector<16xf32>,
    %swap3A_159 = vector.shape_cast %swap3A_158 : vector<16xf32> to vector<16xf32>
    %swap3A_160 = vector.shape_cast %broadcast_in_dim3A_156 : vector<16xf32> to vector<16xf32>
    tpu.vector_store %arg6[%swap3A_157], %swap3A_160 {strides = array<i32>} : memref<640xf32, #tpu.memory_space<vmem>>, vector<16xf32>,
    %broadcast_in_dim3A_161 = arith.constant 0.000000e+00 : f32
    %broadcast_in_dim3A_162 = vector.broadcast %broadcast_in_dim3A_161 : f32 to vector<16xf32>
    %swap3A_163 = arith.constant 304 : index
    %swap3A_164 = tpu.vector_load %arg6[%swap3A_163] {strides = array<i32>} : memref<640xf32, #tpu.memory_space<vmem>>, vector<16xf32>,
    %swap3A_165 = vector.shape_cast %swap3A_164 : vector<16xf32> to vector<16xf32>
    %swap3A_166 = vector.shape_cast %broadcast_in_dim3A_162 : vector<16xf32> to vector<16xf32>
    tpu.vector_store %arg6[%swap3A_163], %swap3A_166 {strides = array<i32>} : memref<640xf32, #tpu.memory_space<vmem>>, vector<16xf32>,
    %broadcast_in_dim3A_167 = arith.constant 0.000000e+00 : f32
    %broadcast_in_dim3A_168 = vector.broadcast %broadcast_in_dim3A_167 : f32 to vector<16xf32>
    %swap3A_169 = arith.constant 320 : index
    %swap3A_170 = tpu.vector_load %arg6[%swap3A_169] {strides = array<i32>} : memref<640xf32, #tpu.memory_space<vmem>>, vector<16xf32>,
    %swap3A_171 = vector.shape_cast %swap3A_170 : vector<16xf32> to vector<16xf32>
    %swap3A_172 = vector.shape_cast %broadcast_in_dim3A_168 : vector<16xf32> to vector<16xf32>
    tpu.vector_store %arg6[%swap3A_169], %swap3A_172 {strides = array<i32>} : memref<640xf32, #tpu.memory_space<vmem>>, vector<16xf32>,
    %broadcast_in_dim3A_173 = arith.constant 0.000000e+00 : f32
    %broadcast_in_dim3A_174 = vector.broadcast %broadcast_in_dim3A_173 : f32 to vector<16xf32>
    %swap3A_175 = arith.constant 336 : index
    %swap3A_176 = tpu.vector_load %arg6[%swap3A_175] {strides = array<i32>} : memref<640xf32, #tpu.memory_space<vmem>>, vector<16xf32>,
    %swap3A_177 = vector.shape_cast %swap3A_176 : vector<16xf32> to vector<16xf32>
    %swap3A_178 = vector.shape_cast %broadcast_in_dim3A_174 : vector<16xf32> to vector<16xf32>
    tpu.vector_store %arg6[%swap3A_175], %swap3A_178 {strides = array<i32>} : memref<640xf32, #tpu.memory_space<vmem>>, vector<16xf32>,
    %broadcast_in_dim3A_179 = arith.constant 0.000000e+00 : f32
    %broadcast_in_dim3A_180 = vector.broadcast %broadcast_in_dim3A_179 : f32 to vector<16xf32>
    %swap3A_181 = arith.constant 352 : index
    %swap3A_182 = tpu.vector_load %arg6[%swap3A_181] {strides = array<i32>} : memref<640xf32, #tpu.memory_space<vmem>>, vector<16xf32>,
    %swap3A_183 = vector.shape_cast %swap3A_182 : vector<16xf32> to vector<16xf32>
    %swap3A_184 = vector.shape_cast %broadcast_in_dim3A_180 : vector<16xf32> to vector<16xf32>
    tpu.vector_store %arg6[%swap3A_181], %swap3A_184 {strides = array<i32>} : memref<640xf32, #tpu.memory_space<vmem>>, vector<16xf32>,
    %broadcast_in_dim3A_185 = arith.constant 0.000000e+00 : f32
    %broadcast_in_dim3A_186 = vector.broadcast %broadcast_in_dim3A_185 : f32 to vector<16xf32>
    %swap3A_187 = arith.constant 368 : index
    %swap3A_188 = tpu.vector_load %arg6[%swap3A_187] {strides = array<i32>} : memref<640xf32, #tpu.memory_space<vmem>>, vector<16xf32>,
    %swap3A_189 = vector.shape_cast %swap3A_188 : vector<16xf32> to vector<16xf32>
    %swap3A_190 = vector.shape_cast %broadcast_in_dim3A_186 : vector<16xf32> to vector<16xf32>
    tpu.vector_store %arg6[%swap3A_187], %swap3A_190 {strides = array<i32>} : memref<640xf32, #tpu.memory_space<vmem>>, vector<16xf32>,
    %broadcast_in_dim3A_191 = arith.constant 0.000000e+00 : f32
    %broadcast_in_dim3A_192 = vector.broadcast %broadcast_in_dim3A_191 : f32 to vector<16xf32>
    %swap3A_193 = arith.constant 384 : index
    %swap3A_194 = tpu.vector_load %arg6[%swap3A_193] {strides = array<i32>} : memref<640xf32, #tpu.memory_space<vmem>>, vector<16xf32>,
    %swap3A_195 = vector.shape_cast %swap3A_194 : vector<16xf32> to vector<16xf32>
    %swap3A_196 = vector.shape_cast %broadcast_in_dim3A_192 : vector<16xf32> to vector<16xf32>
    tpu.vector_store %arg6[%swap3A_193], %swap3A_196 {strides = array<i32>} : memref<640xf32, #tpu.memory_space<vmem>>, vector<16xf32>,
    %broadcast_in_dim3A_197 = arith.constant 0.000000e+00 : f32
    %broadcast_in_dim3A_198 = vector.broadcast %broadcast_in_dim3A_197 : f32 to vector<16xf32>
    %swap3A_199 = arith.constant 400 : index
    %swap3A_200 = tpu.vector_load %arg6[%swap3A_199] {strides = array<i32>} : memref<640xf32, #tpu.memory_space<vmem>>, vector<16xf32>,
    %swap3A_201 = vector.shape_cast %swap3A_200 : vector<16xf32> to vector<16xf32>
    %swap3A_202 = vector.shape_cast %broadcast_in_dim3A_198 : vector<16xf32> to vector<16xf32>
    tpu.vector_store %arg6[%swap3A_199], %swap3A_202 {strides = array<i32>} : memref<640xf32, #tpu.memory_space<vmem>>, vector<16xf32>,
    %broadcast_in_dim3A_203 = arith.constant 0.000000e+00 : f32
    %broadcast_in_dim3A_204 = vector.broadcast %broadcast_in_dim3A_203 : f32 to vector<16xf32>
    %swap3A_205 = arith.constant 416 : index
    %swap3A_206 = tpu.vector_load %arg6[%swap3A_205] {strides = array<i32>} : memref<640xf32, #tpu.memory_space<vmem>>, vector<16xf32>,
    %swap3A_207 = vector.shape_cast %swap3A_206 : vector<16xf32> to vector<16xf32>
    %swap3A_208 = vector.shape_cast %broadcast_in_dim3A_204 : vector<16xf32> to vector<16xf32>
    tpu.vector_store %arg6[%swap3A_205], %swap3A_208 {strides = array<i32>} : memref<640xf32, #tpu.memory_space<vmem>>, vector<16xf32>,
    %broadcast_in_dim3A_209 = arith.constant 0.000000e+00 : f32
    %broadcast_in_dim3A_210 = vector.broadcast %broadcast_in_dim3A_209 : f32 to vector<16xf32>
    %swap3A_211 = arith.constant 432 : index
    %swap3A_212 = tpu.vector_load %arg6[%swap3A_211] {strides = array<i32>} : memref<640xf32, #tpu.memory_space<vmem>>, vector<16xf32>,
    %swap3A_213 = vector.shape_cast %swap3A_212 : vector<16xf32> to vector<16xf32>
    %swap3A_214 = vector.shape_cast %broadcast_in_dim3A_210 : vector<16xf32> to vector<16xf32>
    tpu.vector_store %arg6[%swap3A_211], %swap3A_214 {strides = array<i32>} : memref<640xf32, #tpu.memory_space<vmem>>, vector<16xf32>,
    %broadcast_in_dim3A_215 = arith.constant 0.000000e+00 : f32
    %broadcast_in_dim3A_216 = vector.broadcast %broadcast_in_dim3A_215 : f32 to vector<16xf32>
    %swap3A_217 = arith.constant 448 : index
    %swap3A_218 = tpu.vector_load %arg6[%swap3A_217] {strides = array<i32>} : memref<640xf32, #tpu.memory_space<vmem>>, vector<16xf32>,
    %swap3A_219 = vector.shape_cast %swap3A_218 : vector<16xf32> to vector<16xf32>
    %swap3A_220 = vector.shape_cast %broadcast_in_dim3A_216 : vector<16xf32> to vector<16xf32>
    tpu.vector_store %arg6[%swap3A_217], %swap3A_220 {strides = array<i32>} : memref<640xf32, #tpu.memory_space<vmem>>, vector<16xf32>,
    %broadcast_in_dim3A_221 = arith.constant 0.000000e+00 : f32
    %broadcast_in_dim3A_222 = vector.broadcast %broadcast_in_dim3A_221 : f32 to vector<16xf32>
    %swap3A_223 = arith.constant 464 : index
    %swap3A_224 = tpu.vector_load %arg6[%swap3A_223] {strides = array<i32>} : memref<640xf32, #tpu.memory_space<vmem>>, vector<16xf32>,
    %swap3A_225 = vector.shape_cast %swap3A_224 : vector<16xf32> to vector<16xf32>
    %swap3A_226 = vector.shape_cast %broadcast_in_dim3A_222 : vector<16xf32> to vector<16xf32>
    tpu.vector_store %arg6[%swap3A_223], %swap3A_226 {strides = array<i32>} : memref<640xf32, #tpu.memory_space<vmem>>, vector<16xf32>,
    %broadcast_in_dim3A_227 = arith.constant 0.000000e+00 : f32
    %broadcast_in_dim3A_228 = vector.broadcast %broadcast_in_dim3A_227 : f32 to vector<16xf32>
    %swap3A_229 = arith.constant 480 : index
    %swap3A_230 = tpu.vector_load %arg6[%swap3A_229] {strides = array<i32>} : memref<640xf32, #tpu.memory_space<vmem>>, vector<16xf32>,
    %swap3A_231 = vector.shape_cast %swap3A_230 : vector<16xf32> to vector<16xf32>
    %swap3A_232 = vector.shape_cast %broadcast_in_dim3A_228 : vector<16xf32> to vector<16xf32>
    tpu.vector_store %arg6[%swap3A_229], %swap3A_232 {strides = array<i32>} : memref<640xf32, #tpu.memory_space<vmem>>, vector<16xf32>,
    %broadcast_in_dim3A_233 = arith.constant 0.000000e+00 : f32
    %broadcast_in_dim3A_234 = vector.broadcast %broadcast_in_dim3A_233 : f32 to vector<16xf32>
    %swap3A_235 = arith.constant 496 : index
    %swap3A_236 = tpu.vector_load %arg6[%swap3A_235] {strides = array<i32>} : memref<640xf32, #tpu.memory_space<vmem>>, vector<16xf32>,
    %swap3A_237 = vector.shape_cast %swap3A_236 : vector<16xf32> to vector<16xf32>
    %swap3A_238 = vector.shape_cast %broadcast_in_dim3A_234 : vector<16xf32> to vector<16xf32>
    tpu.vector_store %arg6[%swap3A_235], %swap3A_238 {strides = array<i32>} : memref<640xf32, #tpu.memory_space<vmem>>, vector<16xf32>,
    %broadcast_in_dim3A_239 = arith.constant 0.000000e+00 : f32
    %broadcast_in_dim3A_240 = vector.broadcast %broadcast_in_dim3A_239 : f32 to vector<16xf32>
    %swap3A_241 = arith.constant 512 : index
    %swap3A_242 = tpu.vector_load %arg6[%swap3A_241] {strides = array<i32>} : memref<640xf32, #tpu.memory_space<vmem>>, vector<16xf32>,
    %swap3A_243 = vector.shape_cast %swap3A_242 : vector<16xf32> to vector<16xf32>
    %swap3A_244 = vector.shape_cast %broadcast_in_dim3A_240 : vector<16xf32> to vector<16xf32>
    tpu.vector_store %arg6[%swap3A_241], %swap3A_244 {strides = array<i32>} : memref<640xf32, #tpu.memory_space<vmem>>, vector<16xf32>,
    %broadcast_in_dim3A_245 = arith.constant 0.000000e+00 : f32
    %broadcast_in_dim3A_246 = vector.broadcast %broadcast_in_dim3A_245 : f32 to vector<16xf32>
    %swap3A_247 = arith.constant 528 : index
    %swap3A_248 = tpu.vector_load %arg6[%swap3A_247] {strides = array<i32>} : memref<640xf32, #tpu.memory_space<vmem>>, vector<16xf32>,
    %swap3A_249 = vector.shape_cast %swap3A_248 : vector<16xf32> to vector<16xf32>
    %swap3A_250 = vector.shape_cast %broadcast_in_dim3A_246 : vector<16xf32> to vector<16xf32>
    tpu.vector_store %arg6[%swap3A_247], %swap3A_250 {strides = array<i32>} : memref<640xf32, #tpu.memory_space<vmem>>, vector<16xf32>,
    %broadcast_in_dim3A_251 = arith.constant 0.000000e+00 : f32
    %broadcast_in_dim3A_252 = vector.broadcast %broadcast_in_dim3A_251 : f32 to vector<16xf32>
    %swap3A_253 = arith.constant 544 : index
    %swap3A_254 = tpu.vector_load %arg6[%swap3A_253] {strides = array<i32>} : memref<640xf32, #tpu.memory_space<vmem>>, vector<16xf32>,
    %swap3A_255 = vector.shape_cast %swap3A_254 : vector<16xf32> to vector<16xf32>
    %swap3A_256 = vector.shape_cast %broadcast_in_dim3A_252 : vector<16xf32> to vector<16xf32>
    tpu.vector_store %arg6[%swap3A_253], %swap3A_256 {strides = array<i32>} : memref<640xf32, #tpu.memory_space<vmem>>, vector<16xf32>,
    %broadcast_in_dim3A_257 = arith.constant 0.000000e+00 : f32
    %broadcast_in_dim3A_258 = vector.broadcast %broadcast_in_dim3A_257 : f32 to vector<16xf32>
    %swap3A_259 = arith.constant 560 : index
    %swap3A_260 = tpu.vector_load %arg6[%swap3A_259] {strides = array<i32>} : memref<640xf32, #tpu.memory_space<vmem>>, vector<16xf32>,
    %swap3A_261 = vector.shape_cast %swap3A_260 : vector<16xf32> to vector<16xf32>
    %swap3A_262 = vector.shape_cast %broadcast_in_dim3A_258 : vector<16xf32> to vector<16xf32>
    tpu.vector_store %arg6[%swap3A_259], %swap3A_262 {strides = array<i32>} : memref<640xf32, #tpu.memory_space<vmem>>, vector<16xf32>,
    %broadcast_in_dim3A_263 = arith.constant 0.000000e+00 : f32
    %broadcast_in_dim3A_264 = vector.broadcast %broadcast_in_dim3A_263 : f32 to vector<16xf32>
    %swap3A_265 = arith.constant 576 : index
    %swap3A_266 = tpu.vector_load %arg6[%swap3A_265] {strides = array<i32>} : memref<640xf32, #tpu.memory_space<vmem>>, vector<16xf32>,
    %swap3A_267 = vector.shape_cast %swap3A_266 : vector<16xf32> to vector<16xf32>
    %swap3A_268 = vector.shape_cast %broadcast_in_dim3A_264 : vector<16xf32> to vector<16xf32>
    tpu.vector_store %arg6[%swap3A_265], %swap3A_268 {strides = array<i32>} : memref<640xf32, #tpu.memory_space<vmem>>, vector<16xf32>,
    %broadcast_in_dim3A_269 = arith.constant 0.000000e+00 : f32
    %broadcast_in_dim3A_270 = vector.broadcast %broadcast_in_dim3A_269 : f32 to vector<16xf32>
    %swap3A_271 = arith.constant 592 : index
    %swap3A_272 = tpu.vector_load %arg6[%swap3A_271] {strides = array<i32>} : memref<640xf32, #tpu.memory_space<vmem>>, vector<16xf32>,
    %swap3A_273 = vector.shape_cast %swap3A_272 : vector<16xf32> to vector<16xf32>
    %swap3A_274 = vector.shape_cast %broadcast_in_dim3A_270 : vector<16xf32> to vector<16xf32>
    tpu.vector_store %arg6[%swap3A_271], %swap3A_274 {strides = array<i32>} : memref<640xf32, #tpu.memory_space<vmem>>, vector<16xf32>,
    %broadcast_in_dim3A_275 = arith.constant 0.000000e+00 : f32
    %broadcast_in_dim3A_276 = vector.broadcast %broadcast_in_dim3A_275 : f32 to vector<16xf32>
    %swap3A_277 = arith.constant 608 : index
    %swap3A_278 = tpu.vector_load %arg6[%swap3A_277] {strides = array<i32>} : memref<640xf32, #tpu.memory_space<vmem>>, vector<16xf32>,
    %swap3A_279 = vector.shape_cast %swap3A_278 : vector<16xf32> to vector<16xf32>
    %swap3A_280 = vector.shape_cast %broadcast_in_dim3A_276 : vector<16xf32> to vector<16xf32>
    tpu.vector_store %arg6[%swap3A_277], %swap3A_280 {strides = array<i32>} : memref<640xf32, #tpu.memory_space<vmem>>, vector<16xf32>,
    %broadcast_in_dim3A_281 = arith.constant 0.000000e+00 : f32
    %broadcast_in_dim3A_282 = vector.broadcast %broadcast_in_dim3A_281 : f32 to vector<16xf32>
    %swap3A_283 = arith.constant 624 : index
    %swap3A_284 = tpu.vector_load %arg6[%swap3A_283] {strides = array<i32>} : memref<640xf32, #tpu.memory_space<vmem>>, vector<16xf32>,
    %swap3A_285 = vector.shape_cast %swap3A_284 : vector<16xf32> to vector<16xf32>
    %swap3A_286 = vector.shape_cast %broadcast_in_dim3A_282 : vector<16xf32> to vector<16xf32>
    tpu.vector_store %arg6[%swap3A_283], %swap3A_286 {strides = array<i32>} : memref<640xf32, #tpu.memory_space<vmem>>, vector<16xf32>,
    %mul3A_287 = arith.constant 640 : i32
    %mul3A_288 = arith.muli %arg1, %mul3A_287 : i32
    "tpu.region"() ({
      %run_scoped3A = tpu.sem_alloc : memref<!tpu.dma_semaphore, #tpu.memory_space<semaphore_mem>>
      %dma_start3A = tpu.memref_slice %arg7[%mul3A_288] : memref<10240xf32, #tpu.memory_space<vmem_shared>> -> memref<640xf32, #tpu.memory_space<vmem_shared>>
      %dma_start3A_314 = tpu.memref_slice %arg7[%mul3A_288] : memref<10240xf32, #tpu.memory_space<vmem_shared>> -> memref<640xf32, #tpu.memory_space<vmem_shared>>
      tpu.enqueue_dma source(%arg6 : memref<640xf32, #tpu.memory_space<vmem>>) target(%dma_start3A_314 : memref<640xf32, #tpu.memory_space<vmem_shared>>) target_semaphore(%run_scoped3A : memref<!tpu.dma_semaphore, #tpu.memory_space<semaphore_mem>>)
      %dma_wait3A = tpu.memref_slice %arg7[%mul3A_288] : memref<10240xf32, #tpu.memory_space<vmem_shared>> -> memref<640xf32, #tpu.memory_space<vmem_shared>>
      %dma_wait3A_315 = tpu.memref_slice %arg7[%mul3A_288] : memref<10240xf32, #tpu.memory_space<vmem_shared>> -> memref<640xf32, #tpu.memory_space<vmem_shared>>
      tpu.wait_dma2 semaphore(%run_scoped3A : memref<!tpu.dma_semaphore, #tpu.memory_space<semaphore_mem>>) src(%arg6 : memref<640xf32, #tpu.memory_space<vmem>>) dst(%dma_wait3A_315 : memref<640xf32, #tpu.memory_space<vmem_shared>>)
      tpu.yield
    }) : () -> ()
    %mul3A_289 = arith.constant 78 : i32
    %mul3A_290 = arith.muli %add3A, %mul3A_289 : i32
    "tpu.region"() ({
      %run_scoped3A = tpu.sem_alloc : memref<!tpu.dma_semaphore, #tpu.memory_space<semaphore_mem>>
      %dma_start3A = arith.constant 0 : i32
      %dma_start3A_314 = arith.constant 0 : i32
      %dma_start3A_315 = tpu.memref_slice %arg4[%dma_start3A, %dma_start3A_314] : memref<79x128xi32, #tpu.memory_space<vmem>> -> memref<78x128xi32, #tpu.memory_space<vmem>>
      %dma_start3A_316 = arith.constant 0 : i32
      %dma_start3A_317 = tpu.memref_slice %arg2[%mul3A_290, %dma_start3A_316] : memref<2500x128xi32, #tpu.memory_space<hbm>> -> memref<78x128xi32, #tpu.memory_space<hbm>>
      %dma_start3A_318 = arith.constant 0 : i32
      %dma_start3A_319 = arith.constant 0 : i32
      %dma_start3A_320 = tpu.memref_slice %arg4[%dma_start3A_318, %dma_start3A_319] : memref<79x128xi32, #tpu.memory_space<vmem>> -> memref<78x128xi32, #tpu.memory_space<vmem>>
      %dma_start3A_321 = arith.constant 0 : i32
      %dma_start3A_322 = tpu.memref_slice %arg2[%mul3A_290, %dma_start3A_321] : memref<2500x128xi32, #tpu.memory_space<hbm>> -> memref<78x128xi32, #tpu.memory_space<hbm>>
      tpu.enqueue_dma source(%dma_start3A_322 : memref<78x128xi32, #tpu.memory_space<hbm>>) target(%dma_start3A_320 : memref<78x128xi32, #tpu.memory_space<vmem>>) target_semaphore(%run_scoped3A : memref<!tpu.dma_semaphore, #tpu.memory_space<semaphore_mem>>)
      %dma_wait3A = arith.constant 0 : i32
      %dma_wait3A_323 = arith.constant 0 : i32
      %dma_wait3A_324 = tpu.memref_slice %arg4[%dma_wait3A, %dma_wait3A_323] : memref<79x128xi32, #tpu.memory_space<vmem>> -> memref<78x128xi32, #tpu.memory_space<vmem>>
      %dma_wait3A_325 = arith.constant 0 : i32
      %dma_wait3A_326 = tpu.memref_slice %arg2[%mul3A_290, %dma_wait3A_325] : memref<2500x128xi32, #tpu.memory_space<hbm>> -> memref<78x128xi32, #tpu.memory_space<hbm>>
      %dma_wait3A_327 = arith.constant 0 : i32
      %dma_wait3A_328 = arith.constant 0 : i32
      %dma_wait3A_329 = tpu.memref_slice %arg4[%dma_wait3A_327, %dma_wait3A_328] : memref<79x128xi32, #tpu.memory_space<vmem>> -> memref<78x128xi32, #tpu.memory_space<vmem>>
      %dma_wait3A_330 = arith.constant 0 : i32
      %dma_wait3A_331 = tpu.memref_slice %arg2[%mul3A_290, %dma_wait3A_330] : memref<2500x128xi32, #tpu.memory_space<hbm>> -> memref<78x128xi32, #tpu.memory_space<hbm>>
      tpu.wait_dma2 semaphore(%run_scoped3A : memref<!tpu.dma_semaphore, #tpu.memory_space<semaphore_mem>>) src(%dma_wait3A_331 : memref<78x128xi32, #tpu.memory_space<hbm>>) dst(%dma_wait3A_329 : memref<78x128xi32, #tpu.memory_space<vmem>>)
      tpu.yield
    }) : () -> ()
    %lt3A = arith.constant 4 : i32
    %lt3A_291 = arith.cmpi slt, %add3A, %lt3A : i32
    %convert_element_type3A = arith.extui %lt3A_291 : i1 to i32
    %cond3A = arith.constant 0 : i32
    %cond3A_292 = arith.cmpi ne, %convert_element_type3A, %cond3A : i32
    scf.if %cond3A_292 {
      %add3A_314 = arith.constant 2496 : i32
      %add3A_315 = arith.addi %add3A_314, %add3A : i32
      "tpu.region"() ({
        %run_scoped3A = tpu.sem_alloc : memref<!tpu.dma_semaphore, #tpu.memory_space<semaphore_mem>>
        %dma_start3A = arith.constant 78 : i32
        %dma_start3A_316 = arith.constant 0 : i32
        %dma_start3A_317 = tpu.memref_slice %arg4[%dma_start3A, %dma_start3A_316] : memref<79x128xi32, #tpu.memory_space<vmem>> -> memref<1x128xi32, #tpu.memory_space<vmem>>
        %dma_start3A_318 = arith.constant 0 : i32
        %dma_start3A_319 = tpu.memref_slice %arg2[%add3A_315, %dma_start3A_318] : memref<2500x128xi32, #tpu.memory_space<hbm>> -> memref<1x128xi32, #tpu.memory_space<hbm>>
        %dma_start3A_320 = arith.constant 78 : i32
        %dma_start3A_321 = arith.constant 0 : i32
        %dma_start3A_322 = tpu.memref_slice %arg4[%dma_start3A_320, %dma_start3A_321] : memref<79x128xi32, #tpu.memory_space<vmem>> -> memref<1x128xi32, #tpu.memory_space<vmem>>
        %dma_start3A_323 = arith.constant 0 : i32
        %dma_start3A_324 = tpu.memref_slice %arg2[%add3A_315, %dma_start3A_323] : memref<2500x128xi32, #tpu.memory_space<hbm>> -> memref<1x128xi32, #tpu.memory_space<hbm>>
        tpu.enqueue_dma source(%dma_start3A_324 : memref<1x128xi32, #tpu.memory_space<hbm>>) target(%dma_start3A_322 : memref<1x128xi32, #tpu.memory_space<vmem>>) target_semaphore(%run_scoped3A : memref<!tpu.dma_semaphore, #tpu.memory_space<semaphore_mem>>)
        %dma_wait3A = arith.constant 78 : i32
        %dma_wait3A_325 = arith.constant 0 : i32
        %dma_wait3A_326 = tpu.memref_slice %arg4[%dma_wait3A, %dma_wait3A_325] : memref<79x128xi32, #tpu.memory_space<vmem>> -> memref<1x128xi32, #tpu.memory_space<vmem>>
        %dma_wait3A_327 = arith.constant 0 : i32
        %dma_wait3A_328 = tpu.memref_slice %arg2[%add3A_315, %dma_wait3A_327] : memref<2500x128xi32, #tpu.memory_space<hbm>> -> memref<1x128xi32, #tpu.memory_space<hbm>>
        %dma_wait3A_329 = arith.constant 78 : i32
        %dma_wait3A_330 = arith.constant 0 : i32
        %dma_wait3A_331 = tpu.memref_slice %arg4[%dma_wait3A_329, %dma_wait3A_330] : memref<79x128xi32, #tpu.memory_space<vmem>> -> memref<1x128xi32, #tpu.memory_space<vmem>>
        %dma_wait3A_332 = arith.constant 0 : i32
        %dma_wait3A_333 = tpu.memref_slice %arg2[%add3A_315, %dma_wait3A_332] : memref<2500x128xi32, #tpu.memory_space<hbm>> -> memref<1x128xi32, #tpu.memory_space<hbm>>
        tpu.wait_dma2 semaphore(%run_scoped3A : memref<!tpu.dma_semaphore, #tpu.memory_space<semaphore_mem>>) src(%dma_wait3A_333 : memref<1x128xi32, #tpu.memory_space<hbm>>) dst(%dma_wait3A_331 : memref<1x128xi32, #tpu.memory_space<vmem>>)
        tpu.yield
      }) : () -> ()
    } else {
    }
    %barrier3A = arith.constant 0 : index
    tpu.barrier barrier_id(%barrier3A)
    %scan3A = arith.constant 0 : i32
    %scan3A_293 = arith.constant 0 : i32
    %scan3A_294 = arith.constant 78 : i32
    %scan3A_295 = arith.addi %scan3A_293, %scan3A_294 : i32
    %scan3A_296 = arith.constant 1 : i32
    scf.for %scan3A_314 = %scan3A_293 to %scan3A_295 step %scan3A_296  : i32 {
      %dma_start3A = arith.constant 0 : i32
      %dma_start3A_315 = tpu.memref_slice %arg4[%scan3A_314, %dma_start3A] : memref<79x128xi32, #tpu.memory_space<vmem>> -> memref<1x128xi32, #tpu.memory_space<vmem>>
      %dma_start3A_316 = tpu.memref_squeeze %dma_start3A_315 : memref<1x128xi32, #tpu.memory_space<vmem>> -> memref<128xi32, #tpu.memory_space<vmem>>
      %dma_start3A_317 = arith.constant 0 : i32
      %dma_start3A_318 = tpu.memref_slice %arg7[%dma_start3A_317] : memref<10240xf32, #tpu.memory_space<vmem_shared>> -> memref<10240xf32, #tpu.memory_space<vmem_shared>>
      tpu.enqueue_indirect_dma source(%arg5 : memref<128xf32, #tpu.memory_space<vmem>>) target(%dma_start3A_318 : memref<10240xf32, #tpu.memory_space<vmem_shared>>) offsets(%dma_start3A_316 : memref<128xi32, #tpu.memory_space<vmem>>) semaphore(%arg8 : memref<!tpu.dma_semaphore, #tpu.memory_space<semaphore_mem>>) {add = true}
    }
    %scan3A_297 = arith.constant 78 : i32
    %scan3A_298 = arith.constant 0 : i32
    %scan3A_299 = arith.constant 0 : i32
    %scan3A_300 = arith.constant 78 : i32
    %scan3A_301 = arith.addi %scan3A_299, %scan3A_300 : i32
    %scan3A_302 = arith.constant 1 : i32
    scf.for %scan3A_314 = %scan3A_299 to %scan3A_301 step %scan3A_302  : i32 {
      %dma_wait3A = arith.constant 0 : i32
      %dma_wait3A_315 = tpu.memref_slice %arg4[%scan3A_314, %dma_wait3A] : memref<79x128xi32, #tpu.memory_space<vmem>> -> memref<1x128xi32, #tpu.memory_space<vmem>>
      %dma_wait3A_316 = tpu.memref_squeeze %dma_wait3A_315 : memref<1x128xi32, #tpu.memory_space<vmem>> -> memref<128xi32, #tpu.memory_space<vmem>>
      %dma_wait3A_317 = arith.constant 0 : i32
      %dma_wait3A_318 = tpu.memref_slice %arg7[%dma_wait3A_317] : memref<10240xf32, #tpu.memory_space<vmem_shared>> -> memref<10240xf32, #tpu.memory_space<vmem_shared>>
      tpu.wait_indirect_dma semaphore(%arg8 : memref<!tpu.dma_semaphore, #tpu.memory_space<semaphore_mem>>) src(%arg5 : memref<128xf32, #tpu.memory_space<vmem>>) dst(%dma_wait3A_318 : memref<10240xf32, #tpu.memory_space<vmem_shared>>)
    }
    %scan3A_303 = arith.constant 78 : i32
    %lt3A_304 = arith.constant 4 : i32
    %lt3A_305 = arith.cmpi slt, %add3A, %lt3A_304 : i32
    %convert_element_type3A_306 = arith.extui %lt3A_305 : i1 to i32
    %cond3A_307 = arith.constant 0 : i32
    %cond3A_308 = arith.cmpi ne, %convert_element_type3A_306, %cond3A_307 : i32
    scf.if %cond3A_308 {
      %run_scoped3A = arith.constant 78 : i32
      "tpu.region"() ({
        %run_scoped3A_314 = tpu.sem_alloc : memref<!tpu.dma_semaphore, #tpu.memory_space<semaphore_mem>>
        %dma_start3A = arith.constant 0 : i32
        %dma_start3A_315 = tpu.memref_slice %arg4[%run_scoped3A, %dma_start3A] : memref<79x128xi32, #tpu.memory_space<vmem>> -> memref<1x128xi32, #tpu.memory_space<vmem>>
        %dma_start3A_316 = tpu.memref_squeeze %dma_start3A_315 : memref<1x128xi32, #tpu.memory_space<vmem>> -> memref<128xi32, #tpu.memory_space<vmem>>
        %dma_start3A_317 = arith.constant 0 : i32
        %dma_start3A_318 = tpu.memref_slice %arg7[%dma_start3A_317] : memref<10240xf32, #tpu.memory_space<vmem_shared>> -> memref<10240xf32, #tpu.memory_space<vmem_shared>>
        tpu.enqueue_indirect_dma source(%arg5 : memref<128xf32, #tpu.memory_space<vmem>>) target(%dma_start3A_318 : memref<10240xf32, #tpu.memory_space<vmem_shared>>) offsets(%dma_start3A_316 : memref<128xi32, #tpu.memory_space<vmem>>) semaphore(%run_scoped3A_314 : memref<!tpu.dma_semaphore, #tpu.memory_space<semaphore_mem>>) {add = true}
        %dma_wait3A = arith.constant 0 : i32
        %dma_wait3A_319 = tpu.memref_slice %arg4[%run_scoped3A, %dma_wait3A] : memref<79x128xi32, #tpu.memory_space<vmem>> -> memref<1x128xi32, #tpu.memory_space<vmem>>
        %dma_wait3A_320 = tpu.memref_squeeze %dma_wait3A_319 : memref<1x128xi32, #tpu.memory_space<vmem>> -> memref<128xi32, #tpu.memory_space<vmem>>
        %dma_wait3A_321 = arith.constant 0 : i32
        %dma_wait3A_322 = tpu.memref_slice %arg7[%dma_wait3A_321] : memref<10240xf32, #tpu.memory_space<vmem_shared>> -> memref<10240xf32, #tpu.memory_space<vmem_shared>>
        tpu.wait_indirect_dma semaphore(%run_scoped3A_314 : memref<!tpu.dma_semaphore, #tpu.memory_space<semaphore_mem>>) src(%arg5 : memref<128xf32, #tpu.memory_space<vmem>>) dst(%dma_wait3A_322 : memref<10240xf32, #tpu.memory_space<vmem_shared>>)
        tpu.yield
      }) : () -> ()
    } else {
    }
    %barrier3A_309 = arith.constant 0 : index
    tpu.barrier barrier_id(%barrier3A_309)
    %mul3A_310 = arith.constant 640 : i32
    %mul3A_311 = arith.muli %arg1, %mul3A_310 : i32
    %mul3A_312 = arith.constant 640 : i32
    %mul3A_313 = arith.muli %arg1, %mul3A_312 : i32
    "tpu.region"() ({
      %run_scoped3A = tpu.sem_alloc : memref<!tpu.dma_semaphore, #tpu.memory_space<semaphore_mem>>
      %dma_start3A = tpu.memref_slice %arg3[%arg0, %mul3A_313] : memref<2x10240xf32, #tpu.memory_space<hbm>> -> memref<1x640xf32, #tpu.memory_space<hbm>>
      %dma_start3A_314 = tpu.memref_squeeze %dma_start3A : memref<1x640xf32, #tpu.memory_space<hbm>> -> memref<640xf32, #tpu.memory_space<hbm>>
      %dma_start3A_315 = tpu.memref_slice %arg7[%mul3A_311] : memref<10240xf32, #tpu.memory_space<vmem_shared>> -> memref<640xf32, #tpu.memory_space<vmem_shared>>
      tpu.enqueue_dma source(%dma_start3A_315 : memref<640xf32, #tpu.memory_space<vmem_shared>>) target(%dma_start3A_314 : memref<640xf32, #tpu.memory_space<hbm>>) target_semaphore(%run_scoped3A : memref<!tpu.dma_semaphore, #tpu.memory_space<semaphore_mem>>)
      %dma_wait3A = tpu.memref_slice %arg3[%arg0, %mul3A_313] : memref<2x10240xf32, #tpu.memory_space<hbm>> -> memref<1x640xf32, #tpu.memory_space<hbm>>
      %dma_wait3A_316 = tpu.memref_squeeze %dma_wait3A : memref<1x640xf32, #tpu.memory_space<hbm>> -> memref<640xf32, #tpu.memory_space<hbm>>
      %dma_wait3A_317 = tpu.memref_slice %arg7[%mul3A_311] : memref<10240xf32, #tpu.memory_space<vmem_shared>> -> memref<640xf32, #tpu.memory_space<vmem_shared>>
      tpu.wait_dma2 semaphore(%run_scoped3A : memref<!tpu.dma_semaphore, #tpu.memory_space<semaphore_mem>>) src(%dma_wait3A_317 : memref<640xf32, #tpu.memory_space<vmem_shared>>) dst(%dma_wait3A_316 : memref<640xf32, #tpu.memory_space<hbm>>)
      tpu.yield
    }) : () -> ()
    return
  }
}

#map = affine_map<(d0, d1) -> (0, 0)>
#map1 = affine_map<(d0, d1) -> (0)>
#map2 = affine_map<(d0, d1) -> (0, 0, 0)>
module attributes {stable_mosaic.version = 14 : i64} {
  func.func @_conv_body(%arg0: i32, %arg1: i32, %arg2: memref<10000x16xbf16, #tpu.memory_space<hbm>>, %arg3: memref<320000xi32, #tpu.memory_space<hbm>>, %arg4: memref<2500x128xi32, #tpu.memory_space<hbm>>, %arg5: memref<2x10240x16xbf16, #tpu.memory_space<hbm>>, %arg6: memref<10112xi32, #tpu.memory_space<vmem>>, %arg7: memref<79x128xi32, #tpu.memory_space<vmem>>, %arg8: memref<3328x16xbf16, #tpu.memory_space<vmem>>, %arg9: memref<3328x16xbf16, #tpu.memory_space<vmem>>, %arg10: memref<128x16xbf16, #tpu.memory_space<vmem>>, %arg11: memref<160x16xbf16, #tpu.memory_space<vmem>>, %arg12: memref<10240x16xbf16, #tpu.memory_space<vmem_shared>>, %arg13: memref<!tpu.dma_semaphore, #tpu.memory_space<semaphore_mem>>, %arg14: memref<!tpu.dma_semaphore, #tpu.memory_space<semaphore_mem>>, %arg15: memref<!tpu.dma_semaphore, #tpu.memory_space<semaphore_mem>>, %arg16: memref<!tpu.dma_semaphore, #tpu.memory_space<semaphore_mem>>) attributes {dimension_semantics = [#tpu.dimension_semantics<core_parallel>, #tpu.dimension_semantics<subcore_parallel>], iteration_bounds = array<i64: 2, 16>, scalar_prefetch = 0 : i64, scratch_operands = 11 : i64, tpu.core_type = #tpu.core_type<sc_vector_subcore>, window_params = [{transform_indices = #map}, {transform_indices = #map1}, {transform_indices = #map}, {transform_indices = #map2}]} {
    %mul3A = arith.constant 16 : i32
    %mul3A_0 = arith.muli %arg0, %mul3A : i32
    %add3A = arith.addi %mul3A_0, %arg1 : i32
    %broadcast_in_dim3A = arith.constant 0.000000e+00 : bf16
    %broadcast_in_dim3A_1 = vector.broadcast %broadcast_in_dim3A : bf16 to vector<2x16xbf16>
    %swap3A = arith.constant 0 : index
    %swap3A_2 = arith.constant 0 : index
    %swap3A_3 = tpu.vector_load %arg11[%swap3A, %swap3A_2] {strides = array<i32>} : memref<160x16xbf16, #tpu.memory_space<vmem>>, vector<2x16xbf16>,
    %swap3A_4 = vector.shape_cast %swap3A_3 : vector<2x16xbf16> to vector<2x16xbf16>
    %swap3A_5 = vector.shape_cast %broadcast_in_dim3A_1 : vector<2x16xbf16> to vector<2x16xbf16>
    tpu.vector_store %arg11[%swap3A, %swap3A_2], %swap3A_5 {strides = array<i32>} : memref<160x16xbf16, #tpu.memory_space<vmem>>, vector<2x16xbf16>,
    %broadcast_in_dim3A_6 = arith.constant 0.000000e+00 : bf16
    %broadcast_in_dim3A_7 = vector.broadcast %broadcast_in_dim3A_6 : bf16 to vector<2x16xbf16>
    %swap3A_8 = arith.constant 2 : index
    %swap3A_9 = arith.constant 0 : index
    %swap3A_10 = tpu.vector_load %arg11[%swap3A_8, %swap3A_9] {strides = array<i32>} : memref<160x16xbf16, #tpu.memory_space<vmem>>, vector<2x16xbf16>,
    %swap3A_11 = vector.shape_cast %swap3A_10 : vector<2x16xbf16> to vector<2x16xbf16>
    %swap3A_12 = vector.shape_cast %broadcast_in_dim3A_7 : vector<2x16xbf16> to vector<2x16xbf16>
    tpu.vector_store %arg11[%swap3A_8, %swap3A_9], %swap3A_12 {strides = array<i32>} : memref<160x16xbf16, #tpu.memory_space<vmem>>, vector<2x16xbf16>,
    %broadcast_in_dim3A_13 = arith.constant 0.000000e+00 : bf16
    %broadcast_in_dim3A_14 = vector.broadcast %broadcast_in_dim3A_13 : bf16 to vector<2x16xbf16>
    %swap3A_15 = arith.constant 4 : index
    %swap3A_16 = arith.constant 0 : index
    %swap3A_17 = tpu.vector_load %arg11[%swap3A_15, %swap3A_16] {strides = array<i32>} : memref<160x16xbf16, #tpu.memory_space<vmem>>, vector<2x16xbf16>,
    %swap3A_18 = vector.shape_cast %swap3A_17 : vector<2x16xbf16> to vector<2x16xbf16>
    %swap3A_19 = vector.shape_cast %broadcast_in_dim3A_14 : vector<2x16xbf16> to vector<2x16xbf16>
    tpu.vector_store %arg11[%swap3A_15, %swap3A_16], %swap3A_19 {strides = array<i32>} : memref<160x16xbf16, #tpu.memory_space<vmem>>, vector<2x16xbf16>,
    %broadcast_in_dim3A_20 = arith.constant 0.000000e+00 : bf16
    %broadcast_in_dim3A_21 = vector.broadcast %broadcast_in_dim3A_20 : bf16 to vector<2x16xbf16>
    %swap3A_22 = arith.constant 6 : index
    %swap3A_23 = arith.constant 0 : index
    %swap3A_24 = tpu.vector_load %arg11[%swap3A_22, %swap3A_23] {strides = array<i32>} : memref<160x16xbf16, #tpu.memory_space<vmem>>, vector<2x16xbf16>,
    %swap3A_25 = vector.shape_cast %swap3A_24 : vector<2x16xbf16> to vector<2x16xbf16>
    %swap3A_26 = vector.shape_cast %broadcast_in_dim3A_21 : vector<2x16xbf16> to vector<2x16xbf16>
    tpu.vector_store %arg11[%swap3A_22, %swap3A_23], %swap3A_26 {strides = array<i32>} : memref<160x16xbf16, #tpu.memory_space<vmem>>, vector<2x16xbf16>,
    %broadcast_in_dim3A_27 = arith.constant 0.000000e+00 : bf16
    %broadcast_in_dim3A_28 = vector.broadcast %broadcast_in_dim3A_27 : bf16 to vector<2x16xbf16>
    %swap3A_29 = arith.constant 8 : index
    %swap3A_30 = arith.constant 0 : index
    %swap3A_31 = tpu.vector_load %arg11[%swap3A_29, %swap3A_30] {strides = array<i32>} : memref<160x16xbf16, #tpu.memory_space<vmem>>, vector<2x16xbf16>,
    %swap3A_32 = vector.shape_cast %swap3A_31 : vector<2x16xbf16> to vector<2x16xbf16>
    %swap3A_33 = vector.shape_cast %broadcast_in_dim3A_28 : vector<2x16xbf16> to vector<2x16xbf16>
    tpu.vector_store %arg11[%swap3A_29, %swap3A_30], %swap3A_33 {strides = array<i32>} : memref<160x16xbf16, #tpu.memory_space<vmem>>, vector<2x16xbf16>,
    %broadcast_in_dim3A_34 = arith.constant 0.000000e+00 : bf16
    %broadcast_in_dim3A_35 = vector.broadcast %broadcast_in_dim3A_34 : bf16 to vector<2x16xbf16>
    %swap3A_36 = arith.constant 10 : index
    %swap3A_37 = arith.constant 0 : index
    %swap3A_38 = tpu.vector_load %arg11[%swap3A_36, %swap3A_37] {strides = array<i32>} : memref<160x16xbf16, #tpu.memory_space<vmem>>, vector<2x16xbf16>,
    %swap3A_39 = vector.shape_cast %swap3A_38 : vector<2x16xbf16> to vector<2x16xbf16>
    %swap3A_40 = vector.shape_cast %broadcast_in_dim3A_35 : vector<2x16xbf16> to vector<2x16xbf16>
    tpu.vector_store %arg11[%swap3A_36, %swap3A_37], %swap3A_40 {strides = array<i32>} : memref<160x16xbf16, #tpu.memory_space<vmem>>, vector<2x16xbf16>,
    %broadcast_in_dim3A_41 = arith.constant 0.000000e+00 : bf16
    %broadcast_in_dim3A_42 = vector.broadcast %broadcast_in_dim3A_41 : bf16 to vector<2x16xbf16>
    %swap3A_43 = arith.constant 12 : index
    %swap3A_44 = arith.constant 0 : index
    %swap3A_45 = tpu.vector_load %arg11[%swap3A_43, %swap3A_44] {strides = array<i32>} : memref<160x16xbf16, #tpu.memory_space<vmem>>, vector<2x16xbf16>,
    %swap3A_46 = vector.shape_cast %swap3A_45 : vector<2x16xbf16> to vector<2x16xbf16>
    %swap3A_47 = vector.shape_cast %broadcast_in_dim3A_42 : vector<2x16xbf16> to vector<2x16xbf16>
    tpu.vector_store %arg11[%swap3A_43, %swap3A_44], %swap3A_47 {strides = array<i32>} : memref<160x16xbf16, #tpu.memory_space<vmem>>, vector<2x16xbf16>,
    %broadcast_in_dim3A_48 = arith.constant 0.000000e+00 : bf16
    %broadcast_in_dim3A_49 = vector.broadcast %broadcast_in_dim3A_48 : bf16 to vector<2x16xbf16>
    %swap3A_50 = arith.constant 14 : index
    %swap3A_51 = arith.constant 0 : index
    %swap3A_52 = tpu.vector_load %arg11[%swap3A_50, %swap3A_51] {strides = array<i32>} : memref<160x16xbf16, #tpu.memory_space<vmem>>, vector<2x16xbf16>,
    %swap3A_53 = vector.shape_cast %swap3A_52 : vector<2x16xbf16> to vector<2x16xbf16>
    %swap3A_54 = vector.shape_cast %broadcast_in_dim3A_49 : vector<2x16xbf16> to vector<2x16xbf16>
    tpu.vector_store %arg11[%swap3A_50, %swap3A_51], %swap3A_54 {strides = array<i32>} : memref<160x16xbf16, #tpu.memory_space<vmem>>, vector<2x16xbf16>,
    %broadcast_in_dim3A_55 = arith.constant 0.000000e+00 : bf16
    %broadcast_in_dim3A_56 = vector.broadcast %broadcast_in_dim3A_55 : bf16 to vector<2x16xbf16>
    %swap3A_57 = arith.constant 16 : index
    %swap3A_58 = arith.constant 0 : index
    %swap3A_59 = tpu.vector_load %arg11[%swap3A_57, %swap3A_58] {strides = array<i32>} : memref<160x16xbf16, #tpu.memory_space<vmem>>, vector<2x16xbf16>,
    %swap3A_60 = vector.shape_cast %swap3A_59 : vector<2x16xbf16> to vector<2x16xbf16>
    %swap3A_61 = vector.shape_cast %broadcast_in_dim3A_56 : vector<2x16xbf16> to vector<2x16xbf16>
    tpu.vector_store %arg11[%swap3A_57, %swap3A_58], %swap3A_61 {strides = array<i32>} : memref<160x16xbf16, #tpu.memory_space<vmem>>, vector<2x16xbf16>,
    %broadcast_in_dim3A_62 = arith.constant 0.000000e+00 : bf16
    %broadcast_in_dim3A_63 = vector.broadcast %broadcast_in_dim3A_62 : bf16 to vector<2x16xbf16>
    %swap3A_64 = arith.constant 18 : index
    %swap3A_65 = arith.constant 0 : index
    %swap3A_66 = tpu.vector_load %arg11[%swap3A_64, %swap3A_65] {strides = array<i32>} : memref<160x16xbf16, #tpu.memory_space<vmem>>, vector<2x16xbf16>,
    %swap3A_67 = vector.shape_cast %swap3A_66 : vector<2x16xbf16> to vector<2x16xbf16>
    %swap3A_68 = vector.shape_cast %broadcast_in_dim3A_63 : vector<2x16xbf16> to vector<2x16xbf16>
    tpu.vector_store %arg11[%swap3A_64, %swap3A_65], %swap3A_68 {strides = array<i32>} : memref<160x16xbf16, #tpu.memory_space<vmem>>, vector<2x16xbf16>,
    %broadcast_in_dim3A_69 = arith.constant 0.000000e+00 : bf16
    %broadcast_in_dim3A_70 = vector.broadcast %broadcast_in_dim3A_69 : bf16 to vector<2x16xbf16>
    %swap3A_71 = arith.constant 20 : index
    %swap3A_72 = arith.constant 0 : index
    %swap3A_73 = tpu.vector_load %arg11[%swap3A_71, %swap3A_72] {strides = array<i32>} : memref<160x16xbf16, #tpu.memory_space<vmem>>, vector<2x16xbf16>,
    %swap3A_74 = vector.shape_cast %swap3A_73 : vector<2x16xbf16> to vector<2x16xbf16>
    %swap3A_75 = vector.shape_cast %broadcast_in_dim3A_70 : vector<2x16xbf16> to vector<2x16xbf16>
    tpu.vector_store %arg11[%swap3A_71, %swap3A_72], %swap3A_75 {strides = array<i32>} : memref<160x16xbf16, #tpu.memory_space<vmem>>, vector<2x16xbf16>,
    %broadcast_in_dim3A_76 = arith.constant 0.000000e+00 : bf16
    %broadcast_in_dim3A_77 = vector.broadcast %broadcast_in_dim3A_76 : bf16 to vector<2x16xbf16>
    %swap3A_78 = arith.constant 22 : index
    %swap3A_79 = arith.constant 0 : index
    %swap3A_80 = tpu.vector_load %arg11[%swap3A_78, %swap3A_79] {strides = array<i32>} : memref<160x16xbf16, #tpu.memory_space<vmem>>, vector<2x16xbf16>,
    %swap3A_81 = vector.shape_cast %swap3A_80 : vector<2x16xbf16> to vector<2x16xbf16>
    %swap3A_82 = vector.shape_cast %broadcast_in_dim3A_77 : vector<2x16xbf16> to vector<2x16xbf16>
    tpu.vector_store %arg11[%swap3A_78, %swap3A_79], %swap3A_82 {strides = array<i32>} : memref<160x16xbf16, #tpu.memory_space<vmem>>, vector<2x16xbf16>,
    %broadcast_in_dim3A_83 = arith.constant 0.000000e+00 : bf16
    %broadcast_in_dim3A_84 = vector.broadcast %broadcast_in_dim3A_83 : bf16 to vector<2x16xbf16>
    %swap3A_85 = arith.constant 24 : index
    %swap3A_86 = arith.constant 0 : index
    %swap3A_87 = tpu.vector_load %arg11[%swap3A_85, %swap3A_86] {strides = array<i32>} : memref<160x16xbf16, #tpu.memory_space<vmem>>, vector<2x16xbf16>,
    %swap3A_88 = vector.shape_cast %swap3A_87 : vector<2x16xbf16> to vector<2x16xbf16>
    %swap3A_89 = vector.shape_cast %broadcast_in_dim3A_84 : vector<2x16xbf16> to vector<2x16xbf16>
    tpu.vector_store %arg11[%swap3A_85, %swap3A_86], %swap3A_89 {strides = array<i32>} : memref<160x16xbf16, #tpu.memory_space<vmem>>, vector<2x16xbf16>,
    %broadcast_in_dim3A_90 = arith.constant 0.000000e+00 : bf16
    %broadcast_in_dim3A_91 = vector.broadcast %broadcast_in_dim3A_90 : bf16 to vector<2x16xbf16>
    %swap3A_92 = arith.constant 26 : index
    %swap3A_93 = arith.constant 0 : index
    %swap3A_94 = tpu.vector_load %arg11[%swap3A_92, %swap3A_93] {strides = array<i32>} : memref<160x16xbf16, #tpu.memory_space<vmem>>, vector<2x16xbf16>,
    %swap3A_95 = vector.shape_cast %swap3A_94 : vector<2x16xbf16> to vector<2x16xbf16>
    %swap3A_96 = vector.shape_cast %broadcast_in_dim3A_91 : vector<2x16xbf16> to vector<2x16xbf16>
    tpu.vector_store %arg11[%swap3A_92, %swap3A_93], %swap3A_96 {strides = array<i32>} : memref<160x16xbf16, #tpu.memory_space<vmem>>, vector<2x16xbf16>,
    %broadcast_in_dim3A_97 = arith.constant 0.000000e+00 : bf16
    %broadcast_in_dim3A_98 = vector.broadcast %broadcast_in_dim3A_97 : bf16 to vector<2x16xbf16>
    %swap3A_99 = arith.constant 28 : index
    %swap3A_100 = arith.constant 0 : index
    %swap3A_101 = tpu.vector_load %arg11[%swap3A_99, %swap3A_100] {strides = array<i32>} : memref<160x16xbf16, #tpu.memory_space<vmem>>, vector<2x16xbf16>,
    %swap3A_102 = vector.shape_cast %swap3A_101 : vector<2x16xbf16> to vector<2x16xbf16>
    %swap3A_103 = vector.shape_cast %broadcast_in_dim3A_98 : vector<2x16xbf16> to vector<2x16xbf16>
    tpu.vector_store %arg11[%swap3A_99, %swap3A_100], %swap3A_103 {strides = array<i32>} : memref<160x16xbf16, #tpu.memory_space<vmem>>, vector<2x16xbf16>,
    %broadcast_in_dim3A_104 = arith.constant 0.000000e+00 : bf16
    %broadcast_in_dim3A_105 = vector.broadcast %broadcast_in_dim3A_104 : bf16 to vector<2x16xbf16>
    %swap3A_106 = arith.constant 30 : index
    %swap3A_107 = arith.constant 0 : index
    %swap3A_108 = tpu.vector_load %arg11[%swap3A_106, %swap3A_107] {strides = array<i32>} : memref<160x16xbf16, #tpu.memory_space<vmem>>, vector<2x16xbf16>,
    %swap3A_109 = vector.shape_cast %swap3A_108 : vector<2x16xbf16> to vector<2x16xbf16>
    %swap3A_110 = vector.shape_cast %broadcast_in_dim3A_105 : vector<2x16xbf16> to vector<2x16xbf16>
    tpu.vector_store %arg11[%swap3A_106, %swap3A_107], %swap3A_110 {strides = array<i32>} : memref<160x16xbf16, #tpu.memory_space<vmem>>, vector<2x16xbf16>,
    %broadcast_in_dim3A_111 = arith.constant 0.000000e+00 : bf16
    %broadcast_in_dim3A_112 = vector.broadcast %broadcast_in_dim3A_111 : bf16 to vector<2x16xbf16>
    %swap3A_113 = arith.constant 32 : index
    %swap3A_114 = arith.constant 0 : index
    %swap3A_115 = tpu.vector_load %arg11[%swap3A_113, %swap3A_114] {strides = array<i32>} : memref<160x16xbf16, #tpu.memory_space<vmem>>, vector<2x16xbf16>,
    %swap3A_116 = vector.shape_cast %swap3A_115 : vector<2x16xbf16> to vector<2x16xbf16>
    %swap3A_117 = vector.shape_cast %broadcast_in_dim3A_112 : vector<2x16xbf16> to vector<2x16xbf16>
    tpu.vector_store %arg11[%swap3A_113, %swap3A_114], %swap3A_117 {strides = array<i32>} : memref<160x16xbf16, #tpu.memory_space<vmem>>, vector<2x16xbf16>,
    %broadcast_in_dim3A_118 = arith.constant 0.000000e+00 : bf16
    %broadcast_in_dim3A_119 = vector.broadcast %broadcast_in_dim3A_118 : bf16 to vector<2x16xbf16>
    %swap3A_120 = arith.constant 34 : index
    %swap3A_121 = arith.constant 0 : index
    %swap3A_122 = tpu.vector_load %arg11[%swap3A_120, %swap3A_121] {strides = array<i32>} : memref<160x16xbf16, #tpu.memory_space<vmem>>, vector<2x16xbf16>,
    %swap3A_123 = vector.shape_cast %swap3A_122 : vector<2x16xbf16> to vector<2x16xbf16>
    %swap3A_124 = vector.shape_cast %broadcast_in_dim3A_119 : vector<2x16xbf16> to vector<2x16xbf16>
    tpu.vector_store %arg11[%swap3A_120, %swap3A_121], %swap3A_124 {strides = array<i32>} : memref<160x16xbf16, #tpu.memory_space<vmem>>, vector<2x16xbf16>,
    %broadcast_in_dim3A_125 = arith.constant 0.000000e+00 : bf16
    %broadcast_in_dim3A_126 = vector.broadcast %broadcast_in_dim3A_125 : bf16 to vector<2x16xbf16>
    %swap3A_127 = arith.constant 36 : index
    %swap3A_128 = arith.constant 0 : index
    %swap3A_129 = tpu.vector_load %arg11[%swap3A_127, %swap3A_128] {strides = array<i32>} : memref<160x16xbf16, #tpu.memory_space<vmem>>, vector<2x16xbf16>,
    %swap3A_130 = vector.shape_cast %swap3A_129 : vector<2x16xbf16> to vector<2x16xbf16>
    %swap3A_131 = vector.shape_cast %broadcast_in_dim3A_126 : vector<2x16xbf16> to vector<2x16xbf16>
    tpu.vector_store %arg11[%swap3A_127, %swap3A_128], %swap3A_131 {strides = array<i32>} : memref<160x16xbf16, #tpu.memory_space<vmem>>, vector<2x16xbf16>,
    %broadcast_in_dim3A_132 = arith.constant 0.000000e+00 : bf16
    %broadcast_in_dim3A_133 = vector.broadcast %broadcast_in_dim3A_132 : bf16 to vector<2x16xbf16>
    %swap3A_134 = arith.constant 38 : index
    %swap3A_135 = arith.constant 0 : index
    %swap3A_136 = tpu.vector_load %arg11[%swap3A_134, %swap3A_135] {strides = array<i32>} : memref<160x16xbf16, #tpu.memory_space<vmem>>, vector<2x16xbf16>,
    %swap3A_137 = vector.shape_cast %swap3A_136 : vector<2x16xbf16> to vector<2x16xbf16>
    %swap3A_138 = vector.shape_cast %broadcast_in_dim3A_133 : vector<2x16xbf16> to vector<2x16xbf16>
    tpu.vector_store %arg11[%swap3A_134, %swap3A_135], %swap3A_138 {strides = array<i32>} : memref<160x16xbf16, #tpu.memory_space<vmem>>, vector<2x16xbf16>,
    %broadcast_in_dim3A_139 = arith.constant 0.000000e+00 : bf16
    %broadcast_in_dim3A_140 = vector.broadcast %broadcast_in_dim3A_139 : bf16 to vector<2x16xbf16>
    %swap3A_141 = arith.constant 40 : index
    %swap3A_142 = arith.constant 0 : index
    %swap3A_143 = tpu.vector_load %arg11[%swap3A_141, %swap3A_142] {strides = array<i32>} : memref<160x16xbf16, #tpu.memory_space<vmem>>, vector<2x16xbf16>,
    %swap3A_144 = vector.shape_cast %swap3A_143 : vector<2x16xbf16> to vector<2x16xbf16>
    %swap3A_145 = vector.shape_cast %broadcast_in_dim3A_140 : vector<2x16xbf16> to vector<2x16xbf16>
    tpu.vector_store %arg11[%swap3A_141, %swap3A_142], %swap3A_145 {strides = array<i32>} : memref<160x16xbf16, #tpu.memory_space<vmem>>, vector<2x16xbf16>,
    %broadcast_in_dim3A_146 = arith.constant 0.000000e+00 : bf16
    %broadcast_in_dim3A_147 = vector.broadcast %broadcast_in_dim3A_146 : bf16 to vector<2x16xbf16>
    %swap3A_148 = arith.constant 42 : index
    %swap3A_149 = arith.constant 0 : index
    %swap3A_150 = tpu.vector_load %arg11[%swap3A_148, %swap3A_149] {strides = array<i32>} : memref<160x16xbf16, #tpu.memory_space<vmem>>, vector<2x16xbf16>,
    %swap3A_151 = vector.shape_cast %swap3A_150 : vector<2x16xbf16> to vector<2x16xbf16>
    %swap3A_152 = vector.shape_cast %broadcast_in_dim3A_147 : vector<2x16xbf16> to vector<2x16xbf16>
    tpu.vector_store %arg11[%swap3A_148, %swap3A_149], %swap3A_152 {strides = array<i32>} : memref<160x16xbf16, #tpu.memory_space<vmem>>, vector<2x16xbf16>,
    %broadcast_in_dim3A_153 = arith.constant 0.000000e+00 : bf16
    %broadcast_in_dim3A_154 = vector.broadcast %broadcast_in_dim3A_153 : bf16 to vector<2x16xbf16>
    %swap3A_155 = arith.constant 44 : index
    %swap3A_156 = arith.constant 0 : index
    %swap3A_157 = tpu.vector_load %arg11[%swap3A_155, %swap3A_156] {strides = array<i32>} : memref<160x16xbf16, #tpu.memory_space<vmem>>, vector<2x16xbf16>,
    %swap3A_158 = vector.shape_cast %swap3A_157 : vector<2x16xbf16> to vector<2x16xbf16>
    %swap3A_159 = vector.shape_cast %broadcast_in_dim3A_154 : vector<2x16xbf16> to vector<2x16xbf16>
    tpu.vector_store %arg11[%swap3A_155, %swap3A_156], %swap3A_159 {strides = array<i32>} : memref<160x16xbf16, #tpu.memory_space<vmem>>, vector<2x16xbf16>,
    %broadcast_in_dim3A_160 = arith.constant 0.000000e+00 : bf16
    %broadcast_in_dim3A_161 = vector.broadcast %broadcast_in_dim3A_160 : bf16 to vector<2x16xbf16>
    %swap3A_162 = arith.constant 46 : index
    %swap3A_163 = arith.constant 0 : index
    %swap3A_164 = tpu.vector_load %arg11[%swap3A_162, %swap3A_163] {strides = array<i32>} : memref<160x16xbf16, #tpu.memory_space<vmem>>, vector<2x16xbf16>,
    %swap3A_165 = vector.shape_cast %swap3A_164 : vector<2x16xbf16> to vector<2x16xbf16>
    %swap3A_166 = vector.shape_cast %broadcast_in_dim3A_161 : vector<2x16xbf16> to vector<2x16xbf16>
    tpu.vector_store %arg11[%swap3A_162, %swap3A_163], %swap3A_166 {strides = array<i32>} : memref<160x16xbf16, #tpu.memory_space<vmem>>, vector<2x16xbf16>,
    %broadcast_in_dim3A_167 = arith.constant 0.000000e+00 : bf16
    %broadcast_in_dim3A_168 = vector.broadcast %broadcast_in_dim3A_167 : bf16 to vector<2x16xbf16>
    %swap3A_169 = arith.constant 48 : index
    %swap3A_170 = arith.constant 0 : index
    %swap3A_171 = tpu.vector_load %arg11[%swap3A_169, %swap3A_170] {strides = array<i32>} : memref<160x16xbf16, #tpu.memory_space<vmem>>, vector<2x16xbf16>,
    %swap3A_172 = vector.shape_cast %swap3A_171 : vector<2x16xbf16> to vector<2x16xbf16>
    %swap3A_173 = vector.shape_cast %broadcast_in_dim3A_168 : vector<2x16xbf16> to vector<2x16xbf16>
    tpu.vector_store %arg11[%swap3A_169, %swap3A_170], %swap3A_173 {strides = array<i32>} : memref<160x16xbf16, #tpu.memory_space<vmem>>, vector<2x16xbf16>,
    %broadcast_in_dim3A_174 = arith.constant 0.000000e+00 : bf16
    %broadcast_in_dim3A_175 = vector.broadcast %broadcast_in_dim3A_174 : bf16 to vector<2x16xbf16>
    %swap3A_176 = arith.constant 50 : index
    %swap3A_177 = arith.constant 0 : index
    %swap3A_178 = tpu.vector_load %arg11[%swap3A_176, %swap3A_177] {strides = array<i32>} : memref<160x16xbf16, #tpu.memory_space<vmem>>, vector<2x16xbf16>,
    %swap3A_179 = vector.shape_cast %swap3A_178 : vector<2x16xbf16> to vector<2x16xbf16>
    %swap3A_180 = vector.shape_cast %broadcast_in_dim3A_175 : vector<2x16xbf16> to vector<2x16xbf16>
    tpu.vector_store %arg11[%swap3A_176, %swap3A_177], %swap3A_180 {strides = array<i32>} : memref<160x16xbf16, #tpu.memory_space<vmem>>, vector<2x16xbf16>,
    %broadcast_in_dim3A_181 = arith.constant 0.000000e+00 : bf16
    %broadcast_in_dim3A_182 = vector.broadcast %broadcast_in_dim3A_181 : bf16 to vector<2x16xbf16>
    %swap3A_183 = arith.constant 52 : index
    %swap3A_184 = arith.constant 0 : index
    %swap3A_185 = tpu.vector_load %arg11[%swap3A_183, %swap3A_184] {strides = array<i32>} : memref<160x16xbf16, #tpu.memory_space<vmem>>, vector<2x16xbf16>,
    %swap3A_186 = vector.shape_cast %swap3A_185 : vector<2x16xbf16> to vector<2x16xbf16>
    %swap3A_187 = vector.shape_cast %broadcast_in_dim3A_182 : vector<2x16xbf16> to vector<2x16xbf16>
    tpu.vector_store %arg11[%swap3A_183, %swap3A_184], %swap3A_187 {strides = array<i32>} : memref<160x16xbf16, #tpu.memory_space<vmem>>, vector<2x16xbf16>,
    %broadcast_in_dim3A_188 = arith.constant 0.000000e+00 : bf16
    %broadcast_in_dim3A_189 = vector.broadcast %broadcast_in_dim3A_188 : bf16 to vector<2x16xbf16>
    %swap3A_190 = arith.constant 54 : index
    %swap3A_191 = arith.constant 0 : index
    %swap3A_192 = tpu.vector_load %arg11[%swap3A_190, %swap3A_191] {strides = array<i32>} : memref<160x16xbf16, #tpu.memory_space<vmem>>, vector<2x16xbf16>,
    %swap3A_193 = vector.shape_cast %swap3A_192 : vector<2x16xbf16> to vector<2x16xbf16>
    %swap3A_194 = vector.shape_cast %broadcast_in_dim3A_189 : vector<2x16xbf16> to vector<2x16xbf16>
    tpu.vector_store %arg11[%swap3A_190, %swap3A_191], %swap3A_194 {strides = array<i32>} : memref<160x16xbf16, #tpu.memory_space<vmem>>, vector<2x16xbf16>,
    %broadcast_in_dim3A_195 = arith.constant 0.000000e+00 : bf16
    %broadcast_in_dim3A_196 = vector.broadcast %broadcast_in_dim3A_195 : bf16 to vector<2x16xbf16>
    %swap3A_197 = arith.constant 56 : index
    %swap3A_198 = arith.constant 0 : index
    %swap3A_199 = tpu.vector_load %arg11[%swap3A_197, %swap3A_198] {strides = array<i32>} : memref<160x16xbf16, #tpu.memory_space<vmem>>, vector<2x16xbf16>,
    %swap3A_200 = vector.shape_cast %swap3A_199 : vector<2x16xbf16> to vector<2x16xbf16>
    %swap3A_201 = vector.shape_cast %broadcast_in_dim3A_196 : vector<2x16xbf16> to vector<2x16xbf16>
    tpu.vector_store %arg11[%swap3A_197, %swap3A_198], %swap3A_201 {strides = array<i32>} : memref<160x16xbf16, #tpu.memory_space<vmem>>, vector<2x16xbf16>,
    %broadcast_in_dim3A_202 = arith.constant 0.000000e+00 : bf16
    %broadcast_in_dim3A_203 = vector.broadcast %broadcast_in_dim3A_202 : bf16 to vector<2x16xbf16>
    %swap3A_204 = arith.constant 58 : index
    %swap3A_205 = arith.constant 0 : index
    %swap3A_206 = tpu.vector_load %arg11[%swap3A_204, %swap3A_205] {strides = array<i32>} : memref<160x16xbf16, #tpu.memory_space<vmem>>, vector<2x16xbf16>,
    %swap3A_207 = vector.shape_cast %swap3A_206 : vector<2x16xbf16> to vector<2x16xbf16>
    %swap3A_208 = vector.shape_cast %broadcast_in_dim3A_203 : vector<2x16xbf16> to vector<2x16xbf16>
    tpu.vector_store %arg11[%swap3A_204, %swap3A_205], %swap3A_208 {strides = array<i32>} : memref<160x16xbf16, #tpu.memory_space<vmem>>, vector<2x16xbf16>,
    %broadcast_in_dim3A_209 = arith.constant 0.000000e+00 : bf16
    %broadcast_in_dim3A_210 = vector.broadcast %broadcast_in_dim3A_209 : bf16 to vector<2x16xbf16>
    %swap3A_211 = arith.constant 60 : index
    %swap3A_212 = arith.constant 0 : index
    %swap3A_213 = tpu.vector_load %arg11[%swap3A_211, %swap3A_212] {strides = array<i32>} : memref<160x16xbf16, #tpu.memory_space<vmem>>, vector<2x16xbf16>,
    %swap3A_214 = vector.shape_cast %swap3A_213 : vector<2x16xbf16> to vector<2x16xbf16>
    %swap3A_215 = vector.shape_cast %broadcast_in_dim3A_210 : vector<2x16xbf16> to vector<2x16xbf16>
    tpu.vector_store %arg11[%swap3A_211, %swap3A_212], %swap3A_215 {strides = array<i32>} : memref<160x16xbf16, #tpu.memory_space<vmem>>, vector<2x16xbf16>,
    %broadcast_in_dim3A_216 = arith.constant 0.000000e+00 : bf16
    %broadcast_in_dim3A_217 = vector.broadcast %broadcast_in_dim3A_216 : bf16 to vector<2x16xbf16>
    %swap3A_218 = arith.constant 62 : index
    %swap3A_219 = arith.constant 0 : index
    %swap3A_220 = tpu.vector_load %arg11[%swap3A_218, %swap3A_219] {strides = array<i32>} : memref<160x16xbf16, #tpu.memory_space<vmem>>, vector<2x16xbf16>,
    %swap3A_221 = vector.shape_cast %swap3A_220 : vector<2x16xbf16> to vector<2x16xbf16>
    %swap3A_222 = vector.shape_cast %broadcast_in_dim3A_217 : vector<2x16xbf16> to vector<2x16xbf16>
    tpu.vector_store %arg11[%swap3A_218, %swap3A_219], %swap3A_222 {strides = array<i32>} : memref<160x16xbf16, #tpu.memory_space<vmem>>, vector<2x16xbf16>,
    %broadcast_in_dim3A_223 = arith.constant 0.000000e+00 : bf16
    %broadcast_in_dim3A_224 = vector.broadcast %broadcast_in_dim3A_223 : bf16 to vector<2x16xbf16>
    %swap3A_225 = arith.constant 64 : index
    %swap3A_226 = arith.constant 0 : index
    %swap3A_227 = tpu.vector_load %arg11[%swap3A_225, %swap3A_226] {strides = array<i32>} : memref<160x16xbf16, #tpu.memory_space<vmem>>, vector<2x16xbf16>,
    %swap3A_228 = vector.shape_cast %swap3A_227 : vector<2x16xbf16> to vector<2x16xbf16>
    %swap3A_229 = vector.shape_cast %broadcast_in_dim3A_224 : vector<2x16xbf16> to vector<2x16xbf16>
    tpu.vector_store %arg11[%swap3A_225, %swap3A_226], %swap3A_229 {strides = array<i32>} : memref<160x16xbf16, #tpu.memory_space<vmem>>, vector<2x16xbf16>,
    %broadcast_in_dim3A_230 = arith.constant 0.000000e+00 : bf16
    %broadcast_in_dim3A_231 = vector.broadcast %broadcast_in_dim3A_230 : bf16 to vector<2x16xbf16>
    %swap3A_232 = arith.constant 66 : index
    %swap3A_233 = arith.constant 0 : index
    %swap3A_234 = tpu.vector_load %arg11[%swap3A_232, %swap3A_233] {strides = array<i32>} : memref<160x16xbf16, #tpu.memory_space<vmem>>, vector<2x16xbf16>,
    %swap3A_235 = vector.shape_cast %swap3A_234 : vector<2x16xbf16> to vector<2x16xbf16>
    %swap3A_236 = vector.shape_cast %broadcast_in_dim3A_231 : vector<2x16xbf16> to vector<2x16xbf16>
    tpu.vector_store %arg11[%swap3A_232, %swap3A_233], %swap3A_236 {strides = array<i32>} : memref<160x16xbf16, #tpu.memory_space<vmem>>, vector<2x16xbf16>,
    %broadcast_in_dim3A_237 = arith.constant 0.000000e+00 : bf16
    %broadcast_in_dim3A_238 = vector.broadcast %broadcast_in_dim3A_237 : bf16 to vector<2x16xbf16>
    %swap3A_239 = arith.constant 68 : index
    %swap3A_240 = arith.constant 0 : index
    %swap3A_241 = tpu.vector_load %arg11[%swap3A_239, %swap3A_240] {strides = array<i32>} : memref<160x16xbf16, #tpu.memory_space<vmem>>, vector<2x16xbf16>,
    %swap3A_242 = vector.shape_cast %swap3A_241 : vector<2x16xbf16> to vector<2x16xbf16>
    %swap3A_243 = vector.shape_cast %broadcast_in_dim3A_238 : vector<2x16xbf16> to vector<2x16xbf16>
    tpu.vector_store %arg11[%swap3A_239, %swap3A_240], %swap3A_243 {strides = array<i32>} : memref<160x16xbf16, #tpu.memory_space<vmem>>, vector<2x16xbf16>,
    %broadcast_in_dim3A_244 = arith.constant 0.000000e+00 : bf16
    %broadcast_in_dim3A_245 = vector.broadcast %broadcast_in_dim3A_244 : bf16 to vector<2x16xbf16>
    %swap3A_246 = arith.constant 70 : index
    %swap3A_247 = arith.constant 0 : index
    %swap3A_248 = tpu.vector_load %arg11[%swap3A_246, %swap3A_247] {strides = array<i32>} : memref<160x16xbf16, #tpu.memory_space<vmem>>, vector<2x16xbf16>,
    %swap3A_249 = vector.shape_cast %swap3A_248 : vector<2x16xbf16> to vector<2x16xbf16>
    %swap3A_250 = vector.shape_cast %broadcast_in_dim3A_245 : vector<2x16xbf16> to vector<2x16xbf16>
    tpu.vector_store %arg11[%swap3A_246, %swap3A_247], %swap3A_250 {strides = array<i32>} : memref<160x16xbf16, #tpu.memory_space<vmem>>, vector<2x16xbf16>,
    %broadcast_in_dim3A_251 = arith.constant 0.000000e+00 : bf16
    %broadcast_in_dim3A_252 = vector.broadcast %broadcast_in_dim3A_251 : bf16 to vector<2x16xbf16>
    %swap3A_253 = arith.constant 72 : index
    %swap3A_254 = arith.constant 0 : index
    %swap3A_255 = tpu.vector_load %arg11[%swap3A_253, %swap3A_254] {strides = array<i32>} : memref<160x16xbf16, #tpu.memory_space<vmem>>, vector<2x16xbf16>,
    %swap3A_256 = vector.shape_cast %swap3A_255 : vector<2x16xbf16> to vector<2x16xbf16>
    %swap3A_257 = vector.shape_cast %broadcast_in_dim3A_252 : vector<2x16xbf16> to vector<2x16xbf16>
    tpu.vector_store %arg11[%swap3A_253, %swap3A_254], %swap3A_257 {strides = array<i32>} : memref<160x16xbf16, #tpu.memory_space<vmem>>, vector<2x16xbf16>,
    %broadcast_in_dim3A_258 = arith.constant 0.000000e+00 : bf16
    %broadcast_in_dim3A_259 = vector.broadcast %broadcast_in_dim3A_258 : bf16 to vector<2x16xbf16>
    %swap3A_260 = arith.constant 74 : index
    %swap3A_261 = arith.constant 0 : index
    %swap3A_262 = tpu.vector_load %arg11[%swap3A_260, %swap3A_261] {strides = array<i32>} : memref<160x16xbf16, #tpu.memory_space<vmem>>, vector<2x16xbf16>,
    %swap3A_263 = vector.shape_cast %swap3A_262 : vector<2x16xbf16> to vector<2x16xbf16>
    %swap3A_264 = vector.shape_cast %broadcast_in_dim3A_259 : vector<2x16xbf16> to vector<2x16xbf16>
    tpu.vector_store %arg11[%swap3A_260, %swap3A_261], %swap3A_264 {strides = array<i32>} : memref<160x16xbf16, #tpu.memory_space<vmem>>, vector<2x16xbf16>,
    %broadcast_in_dim3A_265 = arith.constant 0.000000e+00 : bf16
    %broadcast_in_dim3A_266 = vector.broadcast %broadcast_in_dim3A_265 : bf16 to vector<2x16xbf16>
    %swap3A_267 = arith.constant 76 : index
    %swap3A_268 = arith.constant 0 : index
    %swap3A_269 = tpu.vector_load %arg11[%swap3A_267, %swap3A_268] {strides = array<i32>} : memref<160x16xbf16, #tpu.memory_space<vmem>>, vector<2x16xbf16>,
    %swap3A_270 = vector.shape_cast %swap3A_269 : vector<2x16xbf16> to vector<2x16xbf16>
    %swap3A_271 = vector.shape_cast %broadcast_in_dim3A_266 : vector<2x16xbf16> to vector<2x16xbf16>
    tpu.vector_store %arg11[%swap3A_267, %swap3A_268], %swap3A_271 {strides = array<i32>} : memref<160x16xbf16, #tpu.memory_space<vmem>>, vector<2x16xbf16>,
    %broadcast_in_dim3A_272 = arith.constant 0.000000e+00 : bf16
    %broadcast_in_dim3A_273 = vector.broadcast %broadcast_in_dim3A_272 : bf16 to vector<2x16xbf16>
    %swap3A_274 = arith.constant 78 : index
    %swap3A_275 = arith.constant 0 : index
    %swap3A_276 = tpu.vector_load %arg11[%swap3A_274, %swap3A_275] {strides = array<i32>} : memref<160x16xbf16, #tpu.memory_space<vmem>>, vector<2x16xbf16>,
    %swap3A_277 = vector.shape_cast %swap3A_276 : vector<2x16xbf16> to vector<2x16xbf16>
    %swap3A_278 = vector.shape_cast %broadcast_in_dim3A_273 : vector<2x16xbf16> to vector<2x16xbf16>
    tpu.vector_store %arg11[%swap3A_274, %swap3A_275], %swap3A_278 {strides = array<i32>} : memref<160x16xbf16, #tpu.memory_space<vmem>>, vector<2x16xbf16>,
    %broadcast_in_dim3A_279 = arith.constant 0.000000e+00 : bf16
    %broadcast_in_dim3A_280 = vector.broadcast %broadcast_in_dim3A_279 : bf16 to vector<2x16xbf16>
    %swap3A_281 = arith.constant 80 : index
    %swap3A_282 = arith.constant 0 : index
    %swap3A_283 = tpu.vector_load %arg11[%swap3A_281, %swap3A_282] {strides = array<i32>} : memref<160x16xbf16, #tpu.memory_space<vmem>>, vector<2x16xbf16>,
    %swap3A_284 = vector.shape_cast %swap3A_283 : vector<2x16xbf16> to vector<2x16xbf16>
    %swap3A_285 = vector.shape_cast %broadcast_in_dim3A_280 : vector<2x16xbf16> to vector<2x16xbf16>
    tpu.vector_store %arg11[%swap3A_281, %swap3A_282], %swap3A_285 {strides = array<i32>} : memref<160x16xbf16, #tpu.memory_space<vmem>>, vector<2x16xbf16>,
    %broadcast_in_dim3A_286 = arith.constant 0.000000e+00 : bf16
    %broadcast_in_dim3A_287 = vector.broadcast %broadcast_in_dim3A_286 : bf16 to vector<2x16xbf16>
    %swap3A_288 = arith.constant 82 : index
    %swap3A_289 = arith.constant 0 : index
    %swap3A_290 = tpu.vector_load %arg11[%swap3A_288, %swap3A_289] {strides = array<i32>} : memref<160x16xbf16, #tpu.memory_space<vmem>>, vector<2x16xbf16>,
    %swap3A_291 = vector.shape_cast %swap3A_290 : vector<2x16xbf16> to vector<2x16xbf16>
    %swap3A_292 = vector.shape_cast %broadcast_in_dim3A_287 : vector<2x16xbf16> to vector<2x16xbf16>
    tpu.vector_store %arg11[%swap3A_288, %swap3A_289], %swap3A_292 {strides = array<i32>} : memref<160x16xbf16, #tpu.memory_space<vmem>>, vector<2x16xbf16>,
    %broadcast_in_dim3A_293 = arith.constant 0.000000e+00 : bf16
    %broadcast_in_dim3A_294 = vector.broadcast %broadcast_in_dim3A_293 : bf16 to vector<2x16xbf16>
    %swap3A_295 = arith.constant 84 : index
    %swap3A_296 = arith.constant 0 : index
    %swap3A_297 = tpu.vector_load %arg11[%swap3A_295, %swap3A_296] {strides = array<i32>} : memref<160x16xbf16, #tpu.memory_space<vmem>>, vector<2x16xbf16>,
    %swap3A_298 = vector.shape_cast %swap3A_297 : vector<2x16xbf16> to vector<2x16xbf16>
    %swap3A_299 = vector.shape_cast %broadcast_in_dim3A_294 : vector<2x16xbf16> to vector<2x16xbf16>
    tpu.vector_store %arg11[%swap3A_295, %swap3A_296], %swap3A_299 {strides = array<i32>} : memref<160x16xbf16, #tpu.memory_space<vmem>>, vector<2x16xbf16>,
    %broadcast_in_dim3A_300 = arith.constant 0.000000e+00 : bf16
    %broadcast_in_dim3A_301 = vector.broadcast %broadcast_in_dim3A_300 : bf16 to vector<2x16xbf16>
    %swap3A_302 = arith.constant 86 : index
    %swap3A_303 = arith.constant 0 : index
    %swap3A_304 = tpu.vector_load %arg11[%swap3A_302, %swap3A_303] {strides = array<i32>} : memref<160x16xbf16, #tpu.memory_space<vmem>>, vector<2x16xbf16>,
    %swap3A_305 = vector.shape_cast %swap3A_304 : vector<2x16xbf16> to vector<2x16xbf16>
    %swap3A_306 = vector.shape_cast %broadcast_in_dim3A_301 : vector<2x16xbf16> to vector<2x16xbf16>
    tpu.vector_store %arg11[%swap3A_302, %swap3A_303], %swap3A_306 {strides = array<i32>} : memref<160x16xbf16, #tpu.memory_space<vmem>>, vector<2x16xbf16>,
    %broadcast_in_dim3A_307 = arith.constant 0.000000e+00 : bf16
    %broadcast_in_dim3A_308 = vector.broadcast %broadcast_in_dim3A_307 : bf16 to vector<2x16xbf16>
    %swap3A_309 = arith.constant 88 : index
    %swap3A_310 = arith.constant 0 : index
    %swap3A_311 = tpu.vector_load %arg11[%swap3A_309, %swap3A_310] {strides = array<i32>} : memref<160x16xbf16, #tpu.memory_space<vmem>>, vector<2x16xbf16>,
    %swap3A_312 = vector.shape_cast %swap3A_311 : vector<2x16xbf16> to vector<2x16xbf16>
    %swap3A_313 = vector.shape_cast %broadcast_in_dim3A_308 : vector<2x16xbf16> to vector<2x16xbf16>
    tpu.vector_store %arg11[%swap3A_309, %swap3A_310], %swap3A_313 {strides = array<i32>} : memref<160x16xbf16, #tpu.memory_space<vmem>>, vector<2x16xbf16>,
    %broadcast_in_dim3A_314 = arith.constant 0.000000e+00 : bf16
    %broadcast_in_dim3A_315 = vector.broadcast %broadcast_in_dim3A_314 : bf16 to vector<2x16xbf16>
    %swap3A_316 = arith.constant 90 : index
    %swap3A_317 = arith.constant 0 : index
    %swap3A_318 = tpu.vector_load %arg11[%swap3A_316, %swap3A_317] {strides = array<i32>} : memref<160x16xbf16, #tpu.memory_space<vmem>>, vector<2x16xbf16>,
    %swap3A_319 = vector.shape_cast %swap3A_318 : vector<2x16xbf16> to vector<2x16xbf16>
    %swap3A_320 = vector.shape_cast %broadcast_in_dim3A_315 : vector<2x16xbf16> to vector<2x16xbf16>
    tpu.vector_store %arg11[%swap3A_316, %swap3A_317], %swap3A_320 {strides = array<i32>} : memref<160x16xbf16, #tpu.memory_space<vmem>>, vector<2x16xbf16>,
    %broadcast_in_dim3A_321 = arith.constant 0.000000e+00 : bf16
    %broadcast_in_dim3A_322 = vector.broadcast %broadcast_in_dim3A_321 : bf16 to vector<2x16xbf16>
    %swap3A_323 = arith.constant 92 : index
    %swap3A_324 = arith.constant 0 : index
    %swap3A_325 = tpu.vector_load %arg11[%swap3A_323, %swap3A_324] {strides = array<i32>} : memref<160x16xbf16, #tpu.memory_space<vmem>>, vector<2x16xbf16>,
    %swap3A_326 = vector.shape_cast %swap3A_325 : vector<2x16xbf16> to vector<2x16xbf16>
    %swap3A_327 = vector.shape_cast %broadcast_in_dim3A_322 : vector<2x16xbf16> to vector<2x16xbf16>
    tpu.vector_store %arg11[%swap3A_323, %swap3A_324], %swap3A_327 {strides = array<i32>} : memref<160x16xbf16, #tpu.memory_space<vmem>>, vector<2x16xbf16>,
    %broadcast_in_dim3A_328 = arith.constant 0.000000e+00 : bf16
    %broadcast_in_dim3A_329 = vector.broadcast %broadcast_in_dim3A_328 : bf16 to vector<2x16xbf16>
    %swap3A_330 = arith.constant 94 : index
    %swap3A_331 = arith.constant 0 : index
    %swap3A_332 = tpu.vector_load %arg11[%swap3A_330, %swap3A_331] {strides = array<i32>} : memref<160x16xbf16, #tpu.memory_space<vmem>>, vector<2x16xbf16>,
    %swap3A_333 = vector.shape_cast %swap3A_332 : vector<2x16xbf16> to vector<2x16xbf16>
    %swap3A_334 = vector.shape_cast %broadcast_in_dim3A_329 : vector<2x16xbf16> to vector<2x16xbf16>
    tpu.vector_store %arg11[%swap3A_330, %swap3A_331], %swap3A_334 {strides = array<i32>} : memref<160x16xbf16, #tpu.memory_space<vmem>>, vector<2x16xbf16>,
    %broadcast_in_dim3A_335 = arith.constant 0.000000e+00 : bf16
    %broadcast_in_dim3A_336 = vector.broadcast %broadcast_in_dim3A_335 : bf16 to vector<2x16xbf16>
    %swap3A_337 = arith.constant 96 : index
    %swap3A_338 = arith.constant 0 : index
    %swap3A_339 = tpu.vector_load %arg11[%swap3A_337, %swap3A_338] {strides = array<i32>} : memref<160x16xbf16, #tpu.memory_space<vmem>>, vector<2x16xbf16>,
    %swap3A_340 = vector.shape_cast %swap3A_339 : vector<2x16xbf16> to vector<2x16xbf16>
    %swap3A_341 = vector.shape_cast %broadcast_in_dim3A_336 : vector<2x16xbf16> to vector<2x16xbf16>
    tpu.vector_store %arg11[%swap3A_337, %swap3A_338], %swap3A_341 {strides = array<i32>} : memref<160x16xbf16, #tpu.memory_space<vmem>>, vector<2x16xbf16>,
    %broadcast_in_dim3A_342 = arith.constant 0.000000e+00 : bf16
    %broadcast_in_dim3A_343 = vector.broadcast %broadcast_in_dim3A_342 : bf16 to vector<2x16xbf16>
    %swap3A_344 = arith.constant 98 : index
    %swap3A_345 = arith.constant 0 : index
    %swap3A_346 = tpu.vector_load %arg11[%swap3A_344, %swap3A_345] {strides = array<i32>} : memref<160x16xbf16, #tpu.memory_space<vmem>>, vector<2x16xbf16>,
    %swap3A_347 = vector.shape_cast %swap3A_346 : vector<2x16xbf16> to vector<2x16xbf16>
    %swap3A_348 = vector.shape_cast %broadcast_in_dim3A_343 : vector<2x16xbf16> to vector<2x16xbf16>
    tpu.vector_store %arg11[%swap3A_344, %swap3A_345], %swap3A_348 {strides = array<i32>} : memref<160x16xbf16, #tpu.memory_space<vmem>>, vector<2x16xbf16>,
    %broadcast_in_dim3A_349 = arith.constant 0.000000e+00 : bf16
    %broadcast_in_dim3A_350 = vector.broadcast %broadcast_in_dim3A_349 : bf16 to vector<2x16xbf16>
    %swap3A_351 = arith.constant 100 : index
    %swap3A_352 = arith.constant 0 : index
    %swap3A_353 = tpu.vector_load %arg11[%swap3A_351, %swap3A_352] {strides = array<i32>} : memref<160x16xbf16, #tpu.memory_space<vmem>>, vector<2x16xbf16>,
    %swap3A_354 = vector.shape_cast %swap3A_353 : vector<2x16xbf16> to vector<2x16xbf16>
    %swap3A_355 = vector.shape_cast %broadcast_in_dim3A_350 : vector<2x16xbf16> to vector<2x16xbf16>
    tpu.vector_store %arg11[%swap3A_351, %swap3A_352], %swap3A_355 {strides = array<i32>} : memref<160x16xbf16, #tpu.memory_space<vmem>>, vector<2x16xbf16>,
    %broadcast_in_dim3A_356 = arith.constant 0.000000e+00 : bf16
    %broadcast_in_dim3A_357 = vector.broadcast %broadcast_in_dim3A_356 : bf16 to vector<2x16xbf16>
    %swap3A_358 = arith.constant 102 : index
    %swap3A_359 = arith.constant 0 : index
    %swap3A_360 = tpu.vector_load %arg11[%swap3A_358, %swap3A_359] {strides = array<i32>} : memref<160x16xbf16, #tpu.memory_space<vmem>>, vector<2x16xbf16>,
    %swap3A_361 = vector.shape_cast %swap3A_360 : vector<2x16xbf16> to vector<2x16xbf16>
    %swap3A_362 = vector.shape_cast %broadcast_in_dim3A_357 : vector<2x16xbf16> to vector<2x16xbf16>
    tpu.vector_store %arg11[%swap3A_358, %swap3A_359], %swap3A_362 {strides = array<i32>} : memref<160x16xbf16, #tpu.memory_space<vmem>>, vector<2x16xbf16>,
    %broadcast_in_dim3A_363 = arith.constant 0.000000e+00 : bf16
    %broadcast_in_dim3A_364 = vector.broadcast %broadcast_in_dim3A_363 : bf16 to vector<2x16xbf16>
    %swap3A_365 = arith.constant 104 : index
    %swap3A_366 = arith.constant 0 : index
    %swap3A_367 = tpu.vector_load %arg11[%swap3A_365, %swap3A_366] {strides = array<i32>} : memref<160x16xbf16, #tpu.memory_space<vmem>>, vector<2x16xbf16>,
    %swap3A_368 = vector.shape_cast %swap3A_367 : vector<2x16xbf16> to vector<2x16xbf16>
    %swap3A_369 = vector.shape_cast %broadcast_in_dim3A_364 : vector<2x16xbf16> to vector<2x16xbf16>
    tpu.vector_store %arg11[%swap3A_365, %swap3A_366], %swap3A_369 {strides = array<i32>} : memref<160x16xbf16, #tpu.memory_space<vmem>>, vector<2x16xbf16>,
    %broadcast_in_dim3A_370 = arith.constant 0.000000e+00 : bf16
    %broadcast_in_dim3A_371 = vector.broadcast %broadcast_in_dim3A_370 : bf16 to vector<2x16xbf16>
    %swap3A_372 = arith.constant 106 : index
    %swap3A_373 = arith.constant 0 : index
    %swap3A_374 = tpu.vector_load %arg11[%swap3A_372, %swap3A_373] {strides = array<i32>} : memref<160x16xbf16, #tpu.memory_space<vmem>>, vector<2x16xbf16>,
    %swap3A_375 = vector.shape_cast %swap3A_374 : vector<2x16xbf16> to vector<2x16xbf16>
    %swap3A_376 = vector.shape_cast %broadcast_in_dim3A_371 : vector<2x16xbf16> to vector<2x16xbf16>
    tpu.vector_store %arg11[%swap3A_372, %swap3A_373], %swap3A_376 {strides = array<i32>} : memref<160x16xbf16, #tpu.memory_space<vmem>>, vector<2x16xbf16>,
    %broadcast_in_dim3A_377 = arith.constant 0.000000e+00 : bf16
    %broadcast_in_dim3A_378 = vector.broadcast %broadcast_in_dim3A_377 : bf16 to vector<2x16xbf16>
    %swap3A_379 = arith.constant 108 : index
    %swap3A_380 = arith.constant 0 : index
    %swap3A_381 = tpu.vector_load %arg11[%swap3A_379, %swap3A_380] {strides = array<i32>} : memref<160x16xbf16, #tpu.memory_space<vmem>>, vector<2x16xbf16>,
    %swap3A_382 = vector.shape_cast %swap3A_381 : vector<2x16xbf16> to vector<2x16xbf16>
    %swap3A_383 = vector.shape_cast %broadcast_in_dim3A_378 : vector<2x16xbf16> to vector<2x16xbf16>
    tpu.vector_store %arg11[%swap3A_379, %swap3A_380], %swap3A_383 {strides = array<i32>} : memref<160x16xbf16, #tpu.memory_space<vmem>>, vector<2x16xbf16>,
    %broadcast_in_dim3A_384 = arith.constant 0.000000e+00 : bf16
    %broadcast_in_dim3A_385 = vector.broadcast %broadcast_in_dim3A_384 : bf16 to vector<2x16xbf16>
    %swap3A_386 = arith.constant 110 : index
    %swap3A_387 = arith.constant 0 : index
    %swap3A_388 = tpu.vector_load %arg11[%swap3A_386, %swap3A_387] {strides = array<i32>} : memref<160x16xbf16, #tpu.memory_space<vmem>>, vector<2x16xbf16>,
    %swap3A_389 = vector.shape_cast %swap3A_388 : vector<2x16xbf16> to vector<2x16xbf16>
    %swap3A_390 = vector.shape_cast %broadcast_in_dim3A_385 : vector<2x16xbf16> to vector<2x16xbf16>
    tpu.vector_store %arg11[%swap3A_386, %swap3A_387], %swap3A_390 {strides = array<i32>} : memref<160x16xbf16, #tpu.memory_space<vmem>>, vector<2x16xbf16>,
    %broadcast_in_dim3A_391 = arith.constant 0.000000e+00 : bf16
    %broadcast_in_dim3A_392 = vector.broadcast %broadcast_in_dim3A_391 : bf16 to vector<2x16xbf16>
    %swap3A_393 = arith.constant 112 : index
    %swap3A_394 = arith.constant 0 : index
    %swap3A_395 = tpu.vector_load %arg11[%swap3A_393, %swap3A_394] {strides = array<i32>} : memref<160x16xbf16, #tpu.memory_space<vmem>>, vector<2x16xbf16>,
    %swap3A_396 = vector.shape_cast %swap3A_395 : vector<2x16xbf16> to vector<2x16xbf16>
    %swap3A_397 = vector.shape_cast %broadcast_in_dim3A_392 : vector<2x16xbf16> to vector<2x16xbf16>
    tpu.vector_store %arg11[%swap3A_393, %swap3A_394], %swap3A_397 {strides = array<i32>} : memref<160x16xbf16, #tpu.memory_space<vmem>>, vector<2x16xbf16>,
    %broadcast_in_dim3A_398 = arith.constant 0.000000e+00 : bf16
    %broadcast_in_dim3A_399 = vector.broadcast %broadcast_in_dim3A_398 : bf16 to vector<2x16xbf16>
    %swap3A_400 = arith.constant 114 : index
    %swap3A_401 = arith.constant 0 : index
    %swap3A_402 = tpu.vector_load %arg11[%swap3A_400, %swap3A_401] {strides = array<i32>} : memref<160x16xbf16, #tpu.memory_space<vmem>>, vector<2x16xbf16>,
    %swap3A_403 = vector.shape_cast %swap3A_402 : vector<2x16xbf16> to vector<2x16xbf16>
    %swap3A_404 = vector.shape_cast %broadcast_in_dim3A_399 : vector<2x16xbf16> to vector<2x16xbf16>
    tpu.vector_store %arg11[%swap3A_400, %swap3A_401], %swap3A_404 {strides = array<i32>} : memref<160x16xbf16, #tpu.memory_space<vmem>>, vector<2x16xbf16>,
    %broadcast_in_dim3A_405 = arith.constant 0.000000e+00 : bf16
    %broadcast_in_dim3A_406 = vector.broadcast %broadcast_in_dim3A_405 : bf16 to vector<2x16xbf16>
    %swap3A_407 = arith.constant 116 : index
    %swap3A_408 = arith.constant 0 : index
    %swap3A_409 = tpu.vector_load %arg11[%swap3A_407, %swap3A_408] {strides = array<i32>} : memref<160x16xbf16, #tpu.memory_space<vmem>>, vector<2x16xbf16>,
    %swap3A_410 = vector.shape_cast %swap3A_409 : vector<2x16xbf16> to vector<2x16xbf16>
    %swap3A_411 = vector.shape_cast %broadcast_in_dim3A_406 : vector<2x16xbf16> to vector<2x16xbf16>
    tpu.vector_store %arg11[%swap3A_407, %swap3A_408], %swap3A_411 {strides = array<i32>} : memref<160x16xbf16, #tpu.memory_space<vmem>>, vector<2x16xbf16>,
    %broadcast_in_dim3A_412 = arith.constant 0.000000e+00 : bf16
    %broadcast_in_dim3A_413 = vector.broadcast %broadcast_in_dim3A_412 : bf16 to vector<2x16xbf16>
    %swap3A_414 = arith.constant 118 : index
    %swap3A_415 = arith.constant 0 : index
    %swap3A_416 = tpu.vector_load %arg11[%swap3A_414, %swap3A_415] {strides = array<i32>} : memref<160x16xbf16, #tpu.memory_space<vmem>>, vector<2x16xbf16>,
    %swap3A_417 = vector.shape_cast %swap3A_416 : vector<2x16xbf16> to vector<2x16xbf16>
    %swap3A_418 = vector.shape_cast %broadcast_in_dim3A_413 : vector<2x16xbf16> to vector<2x16xbf16>
    tpu.vector_store %arg11[%swap3A_414, %swap3A_415], %swap3A_418 {strides = array<i32>} : memref<160x16xbf16, #tpu.memory_space<vmem>>, vector<2x16xbf16>,
    %broadcast_in_dim3A_419 = arith.constant 0.000000e+00 : bf16
    %broadcast_in_dim3A_420 = vector.broadcast %broadcast_in_dim3A_419 : bf16 to vector<2x16xbf16>
    %swap3A_421 = arith.constant 120 : index
    %swap3A_422 = arith.constant 0 : index
    %swap3A_423 = tpu.vector_load %arg11[%swap3A_421, %swap3A_422] {strides = array<i32>} : memref<160x16xbf16, #tpu.memory_space<vmem>>, vector<2x16xbf16>,
    %swap3A_424 = vector.shape_cast %swap3A_423 : vector<2x16xbf16> to vector<2x16xbf16>
    %swap3A_425 = vector.shape_cast %broadcast_in_dim3A_420 : vector<2x16xbf16> to vector<2x16xbf16>
    tpu.vector_store %arg11[%swap3A_421, %swap3A_422], %swap3A_425 {strides = array<i32>} : memref<160x16xbf16, #tpu.memory_space<vmem>>, vector<2x16xbf16>,
    %broadcast_in_dim3A_426 = arith.constant 0.000000e+00 : bf16
    %broadcast_in_dim3A_427 = vector.broadcast %broadcast_in_dim3A_426 : bf16 to vector<2x16xbf16>
    %swap3A_428 = arith.constant 122 : index
    %swap3A_429 = arith.constant 0 : index
    %swap3A_430 = tpu.vector_load %arg11[%swap3A_428, %swap3A_429] {strides = array<i32>} : memref<160x16xbf16, #tpu.memory_space<vmem>>, vector<2x16xbf16>,
    %swap3A_431 = vector.shape_cast %swap3A_430 : vector<2x16xbf16> to vector<2x16xbf16>
    %swap3A_432 = vector.shape_cast %broadcast_in_dim3A_427 : vector<2x16xbf16> to vector<2x16xbf16>
    tpu.vector_store %arg11[%swap3A_428, %swap3A_429], %swap3A_432 {strides = array<i32>} : memref<160x16xbf16, #tpu.memory_space<vmem>>, vector<2x16xbf16>,
    %broadcast_in_dim3A_433 = arith.constant 0.000000e+00 : bf16
    %broadcast_in_dim3A_434 = vector.broadcast %broadcast_in_dim3A_433 : bf16 to vector<2x16xbf16>
    %swap3A_435 = arith.constant 124 : index
    %swap3A_436 = arith.constant 0 : index
    %swap3A_437 = tpu.vector_load %arg11[%swap3A_435, %swap3A_436] {strides = array<i32>} : memref<160x16xbf16, #tpu.memory_space<vmem>>, vector<2x16xbf16>,
    %swap3A_438 = vector.shape_cast %swap3A_437 : vector<2x16xbf16> to vector<2x16xbf16>
    %swap3A_439 = vector.shape_cast %broadcast_in_dim3A_434 : vector<2x16xbf16> to vector<2x16xbf16>
    tpu.vector_store %arg11[%swap3A_435, %swap3A_436], %swap3A_439 {strides = array<i32>} : memref<160x16xbf16, #tpu.memory_space<vmem>>, vector<2x16xbf16>,
    %broadcast_in_dim3A_440 = arith.constant 0.000000e+00 : bf16
    %broadcast_in_dim3A_441 = vector.broadcast %broadcast_in_dim3A_440 : bf16 to vector<2x16xbf16>
    %swap3A_442 = arith.constant 126 : index
    %swap3A_443 = arith.constant 0 : index
    %swap3A_444 = tpu.vector_load %arg11[%swap3A_442, %swap3A_443] {strides = array<i32>} : memref<160x16xbf16, #tpu.memory_space<vmem>>, vector<2x16xbf16>,
    %swap3A_445 = vector.shape_cast %swap3A_444 : vector<2x16xbf16> to vector<2x16xbf16>
    %swap3A_446 = vector.shape_cast %broadcast_in_dim3A_441 : vector<2x16xbf16> to vector<2x16xbf16>
    tpu.vector_store %arg11[%swap3A_442, %swap3A_443], %swap3A_446 {strides = array<i32>} : memref<160x16xbf16, #tpu.memory_space<vmem>>, vector<2x16xbf16>,
    %broadcast_in_dim3A_447 = arith.constant 0.000000e+00 : bf16
    %broadcast_in_dim3A_448 = vector.broadcast %broadcast_in_dim3A_447 : bf16 to vector<2x16xbf16>
    %swap3A_449 = arith.constant 128 : index
    %swap3A_450 = arith.constant 0 : index
    %swap3A_451 = tpu.vector_load %arg11[%swap3A_449, %swap3A_450] {strides = array<i32>} : memref<160x16xbf16, #tpu.memory_space<vmem>>, vector<2x16xbf16>,
    %swap3A_452 = vector.shape_cast %swap3A_451 : vector<2x16xbf16> to vector<2x16xbf16>
    %swap3A_453 = vector.shape_cast %broadcast_in_dim3A_448 : vector<2x16xbf16> to vector<2x16xbf16>
    tpu.vector_store %arg11[%swap3A_449, %swap3A_450], %swap3A_453 {strides = array<i32>} : memref<160x16xbf16, #tpu.memory_space<vmem>>, vector<2x16xbf16>,
    %broadcast_in_dim3A_454 = arith.constant 0.000000e+00 : bf16
    %broadcast_in_dim3A_455 = vector.broadcast %broadcast_in_dim3A_454 : bf16 to vector<2x16xbf16>
    %swap3A_456 = arith.constant 130 : index
    %swap3A_457 = arith.constant 0 : index
    %swap3A_458 = tpu.vector_load %arg11[%swap3A_456, %swap3A_457] {strides = array<i32>} : memref<160x16xbf16, #tpu.memory_space<vmem>>, vector<2x16xbf16>,
    %swap3A_459 = vector.shape_cast %swap3A_458 : vector<2x16xbf16> to vector<2x16xbf16>
    %swap3A_460 = vector.shape_cast %broadcast_in_dim3A_455 : vector<2x16xbf16> to vector<2x16xbf16>
    tpu.vector_store %arg11[%swap3A_456, %swap3A_457], %swap3A_460 {strides = array<i32>} : memref<160x16xbf16, #tpu.memory_space<vmem>>, vector<2x16xbf16>,
    %broadcast_in_dim3A_461 = arith.constant 0.000000e+00 : bf16
    %broadcast_in_dim3A_462 = vector.broadcast %broadcast_in_dim3A_461 : bf16 to vector<2x16xbf16>
    %swap3A_463 = arith.constant 132 : index
    %swap3A_464 = arith.constant 0 : index
    %swap3A_465 = tpu.vector_load %arg11[%swap3A_463, %swap3A_464] {strides = array<i32>} : memref<160x16xbf16, #tpu.memory_space<vmem>>, vector<2x16xbf16>,
    %swap3A_466 = vector.shape_cast %swap3A_465 : vector<2x16xbf16> to vector<2x16xbf16>
    %swap3A_467 = vector.shape_cast %broadcast_in_dim3A_462 : vector<2x16xbf16> to vector<2x16xbf16>
    tpu.vector_store %arg11[%swap3A_463, %swap3A_464], %swap3A_467 {strides = array<i32>} : memref<160x16xbf16, #tpu.memory_space<vmem>>, vector<2x16xbf16>,
    %broadcast_in_dim3A_468 = arith.constant 0.000000e+00 : bf16
    %broadcast_in_dim3A_469 = vector.broadcast %broadcast_in_dim3A_468 : bf16 to vector<2x16xbf16>
    %swap3A_470 = arith.constant 134 : index
    %swap3A_471 = arith.constant 0 : index
    %swap3A_472 = tpu.vector_load %arg11[%swap3A_470, %swap3A_471] {strides = array<i32>} : memref<160x16xbf16, #tpu.memory_space<vmem>>, vector<2x16xbf16>,
    %swap3A_473 = vector.shape_cast %swap3A_472 : vector<2x16xbf16> to vector<2x16xbf16>
    %swap3A_474 = vector.shape_cast %broadcast_in_dim3A_469 : vector<2x16xbf16> to vector<2x16xbf16>
    tpu.vector_store %arg11[%swap3A_470, %swap3A_471], %swap3A_474 {strides = array<i32>} : memref<160x16xbf16, #tpu.memory_space<vmem>>, vector<2x16xbf16>,
    %broadcast_in_dim3A_475 = arith.constant 0.000000e+00 : bf16
    %broadcast_in_dim3A_476 = vector.broadcast %broadcast_in_dim3A_475 : bf16 to vector<2x16xbf16>
    %swap3A_477 = arith.constant 136 : index
    %swap3A_478 = arith.constant 0 : index
    %swap3A_479 = tpu.vector_load %arg11[%swap3A_477, %swap3A_478] {strides = array<i32>} : memref<160x16xbf16, #tpu.memory_space<vmem>>, vector<2x16xbf16>,
    %swap3A_480 = vector.shape_cast %swap3A_479 : vector<2x16xbf16> to vector<2x16xbf16>
    %swap3A_481 = vector.shape_cast %broadcast_in_dim3A_476 : vector<2x16xbf16> to vector<2x16xbf16>
    tpu.vector_store %arg11[%swap3A_477, %swap3A_478], %swap3A_481 {strides = array<i32>} : memref<160x16xbf16, #tpu.memory_space<vmem>>, vector<2x16xbf16>,
    %broadcast_in_dim3A_482 = arith.constant 0.000000e+00 : bf16
    %broadcast_in_dim3A_483 = vector.broadcast %broadcast_in_dim3A_482 : bf16 to vector<2x16xbf16>
    %swap3A_484 = arith.constant 138 : index
    %swap3A_485 = arith.constant 0 : index
    %swap3A_486 = tpu.vector_load %arg11[%swap3A_484, %swap3A_485] {strides = array<i32>} : memref<160x16xbf16, #tpu.memory_space<vmem>>, vector<2x16xbf16>,
    %swap3A_487 = vector.shape_cast %swap3A_486 : vector<2x16xbf16> to vector<2x16xbf16>
    %swap3A_488 = vector.shape_cast %broadcast_in_dim3A_483 : vector<2x16xbf16> to vector<2x16xbf16>
    tpu.vector_store %arg11[%swap3A_484, %swap3A_485], %swap3A_488 {strides = array<i32>} : memref<160x16xbf16, #tpu.memory_space<vmem>>, vector<2x16xbf16>,
    %broadcast_in_dim3A_489 = arith.constant 0.000000e+00 : bf16
    %broadcast_in_dim3A_490 = vector.broadcast %broadcast_in_dim3A_489 : bf16 to vector<2x16xbf16>
    %swap3A_491 = arith.constant 140 : index
    %swap3A_492 = arith.constant 0 : index
    %swap3A_493 = tpu.vector_load %arg11[%swap3A_491, %swap3A_492] {strides = array<i32>} : memref<160x16xbf16, #tpu.memory_space<vmem>>, vector<2x16xbf16>,
    %swap3A_494 = vector.shape_cast %swap3A_493 : vector<2x16xbf16> to vector<2x16xbf16>
    %swap3A_495 = vector.shape_cast %broadcast_in_dim3A_490 : vector<2x16xbf16> to vector<2x16xbf16>
    tpu.vector_store %arg11[%swap3A_491, %swap3A_492], %swap3A_495 {strides = array<i32>} : memref<160x16xbf16, #tpu.memory_space<vmem>>, vector<2x16xbf16>,
    %broadcast_in_dim3A_496 = arith.constant 0.000000e+00 : bf16
    %broadcast_in_dim3A_497 = vector.broadcast %broadcast_in_dim3A_496 : bf16 to vector<2x16xbf16>
    %swap3A_498 = arith.constant 142 : index
    %swap3A_499 = arith.constant 0 : index
    %swap3A_500 = tpu.vector_load %arg11[%swap3A_498, %swap3A_499] {strides = array<i32>} : memref<160x16xbf16, #tpu.memory_space<vmem>>, vector<2x16xbf16>,
    %swap3A_501 = vector.shape_cast %swap3A_500 : vector<2x16xbf16> to vector<2x16xbf16>
    %swap3A_502 = vector.shape_cast %broadcast_in_dim3A_497 : vector<2x16xbf16> to vector<2x16xbf16>
    tpu.vector_store %arg11[%swap3A_498, %swap3A_499], %swap3A_502 {strides = array<i32>} : memref<160x16xbf16, #tpu.memory_space<vmem>>, vector<2x16xbf16>,
    %broadcast_in_dim3A_503 = arith.constant 0.000000e+00 : bf16
    %broadcast_in_dim3A_504 = vector.broadcast %broadcast_in_dim3A_503 : bf16 to vector<2x16xbf16>
    %swap3A_505 = arith.constant 144 : index
    %swap3A_506 = arith.constant 0 : index
    %swap3A_507 = tpu.vector_load %arg11[%swap3A_505, %swap3A_506] {strides = array<i32>} : memref<160x16xbf16, #tpu.memory_space<vmem>>, vector<2x16xbf16>,
    %swap3A_508 = vector.shape_cast %swap3A_507 : vector<2x16xbf16> to vector<2x16xbf16>
    %swap3A_509 = vector.shape_cast %broadcast_in_dim3A_504 : vector<2x16xbf16> to vector<2x16xbf16>
    tpu.vector_store %arg11[%swap3A_505, %swap3A_506], %swap3A_509 {strides = array<i32>} : memref<160x16xbf16, #tpu.memory_space<vmem>>, vector<2x16xbf16>,
    %broadcast_in_dim3A_510 = arith.constant 0.000000e+00 : bf16
    %broadcast_in_dim3A_511 = vector.broadcast %broadcast_in_dim3A_510 : bf16 to vector<2x16xbf16>
    %swap3A_512 = arith.constant 146 : index
    %swap3A_513 = arith.constant 0 : index
    %swap3A_514 = tpu.vector_load %arg11[%swap3A_512, %swap3A_513] {strides = array<i32>} : memref<160x16xbf16, #tpu.memory_space<vmem>>, vector<2x16xbf16>,
    %swap3A_515 = vector.shape_cast %swap3A_514 : vector<2x16xbf16> to vector<2x16xbf16>
    %swap3A_516 = vector.shape_cast %broadcast_in_dim3A_511 : vector<2x16xbf16> to vector<2x16xbf16>
    tpu.vector_store %arg11[%swap3A_512, %swap3A_513], %swap3A_516 {strides = array<i32>} : memref<160x16xbf16, #tpu.memory_space<vmem>>, vector<2x16xbf16>,
    %broadcast_in_dim3A_517 = arith.constant 0.000000e+00 : bf16
    %broadcast_in_dim3A_518 = vector.broadcast %broadcast_in_dim3A_517 : bf16 to vector<2x16xbf16>
    %swap3A_519 = arith.constant 148 : index
    %swap3A_520 = arith.constant 0 : index
    %swap3A_521 = tpu.vector_load %arg11[%swap3A_519, %swap3A_520] {strides = array<i32>} : memref<160x16xbf16, #tpu.memory_space<vmem>>, vector<2x16xbf16>,
    %swap3A_522 = vector.shape_cast %swap3A_521 : vector<2x16xbf16> to vector<2x16xbf16>
    %swap3A_523 = vector.shape_cast %broadcast_in_dim3A_518 : vector<2x16xbf16> to vector<2x16xbf16>
    tpu.vector_store %arg11[%swap3A_519, %swap3A_520], %swap3A_523 {strides = array<i32>} : memref<160x16xbf16, #tpu.memory_space<vmem>>, vector<2x16xbf16>,
    %broadcast_in_dim3A_524 = arith.constant 0.000000e+00 : bf16
    %broadcast_in_dim3A_525 = vector.broadcast %broadcast_in_dim3A_524 : bf16 to vector<2x16xbf16>
    %swap3A_526 = arith.constant 150 : index
    %swap3A_527 = arith.constant 0 : index
    %swap3A_528 = tpu.vector_load %arg11[%swap3A_526, %swap3A_527] {strides = array<i32>} : memref<160x16xbf16, #tpu.memory_space<vmem>>, vector<2x16xbf16>,
    %swap3A_529 = vector.shape_cast %swap3A_528 : vector<2x16xbf16> to vector<2x16xbf16>
    %swap3A_530 = vector.shape_cast %broadcast_in_dim3A_525 : vector<2x16xbf16> to vector<2x16xbf16>
    tpu.vector_store %arg11[%swap3A_526, %swap3A_527], %swap3A_530 {strides = array<i32>} : memref<160x16xbf16, #tpu.memory_space<vmem>>, vector<2x16xbf16>,
    %broadcast_in_dim3A_531 = arith.constant 0.000000e+00 : bf16
    %broadcast_in_dim3A_532 = vector.broadcast %broadcast_in_dim3A_531 : bf16 to vector<2x16xbf16>
    %swap3A_533 = arith.constant 152 : index
    %swap3A_534 = arith.constant 0 : index
    %swap3A_535 = tpu.vector_load %arg11[%swap3A_533, %swap3A_534] {strides = array<i32>} : memref<160x16xbf16, #tpu.memory_space<vmem>>, vector<2x16xbf16>,
    %swap3A_536 = vector.shape_cast %swap3A_535 : vector<2x16xbf16> to vector<2x16xbf16>
    %swap3A_537 = vector.shape_cast %broadcast_in_dim3A_532 : vector<2x16xbf16> to vector<2x16xbf16>
    tpu.vector_store %arg11[%swap3A_533, %swap3A_534], %swap3A_537 {strides = array<i32>} : memref<160x16xbf16, #tpu.memory_space<vmem>>, vector<2x16xbf16>,
    %broadcast_in_dim3A_538 = arith.constant 0.000000e+00 : bf16
    %broadcast_in_dim3A_539 = vector.broadcast %broadcast_in_dim3A_538 : bf16 to vector<2x16xbf16>
    %swap3A_540 = arith.constant 154 : index
    %swap3A_541 = arith.constant 0 : index
    %swap3A_542 = tpu.vector_load %arg11[%swap3A_540, %swap3A_541] {strides = array<i32>} : memref<160x16xbf16, #tpu.memory_space<vmem>>, vector<2x16xbf16>,
    %swap3A_543 = vector.shape_cast %swap3A_542 : vector<2x16xbf16> to vector<2x16xbf16>
    %swap3A_544 = vector.shape_cast %broadcast_in_dim3A_539 : vector<2x16xbf16> to vector<2x16xbf16>
    tpu.vector_store %arg11[%swap3A_540, %swap3A_541], %swap3A_544 {strides = array<i32>} : memref<160x16xbf16, #tpu.memory_space<vmem>>, vector<2x16xbf16>,
    %broadcast_in_dim3A_545 = arith.constant 0.000000e+00 : bf16
    %broadcast_in_dim3A_546 = vector.broadcast %broadcast_in_dim3A_545 : bf16 to vector<2x16xbf16>
    %swap3A_547 = arith.constant 156 : index
    %swap3A_548 = arith.constant 0 : index
    %swap3A_549 = tpu.vector_load %arg11[%swap3A_547, %swap3A_548] {strides = array<i32>} : memref<160x16xbf16, #tpu.memory_space<vmem>>, vector<2x16xbf16>,
    %swap3A_550 = vector.shape_cast %swap3A_549 : vector<2x16xbf16> to vector<2x16xbf16>
    %swap3A_551 = vector.shape_cast %broadcast_in_dim3A_546 : vector<2x16xbf16> to vector<2x16xbf16>
    tpu.vector_store %arg11[%swap3A_547, %swap3A_548], %swap3A_551 {strides = array<i32>} : memref<160x16xbf16, #tpu.memory_space<vmem>>, vector<2x16xbf16>,
    %broadcast_in_dim3A_552 = arith.constant 0.000000e+00 : bf16
    %broadcast_in_dim3A_553 = vector.broadcast %broadcast_in_dim3A_552 : bf16 to vector<2x16xbf16>
    %swap3A_554 = arith.constant 158 : index
    %swap3A_555 = arith.constant 0 : index
    %swap3A_556 = tpu.vector_load %arg11[%swap3A_554, %swap3A_555] {strides = array<i32>} : memref<160x16xbf16, #tpu.memory_space<vmem>>, vector<2x16xbf16>,
    %swap3A_557 = vector.shape_cast %swap3A_556 : vector<2x16xbf16> to vector<2x16xbf16>
    %swap3A_558 = vector.shape_cast %broadcast_in_dim3A_553 : vector<2x16xbf16> to vector<2x16xbf16>
    tpu.vector_store %arg11[%swap3A_554, %swap3A_555], %swap3A_558 {strides = array<i32>} : memref<160x16xbf16, #tpu.memory_space<vmem>>, vector<2x16xbf16>,
    %mul3A_559 = arith.constant 640 : i32
    %mul3A_560 = arith.muli %arg1, %mul3A_559 : i32
    %add3A_561 = arith.constant 0 : i32
    %add3A_562 = arith.addi %mul3A_560, %add3A_561 : i32
    "tpu.region"() ({
      %run_scoped3A = tpu.sem_alloc : memref<!tpu.dma_semaphore, #tpu.memory_space<semaphore_mem>>
      %dma_start3A_656 = arith.constant 0 : i32
      %dma_start3A_657 = tpu.memref_slice %arg12[%add3A_562, %dma_start3A_656] : memref<10240x16xbf16, #tpu.memory_space<vmem_shared>> -> memref<160x16xbf16, #tpu.memory_space<vmem_shared>>
      %dma_start3A_658 = arith.constant 0 : i32
      %dma_start3A_659 = tpu.memref_slice %arg12[%add3A_562, %dma_start3A_658] : memref<10240x16xbf16, #tpu.memory_space<vmem_shared>> -> memref<160x16xbf16, #tpu.memory_space<vmem_shared>>
      tpu.enqueue_dma source(%arg11 : memref<160x16xbf16, #tpu.memory_space<vmem>>) target(%dma_start3A_659 : memref<160x16xbf16, #tpu.memory_space<vmem_shared>>) target_semaphore(%run_scoped3A : memref<!tpu.dma_semaphore, #tpu.memory_space<semaphore_mem>>)
      %dma_wait3A_660 = arith.constant 0 : i32
      %dma_wait3A_661 = tpu.memref_slice %arg12[%add3A_562, %dma_wait3A_660] : memref<10240x16xbf16, #tpu.memory_space<vmem_shared>> -> memref<160x16xbf16, #tpu.memory_space<vmem_shared>>
      %dma_wait3A_662 = arith.constant 0 : i32
      %dma_wait3A_663 = tpu.memref_slice %arg12[%add3A_562, %dma_wait3A_662] : memref<10240x16xbf16, #tpu.memory_space<vmem_shared>> -> memref<160x16xbf16, #tpu.memory_space<vmem_shared>>
      tpu.wait_dma2 semaphore(%run_scoped3A : memref<!tpu.dma_semaphore, #tpu.memory_space<semaphore_mem>>) src(%arg11 : memref<160x16xbf16, #tpu.memory_space<vmem>>) dst(%dma_wait3A_663 : memref<160x16xbf16, #tpu.memory_space<vmem_shared>>)
      tpu.yield
    }) : () -> ()
    %mul3A_563 = arith.constant 640 : i32
    %mul3A_564 = arith.muli %arg1, %mul3A_563 : i32
    %add3A_565 = arith.constant 160 : i32
    %add3A_566 = arith.addi %mul3A_564, %add3A_565 : i32
    "tpu.region"() ({
      %run_scoped3A = tpu.sem_alloc : memref<!tpu.dma_semaphore, #tpu.memory_space<semaphore_mem>>
      %dma_start3A_656 = arith.constant 0 : i32
      %dma_start3A_657 = tpu.memref_slice %arg12[%add3A_566, %dma_start3A_656] : memref<10240x16xbf16, #tpu.memory_space<vmem_shared>> -> memref<160x16xbf16, #tpu.memory_space<vmem_shared>>
      %dma_start3A_658 = arith.constant 0 : i32
      %dma_start3A_659 = tpu.memref_slice %arg12[%add3A_566, %dma_start3A_658] : memref<10240x16xbf16, #tpu.memory_space<vmem_shared>> -> memref<160x16xbf16, #tpu.memory_space<vmem_shared>>
      tpu.enqueue_dma source(%arg11 : memref<160x16xbf16, #tpu.memory_space<vmem>>) target(%dma_start3A_659 : memref<160x16xbf16, #tpu.memory_space<vmem_shared>>) target_semaphore(%run_scoped3A : memref<!tpu.dma_semaphore, #tpu.memory_space<semaphore_mem>>)
      %dma_wait3A_660 = arith.constant 0 : i32
      %dma_wait3A_661 = tpu.memref_slice %arg12[%add3A_566, %dma_wait3A_660] : memref<10240x16xbf16, #tpu.memory_space<vmem_shared>> -> memref<160x16xbf16, #tpu.memory_space<vmem_shared>>
      %dma_wait3A_662 = arith.constant 0 : i32
      %dma_wait3A_663 = tpu.memref_slice %arg12[%add3A_566, %dma_wait3A_662] : memref<10240x16xbf16, #tpu.memory_space<vmem_shared>> -> memref<160x16xbf16, #tpu.memory_space<vmem_shared>>
      tpu.wait_dma2 semaphore(%run_scoped3A : memref<!tpu.dma_semaphore, #tpu.memory_space<semaphore_mem>>) src(%arg11 : memref<160x16xbf16, #tpu.memory_space<vmem>>) dst(%dma_wait3A_663 : memref<160x16xbf16, #tpu.memory_space<vmem_shared>>)
      tpu.yield
    }) : () -> ()
    %mul3A_567 = arith.constant 640 : i32
    %mul3A_568 = arith.muli %arg1, %mul3A_567 : i32
    %add3A_569 = arith.constant 320 : i32
    %add3A_570 = arith.addi %mul3A_568, %add3A_569 : i32
    "tpu.region"() ({
      %run_scoped3A = tpu.sem_alloc : memref<!tpu.dma_semaphore, #tpu.memory_space<semaphore_mem>>
      %dma_start3A_656 = arith.constant 0 : i32
      %dma_start3A_657 = tpu.memref_slice %arg12[%add3A_570, %dma_start3A_656] : memref<10240x16xbf16, #tpu.memory_space<vmem_shared>> -> memref<160x16xbf16, #tpu.memory_space<vmem_shared>>
      %dma_start3A_658 = arith.constant 0 : i32
      %dma_start3A_659 = tpu.memref_slice %arg12[%add3A_570, %dma_start3A_658] : memref<10240x16xbf16, #tpu.memory_space<vmem_shared>> -> memref<160x16xbf16, #tpu.memory_space<vmem_shared>>
      tpu.enqueue_dma source(%arg11 : memref<160x16xbf16, #tpu.memory_space<vmem>>) target(%dma_start3A_659 : memref<160x16xbf16, #tpu.memory_space<vmem_shared>>) target_semaphore(%run_scoped3A : memref<!tpu.dma_semaphore, #tpu.memory_space<semaphore_mem>>)
      %dma_wait3A_660 = arith.constant 0 : i32
      %dma_wait3A_661 = tpu.memref_slice %arg12[%add3A_570, %dma_wait3A_660] : memref<10240x16xbf16, #tpu.memory_space<vmem_shared>> -> memref<160x16xbf16, #tpu.memory_space<vmem_shared>>
      %dma_wait3A_662 = arith.constant 0 : i32
      %dma_wait3A_663 = tpu.memref_slice %arg12[%add3A_570, %dma_wait3A_662] : memref<10240x16xbf16, #tpu.memory_space<vmem_shared>> -> memref<160x16xbf16, #tpu.memory_space<vmem_shared>>
      tpu.wait_dma2 semaphore(%run_scoped3A : memref<!tpu.dma_semaphore, #tpu.memory_space<semaphore_mem>>) src(%arg11 : memref<160x16xbf16, #tpu.memory_space<vmem>>) dst(%dma_wait3A_663 : memref<160x16xbf16, #tpu.memory_space<vmem_shared>>)
      tpu.yield
    }) : () -> ()
    %mul3A_571 = arith.constant 640 : i32
    %mul3A_572 = arith.muli %arg1, %mul3A_571 : i32
    %add3A_573 = arith.constant 480 : i32
    %add3A_574 = arith.addi %mul3A_572, %add3A_573 : i32
    "tpu.region"() ({
      %run_scoped3A = tpu.sem_alloc : memref<!tpu.dma_semaphore, #tpu.memory_space<semaphore_mem>>
      %dma_start3A_656 = arith.constant 0 : i32
      %dma_start3A_657 = tpu.memref_slice %arg12[%add3A_574, %dma_start3A_656] : memref<10240x16xbf16, #tpu.memory_space<vmem_shared>> -> memref<160x16xbf16, #tpu.memory_space<vmem_shared>>
      %dma_start3A_658 = arith.constant 0 : i32
      %dma_start3A_659 = tpu.memref_slice %arg12[%add3A_574, %dma_start3A_658] : memref<10240x16xbf16, #tpu.memory_space<vmem_shared>> -> memref<160x16xbf16, #tpu.memory_space<vmem_shared>>
      tpu.enqueue_dma source(%arg11 : memref<160x16xbf16, #tpu.memory_space<vmem>>) target(%dma_start3A_659 : memref<160x16xbf16, #tpu.memory_space<vmem_shared>>) target_semaphore(%run_scoped3A : memref<!tpu.dma_semaphore, #tpu.memory_space<semaphore_mem>>)
      %dma_wait3A_660 = arith.constant 0 : i32
      %dma_wait3A_661 = tpu.memref_slice %arg12[%add3A_574, %dma_wait3A_660] : memref<10240x16xbf16, #tpu.memory_space<vmem_shared>> -> memref<160x16xbf16, #tpu.memory_space<vmem_shared>>
      %dma_wait3A_662 = arith.constant 0 : i32
      %dma_wait3A_663 = tpu.memref_slice %arg12[%add3A_574, %dma_wait3A_662] : memref<10240x16xbf16, #tpu.memory_space<vmem_shared>> -> memref<160x16xbf16, #tpu.memory_space<vmem_shared>>
      tpu.wait_dma2 semaphore(%run_scoped3A : memref<!tpu.dma_semaphore, #tpu.memory_space<semaphore_mem>>) src(%arg11 : memref<160x16xbf16, #tpu.memory_space<vmem>>) dst(%dma_wait3A_663 : memref<160x16xbf16, #tpu.memory_space<vmem_shared>>)
      tpu.yield
    }) : () -> ()
    %mul3A_575 = arith.constant 78 : i32
    %mul3A_576 = arith.muli %add3A, %mul3A_575 : i32
    %mul3A_577 = arith.constant 128 : i32
    %mul3A_578 = arith.muli %mul3A_576, %mul3A_577 : i32
    "tpu.region"() ({
      %run_scoped3A = tpu.sem_alloc : memref<!tpu.dma_semaphore, #tpu.memory_space<semaphore_mem>>
      %dma_start3A_656 = arith.constant 0 : i32
      %dma_start3A_657 = tpu.memref_slice %arg6[%dma_start3A_656] : memref<10112xi32, #tpu.memory_space<vmem>> -> memref<9984xi32, #tpu.memory_space<vmem>>
      %dma_start3A_658 = tpu.memref_slice %arg3[%mul3A_578] : memref<320000xi32, #tpu.memory_space<hbm>> -> memref<9984xi32, #tpu.memory_space<hbm>>
      %dma_start3A_659 = arith.constant 0 : i32
      %dma_start3A_660 = tpu.memref_slice %arg6[%dma_start3A_659] : memref<10112xi32, #tpu.memory_space<vmem>> -> memref<9984xi32, #tpu.memory_space<vmem>>
      %dma_start3A_661 = tpu.memref_slice %arg3[%mul3A_578] : memref<320000xi32, #tpu.memory_space<hbm>> -> memref<9984xi32, #tpu.memory_space<hbm>>
      tpu.enqueue_dma source(%dma_start3A_661 : memref<9984xi32, #tpu.memory_space<hbm>>) target(%dma_start3A_660 : memref<9984xi32, #tpu.memory_space<vmem>>) target_semaphore(%run_scoped3A : memref<!tpu.dma_semaphore, #tpu.memory_space<semaphore_mem>>)
      %dma_wait3A_662 = arith.constant 0 : i32
      %dma_wait3A_663 = tpu.memref_slice %arg6[%dma_wait3A_662] : memref<10112xi32, #tpu.memory_space<vmem>> -> memref<9984xi32, #tpu.memory_space<vmem>>
      %dma_wait3A_664 = tpu.memref_slice %arg3[%mul3A_578] : memref<320000xi32, #tpu.memory_space<hbm>> -> memref<9984xi32, #tpu.memory_space<hbm>>
      %dma_wait3A_665 = arith.constant 0 : i32
      %dma_wait3A_666 = tpu.memref_slice %arg6[%dma_wait3A_665] : memref<10112xi32, #tpu.memory_space<vmem>> -> memref<9984xi32, #tpu.memory_space<vmem>>
      %dma_wait3A_667 = tpu.memref_slice %arg3[%mul3A_578] : memref<320000xi32, #tpu.memory_space<hbm>> -> memref<9984xi32, #tpu.memory_space<hbm>>
      tpu.wait_dma2 semaphore(%run_scoped3A : memref<!tpu.dma_semaphore, #tpu.memory_space<semaphore_mem>>) src(%dma_wait3A_667 : memref<9984xi32, #tpu.memory_space<hbm>>) dst(%dma_wait3A_666 : memref<9984xi32, #tpu.memory_space<vmem>>)
      tpu.yield
    }) : () -> ()
    %mul3A_579 = arith.constant 78 : i32
    %mul3A_580 = arith.muli %add3A, %mul3A_579 : i32
    "tpu.region"() ({
      %run_scoped3A = tpu.sem_alloc : memref<!tpu.dma_semaphore, #tpu.memory_space<semaphore_mem>>
      %dma_start3A_656 = arith.constant 0 : i32
      %dma_start3A_657 = arith.constant 0 : i32
      %dma_start3A_658 = tpu.memref_slice %arg7[%dma_start3A_656, %dma_start3A_657] : memref<79x128xi32, #tpu.memory_space<vmem>> -> memref<78x128xi32, #tpu.memory_space<vmem>>
      %dma_start3A_659 = arith.constant 0 : i32
      %dma_start3A_660 = tpu.memref_slice %arg4[%mul3A_580, %dma_start3A_659] : memref<2500x128xi32, #tpu.memory_space<hbm>> -> memref<78x128xi32, #tpu.memory_space<hbm>>
      %dma_start3A_661 = arith.constant 0 : i32
      %dma_start3A_662 = arith.constant 0 : i32
      %dma_start3A_663 = tpu.memref_slice %arg7[%dma_start3A_661, %dma_start3A_662] : memref<79x128xi32, #tpu.memory_space<vmem>> -> memref<78x128xi32, #tpu.memory_space<vmem>>
      %dma_start3A_664 = arith.constant 0 : i32
      %dma_start3A_665 = tpu.memref_slice %arg4[%mul3A_580, %dma_start3A_664] : memref<2500x128xi32, #tpu.memory_space<hbm>> -> memref<78x128xi32, #tpu.memory_space<hbm>>
      tpu.enqueue_dma source(%dma_start3A_665 : memref<78x128xi32, #tpu.memory_space<hbm>>) target(%dma_start3A_663 : memref<78x128xi32, #tpu.memory_space<vmem>>) target_semaphore(%run_scoped3A : memref<!tpu.dma_semaphore, #tpu.memory_space<semaphore_mem>>)
      %dma_wait3A_666 = arith.constant 0 : i32
      %dma_wait3A_667 = arith.constant 0 : i32
      %dma_wait3A_668 = tpu.memref_slice %arg7[%dma_wait3A_666, %dma_wait3A_667] : memref<79x128xi32, #tpu.memory_space<vmem>> -> memref<78x128xi32, #tpu.memory_space<vmem>>
      %dma_wait3A_669 = arith.constant 0 : i32
      %dma_wait3A_670 = tpu.memref_slice %arg4[%mul3A_580, %dma_wait3A_669] : memref<2500x128xi32, #tpu.memory_space<hbm>> -> memref<78x128xi32, #tpu.memory_space<hbm>>
      %dma_wait3A_671 = arith.constant 0 : i32
      %dma_wait3A_672 = arith.constant 0 : i32
      %dma_wait3A_673 = tpu.memref_slice %arg7[%dma_wait3A_671, %dma_wait3A_672] : memref<79x128xi32, #tpu.memory_space<vmem>> -> memref<78x128xi32, #tpu.memory_space<vmem>>
      %dma_wait3A_674 = arith.constant 0 : i32
      %dma_wait3A_675 = tpu.memref_slice %arg4[%mul3A_580, %dma_wait3A_674] : memref<2500x128xi32, #tpu.memory_space<hbm>> -> memref<78x128xi32, #tpu.memory_space<hbm>>
      tpu.wait_dma2 semaphore(%run_scoped3A : memref<!tpu.dma_semaphore, #tpu.memory_space<semaphore_mem>>) src(%dma_wait3A_675 : memref<78x128xi32, #tpu.memory_space<hbm>>) dst(%dma_wait3A_673 : memref<78x128xi32, #tpu.memory_space<vmem>>)
      tpu.yield
    }) : () -> ()
    %lt3A = arith.constant 4 : i32
    %lt3A_581 = arith.cmpi slt, %add3A, %lt3A : i32
    %convert_element_type3A = arith.extui %lt3A_581 : i1 to i32
    %cond3A = arith.constant 0 : i32
    %cond3A_582 = arith.cmpi ne, %convert_element_type3A, %cond3A : i32
    scf.if %cond3A_582 {
      %add3A_656 = arith.constant 2496 : i32
      %add3A_657 = arith.addi %add3A_656, %add3A : i32
      %mul3A_658 = arith.constant 128 : i32
      %mul3A_659 = arith.muli %add3A_657, %mul3A_658 : i32
      "tpu.region"() ({
        %run_scoped3A = tpu.sem_alloc : memref<!tpu.dma_semaphore, #tpu.memory_space<semaphore_mem>>
        %dma_start3A_662 = arith.constant 9984 : i32
        %dma_start3A_663 = tpu.memref_slice %arg6[%dma_start3A_662] : memref<10112xi32, #tpu.memory_space<vmem>> -> memref<128xi32, #tpu.memory_space<vmem>>
        %dma_start3A_664 = tpu.memref_slice %arg3[%mul3A_659] : memref<320000xi32, #tpu.memory_space<hbm>> -> memref<128xi32, #tpu.memory_space<hbm>>
        %dma_start3A_665 = arith.constant 9984 : i32
        %dma_start3A_666 = tpu.memref_slice %arg6[%dma_start3A_665] : memref<10112xi32, #tpu.memory_space<vmem>> -> memref<128xi32, #tpu.memory_space<vmem>>
        %dma_start3A_667 = tpu.memref_slice %arg3[%mul3A_659] : memref<320000xi32, #tpu.memory_space<hbm>> -> memref<128xi32, #tpu.memory_space<hbm>>
        tpu.enqueue_dma source(%dma_start3A_667 : memref<128xi32, #tpu.memory_space<hbm>>) target(%dma_start3A_666 : memref<128xi32, #tpu.memory_space<vmem>>) target_semaphore(%run_scoped3A : memref<!tpu.dma_semaphore, #tpu.memory_space<semaphore_mem>>)
        %dma_wait3A_668 = arith.constant 9984 : i32
        %dma_wait3A_669 = tpu.memref_slice %arg6[%dma_wait3A_668] : memref<10112xi32, #tpu.memory_space<vmem>> -> memref<128xi32, #tpu.memory_space<vmem>>
        %dma_wait3A_670 = tpu.memref_slice %arg3[%mul3A_659] : memref<320000xi32, #tpu.memory_space<hbm>> -> memref<128xi32, #tpu.memory_space<hbm>>
        %dma_wait3A_671 = arith.constant 9984 : i32
        %dma_wait3A_672 = tpu.memref_slice %arg6[%dma_wait3A_671] : memref<10112xi32, #tpu.memory_space<vmem>> -> memref<128xi32, #tpu.memory_space<vmem>>
        %dma_wait3A_673 = tpu.memref_slice %arg3[%mul3A_659] : memref<320000xi32, #tpu.memory_space<hbm>> -> memref<128xi32, #tpu.memory_space<hbm>>
        tpu.wait_dma2 semaphore(%run_scoped3A : memref<!tpu.dma_semaphore, #tpu.memory_space<semaphore_mem>>) src(%dma_wait3A_673 : memref<128xi32, #tpu.memory_space<hbm>>) dst(%dma_wait3A_672 : memref<128xi32, #tpu.memory_space<vmem>>)
        tpu.yield
      }) : () -> ()
      %add3A_660 = arith.constant 2496 : i32
      %add3A_661 = arith.addi %add3A_660, %add3A : i32
      "tpu.region"() ({
        %run_scoped3A = tpu.sem_alloc : memref<!tpu.dma_semaphore, #tpu.memory_space<semaphore_mem>>
        %dma_start3A_662 = arith.constant 78 : i32
        %dma_start3A_663 = arith.constant 0 : i32
        %dma_start3A_664 = tpu.memref_slice %arg7[%dma_start3A_662, %dma_start3A_663] : memref<79x128xi32, #tpu.memory_space<vmem>> -> memref<1x128xi32, #tpu.memory_space<vmem>>
        %dma_start3A_665 = arith.constant 0 : i32
        %dma_start3A_666 = tpu.memref_slice %arg4[%add3A_661, %dma_start3A_665] : memref<2500x128xi32, #tpu.memory_space<hbm>> -> memref<1x128xi32, #tpu.memory_space<hbm>>
        %dma_start3A_667 = arith.constant 78 : i32
        %dma_start3A_668 = arith.constant 0 : i32
        %dma_start3A_669 = tpu.memref_slice %arg7[%dma_start3A_667, %dma_start3A_668] : memref<79x128xi32, #tpu.memory_space<vmem>> -> memref<1x128xi32, #tpu.memory_space<vmem>>
        %dma_start3A_670 = arith.constant 0 : i32
        %dma_start3A_671 = tpu.memref_slice %arg4[%add3A_661, %dma_start3A_670] : memref<2500x128xi32, #tpu.memory_space<hbm>> -> memref<1x128xi32, #tpu.memory_space<hbm>>
        tpu.enqueue_dma source(%dma_start3A_671 : memref<1x128xi32, #tpu.memory_space<hbm>>) target(%dma_start3A_669 : memref<1x128xi32, #tpu.memory_space<vmem>>) target_semaphore(%run_scoped3A : memref<!tpu.dma_semaphore, #tpu.memory_space<semaphore_mem>>)
        %dma_wait3A_672 = arith.constant 78 : i32
        %dma_wait3A_673 = arith.constant 0 : i32
        %dma_wait3A_674 = tpu.memref_slice %arg7[%dma_wait3A_672, %dma_wait3A_673] : memref<79x128xi32, #tpu.memory_space<vmem>> -> memref<1x128xi32, #tpu.memory_space<vmem>>
        %dma_wait3A_675 = arith.constant 0 : i32
        %dma_wait3A_676 = tpu.memref_slice %arg4[%add3A_661, %dma_wait3A_675] : memref<2500x128xi32, #tpu.memory_space<hbm>> -> memref<1x128xi32, #tpu.memory_space<hbm>>
        %dma_wait3A_677 = arith.constant 78 : i32
        %dma_wait3A_678 = arith.constant 0 : i32
        %dma_wait3A_679 = tpu.memref_slice %arg7[%dma_wait3A_677, %dma_wait3A_678] : memref<79x128xi32, #tpu.memory_space<vmem>> -> memref<1x128xi32, #tpu.memory_space<vmem>>
        %dma_wait3A_680 = arith.constant 0 : i32
        %dma_wait3A_681 = tpu.memref_slice %arg4[%add3A_661, %dma_wait3A_680] : memref<2500x128xi32, #tpu.memory_space<hbm>> -> memref<1x128xi32, #tpu.memory_space<hbm>>
        tpu.wait_dma2 semaphore(%run_scoped3A : memref<!tpu.dma_semaphore, #tpu.memory_space<semaphore_mem>>) src(%dma_wait3A_681 : memref<1x128xi32, #tpu.memory_space<hbm>>) dst(%dma_wait3A_679 : memref<1x128xi32, #tpu.memory_space<vmem>>)
        tpu.yield
      }) : () -> ()
    } else {
    }
    %barrier3A = arith.constant 0 : index
    tpu.barrier barrier_id(%barrier3A)
    %dma_start3A = arith.constant 0 : i32
    %dma_start3A_583 = tpu.memref_slice %arg6[%dma_start3A] : memref<10112xi32, #tpu.memory_space<vmem>> -> memref<3328xi32, #tpu.memory_space<vmem>>
    %dma_start3A_584 = arith.constant 0 : i32
    %dma_start3A_585 = arith.constant 0 : i32
    %dma_start3A_586 = tpu.memref_slice %arg2[%dma_start3A_584, %dma_start3A_585] : memref<10000x16xbf16, #tpu.memory_space<hbm>> -> memref<10000x16xbf16, #tpu.memory_space<hbm>>
    tpu.enqueue_indirect_dma source(%dma_start3A_586 : memref<10000x16xbf16, #tpu.memory_space<hbm>>) target(%arg8 : memref<3328x16xbf16, #tpu.memory_space<vmem>>) offsets(%dma_start3A_583 : memref<3328xi32, #tpu.memory_space<vmem>>) semaphore(%arg13 : memref<!tpu.dma_semaphore, #tpu.memory_space<semaphore_mem>>)
    %dma_wait3A = arith.constant 0 : i32
    %dma_wait3A_587 = tpu.memref_slice %arg6[%dma_wait3A] : memref<10112xi32, #tpu.memory_space<vmem>> -> memref<3328xi32, #tpu.memory_space<vmem>>
    %dma_wait3A_588 = arith.constant 0 : i32
    %dma_wait3A_589 = arith.constant 0 : i32
    %dma_wait3A_590 = tpu.memref_slice %arg2[%dma_wait3A_588, %dma_wait3A_589] : memref<10000x16xbf16, #tpu.memory_space<hbm>> -> memref<10000x16xbf16, #tpu.memory_space<hbm>>
    tpu.wait_indirect_dma semaphore(%arg13 : memref<!tpu.dma_semaphore, #tpu.memory_space<semaphore_mem>>) src(%dma_wait3A_590 : memref<10000x16xbf16, #tpu.memory_space<hbm>>) dst(%arg8 : memref<3328x16xbf16, #tpu.memory_space<vmem>>)
    %scan3A = arith.constant 0 : i32
    %scan3A_591 = arith.constant 0 : i32
    %scan3A_592 = arith.constant 26 : i32
    %scan3A_593 = arith.addi %scan3A_591, %scan3A_592 : i32
    %scan3A_594 = arith.constant 1 : i32
    scf.for %scan3A_656 = %scan3A_591 to %scan3A_593 step %scan3A_594  : i32 {
      %mul3A_657 = arith.constant 128 : i32
      %mul3A_658 = arith.muli %scan3A_656, %mul3A_657 : i32
      %add3A_659 = arith.constant 0 : i32
      %add3A_660 = arith.addi %add3A_659, %scan3A_656 : i32
      %dma_start3A_661 = arith.constant 0 : i32
      %dma_start3A_662 = tpu.memref_slice %arg8[%mul3A_658, %dma_start3A_661] : memref<3328x16xbf16, #tpu.memory_space<vmem>> -> memref<128x16xbf16, #tpu.memory_space<vmem>>
      %dma_start3A_663 = arith.constant 0 : i32
      %dma_start3A_664 = tpu.memref_slice %arg7[%add3A_660, %dma_start3A_663] : memref<79x128xi32, #tpu.memory_space<vmem>> -> memref<1x128xi32, #tpu.memory_space<vmem>>
      %dma_start3A_665 = tpu.memref_squeeze %dma_start3A_664 : memref<1x128xi32, #tpu.memory_space<vmem>> -> memref<128xi32, #tpu.memory_space<vmem>>
      %dma_start3A_666 = arith.constant 0 : i32
      %dma_start3A_667 = arith.constant 0 : i32
      %dma_start3A_668 = tpu.memref_slice %arg12[%dma_start3A_666, %dma_start3A_667] : memref<10240x16xbf16, #tpu.memory_space<vmem_shared>> -> memref<10240x16xbf16, #tpu.memory_space<vmem_shared>>
      tpu.enqueue_indirect_dma source(%dma_start3A_662 : memref<128x16xbf16, #tpu.memory_space<vmem>>) target(%dma_start3A_668 : memref<10240x16xbf16, #tpu.memory_space<vmem_shared>>) offsets(%dma_start3A_665 : memref<128xi32, #tpu.memory_space<vmem>>) semaphore(%arg15 : memref<!tpu.dma_semaphore, #tpu.memory_space<semaphore_mem>>) {add = true}
    }
    %scan3A_595 = arith.constant 26 : i32
    %dma_start3A_596 = arith.constant 3328 : i32
    %dma_start3A_597 = tpu.memref_slice %arg6[%dma_start3A_596] : memref<10112xi32, #tpu.memory_space<vmem>> -> memref<3328xi32, #tpu.memory_space<vmem>>
    %dma_start3A_598 = arith.constant 0 : i32
    %dma_start3A_599 = arith.constant 0 : i32
    %dma_start3A_600 = tpu.memref_slice %arg2[%dma_start3A_598, %dma_start3A_599] : memref<10000x16xbf16, #tpu.memory_space<hbm>> -> memref<10000x16xbf16, #tpu.memory_space<hbm>>
    tpu.enqueue_indirect_dma source(%dma_start3A_600 : memref<10000x16xbf16, #tpu.memory_space<hbm>>) target(%arg9 : memref<3328x16xbf16, #tpu.memory_space<vmem>>) offsets(%dma_start3A_597 : memref<3328xi32, #tpu.memory_space<vmem>>) semaphore(%arg14 : memref<!tpu.dma_semaphore, #tpu.memory_space<semaphore_mem>>)
    %dma_wait3A_601 = arith.constant 3328 : i32
    %dma_wait3A_602 = tpu.memref_slice %arg6[%dma_wait3A_601] : memref<10112xi32, #tpu.memory_space<vmem>> -> memref<3328xi32, #tpu.memory_space<vmem>>
    %dma_wait3A_603 = arith.constant 0 : i32
    %dma_wait3A_604 = arith.constant 0 : i32
    %dma_wait3A_605 = tpu.memref_slice %arg2[%dma_wait3A_603, %dma_wait3A_604] : memref<10000x16xbf16, #tpu.memory_space<hbm>> -> memref<10000x16xbf16, #tpu.memory_space<hbm>>
    tpu.wait_indirect_dma semaphore(%arg14 : memref<!tpu.dma_semaphore, #tpu.memory_space<semaphore_mem>>) src(%dma_wait3A_605 : memref<10000x16xbf16, #tpu.memory_space<hbm>>) dst(%arg9 : memref<3328x16xbf16, #tpu.memory_space<vmem>>)
    %scan3A_606 = arith.constant 0 : i32
    %scan3A_607 = arith.constant 0 : i32
    %scan3A_608 = arith.constant 26 : i32
    %scan3A_609 = arith.addi %scan3A_607, %scan3A_608 : i32
    %scan3A_610 = arith.constant 1 : i32
    scf.for %scan3A_656 = %scan3A_607 to %scan3A_609 step %scan3A_610  : i32 {
      %mul3A_657 = arith.constant 128 : i32
      %mul3A_658 = arith.muli %scan3A_656, %mul3A_657 : i32
      %add3A_659 = arith.constant 26 : i32
      %add3A_660 = arith.addi %add3A_659, %scan3A_656 : i32
      %dma_start3A_661 = arith.constant 0 : i32
      %dma_start3A_662 = tpu.memref_slice %arg9[%mul3A_658, %dma_start3A_661] : memref<3328x16xbf16, #tpu.memory_space<vmem>> -> memref<128x16xbf16, #tpu.memory_space<vmem>>
      %dma_start3A_663 = arith.constant 0 : i32
      %dma_start3A_664 = tpu.memref_slice %arg7[%add3A_660, %dma_start3A_663] : memref<79x128xi32, #tpu.memory_space<vmem>> -> memref<1x128xi32, #tpu.memory_space<vmem>>
      %dma_start3A_665 = tpu.memref_squeeze %dma_start3A_664 : memref<1x128xi32, #tpu.memory_space<vmem>> -> memref<128xi32, #tpu.memory_space<vmem>>
      %dma_start3A_666 = arith.constant 0 : i32
      %dma_start3A_667 = arith.constant 0 : i32
      %dma_start3A_668 = tpu.memref_slice %arg12[%dma_start3A_666, %dma_start3A_667] : memref<10240x16xbf16, #tpu.memory_space<vmem_shared>> -> memref<10240x16xbf16, #tpu.memory_space<vmem_shared>>
      tpu.enqueue_indirect_dma source(%dma_start3A_662 : memref<128x16xbf16, #tpu.memory_space<vmem>>) target(%dma_start3A_668 : memref<10240x16xbf16, #tpu.memory_space<vmem_shared>>) offsets(%dma_start3A_665 : memref<128xi32, #tpu.memory_space<vmem>>) semaphore(%arg16 : memref<!tpu.dma_semaphore, #tpu.memory_space<semaphore_mem>>) {add = true}
    }
    %scan3A_611 = arith.constant 26 : i32
    %scan3A_612 = arith.constant 0 : i32
    %scan3A_613 = arith.constant 0 : i32
    %scan3A_614 = arith.constant 26 : i32
    %scan3A_615 = arith.addi %scan3A_613, %scan3A_614 : i32
    %scan3A_616 = arith.constant 1 : i32
    scf.for %scan3A_656 = %scan3A_613 to %scan3A_615 step %scan3A_616  : i32 {
      %mul3A_657 = arith.constant 128 : i32
      %mul3A_658 = arith.muli %scan3A_656, %mul3A_657 : i32
      %add3A_659 = arith.constant 0 : i32
      %add3A_660 = arith.addi %add3A_659, %scan3A_656 : i32
      %dma_wait3A_661 = arith.constant 0 : i32
      %dma_wait3A_662 = tpu.memref_slice %arg8[%mul3A_658, %dma_wait3A_661] : memref<3328x16xbf16, #tpu.memory_space<vmem>> -> memref<128x16xbf16, #tpu.memory_space<vmem>>
      %dma_wait3A_663 = arith.constant 0 : i32
      %dma_wait3A_664 = tpu.memref_slice %arg7[%add3A_660, %dma_wait3A_663] : memref<79x128xi32, #tpu.memory_space<vmem>> -> memref<1x128xi32, #tpu.memory_space<vmem>>
      %dma_wait3A_665 = tpu.memref_squeeze %dma_wait3A_664 : memref<1x128xi32, #tpu.memory_space<vmem>> -> memref<128xi32, #tpu.memory_space<vmem>>
      %dma_wait3A_666 = arith.constant 0 : i32
      %dma_wait3A_667 = arith.constant 0 : i32
      %dma_wait3A_668 = tpu.memref_slice %arg12[%dma_wait3A_666, %dma_wait3A_667] : memref<10240x16xbf16, #tpu.memory_space<vmem_shared>> -> memref<10240x16xbf16, #tpu.memory_space<vmem_shared>>
      tpu.wait_indirect_dma semaphore(%arg15 : memref<!tpu.dma_semaphore, #tpu.memory_space<semaphore_mem>>) src(%dma_wait3A_662 : memref<128x16xbf16, #tpu.memory_space<vmem>>) dst(%dma_wait3A_668 : memref<10240x16xbf16, #tpu.memory_space<vmem_shared>>)
    }
    %scan3A_617 = arith.constant 26 : i32
    %dma_start3A_618 = arith.constant 6656 : i32
    %dma_start3A_619 = tpu.memref_slice %arg6[%dma_start3A_618] : memref<10112xi32, #tpu.memory_space<vmem>> -> memref<3328xi32, #tpu.memory_space<vmem>>
    %dma_start3A_620 = arith.constant 0 : i32
    %dma_start3A_621 = arith.constant 0 : i32
    %dma_start3A_622 = tpu.memref_slice %arg2[%dma_start3A_620, %dma_start3A_621] : memref<10000x16xbf16, #tpu.memory_space<hbm>> -> memref<10000x16xbf16, #tpu.memory_space<hbm>>
    tpu.enqueue_indirect_dma source(%dma_start3A_622 : memref<10000x16xbf16, #tpu.memory_space<hbm>>) target(%arg8 : memref<3328x16xbf16, #tpu.memory_space<vmem>>) offsets(%dma_start3A_619 : memref<3328xi32, #tpu.memory_space<vmem>>) semaphore(%arg13 : memref<!tpu.dma_semaphore, #tpu.memory_space<semaphore_mem>>)
    %dma_wait3A_623 = arith.constant 6656 : i32
    %dma_wait3A_624 = tpu.memref_slice %arg6[%dma_wait3A_623] : memref<10112xi32, #tpu.memory_space<vmem>> -> memref<3328xi32, #tpu.memory_space<vmem>>
    %dma_wait3A_625 = arith.constant 0 : i32
    %dma_wait3A_626 = arith.constant 0 : i32
    %dma_wait3A_627 = tpu.memref_slice %arg2[%dma_wait3A_625, %dma_wait3A_626] : memref<10000x16xbf16, #tpu.memory_space<hbm>> -> memref<10000x16xbf16, #tpu.memory_space<hbm>>
    tpu.wait_indirect_dma semaphore(%arg13 : memref<!tpu.dma_semaphore, #tpu.memory_space<semaphore_mem>>) src(%dma_wait3A_627 : memref<10000x16xbf16, #tpu.memory_space<hbm>>) dst(%arg8 : memref<3328x16xbf16, #tpu.memory_space<vmem>>)
    %scan3A_628 = arith.constant 0 : i32
    %scan3A_629 = arith.constant 0 : i32
    %scan3A_630 = arith.constant 26 : i32
    %scan3A_631 = arith.addi %scan3A_629, %scan3A_630 : i32
    %scan3A_632 = arith.constant 1 : i32
    scf.for %scan3A_656 = %scan3A_629 to %scan3A_631 step %scan3A_632  : i32 {
      %mul3A_657 = arith.constant 128 : i32
      %mul3A_658 = arith.muli %scan3A_656, %mul3A_657 : i32
      %add3A_659 = arith.constant 52 : i32
      %add3A_660 = arith.addi %add3A_659, %scan3A_656 : i32
      %dma_start3A_661 = arith.constant 0 : i32
      %dma_start3A_662 = tpu.memref_slice %arg8[%mul3A_658, %dma_start3A_661] : memref<3328x16xbf16, #tpu.memory_space<vmem>> -> memref<128x16xbf16, #tpu.memory_space<vmem>>
      %dma_start3A_663 = arith.constant 0 : i32
      %dma_start3A_664 = tpu.memref_slice %arg7[%add3A_660, %dma_start3A_663] : memref<79x128xi32, #tpu.memory_space<vmem>> -> memref<1x128xi32, #tpu.memory_space<vmem>>
      %dma_start3A_665 = tpu.memref_squeeze %dma_start3A_664 : memref<1x128xi32, #tpu.memory_space<vmem>> -> memref<128xi32, #tpu.memory_space<vmem>>
      %dma_start3A_666 = arith.constant 0 : i32
      %dma_start3A_667 = arith.constant 0 : i32
      %dma_start3A_668 = tpu.memref_slice %arg12[%dma_start3A_666, %dma_start3A_667] : memref<10240x16xbf16, #tpu.memory_space<vmem_shared>> -> memref<10240x16xbf16, #tpu.memory_space<vmem_shared>>
      tpu.enqueue_indirect_dma source(%dma_start3A_662 : memref<128x16xbf16, #tpu.memory_space<vmem>>) target(%dma_start3A_668 : memref<10240x16xbf16, #tpu.memory_space<vmem_shared>>) offsets(%dma_start3A_665 : memref<128xi32, #tpu.memory_space<vmem>>) semaphore(%arg15 : memref<!tpu.dma_semaphore, #tpu.memory_space<semaphore_mem>>) {add = true}
    }
    %scan3A_633 = arith.constant 26 : i32
    %scan3A_634 = arith.constant 0 : i32
    %scan3A_635 = arith.constant 0 : i32
    %scan3A_636 = arith.constant 26 : i32
    %scan3A_637 = arith.addi %scan3A_635, %scan3A_636 : i32
    %scan3A_638 = arith.constant 1 : i32
    scf.for %scan3A_656 = %scan3A_635 to %scan3A_637 step %scan3A_638  : i32 {
      %mul3A_657 = arith.constant 128 : i32
      %mul3A_658 = arith.muli %scan3A_656, %mul3A_657 : i32
      %add3A_659 = arith.constant 26 : i32
      %add3A_660 = arith.addi %add3A_659, %scan3A_656 : i32
      %dma_wait3A_661 = arith.constant 0 : i32
      %dma_wait3A_662 = tpu.memref_slice %arg9[%mul3A_658, %dma_wait3A_661] : memref<3328x16xbf16, #tpu.memory_space<vmem>> -> memref<128x16xbf16, #tpu.memory_space<vmem>>
      %dma_wait3A_663 = arith.constant 0 : i32
      %dma_wait3A_664 = tpu.memref_slice %arg7[%add3A_660, %dma_wait3A_663] : memref<79x128xi32, #tpu.memory_space<vmem>> -> memref<1x128xi32, #tpu.memory_space<vmem>>
      %dma_wait3A_665 = tpu.memref_squeeze %dma_wait3A_664 : memref<1x128xi32, #tpu.memory_space<vmem>> -> memref<128xi32, #tpu.memory_space<vmem>>
      %dma_wait3A_666 = arith.constant 0 : i32
      %dma_wait3A_667 = arith.constant 0 : i32
      %dma_wait3A_668 = tpu.memref_slice %arg12[%dma_wait3A_666, %dma_wait3A_667] : memref<10240x16xbf16, #tpu.memory_space<vmem_shared>> -> memref<10240x16xbf16, #tpu.memory_space<vmem_shared>>
      tpu.wait_indirect_dma semaphore(%arg16 : memref<!tpu.dma_semaphore, #tpu.memory_space<semaphore_mem>>) src(%dma_wait3A_662 : memref<128x16xbf16, #tpu.memory_space<vmem>>) dst(%dma_wait3A_668 : memref<10240x16xbf16, #tpu.memory_space<vmem_shared>>)
    }
    %scan3A_639 = arith.constant 26 : i32
    %scan3A_640 = arith.constant 0 : i32
    %scan3A_641 = arith.constant 0 : i32
    %scan3A_642 = arith.constant 26 : i32
    %scan3A_643 = arith.addi %scan3A_641, %scan3A_642 : i32
    %scan3A_644 = arith.constant 1 : i32
    scf.for %scan3A_656 = %scan3A_641 to %scan3A_643 step %scan3A_644  : i32 {
      %mul3A_657 = arith.constant 128 : i32
      %mul3A_658 = arith.muli %scan3A_656, %mul3A_657 : i32
      %add3A_659 = arith.constant 52 : i32
      %add3A_660 = arith.addi %add3A_659, %scan3A_656 : i32
      %dma_wait3A_661 = arith.constant 0 : i32
      %dma_wait3A_662 = tpu.memref_slice %arg8[%mul3A_658, %dma_wait3A_661] : memref<3328x16xbf16, #tpu.memory_space<vmem>> -> memref<128x16xbf16, #tpu.memory_space<vmem>>
      %dma_wait3A_663 = arith.constant 0 : i32
      %dma_wait3A_664 = tpu.memref_slice %arg7[%add3A_660, %dma_wait3A_663] : memref<79x128xi32, #tpu.memory_space<vmem>> -> memref<1x128xi32, #tpu.memory_space<vmem>>
      %dma_wait3A_665 = tpu.memref_squeeze %dma_wait3A_664 : memref<1x128xi32, #tpu.memory_space<vmem>> -> memref<128xi32, #tpu.memory_space<vmem>>
      %dma_wait3A_666 = arith.constant 0 : i32
      %dma_wait3A_667 = arith.constant 0 : i32
      %dma_wait3A_668 = tpu.memref_slice %arg12[%dma_wait3A_666, %dma_wait3A_667] : memref<10240x16xbf16, #tpu.memory_space<vmem_shared>> -> memref<10240x16xbf16, #tpu.memory_space<vmem_shared>>
      tpu.wait_indirect_dma semaphore(%arg15 : memref<!tpu.dma_semaphore, #tpu.memory_space<semaphore_mem>>) src(%dma_wait3A_662 : memref<128x16xbf16, #tpu.memory_space<vmem>>) dst(%dma_wait3A_668 : memref<10240x16xbf16, #tpu.memory_space<vmem_shared>>)
    }
    %scan3A_645 = arith.constant 26 : i32
    %lt3A_646 = arith.constant 4 : i32
    %lt3A_647 = arith.cmpi slt, %add3A, %lt3A_646 : i32
    %convert_element_type3A_648 = arith.extui %lt3A_647 : i1 to i32
    %cond3A_649 = arith.constant 0 : i32
    %cond3A_650 = arith.cmpi ne, %convert_element_type3A_648, %cond3A_649 : i32
    scf.if %cond3A_650 {
      %dma_start3A_656 = arith.constant 9984 : i32
      %dma_start3A_657 = tpu.memref_slice %arg6[%dma_start3A_656] : memref<10112xi32, #tpu.memory_space<vmem>> -> memref<128xi32, #tpu.memory_space<vmem>>
      %dma_start3A_658 = arith.constant 0 : i32
      %dma_start3A_659 = arith.constant 0 : i32
      %dma_start3A_660 = tpu.memref_slice %arg2[%dma_start3A_658, %dma_start3A_659] : memref<10000x16xbf16, #tpu.memory_space<hbm>> -> memref<10000x16xbf16, #tpu.memory_space<hbm>>
      tpu.enqueue_indirect_dma source(%dma_start3A_660 : memref<10000x16xbf16, #tpu.memory_space<hbm>>) target(%arg10 : memref<128x16xbf16, #tpu.memory_space<vmem>>) offsets(%dma_start3A_657 : memref<128xi32, #tpu.memory_space<vmem>>) semaphore(%arg13 : memref<!tpu.dma_semaphore, #tpu.memory_space<semaphore_mem>>)
      %dma_wait3A_661 = arith.constant 9984 : i32
      %dma_wait3A_662 = tpu.memref_slice %arg6[%dma_wait3A_661] : memref<10112xi32, #tpu.memory_space<vmem>> -> memref<128xi32, #tpu.memory_space<vmem>>
      %dma_wait3A_663 = arith.constant 0 : i32
      %dma_wait3A_664 = arith.constant 0 : i32
      %dma_wait3A_665 = tpu.memref_slice %arg2[%dma_wait3A_663, %dma_wait3A_664] : memref<10000x16xbf16, #tpu.memory_space<hbm>> -> memref<10000x16xbf16, #tpu.memory_space<hbm>>
      tpu.wait_indirect_dma semaphore(%arg13 : memref<!tpu.dma_semaphore, #tpu.memory_space<semaphore_mem>>) src(%dma_wait3A_665 : memref<10000x16xbf16, #tpu.memory_space<hbm>>) dst(%arg10 : memref<128x16xbf16, #tpu.memory_space<vmem>>)
      %run_scoped3A = arith.constant 78 : i32
      "tpu.region"() ({
        %run_scoped3A_666 = tpu.sem_alloc : memref<!tpu.dma_semaphore, #tpu.memory_space<semaphore_mem>>
        %dma_start3A_667 = arith.constant 0 : i32
        %dma_start3A_668 = tpu.memref_slice %arg7[%run_scoped3A, %dma_start3A_667] : memref<79x128xi32, #tpu.memory_space<vmem>> -> memref<1x128xi32, #tpu.memory_space<vmem>>
        %dma_start3A_669 = tpu.memref_squeeze %dma_start3A_668 : memref<1x128xi32, #tpu.memory_space<vmem>> -> memref<128xi32, #tpu.memory_space<vmem>>
        %dma_start3A_670 = arith.constant 0 : i32
        %dma_start3A_671 = arith.constant 0 : i32
        %dma_start3A_672 = tpu.memref_slice %arg12[%dma_start3A_670, %dma_start3A_671] : memref<10240x16xbf16, #tpu.memory_space<vmem_shared>> -> memref<10240x16xbf16, #tpu.memory_space<vmem_shared>>
        tpu.enqueue_indirect_dma source(%arg10 : memref<128x16xbf16, #tpu.memory_space<vmem>>) target(%dma_start3A_672 : memref<10240x16xbf16, #tpu.memory_space<vmem_shared>>) offsets(%dma_start3A_669 : memref<128xi32, #tpu.memory_space<vmem>>) semaphore(%run_scoped3A_666 : memref<!tpu.dma_semaphore, #tpu.memory_space<semaphore_mem>>) {add = true}
        %dma_wait3A_673 = arith.constant 0 : i32
        %dma_wait3A_674 = tpu.memref_slice %arg7[%run_scoped3A, %dma_wait3A_673] : memref<79x128xi32, #tpu.memory_space<vmem>> -> memref<1x128xi32, #tpu.memory_space<vmem>>
        %dma_wait3A_675 = tpu.memref_squeeze %dma_wait3A_674 : memref<1x128xi32, #tpu.memory_space<vmem>> -> memref<128xi32, #tpu.memory_space<vmem>>
        %dma_wait3A_676 = arith.constant 0 : i32
        %dma_wait3A_677 = arith.constant 0 : i32
        %dma_wait3A_678 = tpu.memref_slice %arg12[%dma_wait3A_676, %dma_wait3A_677] : memref<10240x16xbf16, #tpu.memory_space<vmem_shared>> -> memref<10240x16xbf16, #tpu.memory_space<vmem_shared>>
        tpu.wait_indirect_dma semaphore(%run_scoped3A_666 : memref<!tpu.dma_semaphore, #tpu.memory_space<semaphore_mem>>) src(%arg10 : memref<128x16xbf16, #tpu.memory_space<vmem>>) dst(%dma_wait3A_678 : memref<10240x16xbf16, #tpu.memory_space<vmem_shared>>)
        tpu.yield
      }) : () -> ()
    } else {
    }
    %barrier3A_651 = arith.constant 0 : index
    tpu.barrier barrier_id(%barrier3A_651)
    %mul3A_652 = arith.constant 640 : i32
    %mul3A_653 = arith.muli %arg1, %mul3A_652 : i32
    %mul3A_654 = arith.constant 640 : i32
    %mul3A_655 = arith.muli %arg1, %mul3A_654 : i32
    "tpu.region"() ({
      %run_scoped3A = tpu.sem_alloc : memref<!tpu.dma_semaphore, #tpu.memory_space<semaphore_mem>>
      %dma_start3A_656 = arith.constant 0 : i32
      %dma_start3A_657 = tpu.memref_slice %arg5[%arg0, %mul3A_655, %dma_start3A_656] : memref<2x10240x16xbf16, #tpu.memory_space<hbm>> -> memref<1x640x16xbf16, #tpu.memory_space<hbm>>
      %dma_start3A_658 = tpu.memref_squeeze %dma_start3A_657 : memref<1x640x16xbf16, #tpu.memory_space<hbm>> -> memref<640x16xbf16, #tpu.memory_space<hbm>>
      %dma_start3A_659 = arith.constant 0 : i32
      %dma_start3A_660 = tpu.memref_slice %arg12[%mul3A_653, %dma_start3A_659] : memref<10240x16xbf16, #tpu.memory_space<vmem_shared>> -> memref<640x16xbf16, #tpu.memory_space<vmem_shared>>
      tpu.enqueue_dma source(%dma_start3A_660 : memref<640x16xbf16, #tpu.memory_space<vmem_shared>>) target(%dma_start3A_658 : memref<640x16xbf16, #tpu.memory_space<hbm>>) target_semaphore(%run_scoped3A : memref<!tpu.dma_semaphore, #tpu.memory_space<semaphore_mem>>)
      %dma_wait3A_661 = arith.constant 0 : i32
      %dma_wait3A_662 = tpu.memref_slice %arg5[%arg0, %mul3A_655, %dma_wait3A_661] : memref<2x10240x16xbf16, #tpu.memory_space<hbm>> -> memref<1x640x16xbf16, #tpu.memory_space<hbm>>
      %dma_wait3A_663 = tpu.memref_squeeze %dma_wait3A_662 : memref<1x640x16xbf16, #tpu.memory_space<hbm>> -> memref<640x16xbf16, #tpu.memory_space<hbm>>
      %dma_wait3A_664 = arith.constant 0 : i32
      %dma_wait3A_665 = tpu.memref_slice %arg12[%mul3A_653, %dma_wait3A_664] : memref<10240x16xbf16, #tpu.memory_space<vmem_shared>> -> memref<640x16xbf16, #tpu.memory_space<vmem_shared>>
      tpu.wait_dma2 semaphore(%run_scoped3A : memref<!tpu.dma_semaphore, #tpu.memory_space<semaphore_mem>>) src(%dma_wait3A_665 : memref<640x16xbf16, #tpu.memory_space<vmem_shared>>) dst(%dma_wait3A_663 : memref<640x16xbf16, #tpu.memory_space<hbm>>)
      tpu.yield
    }) : () -> ()
    return
  }
}

#map = affine_map<(d0, d1) -> (0, 0)>
#map1 = affine_map<(d0, d1) -> (0)>
#map2 = affine_map<(d0, d1) -> (0, 0, 0)>
module attributes {stable_mosaic.version = 14 : i64} {
  func.func @_conv_body(%arg0: i32, %arg1: i32, %arg2: memref<10000x16xbf16, #tpu.memory_space<hbm>>, %arg3: memref<320000xi32, #tpu.memory_space<hbm>>, %arg4: memref<2500x128xi32, #tpu.memory_space<hbm>>, %arg5: memref<2x10240x16xbf16, #tpu.memory_space<hbm>>, %arg6: memref<10112xi32, #tpu.memory_space<vmem>>, %arg7: memref<79x128xi32, #tpu.memory_space<vmem>>, %arg8: memref<3328x16xbf16, #tpu.memory_space<vmem>>, %arg9: memref<3328x16xbf16, #tpu.memory_space<vmem>>, %arg10: memref<128x16xbf16, #tpu.memory_space<vmem>>, %arg11: memref<160x16xbf16, #tpu.memory_space<vmem>>, %arg12: memref<10240x16xbf16, #tpu.memory_space<vmem_shared>>, %arg13: memref<!tpu.dma_semaphore, #tpu.memory_space<semaphore_mem>>, %arg14: memref<!tpu.dma_semaphore, #tpu.memory_space<semaphore_mem>>, %arg15: memref<!tpu.dma_semaphore, #tpu.memory_space<semaphore_mem>>, %arg16: memref<!tpu.dma_semaphore, #tpu.memory_space<semaphore_mem>>) attributes {dimension_semantics = [#tpu.dimension_semantics<core_parallel>, #tpu.dimension_semantics<subcore_parallel>], iteration_bounds = array<i64: 2, 16>, scalar_prefetch = 0 : i64, scratch_operands = 11 : i64, tpu.core_type = #tpu.core_type<sc_vector_subcore>, window_params = [{transform_indices = #map}, {transform_indices = #map1}, {transform_indices = #map}, {transform_indices = #map2}]} {
    %mul3A = arith.constant 16 : i32
    %mul3A_0 = arith.muli %arg0, %mul3A : i32
    %add3A = arith.addi %mul3A_0, %arg1 : i32
    %broadcast_in_dim3A = arith.constant 0.000000e+00 : bf16
    %broadcast_in_dim3A_1 = vector.broadcast %broadcast_in_dim3A : bf16 to vector<2x16xbf16>
    %swap3A = arith.constant 0 : index
    %swap3A_2 = arith.constant 0 : index
    %swap3A_3 = tpu.vector_load %arg11[%swap3A, %swap3A_2] {strides = array<i32>} : memref<160x16xbf16, #tpu.memory_space<vmem>>, vector<2x16xbf16>,
    %swap3A_4 = vector.shape_cast %swap3A_3 : vector<2x16xbf16> to vector<2x16xbf16>
    %swap3A_5 = vector.shape_cast %broadcast_in_dim3A_1 : vector<2x16xbf16> to vector<2x16xbf16>
    tpu.vector_store %arg11[%swap3A, %swap3A_2], %swap3A_5 {strides = array<i32>} : memref<160x16xbf16, #tpu.memory_space<vmem>>, vector<2x16xbf16>,
    %broadcast_in_dim3A_6 = arith.constant 0.000000e+00 : bf16
    %broadcast_in_dim3A_7 = vector.broadcast %broadcast_in_dim3A_6 : bf16 to vector<2x16xbf16>
    %swap3A_8 = arith.constant 2 : index
    %swap3A_9 = arith.constant 0 : index
    %swap3A_10 = tpu.vector_load %arg11[%swap3A_8, %swap3A_9] {strides = array<i32>} : memref<160x16xbf16, #tpu.memory_space<vmem>>, vector<2x16xbf16>,
    %swap3A_11 = vector.shape_cast %swap3A_10 : vector<2x16xbf16> to vector<2x16xbf16>
    %swap3A_12 = vector.shape_cast %broadcast_in_dim3A_7 : vector<2x16xbf16> to vector<2x16xbf16>
    tpu.vector_store %arg11[%swap3A_8, %swap3A_9], %swap3A_12 {strides = array<i32>} : memref<160x16xbf16, #tpu.memory_space<vmem>>, vector<2x16xbf16>,
    %broadcast_in_dim3A_13 = arith.constant 0.000000e+00 : bf16
    %broadcast_in_dim3A_14 = vector.broadcast %broadcast_in_dim3A_13 : bf16 to vector<2x16xbf16>
    %swap3A_15 = arith.constant 4 : index
    %swap3A_16 = arith.constant 0 : index
    %swap3A_17 = tpu.vector_load %arg11[%swap3A_15, %swap3A_16] {strides = array<i32>} : memref<160x16xbf16, #tpu.memory_space<vmem>>, vector<2x16xbf16>,
    %swap3A_18 = vector.shape_cast %swap3A_17 : vector<2x16xbf16> to vector<2x16xbf16>
    %swap3A_19 = vector.shape_cast %broadcast_in_dim3A_14 : vector<2x16xbf16> to vector<2x16xbf16>
    tpu.vector_store %arg11[%swap3A_15, %swap3A_16], %swap3A_19 {strides = array<i32>} : memref<160x16xbf16, #tpu.memory_space<vmem>>, vector<2x16xbf16>,
    %broadcast_in_dim3A_20 = arith.constant 0.000000e+00 : bf16
    %broadcast_in_dim3A_21 = vector.broadcast %broadcast_in_dim3A_20 : bf16 to vector<2x16xbf16>
    %swap3A_22 = arith.constant 6 : index
    %swap3A_23 = arith.constant 0 : index
    %swap3A_24 = tpu.vector_load %arg11[%swap3A_22, %swap3A_23] {strides = array<i32>} : memref<160x16xbf16, #tpu.memory_space<vmem>>, vector<2x16xbf16>,
    %swap3A_25 = vector.shape_cast %swap3A_24 : vector<2x16xbf16> to vector<2x16xbf16>
    %swap3A_26 = vector.shape_cast %broadcast_in_dim3A_21 : vector<2x16xbf16> to vector<2x16xbf16>
    tpu.vector_store %arg11[%swap3A_22, %swap3A_23], %swap3A_26 {strides = array<i32>} : memref<160x16xbf16, #tpu.memory_space<vmem>>, vector<2x16xbf16>,
    %broadcast_in_dim3A_27 = arith.constant 0.000000e+00 : bf16
    %broadcast_in_dim3A_28 = vector.broadcast %broadcast_in_dim3A_27 : bf16 to vector<2x16xbf16>
    %swap3A_29 = arith.constant 8 : index
    %swap3A_30 = arith.constant 0 : index
    %swap3A_31 = tpu.vector_load %arg11[%swap3A_29, %swap3A_30] {strides = array<i32>} : memref<160x16xbf16, #tpu.memory_space<vmem>>, vector<2x16xbf16>,
    %swap3A_32 = vector.shape_cast %swap3A_31 : vector<2x16xbf16> to vector<2x16xbf16>
    %swap3A_33 = vector.shape_cast %broadcast_in_dim3A_28 : vector<2x16xbf16> to vector<2x16xbf16>
    tpu.vector_store %arg11[%swap3A_29, %swap3A_30], %swap3A_33 {strides = array<i32>} : memref<160x16xbf16, #tpu.memory_space<vmem>>, vector<2x16xbf16>,
    %broadcast_in_dim3A_34 = arith.constant 0.000000e+00 : bf16
    %broadcast_in_dim3A_35 = vector.broadcast %broadcast_in_dim3A_34 : bf16 to vector<2x16xbf16>
    %swap3A_36 = arith.constant 10 : index
    %swap3A_37 = arith.constant 0 : index
    %swap3A_38 = tpu.vector_load %arg11[%swap3A_36, %swap3A_37] {strides = array<i32>} : memref<160x16xbf16, #tpu.memory_space<vmem>>, vector<2x16xbf16>,
    %swap3A_39 = vector.shape_cast %swap3A_38 : vector<2x16xbf16> to vector<2x16xbf16>
    %swap3A_40 = vector.shape_cast %broadcast_in_dim3A_35 : vector<2x16xbf16> to vector<2x16xbf16>
    tpu.vector_store %arg11[%swap3A_36, %swap3A_37], %swap3A_40 {strides = array<i32>} : memref<160x16xbf16, #tpu.memory_space<vmem>>, vector<2x16xbf16>,
    %broadcast_in_dim3A_41 = arith.constant 0.000000e+00 : bf16
    %broadcast_in_dim3A_42 = vector.broadcast %broadcast_in_dim3A_41 : bf16 to vector<2x16xbf16>
    %swap3A_43 = arith.constant 12 : index
    %swap3A_44 = arith.constant 0 : index
    %swap3A_45 = tpu.vector_load %arg11[%swap3A_43, %swap3A_44] {strides = array<i32>} : memref<160x16xbf16, #tpu.memory_space<vmem>>, vector<2x16xbf16>,
    %swap3A_46 = vector.shape_cast %swap3A_45 : vector<2x16xbf16> to vector<2x16xbf16>
    %swap3A_47 = vector.shape_cast %broadcast_in_dim3A_42 : vector<2x16xbf16> to vector<2x16xbf16>
    tpu.vector_store %arg11[%swap3A_43, %swap3A_44], %swap3A_47 {strides = array<i32>} : memref<160x16xbf16, #tpu.memory_space<vmem>>, vector<2x16xbf16>,
    %broadcast_in_dim3A_48 = arith.constant 0.000000e+00 : bf16
    %broadcast_in_dim3A_49 = vector.broadcast %broadcast_in_dim3A_48 : bf16 to vector<2x16xbf16>
    %swap3A_50 = arith.constant 14 : index
    %swap3A_51 = arith.constant 0 : index
    %swap3A_52 = tpu.vector_load %arg11[%swap3A_50, %swap3A_51] {strides = array<i32>} : memref<160x16xbf16, #tpu.memory_space<vmem>>, vector<2x16xbf16>,
    %swap3A_53 = vector.shape_cast %swap3A_52 : vector<2x16xbf16> to vector<2x16xbf16>
    %swap3A_54 = vector.shape_cast %broadcast_in_dim3A_49 : vector<2x16xbf16> to vector<2x16xbf16>
    tpu.vector_store %arg11[%swap3A_50, %swap3A_51], %swap3A_54 {strides = array<i32>} : memref<160x16xbf16, #tpu.memory_space<vmem>>, vector<2x16xbf16>,
    %broadcast_in_dim3A_55 = arith.constant 0.000000e+00 : bf16
    %broadcast_in_dim3A_56 = vector.broadcast %broadcast_in_dim3A_55 : bf16 to vector<2x16xbf16>
    %swap3A_57 = arith.constant 16 : index
    %swap3A_58 = arith.constant 0 : index
    %swap3A_59 = tpu.vector_load %arg11[%swap3A_57, %swap3A_58] {strides = array<i32>} : memref<160x16xbf16, #tpu.memory_space<vmem>>, vector<2x16xbf16>,
    %swap3A_60 = vector.shape_cast %swap3A_59 : vector<2x16xbf16> to vector<2x16xbf16>
    %swap3A_61 = vector.shape_cast %broadcast_in_dim3A_56 : vector<2x16xbf16> to vector<2x16xbf16>
    tpu.vector_store %arg11[%swap3A_57, %swap3A_58], %swap3A_61 {strides = array<i32>} : memref<160x16xbf16, #tpu.memory_space<vmem>>, vector<2x16xbf16>,
    %broadcast_in_dim3A_62 = arith.constant 0.000000e+00 : bf16
    %broadcast_in_dim3A_63 = vector.broadcast %broadcast_in_dim3A_62 : bf16 to vector<2x16xbf16>
    %swap3A_64 = arith.constant 18 : index
    %swap3A_65 = arith.constant 0 : index
    %swap3A_66 = tpu.vector_load %arg11[%swap3A_64, %swap3A_65] {strides = array<i32>} : memref<160x16xbf16, #tpu.memory_space<vmem>>, vector<2x16xbf16>,
    %swap3A_67 = vector.shape_cast %swap3A_66 : vector<2x16xbf16> to vector<2x16xbf16>
    %swap3A_68 = vector.shape_cast %broadcast_in_dim3A_63 : vector<2x16xbf16> to vector<2x16xbf16>
    tpu.vector_store %arg11[%swap3A_64, %swap3A_65], %swap3A_68 {strides = array<i32>} : memref<160x16xbf16, #tpu.memory_space<vmem>>, vector<2x16xbf16>,
    %broadcast_in_dim3A_69 = arith.constant 0.000000e+00 : bf16
    %broadcast_in_dim3A_70 = vector.broadcast %broadcast_in_dim3A_69 : bf16 to vector<2x16xbf16>
    %swap3A_71 = arith.constant 20 : index
    %swap3A_72 = arith.constant 0 : index
    %swap3A_73 = tpu.vector_load %arg11[%swap3A_71, %swap3A_72] {strides = array<i32>} : memref<160x16xbf16, #tpu.memory_space<vmem>>, vector<2x16xbf16>,
    %swap3A_74 = vector.shape_cast %swap3A_73 : vector<2x16xbf16> to vector<2x16xbf16>
    %swap3A_75 = vector.shape_cast %broadcast_in_dim3A_70 : vector<2x16xbf16> to vector<2x16xbf16>
    tpu.vector_store %arg11[%swap3A_71, %swap3A_72], %swap3A_75 {strides = array<i32>} : memref<160x16xbf16, #tpu.memory_space<vmem>>, vector<2x16xbf16>,
    %broadcast_in_dim3A_76 = arith.constant 0.000000e+00 : bf16
    %broadcast_in_dim3A_77 = vector.broadcast %broadcast_in_dim3A_76 : bf16 to vector<2x16xbf16>
    %swap3A_78 = arith.constant 22 : index
    %swap3A_79 = arith.constant 0 : index
    %swap3A_80 = tpu.vector_load %arg11[%swap3A_78, %swap3A_79] {strides = array<i32>} : memref<160x16xbf16, #tpu.memory_space<vmem>>, vector<2x16xbf16>,
    %swap3A_81 = vector.shape_cast %swap3A_80 : vector<2x16xbf16> to vector<2x16xbf16>
    %swap3A_82 = vector.shape_cast %broadcast_in_dim3A_77 : vector<2x16xbf16> to vector<2x16xbf16>
    tpu.vector_store %arg11[%swap3A_78, %swap3A_79], %swap3A_82 {strides = array<i32>} : memref<160x16xbf16, #tpu.memory_space<vmem>>, vector<2x16xbf16>,
    %broadcast_in_dim3A_83 = arith.constant 0.000000e+00 : bf16
    %broadcast_in_dim3A_84 = vector.broadcast %broadcast_in_dim3A_83 : bf16 to vector<2x16xbf16>
    %swap3A_85 = arith.constant 24 : index
    %swap3A_86 = arith.constant 0 : index
    %swap3A_87 = tpu.vector_load %arg11[%swap3A_85, %swap3A_86] {strides = array<i32>} : memref<160x16xbf16, #tpu.memory_space<vmem>>, vector<2x16xbf16>,
    %swap3A_88 = vector.shape_cast %swap3A_87 : vector<2x16xbf16> to vector<2x16xbf16>
    %swap3A_89 = vector.shape_cast %broadcast_in_dim3A_84 : vector<2x16xbf16> to vector<2x16xbf16>
    tpu.vector_store %arg11[%swap3A_85, %swap3A_86], %swap3A_89 {strides = array<i32>} : memref<160x16xbf16, #tpu.memory_space<vmem>>, vector<2x16xbf16>,
    %broadcast_in_dim3A_90 = arith.constant 0.000000e+00 : bf16
    %broadcast_in_dim3A_91 = vector.broadcast %broadcast_in_dim3A_90 : bf16 to vector<2x16xbf16>
    %swap3A_92 = arith.constant 26 : index
    %swap3A_93 = arith.constant 0 : index
    %swap3A_94 = tpu.vector_load %arg11[%swap3A_92, %swap3A_93] {strides = array<i32>} : memref<160x16xbf16, #tpu.memory_space<vmem>>, vector<2x16xbf16>,
    %swap3A_95 = vector.shape_cast %swap3A_94 : vector<2x16xbf16> to vector<2x16xbf16>
    %swap3A_96 = vector.shape_cast %broadcast_in_dim3A_91 : vector<2x16xbf16> to vector<2x16xbf16>
    tpu.vector_store %arg11[%swap3A_92, %swap3A_93], %swap3A_96 {strides = array<i32>} : memref<160x16xbf16, #tpu.memory_space<vmem>>, vector<2x16xbf16>,
    %broadcast_in_dim3A_97 = arith.constant 0.000000e+00 : bf16
    %broadcast_in_dim3A_98 = vector.broadcast %broadcast_in_dim3A_97 : bf16 to vector<2x16xbf16>
    %swap3A_99 = arith.constant 28 : index
    %swap3A_100 = arith.constant 0 : index
    %swap3A_101 = tpu.vector_load %arg11[%swap3A_99, %swap3A_100] {strides = array<i32>} : memref<160x16xbf16, #tpu.memory_space<vmem>>, vector<2x16xbf16>,
    %swap3A_102 = vector.shape_cast %swap3A_101 : vector<2x16xbf16> to vector<2x16xbf16>
    %swap3A_103 = vector.shape_cast %broadcast_in_dim3A_98 : vector<2x16xbf16> to vector<2x16xbf16>
    tpu.vector_store %arg11[%swap3A_99, %swap3A_100], %swap3A_103 {strides = array<i32>} : memref<160x16xbf16, #tpu.memory_space<vmem>>, vector<2x16xbf16>,
    %broadcast_in_dim3A_104 = arith.constant 0.000000e+00 : bf16
    %broadcast_in_dim3A_105 = vector.broadcast %broadcast_in_dim3A_104 : bf16 to vector<2x16xbf16>
    %swap3A_106 = arith.constant 30 : index
    %swap3A_107 = arith.constant 0 : index
    %swap3A_108 = tpu.vector_load %arg11[%swap3A_106, %swap3A_107] {strides = array<i32>} : memref<160x16xbf16, #tpu.memory_space<vmem>>, vector<2x16xbf16>,
    %swap3A_109 = vector.shape_cast %swap3A_108 : vector<2x16xbf16> to vector<2x16xbf16>
    %swap3A_110 = vector.shape_cast %broadcast_in_dim3A_105 : vector<2x16xbf16> to vector<2x16xbf16>
    tpu.vector_store %arg11[%swap3A_106, %swap3A_107], %swap3A_110 {strides = array<i32>} : memref<160x16xbf16, #tpu.memory_space<vmem>>, vector<2x16xbf16>,
    %broadcast_in_dim3A_111 = arith.constant 0.000000e+00 : bf16
    %broadcast_in_dim3A_112 = vector.broadcast %broadcast_in_dim3A_111 : bf16 to vector<2x16xbf16>
    %swap3A_113 = arith.constant 32 : index
    %swap3A_114 = arith.constant 0 : index
    %swap3A_115 = tpu.vector_load %arg11[%swap3A_113, %swap3A_114] {strides = array<i32>} : memref<160x16xbf16, #tpu.memory_space<vmem>>, vector<2x16xbf16>,
    %swap3A_116 = vector.shape_cast %swap3A_115 : vector<2x16xbf16> to vector<2x16xbf16>
    %swap3A_117 = vector.shape_cast %broadcast_in_dim3A_112 : vector<2x16xbf16> to vector<2x16xbf16>
    tpu.vector_store %arg11[%swap3A_113, %swap3A_114], %swap3A_117 {strides = array<i32>} : memref<160x16xbf16, #tpu.memory_space<vmem>>, vector<2x16xbf16>,
    %broadcast_in_dim3A_118 = arith.constant 0.000000e+00 : bf16
    %broadcast_in_dim3A_119 = vector.broadcast %broadcast_in_dim3A_118 : bf16 to vector<2x16xbf16>
    %swap3A_120 = arith.constant 34 : index
    %swap3A_121 = arith.constant 0 : index
    %swap3A_122 = tpu.vector_load %arg11[%swap3A_120, %swap3A_121] {strides = array<i32>} : memref<160x16xbf16, #tpu.memory_space<vmem>>, vector<2x16xbf16>,
    %swap3A_123 = vector.shape_cast %swap3A_122 : vector<2x16xbf16> to vector<2x16xbf16>
    %swap3A_124 = vector.shape_cast %broadcast_in_dim3A_119 : vector<2x16xbf16> to vector<2x16xbf16>
    tpu.vector_store %arg11[%swap3A_120, %swap3A_121], %swap3A_124 {strides = array<i32>} : memref<160x16xbf16, #tpu.memory_space<vmem>>, vector<2x16xbf16>,
    %broadcast_in_dim3A_125 = arith.constant 0.000000e+00 : bf16
    %broadcast_in_dim3A_126 = vector.broadcast %broadcast_in_dim3A_125 : bf16 to vector<2x16xbf16>
    %swap3A_127 = arith.constant 36 : index
    %swap3A_128 = arith.constant 0 : index
    %swap3A_129 = tpu.vector_load %arg11[%swap3A_127, %swap3A_128] {strides = array<i32>} : memref<160x16xbf16, #tpu.memory_space<vmem>>, vector<2x16xbf16>,
    %swap3A_130 = vector.shape_cast %swap3A_129 : vector<2x16xbf16> to vector<2x16xbf16>
    %swap3A_131 = vector.shape_cast %broadcast_in_dim3A_126 : vector<2x16xbf16> to vector<2x16xbf16>
    tpu.vector_store %arg11[%swap3A_127, %swap3A_128], %swap3A_131 {strides = array<i32>} : memref<160x16xbf16, #tpu.memory_space<vmem>>, vector<2x16xbf16>,
    %broadcast_in_dim3A_132 = arith.constant 0.000000e+00 : bf16
    %broadcast_in_dim3A_133 = vector.broadcast %broadcast_in_dim3A_132 : bf16 to vector<2x16xbf16>
    %swap3A_134 = arith.constant 38 : index
    %swap3A_135 = arith.constant 0 : index
    %swap3A_136 = tpu.vector_load %arg11[%swap3A_134, %swap3A_135] {strides = array<i32>} : memref<160x16xbf16, #tpu.memory_space<vmem>>, vector<2x16xbf16>,
    %swap3A_137 = vector.shape_cast %swap3A_136 : vector<2x16xbf16> to vector<2x16xbf16>
    %swap3A_138 = vector.shape_cast %broadcast_in_dim3A_133 : vector<2x16xbf16> to vector<2x16xbf16>
    tpu.vector_store %arg11[%swap3A_134, %swap3A_135], %swap3A_138 {strides = array<i32>} : memref<160x16xbf16, #tpu.memory_space<vmem>>, vector<2x16xbf16>,
    %broadcast_in_dim3A_139 = arith.constant 0.000000e+00 : bf16
    %broadcast_in_dim3A_140 = vector.broadcast %broadcast_in_dim3A_139 : bf16 to vector<2x16xbf16>
    %swap3A_141 = arith.constant 40 : index
    %swap3A_142 = arith.constant 0 : index
    %swap3A_143 = tpu.vector_load %arg11[%swap3A_141, %swap3A_142] {strides = array<i32>} : memref<160x16xbf16, #tpu.memory_space<vmem>>, vector<2x16xbf16>,
    %swap3A_144 = vector.shape_cast %swap3A_143 : vector<2x16xbf16> to vector<2x16xbf16>
    %swap3A_145 = vector.shape_cast %broadcast_in_dim3A_140 : vector<2x16xbf16> to vector<2x16xbf16>
    tpu.vector_store %arg11[%swap3A_141, %swap3A_142], %swap3A_145 {strides = array<i32>} : memref<160x16xbf16, #tpu.memory_space<vmem>>, vector<2x16xbf16>,
    %broadcast_in_dim3A_146 = arith.constant 0.000000e+00 : bf16
    %broadcast_in_dim3A_147 = vector.broadcast %broadcast_in_dim3A_146 : bf16 to vector<2x16xbf16>
    %swap3A_148 = arith.constant 42 : index
    %swap3A_149 = arith.constant 0 : index
    %swap3A_150 = tpu.vector_load %arg11[%swap3A_148, %swap3A_149] {strides = array<i32>} : memref<160x16xbf16, #tpu.memory_space<vmem>>, vector<2x16xbf16>,
    %swap3A_151 = vector.shape_cast %swap3A_150 : vector<2x16xbf16> to vector<2x16xbf16>
    %swap3A_152 = vector.shape_cast %broadcast_in_dim3A_147 : vector<2x16xbf16> to vector<2x16xbf16>
    tpu.vector_store %arg11[%swap3A_148, %swap3A_149], %swap3A_152 {strides = array<i32>} : memref<160x16xbf16, #tpu.memory_space<vmem>>, vector<2x16xbf16>,
    %broadcast_in_dim3A_153 = arith.constant 0.000000e+00 : bf16
    %broadcast_in_dim3A_154 = vector.broadcast %broadcast_in_dim3A_153 : bf16 to vector<2x16xbf16>
    %swap3A_155 = arith.constant 44 : index
    %swap3A_156 = arith.constant 0 : index
    %swap3A_157 = tpu.vector_load %arg11[%swap3A_155, %swap3A_156] {strides = array<i32>} : memref<160x16xbf16, #tpu.memory_space<vmem>>, vector<2x16xbf16>,
    %swap3A_158 = vector.shape_cast %swap3A_157 : vector<2x16xbf16> to vector<2x16xbf16>
    %swap3A_159 = vector.shape_cast %broadcast_in_dim3A_154 : vector<2x16xbf16> to vector<2x16xbf16>
    tpu.vector_store %arg11[%swap3A_155, %swap3A_156], %swap3A_159 {strides = array<i32>} : memref<160x16xbf16, #tpu.memory_space<vmem>>, vector<2x16xbf16>,
    %broadcast_in_dim3A_160 = arith.constant 0.000000e+00 : bf16
    %broadcast_in_dim3A_161 = vector.broadcast %broadcast_in_dim3A_160 : bf16 to vector<2x16xbf16>
    %swap3A_162 = arith.constant 46 : index
    %swap3A_163 = arith.constant 0 : index
    %swap3A_164 = tpu.vector_load %arg11[%swap3A_162, %swap3A_163] {strides = array<i32>} : memref<160x16xbf16, #tpu.memory_space<vmem>>, vector<2x16xbf16>,
    %swap3A_165 = vector.shape_cast %swap3A_164 : vector<2x16xbf16> to vector<2x16xbf16>
    %swap3A_166 = vector.shape_cast %broadcast_in_dim3A_161 : vector<2x16xbf16> to vector<2x16xbf16>
    tpu.vector_store %arg11[%swap3A_162, %swap3A_163], %swap3A_166 {strides = array<i32>} : memref<160x16xbf16, #tpu.memory_space<vmem>>, vector<2x16xbf16>,
    %broadcast_in_dim3A_167 = arith.constant 0.000000e+00 : bf16
    %broadcast_in_dim3A_168 = vector.broadcast %broadcast_in_dim3A_167 : bf16 to vector<2x16xbf16>
    %swap3A_169 = arith.constant 48 : index
    %swap3A_170 = arith.constant 0 : index
    %swap3A_171 = tpu.vector_load %arg11[%swap3A_169, %swap3A_170] {strides = array<i32>} : memref<160x16xbf16, #tpu.memory_space<vmem>>, vector<2x16xbf16>,
    %swap3A_172 = vector.shape_cast %swap3A_171 : vector<2x16xbf16> to vector<2x16xbf16>
    %swap3A_173 = vector.shape_cast %broadcast_in_dim3A_168 : vector<2x16xbf16> to vector<2x16xbf16>
    tpu.vector_store %arg11[%swap3A_169, %swap3A_170], %swap3A_173 {strides = array<i32>} : memref<160x16xbf16, #tpu.memory_space<vmem>>, vector<2x16xbf16>,
    %broadcast_in_dim3A_174 = arith.constant 0.000000e+00 : bf16
    %broadcast_in_dim3A_175 = vector.broadcast %broadcast_in_dim3A_174 : bf16 to vector<2x16xbf16>
    %swap3A_176 = arith.constant 50 : index
    %swap3A_177 = arith.constant 0 : index
    %swap3A_178 = tpu.vector_load %arg11[%swap3A_176, %swap3A_177] {strides = array<i32>} : memref<160x16xbf16, #tpu.memory_space<vmem>>, vector<2x16xbf16>,
    %swap3A_179 = vector.shape_cast %swap3A_178 : vector<2x16xbf16> to vector<2x16xbf16>
    %swap3A_180 = vector.shape_cast %broadcast_in_dim3A_175 : vector<2x16xbf16> to vector<2x16xbf16>
    tpu.vector_store %arg11[%swap3A_176, %swap3A_177], %swap3A_180 {strides = array<i32>} : memref<160x16xbf16, #tpu.memory_space<vmem>>, vector<2x16xbf16>,
    %broadcast_in_dim3A_181 = arith.constant 0.000000e+00 : bf16
    %broadcast_in_dim3A_182 = vector.broadcast %broadcast_in_dim3A_181 : bf16 to vector<2x16xbf16>
    %swap3A_183 = arith.constant 52 : index
    %swap3A_184 = arith.constant 0 : index
    %swap3A_185 = tpu.vector_load %arg11[%swap3A_183, %swap3A_184] {strides = array<i32>} : memref<160x16xbf16, #tpu.memory_space<vmem>>, vector<2x16xbf16>,
    %swap3A_186 = vector.shape_cast %swap3A_185 : vector<2x16xbf16> to vector<2x16xbf16>
    %swap3A_187 = vector.shape_cast %broadcast_in_dim3A_182 : vector<2x16xbf16> to vector<2x16xbf16>
    tpu.vector_store %arg11[%swap3A_183, %swap3A_184], %swap3A_187 {strides = array<i32>} : memref<160x16xbf16, #tpu.memory_space<vmem>>, vector<2x16xbf16>,
    %broadcast_in_dim3A_188 = arith.constant 0.000000e+00 : bf16
    %broadcast_in_dim3A_189 = vector.broadcast %broadcast_in_dim3A_188 : bf16 to vector<2x16xbf16>
    %swap3A_190 = arith.constant 54 : index
    %swap3A_191 = arith.constant 0 : index
    %swap3A_192 = tpu.vector_load %arg11[%swap3A_190, %swap3A_191] {strides = array<i32>} : memref<160x16xbf16, #tpu.memory_space<vmem>>, vector<2x16xbf16>,
    %swap3A_193 = vector.shape_cast %swap3A_192 : vector<2x16xbf16> to vector<2x16xbf16>
    %swap3A_194 = vector.shape_cast %broadcast_in_dim3A_189 : vector<2x16xbf16> to vector<2x16xbf16>
    tpu.vector_store %arg11[%swap3A_190, %swap3A_191], %swap3A_194 {strides = array<i32>} : memref<160x16xbf16, #tpu.memory_space<vmem>>, vector<2x16xbf16>,
    %broadcast_in_dim3A_195 = arith.constant 0.000000e+00 : bf16
    %broadcast_in_dim3A_196 = vector.broadcast %broadcast_in_dim3A_195 : bf16 to vector<2x16xbf16>
    %swap3A_197 = arith.constant 56 : index
    %swap3A_198 = arith.constant 0 : index
    %swap3A_199 = tpu.vector_load %arg11[%swap3A_197, %swap3A_198] {strides = array<i32>} : memref<160x16xbf16, #tpu.memory_space<vmem>>, vector<2x16xbf16>,
    %swap3A_200 = vector.shape_cast %swap3A_199 : vector<2x16xbf16> to vector<2x16xbf16>
    %swap3A_201 = vector.shape_cast %broadcast_in_dim3A_196 : vector<2x16xbf16> to vector<2x16xbf16>
    tpu.vector_store %arg11[%swap3A_197, %swap3A_198], %swap3A_201 {strides = array<i32>} : memref<160x16xbf16, #tpu.memory_space<vmem>>, vector<2x16xbf16>,
    %broadcast_in_dim3A_202 = arith.constant 0.000000e+00 : bf16
    %broadcast_in_dim3A_203 = vector.broadcast %broadcast_in_dim3A_202 : bf16 to vector<2x16xbf16>
    %swap3A_204 = arith.constant 58 : index
    %swap3A_205 = arith.constant 0 : index
    %swap3A_206 = tpu.vector_load %arg11[%swap3A_204, %swap3A_205] {strides = array<i32>} : memref<160x16xbf16, #tpu.memory_space<vmem>>, vector<2x16xbf16>,
    %swap3A_207 = vector.shape_cast %swap3A_206 : vector<2x16xbf16> to vector<2x16xbf16>
    %swap3A_208 = vector.shape_cast %broadcast_in_dim3A_203 : vector<2x16xbf16> to vector<2x16xbf16>
    tpu.vector_store %arg11[%swap3A_204, %swap3A_205], %swap3A_208 {strides = array<i32>} : memref<160x16xbf16, #tpu.memory_space<vmem>>, vector<2x16xbf16>,
    %broadcast_in_dim3A_209 = arith.constant 0.000000e+00 : bf16
    %broadcast_in_dim3A_210 = vector.broadcast %broadcast_in_dim3A_209 : bf16 to vector<2x16xbf16>
    %swap3A_211 = arith.constant 60 : index
    %swap3A_212 = arith.constant 0 : index
    %swap3A_213 = tpu.vector_load %arg11[%swap3A_211, %swap3A_212] {strides = array<i32>} : memref<160x16xbf16, #tpu.memory_space<vmem>>, vector<2x16xbf16>,
    %swap3A_214 = vector.shape_cast %swap3A_213 : vector<2x16xbf16> to vector<2x16xbf16>
    %swap3A_215 = vector.shape_cast %broadcast_in_dim3A_210 : vector<2x16xbf16> to vector<2x16xbf16>
    tpu.vector_store %arg11[%swap3A_211, %swap3A_212], %swap3A_215 {strides = array<i32>} : memref<160x16xbf16, #tpu.memory_space<vmem>>, vector<2x16xbf16>,
    %broadcast_in_dim3A_216 = arith.constant 0.000000e+00 : bf16
    %broadcast_in_dim3A_217 = vector.broadcast %broadcast_in_dim3A_216 : bf16 to vector<2x16xbf16>
    %swap3A_218 = arith.constant 62 : index
    %swap3A_219 = arith.constant 0 : index
    %swap3A_220 = tpu.vector_load %arg11[%swap3A_218, %swap3A_219] {strides = array<i32>} : memref<160x16xbf16, #tpu.memory_space<vmem>>, vector<2x16xbf16>,
    %swap3A_221 = vector.shape_cast %swap3A_220 : vector<2x16xbf16> to vector<2x16xbf16>
    %swap3A_222 = vector.shape_cast %broadcast_in_dim3A_217 : vector<2x16xbf16> to vector<2x16xbf16>
    tpu.vector_store %arg11[%swap3A_218, %swap3A_219], %swap3A_222 {strides = array<i32>} : memref<160x16xbf16, #tpu.memory_space<vmem>>, vector<2x16xbf16>,
    %broadcast_in_dim3A_223 = arith.constant 0.000000e+00 : bf16
    %broadcast_in_dim3A_224 = vector.broadcast %broadcast_in_dim3A_223 : bf16 to vector<2x16xbf16>
    %swap3A_225 = arith.constant 64 : index
    %swap3A_226 = arith.constant 0 : index
    %swap3A_227 = tpu.vector_load %arg11[%swap3A_225, %swap3A_226] {strides = array<i32>} : memref<160x16xbf16, #tpu.memory_space<vmem>>, vector<2x16xbf16>,
    %swap3A_228 = vector.shape_cast %swap3A_227 : vector<2x16xbf16> to vector<2x16xbf16>
    %swap3A_229 = vector.shape_cast %broadcast_in_dim3A_224 : vector<2x16xbf16> to vector<2x16xbf16>
    tpu.vector_store %arg11[%swap3A_225, %swap3A_226], %swap3A_229 {strides = array<i32>} : memref<160x16xbf16, #tpu.memory_space<vmem>>, vector<2x16xbf16>,
    %broadcast_in_dim3A_230 = arith.constant 0.000000e+00 : bf16
    %broadcast_in_dim3A_231 = vector.broadcast %broadcast_in_dim3A_230 : bf16 to vector<2x16xbf16>
    %swap3A_232 = arith.constant 66 : index
    %swap3A_233 = arith.constant 0 : index
    %swap3A_234 = tpu.vector_load %arg11[%swap3A_232, %swap3A_233] {strides = array<i32>} : memref<160x16xbf16, #tpu.memory_space<vmem>>, vector<2x16xbf16>,
    %swap3A_235 = vector.shape_cast %swap3A_234 : vector<2x16xbf16> to vector<2x16xbf16>
    %swap3A_236 = vector.shape_cast %broadcast_in_dim3A_231 : vector<2x16xbf16> to vector<2x16xbf16>
    tpu.vector_store %arg11[%swap3A_232, %swap3A_233], %swap3A_236 {strides = array<i32>} : memref<160x16xbf16, #tpu.memory_space<vmem>>, vector<2x16xbf16>,
    %broadcast_in_dim3A_237 = arith.constant 0.000000e+00 : bf16
    %broadcast_in_dim3A_238 = vector.broadcast %broadcast_in_dim3A_237 : bf16 to vector<2x16xbf16>
    %swap3A_239 = arith.constant 68 : index
    %swap3A_240 = arith.constant 0 : index
    %swap3A_241 = tpu.vector_load %arg11[%swap3A_239, %swap3A_240] {strides = array<i32>} : memref<160x16xbf16, #tpu.memory_space<vmem>>, vector<2x16xbf16>,
    %swap3A_242 = vector.shape_cast %swap3A_241 : vector<2x16xbf16> to vector<2x16xbf16>
    %swap3A_243 = vector.shape_cast %broadcast_in_dim3A_238 : vector<2x16xbf16> to vector<2x16xbf16>
    tpu.vector_store %arg11[%swap3A_239, %swap3A_240], %swap3A_243 {strides = array<i32>} : memref<160x16xbf16, #tpu.memory_space<vmem>>, vector<2x16xbf16>,
    %broadcast_in_dim3A_244 = arith.constant 0.000000e+00 : bf16
    %broadcast_in_dim3A_245 = vector.broadcast %broadcast_in_dim3A_244 : bf16 to vector<2x16xbf16>
    %swap3A_246 = arith.constant 70 : index
    %swap3A_247 = arith.constant 0 : index
    %swap3A_248 = tpu.vector_load %arg11[%swap3A_246, %swap3A_247] {strides = array<i32>} : memref<160x16xbf16, #tpu.memory_space<vmem>>, vector<2x16xbf16>,
    %swap3A_249 = vector.shape_cast %swap3A_248 : vector<2x16xbf16> to vector<2x16xbf16>
    %swap3A_250 = vector.shape_cast %broadcast_in_dim3A_245 : vector<2x16xbf16> to vector<2x16xbf16>
    tpu.vector_store %arg11[%swap3A_246, %swap3A_247], %swap3A_250 {strides = array<i32>} : memref<160x16xbf16, #tpu.memory_space<vmem>>, vector<2x16xbf16>,
    %broadcast_in_dim3A_251 = arith.constant 0.000000e+00 : bf16
    %broadcast_in_dim3A_252 = vector.broadcast %broadcast_in_dim3A_251 : bf16 to vector<2x16xbf16>
    %swap3A_253 = arith.constant 72 : index
    %swap3A_254 = arith.constant 0 : index
    %swap3A_255 = tpu.vector_load %arg11[%swap3A_253, %swap3A_254] {strides = array<i32>} : memref<160x16xbf16, #tpu.memory_space<vmem>>, vector<2x16xbf16>,
    %swap3A_256 = vector.shape_cast %swap3A_255 : vector<2x16xbf16> to vector<2x16xbf16>
    %swap3A_257 = vector.shape_cast %broadcast_in_dim3A_252 : vector<2x16xbf16> to vector<2x16xbf16>
    tpu.vector_store %arg11[%swap3A_253, %swap3A_254], %swap3A_257 {strides = array<i32>} : memref<160x16xbf16, #tpu.memory_space<vmem>>, vector<2x16xbf16>,
    %broadcast_in_dim3A_258 = arith.constant 0.000000e+00 : bf16
    %broadcast_in_dim3A_259 = vector.broadcast %broadcast_in_dim3A_258 : bf16 to vector<2x16xbf16>
    %swap3A_260 = arith.constant 74 : index
    %swap3A_261 = arith.constant 0 : index
    %swap3A_262 = tpu.vector_load %arg11[%swap3A_260, %swap3A_261] {strides = array<i32>} : memref<160x16xbf16, #tpu.memory_space<vmem>>, vector<2x16xbf16>,
    %swap3A_263 = vector.shape_cast %swap3A_262 : vector<2x16xbf16> to vector<2x16xbf16>
    %swap3A_264 = vector.shape_cast %broadcast_in_dim3A_259 : vector<2x16xbf16> to vector<2x16xbf16>
    tpu.vector_store %arg11[%swap3A_260, %swap3A_261], %swap3A_264 {strides = array<i32>} : memref<160x16xbf16, #tpu.memory_space<vmem>>, vector<2x16xbf16>,
    %broadcast_in_dim3A_265 = arith.constant 0.000000e+00 : bf16
    %broadcast_in_dim3A_266 = vector.broadcast %broadcast_in_dim3A_265 : bf16 to vector<2x16xbf16>
    %swap3A_267 = arith.constant 76 : index
    %swap3A_268 = arith.constant 0 : index
    %swap3A_269 = tpu.vector_load %arg11[%swap3A_267, %swap3A_268] {strides = array<i32>} : memref<160x16xbf16, #tpu.memory_space<vmem>>, vector<2x16xbf16>,
    %swap3A_270 = vector.shape_cast %swap3A_269 : vector<2x16xbf16> to vector<2x16xbf16>
    %swap3A_271 = vector.shape_cast %broadcast_in_dim3A_266 : vector<2x16xbf16> to vector<2x16xbf16>
    tpu.vector_store %arg11[%swap3A_267, %swap3A_268], %swap3A_271 {strides = array<i32>} : memref<160x16xbf16, #tpu.memory_space<vmem>>, vector<2x16xbf16>,
    %broadcast_in_dim3A_272 = arith.constant 0.000000e+00 : bf16
    %broadcast_in_dim3A_273 = vector.broadcast %broadcast_in_dim3A_272 : bf16 to vector<2x16xbf16>
    %swap3A_274 = arith.constant 78 : index
    %swap3A_275 = arith.constant 0 : index
    %swap3A_276 = tpu.vector_load %arg11[%swap3A_274, %swap3A_275] {strides = array<i32>} : memref<160x16xbf16, #tpu.memory_space<vmem>>, vector<2x16xbf16>,
    %swap3A_277 = vector.shape_cast %swap3A_276 : vector<2x16xbf16> to vector<2x16xbf16>
    %swap3A_278 = vector.shape_cast %broadcast_in_dim3A_273 : vector<2x16xbf16> to vector<2x16xbf16>
    tpu.vector_store %arg11[%swap3A_274, %swap3A_275], %swap3A_278 {strides = array<i32>} : memref<160x16xbf16, #tpu.memory_space<vmem>>, vector<2x16xbf16>,
    %broadcast_in_dim3A_279 = arith.constant 0.000000e+00 : bf16
    %broadcast_in_dim3A_280 = vector.broadcast %broadcast_in_dim3A_279 : bf16 to vector<2x16xbf16>
    %swap3A_281 = arith.constant 80 : index
    %swap3A_282 = arith.constant 0 : index
    %swap3A_283 = tpu.vector_load %arg11[%swap3A_281, %swap3A_282] {strides = array<i32>} : memref<160x16xbf16, #tpu.memory_space<vmem>>, vector<2x16xbf16>,
    %swap3A_284 = vector.shape_cast %swap3A_283 : vector<2x16xbf16> to vector<2x16xbf16>
    %swap3A_285 = vector.shape_cast %broadcast_in_dim3A_280 : vector<2x16xbf16> to vector<2x16xbf16>
    tpu.vector_store %arg11[%swap3A_281, %swap3A_282], %swap3A_285 {strides = array<i32>} : memref<160x16xbf16, #tpu.memory_space<vmem>>, vector<2x16xbf16>,
    %broadcast_in_dim3A_286 = arith.constant 0.000000e+00 : bf16
    %broadcast_in_dim3A_287 = vector.broadcast %broadcast_in_dim3A_286 : bf16 to vector<2x16xbf16>
    %swap3A_288 = arith.constant 82 : index
    %swap3A_289 = arith.constant 0 : index
    %swap3A_290 = tpu.vector_load %arg11[%swap3A_288, %swap3A_289] {strides = array<i32>} : memref<160x16xbf16, #tpu.memory_space<vmem>>, vector<2x16xbf16>,
    %swap3A_291 = vector.shape_cast %swap3A_290 : vector<2x16xbf16> to vector<2x16xbf16>
    %swap3A_292 = vector.shape_cast %broadcast_in_dim3A_287 : vector<2x16xbf16> to vector<2x16xbf16>
    tpu.vector_store %arg11[%swap3A_288, %swap3A_289], %swap3A_292 {strides = array<i32>} : memref<160x16xbf16, #tpu.memory_space<vmem>>, vector<2x16xbf16>,
    %broadcast_in_dim3A_293 = arith.constant 0.000000e+00 : bf16
    %broadcast_in_dim3A_294 = vector.broadcast %broadcast_in_dim3A_293 : bf16 to vector<2x16xbf16>
    %swap3A_295 = arith.constant 84 : index
    %swap3A_296 = arith.constant 0 : index
    %swap3A_297 = tpu.vector_load %arg11[%swap3A_295, %swap3A_296] {strides = array<i32>} : memref<160x16xbf16, #tpu.memory_space<vmem>>, vector<2x16xbf16>,
    %swap3A_298 = vector.shape_cast %swap3A_297 : vector<2x16xbf16> to vector<2x16xbf16>
    %swap3A_299 = vector.shape_cast %broadcast_in_dim3A_294 : vector<2x16xbf16> to vector<2x16xbf16>
    tpu.vector_store %arg11[%swap3A_295, %swap3A_296], %swap3A_299 {strides = array<i32>} : memref<160x16xbf16, #tpu.memory_space<vmem>>, vector<2x16xbf16>,
    %broadcast_in_dim3A_300 = arith.constant 0.000000e+00 : bf16
    %broadcast_in_dim3A_301 = vector.broadcast %broadcast_in_dim3A_300 : bf16 to vector<2x16xbf16>
    %swap3A_302 = arith.constant 86 : index
    %swap3A_303 = arith.constant 0 : index
    %swap3A_304 = tpu.vector_load %arg11[%swap3A_302, %swap3A_303] {strides = array<i32>} : memref<160x16xbf16, #tpu.memory_space<vmem>>, vector<2x16xbf16>,
    %swap3A_305 = vector.shape_cast %swap3A_304 : vector<2x16xbf16> to vector<2x16xbf16>
    %swap3A_306 = vector.shape_cast %broadcast_in_dim3A_301 : vector<2x16xbf16> to vector<2x16xbf16>
    tpu.vector_store %arg11[%swap3A_302, %swap3A_303], %swap3A_306 {strides = array<i32>} : memref<160x16xbf16, #tpu.memory_space<vmem>>, vector<2x16xbf16>,
    %broadcast_in_dim3A_307 = arith.constant 0.000000e+00 : bf16
    %broadcast_in_dim3A_308 = vector.broadcast %broadcast_in_dim3A_307 : bf16 to vector<2x16xbf16>
    %swap3A_309 = arith.constant 88 : index
    %swap3A_310 = arith.constant 0 : index
    %swap3A_311 = tpu.vector_load %arg11[%swap3A_309, %swap3A_310] {strides = array<i32>} : memref<160x16xbf16, #tpu.memory_space<vmem>>, vector<2x16xbf16>,
    %swap3A_312 = vector.shape_cast %swap3A_311 : vector<2x16xbf16> to vector<2x16xbf16>
    %swap3A_313 = vector.shape_cast %broadcast_in_dim3A_308 : vector<2x16xbf16> to vector<2x16xbf16>
    tpu.vector_store %arg11[%swap3A_309, %swap3A_310], %swap3A_313 {strides = array<i32>} : memref<160x16xbf16, #tpu.memory_space<vmem>>, vector<2x16xbf16>,
    %broadcast_in_dim3A_314 = arith.constant 0.000000e+00 : bf16
    %broadcast_in_dim3A_315 = vector.broadcast %broadcast_in_dim3A_314 : bf16 to vector<2x16xbf16>
    %swap3A_316 = arith.constant 90 : index
    %swap3A_317 = arith.constant 0 : index
    %swap3A_318 = tpu.vector_load %arg11[%swap3A_316, %swap3A_317] {strides = array<i32>} : memref<160x16xbf16, #tpu.memory_space<vmem>>, vector<2x16xbf16>,
    %swap3A_319 = vector.shape_cast %swap3A_318 : vector<2x16xbf16> to vector<2x16xbf16>
    %swap3A_320 = vector.shape_cast %broadcast_in_dim3A_315 : vector<2x16xbf16> to vector<2x16xbf16>
    tpu.vector_store %arg11[%swap3A_316, %swap3A_317], %swap3A_320 {strides = array<i32>} : memref<160x16xbf16, #tpu.memory_space<vmem>>, vector<2x16xbf16>,
    %broadcast_in_dim3A_321 = arith.constant 0.000000e+00 : bf16
    %broadcast_in_dim3A_322 = vector.broadcast %broadcast_in_dim3A_321 : bf16 to vector<2x16xbf16>
    %swap3A_323 = arith.constant 92 : index
    %swap3A_324 = arith.constant 0 : index
    %swap3A_325 = tpu.vector_load %arg11[%swap3A_323, %swap3A_324] {strides = array<i32>} : memref<160x16xbf16, #tpu.memory_space<vmem>>, vector<2x16xbf16>,
    %swap3A_326 = vector.shape_cast %swap3A_325 : vector<2x16xbf16> to vector<2x16xbf16>
    %swap3A_327 = vector.shape_cast %broadcast_in_dim3A_322 : vector<2x16xbf16> to vector<2x16xbf16>
    tpu.vector_store %arg11[%swap3A_323, %swap3A_324], %swap3A_327 {strides = array<i32>} : memref<160x16xbf16, #tpu.memory_space<vmem>>, vector<2x16xbf16>,
    %broadcast_in_dim3A_328 = arith.constant 0.000000e+00 : bf16
    %broadcast_in_dim3A_329 = vector.broadcast %broadcast_in_dim3A_328 : bf16 to vector<2x16xbf16>
    %swap3A_330 = arith.constant 94 : index
    %swap3A_331 = arith.constant 0 : index
    %swap3A_332 = tpu.vector_load %arg11[%swap3A_330, %swap3A_331] {strides = array<i32>} : memref<160x16xbf16, #tpu.memory_space<vmem>>, vector<2x16xbf16>,
    %swap3A_333 = vector.shape_cast %swap3A_332 : vector<2x16xbf16> to vector<2x16xbf16>
    %swap3A_334 = vector.shape_cast %broadcast_in_dim3A_329 : vector<2x16xbf16> to vector<2x16xbf16>
    tpu.vector_store %arg11[%swap3A_330, %swap3A_331], %swap3A_334 {strides = array<i32>} : memref<160x16xbf16, #tpu.memory_space<vmem>>, vector<2x16xbf16>,
    %broadcast_in_dim3A_335 = arith.constant 0.000000e+00 : bf16
    %broadcast_in_dim3A_336 = vector.broadcast %broadcast_in_dim3A_335 : bf16 to vector<2x16xbf16>
    %swap3A_337 = arith.constant 96 : index
    %swap3A_338 = arith.constant 0 : index
    %swap3A_339 = tpu.vector_load %arg11[%swap3A_337, %swap3A_338] {strides = array<i32>} : memref<160x16xbf16, #tpu.memory_space<vmem>>, vector<2x16xbf16>,
    %swap3A_340 = vector.shape_cast %swap3A_339 : vector<2x16xbf16> to vector<2x16xbf16>
    %swap3A_341 = vector.shape_cast %broadcast_in_dim3A_336 : vector<2x16xbf16> to vector<2x16xbf16>
    tpu.vector_store %arg11[%swap3A_337, %swap3A_338], %swap3A_341 {strides = array<i32>} : memref<160x16xbf16, #tpu.memory_space<vmem>>, vector<2x16xbf16>,
    %broadcast_in_dim3A_342 = arith.constant 0.000000e+00 : bf16
    %broadcast_in_dim3A_343 = vector.broadcast %broadcast_in_dim3A_342 : bf16 to vector<2x16xbf16>
    %swap3A_344 = arith.constant 98 : index
    %swap3A_345 = arith.constant 0 : index
    %swap3A_346 = tpu.vector_load %arg11[%swap3A_344, %swap3A_345] {strides = array<i32>} : memref<160x16xbf16, #tpu.memory_space<vmem>>, vector<2x16xbf16>,
    %swap3A_347 = vector.shape_cast %swap3A_346 : vector<2x16xbf16> to vector<2x16xbf16>
    %swap3A_348 = vector.shape_cast %broadcast_in_dim3A_343 : vector<2x16xbf16> to vector<2x16xbf16>
    tpu.vector_store %arg11[%swap3A_344, %swap3A_345], %swap3A_348 {strides = array<i32>} : memref<160x16xbf16, #tpu.memory_space<vmem>>, vector<2x16xbf16>,
    %broadcast_in_dim3A_349 = arith.constant 0.000000e+00 : bf16
    %broadcast_in_dim3A_350 = vector.broadcast %broadcast_in_dim3A_349 : bf16 to vector<2x16xbf16>
    %swap3A_351 = arith.constant 100 : index
    %swap3A_352 = arith.constant 0 : index
    %swap3A_353 = tpu.vector_load %arg11[%swap3A_351, %swap3A_352] {strides = array<i32>} : memref<160x16xbf16, #tpu.memory_space<vmem>>, vector<2x16xbf16>,
    %swap3A_354 = vector.shape_cast %swap3A_353 : vector<2x16xbf16> to vector<2x16xbf16>
    %swap3A_355 = vector.shape_cast %broadcast_in_dim3A_350 : vector<2x16xbf16> to vector<2x16xbf16>
    tpu.vector_store %arg11[%swap3A_351, %swap3A_352], %swap3A_355 {strides = array<i32>} : memref<160x16xbf16, #tpu.memory_space<vmem>>, vector<2x16xbf16>,
    %broadcast_in_dim3A_356 = arith.constant 0.000000e+00 : bf16
    %broadcast_in_dim3A_357 = vector.broadcast %broadcast_in_dim3A_356 : bf16 to vector<2x16xbf16>
    %swap3A_358 = arith.constant 102 : index
    %swap3A_359 = arith.constant 0 : index
    %swap3A_360 = tpu.vector_load %arg11[%swap3A_358, %swap3A_359] {strides = array<i32>} : memref<160x16xbf16, #tpu.memory_space<vmem>>, vector<2x16xbf16>,
    %swap3A_361 = vector.shape_cast %swap3A_360 : vector<2x16xbf16> to vector<2x16xbf16>
    %swap3A_362 = vector.shape_cast %broadcast_in_dim3A_357 : vector<2x16xbf16> to vector<2x16xbf16>
    tpu.vector_store %arg11[%swap3A_358, %swap3A_359], %swap3A_362 {strides = array<i32>} : memref<160x16xbf16, #tpu.memory_space<vmem>>, vector<2x16xbf16>,
    %broadcast_in_dim3A_363 = arith.constant 0.000000e+00 : bf16
    %broadcast_in_dim3A_364 = vector.broadcast %broadcast_in_dim3A_363 : bf16 to vector<2x16xbf16>
    %swap3A_365 = arith.constant 104 : index
    %swap3A_366 = arith.constant 0 : index
    %swap3A_367 = tpu.vector_load %arg11[%swap3A_365, %swap3A_366] {strides = array<i32>} : memref<160x16xbf16, #tpu.memory_space<vmem>>, vector<2x16xbf16>,
    %swap3A_368 = vector.shape_cast %swap3A_367 : vector<2x16xbf16> to vector<2x16xbf16>
    %swap3A_369 = vector.shape_cast %broadcast_in_dim3A_364 : vector<2x16xbf16> to vector<2x16xbf16>
    tpu.vector_store %arg11[%swap3A_365, %swap3A_366], %swap3A_369 {strides = array<i32>} : memref<160x16xbf16, #tpu.memory_space<vmem>>, vector<2x16xbf16>,
    %broadcast_in_dim3A_370 = arith.constant 0.000000e+00 : bf16
    %broadcast_in_dim3A_371 = vector.broadcast %broadcast_in_dim3A_370 : bf16 to vector<2x16xbf16>
    %swap3A_372 = arith.constant 106 : index
    %swap3A_373 = arith.constant 0 : index
    %swap3A_374 = tpu.vector_load %arg11[%swap3A_372, %swap3A_373] {strides = array<i32>} : memref<160x16xbf16, #tpu.memory_space<vmem>>, vector<2x16xbf16>,
    %swap3A_375 = vector.shape_cast %swap3A_374 : vector<2x16xbf16> to vector<2x16xbf16>
    %swap3A_376 = vector.shape_cast %broadcast_in_dim3A_371 : vector<2x16xbf16> to vector<2x16xbf16>
    tpu.vector_store %arg11[%swap3A_372, %swap3A_373], %swap3A_376 {strides = array<i32>} : memref<160x16xbf16, #tpu.memory_space<vmem>>, vector<2x16xbf16>,
    %broadcast_in_dim3A_377 = arith.constant 0.000000e+00 : bf16
    %broadcast_in_dim3A_378 = vector.broadcast %broadcast_in_dim3A_377 : bf16 to vector<2x16xbf16>
    %swap3A_379 = arith.constant 108 : index
    %swap3A_380 = arith.constant 0 : index
    %swap3A_381 = tpu.vector_load %arg11[%swap3A_379, %swap3A_380] {strides = array<i32>} : memref<160x16xbf16, #tpu.memory_space<vmem>>, vector<2x16xbf16>,
    %swap3A_382 = vector.shape_cast %swap3A_381 : vector<2x16xbf16> to vector<2x16xbf16>
    %swap3A_383 = vector.shape_cast %broadcast_in_dim3A_378 : vector<2x16xbf16> to vector<2x16xbf16>
    tpu.vector_store %arg11[%swap3A_379, %swap3A_380], %swap3A_383 {strides = array<i32>} : memref<160x16xbf16, #tpu.memory_space<vmem>>, vector<2x16xbf16>,
    %broadcast_in_dim3A_384 = arith.constant 0.000000e+00 : bf16
    %broadcast_in_dim3A_385 = vector.broadcast %broadcast_in_dim3A_384 : bf16 to vector<2x16xbf16>
    %swap3A_386 = arith.constant 110 : index
    %swap3A_387 = arith.constant 0 : index
    %swap3A_388 = tpu.vector_load %arg11[%swap3A_386, %swap3A_387] {strides = array<i32>} : memref<160x16xbf16, #tpu.memory_space<vmem>>, vector<2x16xbf16>,
    %swap3A_389 = vector.shape_cast %swap3A_388 : vector<2x16xbf16> to vector<2x16xbf16>
    %swap3A_390 = vector.shape_cast %broadcast_in_dim3A_385 : vector<2x16xbf16> to vector<2x16xbf16>
    tpu.vector_store %arg11[%swap3A_386, %swap3A_387], %swap3A_390 {strides = array<i32>} : memref<160x16xbf16, #tpu.memory_space<vmem>>, vector<2x16xbf16>,
    %broadcast_in_dim3A_391 = arith.constant 0.000000e+00 : bf16
    %broadcast_in_dim3A_392 = vector.broadcast %broadcast_in_dim3A_391 : bf16 to vector<2x16xbf16>
    %swap3A_393 = arith.constant 112 : index
    %swap3A_394 = arith.constant 0 : index
    %swap3A_395 = tpu.vector_load %arg11[%swap3A_393, %swap3A_394] {strides = array<i32>} : memref<160x16xbf16, #tpu.memory_space<vmem>>, vector<2x16xbf16>,
    %swap3A_396 = vector.shape_cast %swap3A_395 : vector<2x16xbf16> to vector<2x16xbf16>
    %swap3A_397 = vector.shape_cast %broadcast_in_dim3A_392 : vector<2x16xbf16> to vector<2x16xbf16>
    tpu.vector_store %arg11[%swap3A_393, %swap3A_394], %swap3A_397 {strides = array<i32>} : memref<160x16xbf16, #tpu.memory_space<vmem>>, vector<2x16xbf16>,
    %broadcast_in_dim3A_398 = arith.constant 0.000000e+00 : bf16
    %broadcast_in_dim3A_399 = vector.broadcast %broadcast_in_dim3A_398 : bf16 to vector<2x16xbf16>
    %swap3A_400 = arith.constant 114 : index
    %swap3A_401 = arith.constant 0 : index
    %swap3A_402 = tpu.vector_load %arg11[%swap3A_400, %swap3A_401] {strides = array<i32>} : memref<160x16xbf16, #tpu.memory_space<vmem>>, vector<2x16xbf16>,
    %swap3A_403 = vector.shape_cast %swap3A_402 : vector<2x16xbf16> to vector<2x16xbf16>
    %swap3A_404 = vector.shape_cast %broadcast_in_dim3A_399 : vector<2x16xbf16> to vector<2x16xbf16>
    tpu.vector_store %arg11[%swap3A_400, %swap3A_401], %swap3A_404 {strides = array<i32>} : memref<160x16xbf16, #tpu.memory_space<vmem>>, vector<2x16xbf16>,
    %broadcast_in_dim3A_405 = arith.constant 0.000000e+00 : bf16
    %broadcast_in_dim3A_406 = vector.broadcast %broadcast_in_dim3A_405 : bf16 to vector<2x16xbf16>
    %swap3A_407 = arith.constant 116 : index
    %swap3A_408 = arith.constant 0 : index
    %swap3A_409 = tpu.vector_load %arg11[%swap3A_407, %swap3A_408] {strides = array<i32>} : memref<160x16xbf16, #tpu.memory_space<vmem>>, vector<2x16xbf16>,
    %swap3A_410 = vector.shape_cast %swap3A_409 : vector<2x16xbf16> to vector<2x16xbf16>
    %swap3A_411 = vector.shape_cast %broadcast_in_dim3A_406 : vector<2x16xbf16> to vector<2x16xbf16>
    tpu.vector_store %arg11[%swap3A_407, %swap3A_408], %swap3A_411 {strides = array<i32>} : memref<160x16xbf16, #tpu.memory_space<vmem>>, vector<2x16xbf16>,
    %broadcast_in_dim3A_412 = arith.constant 0.000000e+00 : bf16
    %broadcast_in_dim3A_413 = vector.broadcast %broadcast_in_dim3A_412 : bf16 to vector<2x16xbf16>
    %swap3A_414 = arith.constant 118 : index
    %swap3A_415 = arith.constant 0 : index
    %swap3A_416 = tpu.vector_load %arg11[%swap3A_414, %swap3A_415] {strides = array<i32>} : memref<160x16xbf16, #tpu.memory_space<vmem>>, vector<2x16xbf16>,
    %swap3A_417 = vector.shape_cast %swap3A_416 : vector<2x16xbf16> to vector<2x16xbf16>
    %swap3A_418 = vector.shape_cast %broadcast_in_dim3A_413 : vector<2x16xbf16> to vector<2x16xbf16>
    tpu.vector_store %arg11[%swap3A_414, %swap3A_415], %swap3A_418 {strides = array<i32>} : memref<160x16xbf16, #tpu.memory_space<vmem>>, vector<2x16xbf16>,
    %broadcast_in_dim3A_419 = arith.constant 0.000000e+00 : bf16
    %broadcast_in_dim3A_420 = vector.broadcast %broadcast_in_dim3A_419 : bf16 to vector<2x16xbf16>
    %swap3A_421 = arith.constant 120 : index
    %swap3A_422 = arith.constant 0 : index
    %swap3A_423 = tpu.vector_load %arg11[%swap3A_421, %swap3A_422] {strides = array<i32>} : memref<160x16xbf16, #tpu.memory_space<vmem>>, vector<2x16xbf16>,
    %swap3A_424 = vector.shape_cast %swap3A_423 : vector<2x16xbf16> to vector<2x16xbf16>
    %swap3A_425 = vector.shape_cast %broadcast_in_dim3A_420 : vector<2x16xbf16> to vector<2x16xbf16>
    tpu.vector_store %arg11[%swap3A_421, %swap3A_422], %swap3A_425 {strides = array<i32>} : memref<160x16xbf16, #tpu.memory_space<vmem>>, vector<2x16xbf16>,
    %broadcast_in_dim3A_426 = arith.constant 0.000000e+00 : bf16
    %broadcast_in_dim3A_427 = vector.broadcast %broadcast_in_dim3A_426 : bf16 to vector<2x16xbf16>
    %swap3A_428 = arith.constant 122 : index
    %swap3A_429 = arith.constant 0 : index
    %swap3A_430 = tpu.vector_load %arg11[%swap3A_428, %swap3A_429] {strides = array<i32>} : memref<160x16xbf16, #tpu.memory_space<vmem>>, vector<2x16xbf16>,
    %swap3A_431 = vector.shape_cast %swap3A_430 : vector<2x16xbf16> to vector<2x16xbf16>
    %swap3A_432 = vector.shape_cast %broadcast_in_dim3A_427 : vector<2x16xbf16> to vector<2x16xbf16>
    tpu.vector_store %arg11[%swap3A_428, %swap3A_429], %swap3A_432 {strides = array<i32>} : memref<160x16xbf16, #tpu.memory_space<vmem>>, vector<2x16xbf16>,
    %broadcast_in_dim3A_433 = arith.constant 0.000000e+00 : bf16
    %broadcast_in_dim3A_434 = vector.broadcast %broadcast_in_dim3A_433 : bf16 to vector<2x16xbf16>
    %swap3A_435 = arith.constant 124 : index
    %swap3A_436 = arith.constant 0 : index
    %swap3A_437 = tpu.vector_load %arg11[%swap3A_435, %swap3A_436] {strides = array<i32>} : memref<160x16xbf16, #tpu.memory_space<vmem>>, vector<2x16xbf16>,
    %swap3A_438 = vector.shape_cast %swap3A_437 : vector<2x16xbf16> to vector<2x16xbf16>
    %swap3A_439 = vector.shape_cast %broadcast_in_dim3A_434 : vector<2x16xbf16> to vector<2x16xbf16>
    tpu.vector_store %arg11[%swap3A_435, %swap3A_436], %swap3A_439 {strides = array<i32>} : memref<160x16xbf16, #tpu.memory_space<vmem>>, vector<2x16xbf16>,
    %broadcast_in_dim3A_440 = arith.constant 0.000000e+00 : bf16
    %broadcast_in_dim3A_441 = vector.broadcast %broadcast_in_dim3A_440 : bf16 to vector<2x16xbf16>
    %swap3A_442 = arith.constant 126 : index
    %swap3A_443 = arith.constant 0 : index
    %swap3A_444 = tpu.vector_load %arg11[%swap3A_442, %swap3A_443] {strides = array<i32>} : memref<160x16xbf16, #tpu.memory_space<vmem>>, vector<2x16xbf16>,
    %swap3A_445 = vector.shape_cast %swap3A_444 : vector<2x16xbf16> to vector<2x16xbf16>
    %swap3A_446 = vector.shape_cast %broadcast_in_dim3A_441 : vector<2x16xbf16> to vector<2x16xbf16>
    tpu.vector_store %arg11[%swap3A_442, %swap3A_443], %swap3A_446 {strides = array<i32>} : memref<160x16xbf16, #tpu.memory_space<vmem>>, vector<2x16xbf16>,
    %broadcast_in_dim3A_447 = arith.constant 0.000000e+00 : bf16
    %broadcast_in_dim3A_448 = vector.broadcast %broadcast_in_dim3A_447 : bf16 to vector<2x16xbf16>
    %swap3A_449 = arith.constant 128 : index
    %swap3A_450 = arith.constant 0 : index
    %swap3A_451 = tpu.vector_load %arg11[%swap3A_449, %swap3A_450] {strides = array<i32>} : memref<160x16xbf16, #tpu.memory_space<vmem>>, vector<2x16xbf16>,
    %swap3A_452 = vector.shape_cast %swap3A_451 : vector<2x16xbf16> to vector<2x16xbf16>
    %swap3A_453 = vector.shape_cast %broadcast_in_dim3A_448 : vector<2x16xbf16> to vector<2x16xbf16>
    tpu.vector_store %arg11[%swap3A_449, %swap3A_450], %swap3A_453 {strides = array<i32>} : memref<160x16xbf16, #tpu.memory_space<vmem>>, vector<2x16xbf16>,
    %broadcast_in_dim3A_454 = arith.constant 0.000000e+00 : bf16
    %broadcast_in_dim3A_455 = vector.broadcast %broadcast_in_dim3A_454 : bf16 to vector<2x16xbf16>
    %swap3A_456 = arith.constant 130 : index
    %swap3A_457 = arith.constant 0 : index
    %swap3A_458 = tpu.vector_load %arg11[%swap3A_456, %swap3A_457] {strides = array<i32>} : memref<160x16xbf16, #tpu.memory_space<vmem>>, vector<2x16xbf16>,
    %swap3A_459 = vector.shape_cast %swap3A_458 : vector<2x16xbf16> to vector<2x16xbf16>
    %swap3A_460 = vector.shape_cast %broadcast_in_dim3A_455 : vector<2x16xbf16> to vector<2x16xbf16>
    tpu.vector_store %arg11[%swap3A_456, %swap3A_457], %swap3A_460 {strides = array<i32>} : memref<160x16xbf16, #tpu.memory_space<vmem>>, vector<2x16xbf16>,
    %broadcast_in_dim3A_461 = arith.constant 0.000000e+00 : bf16
    %broadcast_in_dim3A_462 = vector.broadcast %broadcast_in_dim3A_461 : bf16 to vector<2x16xbf16>
    %swap3A_463 = arith.constant 132 : index
    %swap3A_464 = arith.constant 0 : index
    %swap3A_465 = tpu.vector_load %arg11[%swap3A_463, %swap3A_464] {strides = array<i32>} : memref<160x16xbf16, #tpu.memory_space<vmem>>, vector<2x16xbf16>,
    %swap3A_466 = vector.shape_cast %swap3A_465 : vector<2x16xbf16> to vector<2x16xbf16>
    %swap3A_467 = vector.shape_cast %broadcast_in_dim3A_462 : vector<2x16xbf16> to vector<2x16xbf16>
    tpu.vector_store %arg11[%swap3A_463, %swap3A_464], %swap3A_467 {strides = array<i32>} : memref<160x16xbf16, #tpu.memory_space<vmem>>, vector<2x16xbf16>,
    %broadcast_in_dim3A_468 = arith.constant 0.000000e+00 : bf16
    %broadcast_in_dim3A_469 = vector.broadcast %broadcast_in_dim3A_468 : bf16 to vector<2x16xbf16>
    %swap3A_470 = arith.constant 134 : index
    %swap3A_471 = arith.constant 0 : index
    %swap3A_472 = tpu.vector_load %arg11[%swap3A_470, %swap3A_471] {strides = array<i32>} : memref<160x16xbf16, #tpu.memory_space<vmem>>, vector<2x16xbf16>,
    %swap3A_473 = vector.shape_cast %swap3A_472 : vector<2x16xbf16> to vector<2x16xbf16>
    %swap3A_474 = vector.shape_cast %broadcast_in_dim3A_469 : vector<2x16xbf16> to vector<2x16xbf16>
    tpu.vector_store %arg11[%swap3A_470, %swap3A_471], %swap3A_474 {strides = array<i32>} : memref<160x16xbf16, #tpu.memory_space<vmem>>, vector<2x16xbf16>,
    %broadcast_in_dim3A_475 = arith.constant 0.000000e+00 : bf16
    %broadcast_in_dim3A_476 = vector.broadcast %broadcast_in_dim3A_475 : bf16 to vector<2x16xbf16>
    %swap3A_477 = arith.constant 136 : index
    %swap3A_478 = arith.constant 0 : index
    %swap3A_479 = tpu.vector_load %arg11[%swap3A_477, %swap3A_478] {strides = array<i32>} : memref<160x16xbf16, #tpu.memory_space<vmem>>, vector<2x16xbf16>,
    %swap3A_480 = vector.shape_cast %swap3A_479 : vector<2x16xbf16> to vector<2x16xbf16>
    %swap3A_481 = vector.shape_cast %broadcast_in_dim3A_476 : vector<2x16xbf16> to vector<2x16xbf16>
    tpu.vector_store %arg11[%swap3A_477, %swap3A_478], %swap3A_481 {strides = array<i32>} : memref<160x16xbf16, #tpu.memory_space<vmem>>, vector<2x16xbf16>,
    %broadcast_in_dim3A_482 = arith.constant 0.000000e+00 : bf16
    %broadcast_in_dim3A_483 = vector.broadcast %broadcast_in_dim3A_482 : bf16 to vector<2x16xbf16>
    %swap3A_484 = arith.constant 138 : index
    %swap3A_485 = arith.constant 0 : index
    %swap3A_486 = tpu.vector_load %arg11[%swap3A_484, %swap3A_485] {strides = array<i32>} : memref<160x16xbf16, #tpu.memory_space<vmem>>, vector<2x16xbf16>,
    %swap3A_487 = vector.shape_cast %swap3A_486 : vector<2x16xbf16> to vector<2x16xbf16>
    %swap3A_488 = vector.shape_cast %broadcast_in_dim3A_483 : vector<2x16xbf16> to vector<2x16xbf16>
    tpu.vector_store %arg11[%swap3A_484, %swap3A_485], %swap3A_488 {strides = array<i32>} : memref<160x16xbf16, #tpu.memory_space<vmem>>, vector<2x16xbf16>,
    %broadcast_in_dim3A_489 = arith.constant 0.000000e+00 : bf16
    %broadcast_in_dim3A_490 = vector.broadcast %broadcast_in_dim3A_489 : bf16 to vector<2x16xbf16>
    %swap3A_491 = arith.constant 140 : index
    %swap3A_492 = arith.constant 0 : index
    %swap3A_493 = tpu.vector_load %arg11[%swap3A_491, %swap3A_492] {strides = array<i32>} : memref<160x16xbf16, #tpu.memory_space<vmem>>, vector<2x16xbf16>,
    %swap3A_494 = vector.shape_cast %swap3A_493 : vector<2x16xbf16> to vector<2x16xbf16>
    %swap3A_495 = vector.shape_cast %broadcast_in_dim3A_490 : vector<2x16xbf16> to vector<2x16xbf16>
    tpu.vector_store %arg11[%swap3A_491, %swap3A_492], %swap3A_495 {strides = array<i32>} : memref<160x16xbf16, #tpu.memory_space<vmem>>, vector<2x16xbf16>,
    %broadcast_in_dim3A_496 = arith.constant 0.000000e+00 : bf16
    %broadcast_in_dim3A_497 = vector.broadcast %broadcast_in_dim3A_496 : bf16 to vector<2x16xbf16>
    %swap3A_498 = arith.constant 142 : index
    %swap3A_499 = arith.constant 0 : index
    %swap3A_500 = tpu.vector_load %arg11[%swap3A_498, %swap3A_499] {strides = array<i32>} : memref<160x16xbf16, #tpu.memory_space<vmem>>, vector<2x16xbf16>,
    %swap3A_501 = vector.shape_cast %swap3A_500 : vector<2x16xbf16> to vector<2x16xbf16>
    %swap3A_502 = vector.shape_cast %broadcast_in_dim3A_497 : vector<2x16xbf16> to vector<2x16xbf16>
    tpu.vector_store %arg11[%swap3A_498, %swap3A_499], %swap3A_502 {strides = array<i32>} : memref<160x16xbf16, #tpu.memory_space<vmem>>, vector<2x16xbf16>,
    %broadcast_in_dim3A_503 = arith.constant 0.000000e+00 : bf16
    %broadcast_in_dim3A_504 = vector.broadcast %broadcast_in_dim3A_503 : bf16 to vector<2x16xbf16>
    %swap3A_505 = arith.constant 144 : index
    %swap3A_506 = arith.constant 0 : index
    %swap3A_507 = tpu.vector_load %arg11[%swap3A_505, %swap3A_506] {strides = array<i32>} : memref<160x16xbf16, #tpu.memory_space<vmem>>, vector<2x16xbf16>,
    %swap3A_508 = vector.shape_cast %swap3A_507 : vector<2x16xbf16> to vector<2x16xbf16>
    %swap3A_509 = vector.shape_cast %broadcast_in_dim3A_504 : vector<2x16xbf16> to vector<2x16xbf16>
    tpu.vector_store %arg11[%swap3A_505, %swap3A_506], %swap3A_509 {strides = array<i32>} : memref<160x16xbf16, #tpu.memory_space<vmem>>, vector<2x16xbf16>,
    %broadcast_in_dim3A_510 = arith.constant 0.000000e+00 : bf16
    %broadcast_in_dim3A_511 = vector.broadcast %broadcast_in_dim3A_510 : bf16 to vector<2x16xbf16>
    %swap3A_512 = arith.constant 146 : index
    %swap3A_513 = arith.constant 0 : index
    %swap3A_514 = tpu.vector_load %arg11[%swap3A_512, %swap3A_513] {strides = array<i32>} : memref<160x16xbf16, #tpu.memory_space<vmem>>, vector<2x16xbf16>,
    %swap3A_515 = vector.shape_cast %swap3A_514 : vector<2x16xbf16> to vector<2x16xbf16>
    %swap3A_516 = vector.shape_cast %broadcast_in_dim3A_511 : vector<2x16xbf16> to vector<2x16xbf16>
    tpu.vector_store %arg11[%swap3A_512, %swap3A_513], %swap3A_516 {strides = array<i32>} : memref<160x16xbf16, #tpu.memory_space<vmem>>, vector<2x16xbf16>,
    %broadcast_in_dim3A_517 = arith.constant 0.000000e+00 : bf16
    %broadcast_in_dim3A_518 = vector.broadcast %broadcast_in_dim3A_517 : bf16 to vector<2x16xbf16>
    %swap3A_519 = arith.constant 148 : index
    %swap3A_520 = arith.constant 0 : index
    %swap3A_521 = tpu.vector_load %arg11[%swap3A_519, %swap3A_520] {strides = array<i32>} : memref<160x16xbf16, #tpu.memory_space<vmem>>, vector<2x16xbf16>,
    %swap3A_522 = vector.shape_cast %swap3A_521 : vector<2x16xbf16> to vector<2x16xbf16>
    %swap3A_523 = vector.shape_cast %broadcast_in_dim3A_518 : vector<2x16xbf16> to vector<2x16xbf16>
    tpu.vector_store %arg11[%swap3A_519, %swap3A_520], %swap3A_523 {strides = array<i32>} : memref<160x16xbf16, #tpu.memory_space<vmem>>, vector<2x16xbf16>,
    %broadcast_in_dim3A_524 = arith.constant 0.000000e+00 : bf16
    %broadcast_in_dim3A_525 = vector.broadcast %broadcast_in_dim3A_524 : bf16 to vector<2x16xbf16>
    %swap3A_526 = arith.constant 150 : index
    %swap3A_527 = arith.constant 0 : index
    %swap3A_528 = tpu.vector_load %arg11[%swap3A_526, %swap3A_527] {strides = array<i32>} : memref<160x16xbf16, #tpu.memory_space<vmem>>, vector<2x16xbf16>,
    %swap3A_529 = vector.shape_cast %swap3A_528 : vector<2x16xbf16> to vector<2x16xbf16>
    %swap3A_530 = vector.shape_cast %broadcast_in_dim3A_525 : vector<2x16xbf16> to vector<2x16xbf16>
    tpu.vector_store %arg11[%swap3A_526, %swap3A_527], %swap3A_530 {strides = array<i32>} : memref<160x16xbf16, #tpu.memory_space<vmem>>, vector<2x16xbf16>,
    %broadcast_in_dim3A_531 = arith.constant 0.000000e+00 : bf16
    %broadcast_in_dim3A_532 = vector.broadcast %broadcast_in_dim3A_531 : bf16 to vector<2x16xbf16>
    %swap3A_533 = arith.constant 152 : index
    %swap3A_534 = arith.constant 0 : index
    %swap3A_535 = tpu.vector_load %arg11[%swap3A_533, %swap3A_534] {strides = array<i32>} : memref<160x16xbf16, #tpu.memory_space<vmem>>, vector<2x16xbf16>,
    %swap3A_536 = vector.shape_cast %swap3A_535 : vector<2x16xbf16> to vector<2x16xbf16>
    %swap3A_537 = vector.shape_cast %broadcast_in_dim3A_532 : vector<2x16xbf16> to vector<2x16xbf16>
    tpu.vector_store %arg11[%swap3A_533, %swap3A_534], %swap3A_537 {strides = array<i32>} : memref<160x16xbf16, #tpu.memory_space<vmem>>, vector<2x16xbf16>,
    %broadcast_in_dim3A_538 = arith.constant 0.000000e+00 : bf16
    %broadcast_in_dim3A_539 = vector.broadcast %broadcast_in_dim3A_538 : bf16 to vector<2x16xbf16>
    %swap3A_540 = arith.constant 154 : index
    %swap3A_541 = arith.constant 0 : index
    %swap3A_542 = tpu.vector_load %arg11[%swap3A_540, %swap3A_541] {strides = array<i32>} : memref<160x16xbf16, #tpu.memory_space<vmem>>, vector<2x16xbf16>,
    %swap3A_543 = vector.shape_cast %swap3A_542 : vector<2x16xbf16> to vector<2x16xbf16>
    %swap3A_544 = vector.shape_cast %broadcast_in_dim3A_539 : vector<2x16xbf16> to vector<2x16xbf16>
    tpu.vector_store %arg11[%swap3A_540, %swap3A_541], %swap3A_544 {strides = array<i32>} : memref<160x16xbf16, #tpu.memory_space<vmem>>, vector<2x16xbf16>,
    %broadcast_in_dim3A_545 = arith.constant 0.000000e+00 : bf16
    %broadcast_in_dim3A_546 = vector.broadcast %broadcast_in_dim3A_545 : bf16 to vector<2x16xbf16>
    %swap3A_547 = arith.constant 156 : index
    %swap3A_548 = arith.constant 0 : index
    %swap3A_549 = tpu.vector_load %arg11[%swap3A_547, %swap3A_548] {strides = array<i32>} : memref<160x16xbf16, #tpu.memory_space<vmem>>, vector<2x16xbf16>,
    %swap3A_550 = vector.shape_cast %swap3A_549 : vector<2x16xbf16> to vector<2x16xbf16>
    %swap3A_551 = vector.shape_cast %broadcast_in_dim3A_546 : vector<2x16xbf16> to vector<2x16xbf16>
    tpu.vector_store %arg11[%swap3A_547, %swap3A_548], %swap3A_551 {strides = array<i32>} : memref<160x16xbf16, #tpu.memory_space<vmem>>, vector<2x16xbf16>,
    %broadcast_in_dim3A_552 = arith.constant 0.000000e+00 : bf16
    %broadcast_in_dim3A_553 = vector.broadcast %broadcast_in_dim3A_552 : bf16 to vector<2x16xbf16>
    %swap3A_554 = arith.constant 158 : index
    %swap3A_555 = arith.constant 0 : index
    %swap3A_556 = tpu.vector_load %arg11[%swap3A_554, %swap3A_555] {strides = array<i32>} : memref<160x16xbf16, #tpu.memory_space<vmem>>, vector<2x16xbf16>,
    %swap3A_557 = vector.shape_cast %swap3A_556 : vector<2x16xbf16> to vector<2x16xbf16>
    %swap3A_558 = vector.shape_cast %broadcast_in_dim3A_553 : vector<2x16xbf16> to vector<2x16xbf16>
    tpu.vector_store %arg11[%swap3A_554, %swap3A_555], %swap3A_558 {strides = array<i32>} : memref<160x16xbf16, #tpu.memory_space<vmem>>, vector<2x16xbf16>,
    %mul3A_559 = arith.constant 640 : i32
    %mul3A_560 = arith.muli %arg1, %mul3A_559 : i32
    %add3A_561 = arith.constant 0 : i32
    %add3A_562 = arith.addi %mul3A_560, %add3A_561 : i32
    "tpu.region"() ({
      %run_scoped3A = tpu.sem_alloc : memref<!tpu.dma_semaphore, #tpu.memory_space<semaphore_mem>>
      %dma_start3A_656 = arith.constant 0 : i32
      %dma_start3A_657 = tpu.memref_slice %arg12[%add3A_562, %dma_start3A_656] : memref<10240x16xbf16, #tpu.memory_space<vmem_shared>> -> memref<160x16xbf16, #tpu.memory_space<vmem_shared>>
      %dma_start3A_658 = arith.constant 0 : i32
      %dma_start3A_659 = tpu.memref_slice %arg12[%add3A_562, %dma_start3A_658] : memref<10240x16xbf16, #tpu.memory_space<vmem_shared>> -> memref<160x16xbf16, #tpu.memory_space<vmem_shared>>
      tpu.enqueue_dma source(%arg11 : memref<160x16xbf16, #tpu.memory_space<vmem>>) target(%dma_start3A_659 : memref<160x16xbf16, #tpu.memory_space<vmem_shared>>) target_semaphore(%run_scoped3A : memref<!tpu.dma_semaphore, #tpu.memory_space<semaphore_mem>>)
      %dma_wait3A_660 = arith.constant 0 : i32
      %dma_wait3A_661 = tpu.memref_slice %arg12[%add3A_562, %dma_wait3A_660] : memref<10240x16xbf16, #tpu.memory_space<vmem_shared>> -> memref<160x16xbf16, #tpu.memory_space<vmem_shared>>
      %dma_wait3A_662 = arith.constant 0 : i32
      %dma_wait3A_663 = tpu.memref_slice %arg12[%add3A_562, %dma_wait3A_662] : memref<10240x16xbf16, #tpu.memory_space<vmem_shared>> -> memref<160x16xbf16, #tpu.memory_space<vmem_shared>>
      tpu.wait_dma2 semaphore(%run_scoped3A : memref<!tpu.dma_semaphore, #tpu.memory_space<semaphore_mem>>) src(%arg11 : memref<160x16xbf16, #tpu.memory_space<vmem>>) dst(%dma_wait3A_663 : memref<160x16xbf16, #tpu.memory_space<vmem_shared>>)
      tpu.yield
    }) : () -> ()
    %mul3A_563 = arith.constant 640 : i32
    %mul3A_564 = arith.muli %arg1, %mul3A_563 : i32
    %add3A_565 = arith.constant 160 : i32
    %add3A_566 = arith.addi %mul3A_564, %add3A_565 : i32
    "tpu.region"() ({
      %run_scoped3A = tpu.sem_alloc : memref<!tpu.dma_semaphore, #tpu.memory_space<semaphore_mem>>
      %dma_start3A_656 = arith.constant 0 : i32
      %dma_start3A_657 = tpu.memref_slice %arg12[%add3A_566, %dma_start3A_656] : memref<10240x16xbf16, #tpu.memory_space<vmem_shared>> -> memref<160x16xbf16, #tpu.memory_space<vmem_shared>>
      %dma_start3A_658 = arith.constant 0 : i32
      %dma_start3A_659 = tpu.memref_slice %arg12[%add3A_566, %dma_start3A_658] : memref<10240x16xbf16, #tpu.memory_space<vmem_shared>> -> memref<160x16xbf16, #tpu.memory_space<vmem_shared>>
      tpu.enqueue_dma source(%arg11 : memref<160x16xbf16, #tpu.memory_space<vmem>>) target(%dma_start3A_659 : memref<160x16xbf16, #tpu.memory_space<vmem_shared>>) target_semaphore(%run_scoped3A : memref<!tpu.dma_semaphore, #tpu.memory_space<semaphore_mem>>)
      %dma_wait3A_660 = arith.constant 0 : i32
      %dma_wait3A_661 = tpu.memref_slice %arg12[%add3A_566, %dma_wait3A_660] : memref<10240x16xbf16, #tpu.memory_space<vmem_shared>> -> memref<160x16xbf16, #tpu.memory_space<vmem_shared>>
      %dma_wait3A_662 = arith.constant 0 : i32
      %dma_wait3A_663 = tpu.memref_slice %arg12[%add3A_566, %dma_wait3A_662] : memref<10240x16xbf16, #tpu.memory_space<vmem_shared>> -> memref<160x16xbf16, #tpu.memory_space<vmem_shared>>
      tpu.wait_dma2 semaphore(%run_scoped3A : memref<!tpu.dma_semaphore, #tpu.memory_space<semaphore_mem>>) src(%arg11 : memref<160x16xbf16, #tpu.memory_space<vmem>>) dst(%dma_wait3A_663 : memref<160x16xbf16, #tpu.memory_space<vmem_shared>>)
      tpu.yield
    }) : () -> ()
    %mul3A_567 = arith.constant 640 : i32
    %mul3A_568 = arith.muli %arg1, %mul3A_567 : i32
    %add3A_569 = arith.constant 320 : i32
    %add3A_570 = arith.addi %mul3A_568, %add3A_569 : i32
    "tpu.region"() ({
      %run_scoped3A = tpu.sem_alloc : memref<!tpu.dma_semaphore, #tpu.memory_space<semaphore_mem>>
      %dma_start3A_656 = arith.constant 0 : i32
      %dma_start3A_657 = tpu.memref_slice %arg12[%add3A_570, %dma_start3A_656] : memref<10240x16xbf16, #tpu.memory_space<vmem_shared>> -> memref<160x16xbf16, #tpu.memory_space<vmem_shared>>
      %dma_start3A_658 = arith.constant 0 : i32
      %dma_start3A_659 = tpu.memref_slice %arg12[%add3A_570, %dma_start3A_658] : memref<10240x16xbf16, #tpu.memory_space<vmem_shared>> -> memref<160x16xbf16, #tpu.memory_space<vmem_shared>>
      tpu.enqueue_dma source(%arg11 : memref<160x16xbf16, #tpu.memory_space<vmem>>) target(%dma_start3A_659 : memref<160x16xbf16, #tpu.memory_space<vmem_shared>>) target_semaphore(%run_scoped3A : memref<!tpu.dma_semaphore, #tpu.memory_space<semaphore_mem>>)
      %dma_wait3A_660 = arith.constant 0 : i32
      %dma_wait3A_661 = tpu.memref_slice %arg12[%add3A_570, %dma_wait3A_660] : memref<10240x16xbf16, #tpu.memory_space<vmem_shared>> -> memref<160x16xbf16, #tpu.memory_space<vmem_shared>>
      %dma_wait3A_662 = arith.constant 0 : i32
      %dma_wait3A_663 = tpu.memref_slice %arg12[%add3A_570, %dma_wait3A_662] : memref<10240x16xbf16, #tpu.memory_space<vmem_shared>> -> memref<160x16xbf16, #tpu.memory_space<vmem_shared>>
      tpu.wait_dma2 semaphore(%run_scoped3A : memref<!tpu.dma_semaphore, #tpu.memory_space<semaphore_mem>>) src(%arg11 : memref<160x16xbf16, #tpu.memory_space<vmem>>) dst(%dma_wait3A_663 : memref<160x16xbf16, #tpu.memory_space<vmem_shared>>)
      tpu.yield
    }) : () -> ()
    %mul3A_571 = arith.constant 640 : i32
    %mul3A_572 = arith.muli %arg1, %mul3A_571 : i32
    %add3A_573 = arith.constant 480 : i32
    %add3A_574 = arith.addi %mul3A_572, %add3A_573 : i32
    "tpu.region"() ({
      %run_scoped3A = tpu.sem_alloc : memref<!tpu.dma_semaphore, #tpu.memory_space<semaphore_mem>>
      %dma_start3A_656 = arith.constant 0 : i32
      %dma_start3A_657 = tpu.memref_slice %arg12[%add3A_574, %dma_start3A_656] : memref<10240x16xbf16, #tpu.memory_space<vmem_shared>> -> memref<160x16xbf16, #tpu.memory_space<vmem_shared>>
      %dma_start3A_658 = arith.constant 0 : i32
      %dma_start3A_659 = tpu.memref_slice %arg12[%add3A_574, %dma_start3A_658] : memref<10240x16xbf16, #tpu.memory_space<vmem_shared>> -> memref<160x16xbf16, #tpu.memory_space<vmem_shared>>
      tpu.enqueue_dma source(%arg11 : memref<160x16xbf16, #tpu.memory_space<vmem>>) target(%dma_start3A_659 : memref<160x16xbf16, #tpu.memory_space<vmem_shared>>) target_semaphore(%run_scoped3A : memref<!tpu.dma_semaphore, #tpu.memory_space<semaphore_mem>>)
      %dma_wait3A_660 = arith.constant 0 : i32
      %dma_wait3A_661 = tpu.memref_slice %arg12[%add3A_574, %dma_wait3A_660] : memref<10240x16xbf16, #tpu.memory_space<vmem_shared>> -> memref<160x16xbf16, #tpu.memory_space<vmem_shared>>
      %dma_wait3A_662 = arith.constant 0 : i32
      %dma_wait3A_663 = tpu.memref_slice %arg12[%add3A_574, %dma_wait3A_662] : memref<10240x16xbf16, #tpu.memory_space<vmem_shared>> -> memref<160x16xbf16, #tpu.memory_space<vmem_shared>>
      tpu.wait_dma2 semaphore(%run_scoped3A : memref<!tpu.dma_semaphore, #tpu.memory_space<semaphore_mem>>) src(%arg11 : memref<160x16xbf16, #tpu.memory_space<vmem>>) dst(%dma_wait3A_663 : memref<160x16xbf16, #tpu.memory_space<vmem_shared>>)
      tpu.yield
    }) : () -> ()
    %mul3A_575 = arith.constant 78 : i32
    %mul3A_576 = arith.muli %add3A, %mul3A_575 : i32
    %mul3A_577 = arith.constant 128 : i32
    %mul3A_578 = arith.muli %mul3A_576, %mul3A_577 : i32
    "tpu.region"() ({
      %run_scoped3A = tpu.sem_alloc : memref<!tpu.dma_semaphore, #tpu.memory_space<semaphore_mem>>
      %dma_start3A_656 = arith.constant 0 : i32
      %dma_start3A_657 = tpu.memref_slice %arg6[%dma_start3A_656] : memref<10112xi32, #tpu.memory_space<vmem>> -> memref<9984xi32, #tpu.memory_space<vmem>>
      %dma_start3A_658 = tpu.memref_slice %arg3[%mul3A_578] : memref<320000xi32, #tpu.memory_space<hbm>> -> memref<9984xi32, #tpu.memory_space<hbm>>
      %dma_start3A_659 = arith.constant 0 : i32
      %dma_start3A_660 = tpu.memref_slice %arg6[%dma_start3A_659] : memref<10112xi32, #tpu.memory_space<vmem>> -> memref<9984xi32, #tpu.memory_space<vmem>>
      %dma_start3A_661 = tpu.memref_slice %arg3[%mul3A_578] : memref<320000xi32, #tpu.memory_space<hbm>> -> memref<9984xi32, #tpu.memory_space<hbm>>
      tpu.enqueue_dma source(%dma_start3A_661 : memref<9984xi32, #tpu.memory_space<hbm>>) target(%dma_start3A_660 : memref<9984xi32, #tpu.memory_space<vmem>>) target_semaphore(%run_scoped3A : memref<!tpu.dma_semaphore, #tpu.memory_space<semaphore_mem>>)
      %dma_wait3A_662 = arith.constant 0 : i32
      %dma_wait3A_663 = tpu.memref_slice %arg6[%dma_wait3A_662] : memref<10112xi32, #tpu.memory_space<vmem>> -> memref<9984xi32, #tpu.memory_space<vmem>>
      %dma_wait3A_664 = tpu.memref_slice %arg3[%mul3A_578] : memref<320000xi32, #tpu.memory_space<hbm>> -> memref<9984xi32, #tpu.memory_space<hbm>>
      %dma_wait3A_665 = arith.constant 0 : i32
      %dma_wait3A_666 = tpu.memref_slice %arg6[%dma_wait3A_665] : memref<10112xi32, #tpu.memory_space<vmem>> -> memref<9984xi32, #tpu.memory_space<vmem>>
      %dma_wait3A_667 = tpu.memref_slice %arg3[%mul3A_578] : memref<320000xi32, #tpu.memory_space<hbm>> -> memref<9984xi32, #tpu.memory_space<hbm>>
      tpu.wait_dma2 semaphore(%run_scoped3A : memref<!tpu.dma_semaphore, #tpu.memory_space<semaphore_mem>>) src(%dma_wait3A_667 : memref<9984xi32, #tpu.memory_space<hbm>>) dst(%dma_wait3A_666 : memref<9984xi32, #tpu.memory_space<vmem>>)
      tpu.yield
    }) : () -> ()
    %mul3A_579 = arith.constant 78 : i32
    %mul3A_580 = arith.muli %add3A, %mul3A_579 : i32
    "tpu.region"() ({
      %run_scoped3A = tpu.sem_alloc : memref<!tpu.dma_semaphore, #tpu.memory_space<semaphore_mem>>
      %dma_start3A_656 = arith.constant 0 : i32
      %dma_start3A_657 = arith.constant 0 : i32
      %dma_start3A_658 = tpu.memref_slice %arg7[%dma_start3A_656, %dma_start3A_657] : memref<79x128xi32, #tpu.memory_space<vmem>> -> memref<78x128xi32, #tpu.memory_space<vmem>>
      %dma_start3A_659 = arith.constant 0 : i32
      %dma_start3A_660 = tpu.memref_slice %arg4[%mul3A_580, %dma_start3A_659] : memref<2500x128xi32, #tpu.memory_space<hbm>> -> memref<78x128xi32, #tpu.memory_space<hbm>>
      %dma_start3A_661 = arith.constant 0 : i32
      %dma_start3A_662 = arith.constant 0 : i32
      %dma_start3A_663 = tpu.memref_slice %arg7[%dma_start3A_661, %dma_start3A_662] : memref<79x128xi32, #tpu.memory_space<vmem>> -> memref<78x128xi32, #tpu.memory_space<vmem>>
      %dma_start3A_664 = arith.constant 0 : i32
      %dma_start3A_665 = tpu.memref_slice %arg4[%mul3A_580, %dma_start3A_664] : memref<2500x128xi32, #tpu.memory_space<hbm>> -> memref<78x128xi32, #tpu.memory_space<hbm>>
      tpu.enqueue_dma source(%dma_start3A_665 : memref<78x128xi32, #tpu.memory_space<hbm>>) target(%dma_start3A_663 : memref<78x128xi32, #tpu.memory_space<vmem>>) target_semaphore(%run_scoped3A : memref<!tpu.dma_semaphore, #tpu.memory_space<semaphore_mem>>)
      %dma_wait3A_666 = arith.constant 0 : i32
      %dma_wait3A_667 = arith.constant 0 : i32
      %dma_wait3A_668 = tpu.memref_slice %arg7[%dma_wait3A_666, %dma_wait3A_667] : memref<79x128xi32, #tpu.memory_space<vmem>> -> memref<78x128xi32, #tpu.memory_space<vmem>>
      %dma_wait3A_669 = arith.constant 0 : i32
      %dma_wait3A_670 = tpu.memref_slice %arg4[%mul3A_580, %dma_wait3A_669] : memref<2500x128xi32, #tpu.memory_space<hbm>> -> memref<78x128xi32, #tpu.memory_space<hbm>>
      %dma_wait3A_671 = arith.constant 0 : i32
      %dma_wait3A_672 = arith.constant 0 : i32
      %dma_wait3A_673 = tpu.memref_slice %arg7[%dma_wait3A_671, %dma_wait3A_672] : memref<79x128xi32, #tpu.memory_space<vmem>> -> memref<78x128xi32, #tpu.memory_space<vmem>>
      %dma_wait3A_674 = arith.constant 0 : i32
      %dma_wait3A_675 = tpu.memref_slice %arg4[%mul3A_580, %dma_wait3A_674] : memref<2500x128xi32, #tpu.memory_space<hbm>> -> memref<78x128xi32, #tpu.memory_space<hbm>>
      tpu.wait_dma2 semaphore(%run_scoped3A : memref<!tpu.dma_semaphore, #tpu.memory_space<semaphore_mem>>) src(%dma_wait3A_675 : memref<78x128xi32, #tpu.memory_space<hbm>>) dst(%dma_wait3A_673 : memref<78x128xi32, #tpu.memory_space<vmem>>)
      tpu.yield
    }) : () -> ()
    %lt3A = arith.constant 4 : i32
    %lt3A_581 = arith.cmpi slt, %add3A, %lt3A : i32
    %convert_element_type3A = arith.extui %lt3A_581 : i1 to i32
    %cond3A = arith.constant 0 : i32
    %cond3A_582 = arith.cmpi ne, %convert_element_type3A, %cond3A : i32
    scf.if %cond3A_582 {
      %add3A_656 = arith.constant 2496 : i32
      %add3A_657 = arith.addi %add3A_656, %add3A : i32
      %mul3A_658 = arith.constant 128 : i32
      %mul3A_659 = arith.muli %add3A_657, %mul3A_658 : i32
      "tpu.region"() ({
        %run_scoped3A = tpu.sem_alloc : memref<!tpu.dma_semaphore, #tpu.memory_space<semaphore_mem>>
        %dma_start3A_662 = arith.constant 9984 : i32
        %dma_start3A_663 = tpu.memref_slice %arg6[%dma_start3A_662] : memref<10112xi32, #tpu.memory_space<vmem>> -> memref<128xi32, #tpu.memory_space<vmem>>
        %dma_start3A_664 = tpu.memref_slice %arg3[%mul3A_659] : memref<320000xi32, #tpu.memory_space<hbm>> -> memref<128xi32, #tpu.memory_space<hbm>>
        %dma_start3A_665 = arith.constant 9984 : i32
        %dma_start3A_666 = tpu.memref_slice %arg6[%dma_start3A_665] : memref<10112xi32, #tpu.memory_space<vmem>> -> memref<128xi32, #tpu.memory_space<vmem>>
        %dma_start3A_667 = tpu.memref_slice %arg3[%mul3A_659] : memref<320000xi32, #tpu.memory_space<hbm>> -> memref<128xi32, #tpu.memory_space<hbm>>
        tpu.enqueue_dma source(%dma_start3A_667 : memref<128xi32, #tpu.memory_space<hbm>>) target(%dma_start3A_666 : memref<128xi32, #tpu.memory_space<vmem>>) target_semaphore(%run_scoped3A : memref<!tpu.dma_semaphore, #tpu.memory_space<semaphore_mem>>)
        %dma_wait3A_668 = arith.constant 9984 : i32
        %dma_wait3A_669 = tpu.memref_slice %arg6[%dma_wait3A_668] : memref<10112xi32, #tpu.memory_space<vmem>> -> memref<128xi32, #tpu.memory_space<vmem>>
        %dma_wait3A_670 = tpu.memref_slice %arg3[%mul3A_659] : memref<320000xi32, #tpu.memory_space<hbm>> -> memref<128xi32, #tpu.memory_space<hbm>>
        %dma_wait3A_671 = arith.constant 9984 : i32
        %dma_wait3A_672 = tpu.memref_slice %arg6[%dma_wait3A_671] : memref<10112xi32, #tpu.memory_space<vmem>> -> memref<128xi32, #tpu.memory_space<vmem>>
        %dma_wait3A_673 = tpu.memref_slice %arg3[%mul3A_659] : memref<320000xi32, #tpu.memory_space<hbm>> -> memref<128xi32, #tpu.memory_space<hbm>>
        tpu.wait_dma2 semaphore(%run_scoped3A : memref<!tpu.dma_semaphore, #tpu.memory_space<semaphore_mem>>) src(%dma_wait3A_673 : memref<128xi32, #tpu.memory_space<hbm>>) dst(%dma_wait3A_672 : memref<128xi32, #tpu.memory_space<vmem>>)
        tpu.yield
      }) : () -> ()
      %add3A_660 = arith.constant 2496 : i32
      %add3A_661 = arith.addi %add3A_660, %add3A : i32
      "tpu.region"() ({
        %run_scoped3A = tpu.sem_alloc : memref<!tpu.dma_semaphore, #tpu.memory_space<semaphore_mem>>
        %dma_start3A_662 = arith.constant 78 : i32
        %dma_start3A_663 = arith.constant 0 : i32
        %dma_start3A_664 = tpu.memref_slice %arg7[%dma_start3A_662, %dma_start3A_663] : memref<79x128xi32, #tpu.memory_space<vmem>> -> memref<1x128xi32, #tpu.memory_space<vmem>>
        %dma_start3A_665 = arith.constant 0 : i32
        %dma_start3A_666 = tpu.memref_slice %arg4[%add3A_661, %dma_start3A_665] : memref<2500x128xi32, #tpu.memory_space<hbm>> -> memref<1x128xi32, #tpu.memory_space<hbm>>
        %dma_start3A_667 = arith.constant 78 : i32
        %dma_start3A_668 = arith.constant 0 : i32
        %dma_start3A_669 = tpu.memref_slice %arg7[%dma_start3A_667, %dma_start3A_668] : memref<79x128xi32, #tpu.memory_space<vmem>> -> memref<1x128xi32, #tpu.memory_space<vmem>>
        %dma_start3A_670 = arith.constant 0 : i32
        %dma_start3A_671 = tpu.memref_slice %arg4[%add3A_661, %dma_start3A_670] : memref<2500x128xi32, #tpu.memory_space<hbm>> -> memref<1x128xi32, #tpu.memory_space<hbm>>
        tpu.enqueue_dma source(%dma_start3A_671 : memref<1x128xi32, #tpu.memory_space<hbm>>) target(%dma_start3A_669 : memref<1x128xi32, #tpu.memory_space<vmem>>) target_semaphore(%run_scoped3A : memref<!tpu.dma_semaphore, #tpu.memory_space<semaphore_mem>>)
        %dma_wait3A_672 = arith.constant 78 : i32
        %dma_wait3A_673 = arith.constant 0 : i32
        %dma_wait3A_674 = tpu.memref_slice %arg7[%dma_wait3A_672, %dma_wait3A_673] : memref<79x128xi32, #tpu.memory_space<vmem>> -> memref<1x128xi32, #tpu.memory_space<vmem>>
        %dma_wait3A_675 = arith.constant 0 : i32
        %dma_wait3A_676 = tpu.memref_slice %arg4[%add3A_661, %dma_wait3A_675] : memref<2500x128xi32, #tpu.memory_space<hbm>> -> memref<1x128xi32, #tpu.memory_space<hbm>>
        %dma_wait3A_677 = arith.constant 78 : i32
        %dma_wait3A_678 = arith.constant 0 : i32
        %dma_wait3A_679 = tpu.memref_slice %arg7[%dma_wait3A_677, %dma_wait3A_678] : memref<79x128xi32, #tpu.memory_space<vmem>> -> memref<1x128xi32, #tpu.memory_space<vmem>>
        %dma_wait3A_680 = arith.constant 0 : i32
        %dma_wait3A_681 = tpu.memref_slice %arg4[%add3A_661, %dma_wait3A_680] : memref<2500x128xi32, #tpu.memory_space<hbm>> -> memref<1x128xi32, #tpu.memory_space<hbm>>
        tpu.wait_dma2 semaphore(%run_scoped3A : memref<!tpu.dma_semaphore, #tpu.memory_space<semaphore_mem>>) src(%dma_wait3A_681 : memref<1x128xi32, #tpu.memory_space<hbm>>) dst(%dma_wait3A_679 : memref<1x128xi32, #tpu.memory_space<vmem>>)
        tpu.yield
      }) : () -> ()
    } else {
    }
    %barrier3A = arith.constant 0 : index
    tpu.barrier barrier_id(%barrier3A)
    %dma_start3A = arith.constant 0 : i32
    %dma_start3A_583 = tpu.memref_slice %arg6[%dma_start3A] : memref<10112xi32, #tpu.memory_space<vmem>> -> memref<3328xi32, #tpu.memory_space<vmem>>
    %dma_start3A_584 = arith.constant 0 : i32
    %dma_start3A_585 = arith.constant 0 : i32
    %dma_start3A_586 = tpu.memref_slice %arg2[%dma_start3A_584, %dma_start3A_585] : memref<10000x16xbf16, #tpu.memory_space<hbm>> -> memref<10000x16xbf16, #tpu.memory_space<hbm>>
    tpu.enqueue_indirect_dma source(%dma_start3A_586 : memref<10000x16xbf16, #tpu.memory_space<hbm>>) target(%arg8 : memref<3328x16xbf16, #tpu.memory_space<vmem>>) offsets(%dma_start3A_583 : memref<3328xi32, #tpu.memory_space<vmem>>) semaphore(%arg13 : memref<!tpu.dma_semaphore, #tpu.memory_space<semaphore_mem>>)
    %dma_wait3A = arith.constant 0 : i32
    %dma_wait3A_587 = tpu.memref_slice %arg6[%dma_wait3A] : memref<10112xi32, #tpu.memory_space<vmem>> -> memref<3328xi32, #tpu.memory_space<vmem>>
    %dma_wait3A_588 = arith.constant 0 : i32
    %dma_wait3A_589 = arith.constant 0 : i32
    %dma_wait3A_590 = tpu.memref_slice %arg2[%dma_wait3A_588, %dma_wait3A_589] : memref<10000x16xbf16, #tpu.memory_space<hbm>> -> memref<10000x16xbf16, #tpu.memory_space<hbm>>
    tpu.wait_indirect_dma semaphore(%arg13 : memref<!tpu.dma_semaphore, #tpu.memory_space<semaphore_mem>>) src(%dma_wait3A_590 : memref<10000x16xbf16, #tpu.memory_space<hbm>>) dst(%arg8 : memref<3328x16xbf16, #tpu.memory_space<vmem>>)
    %scan3A = arith.constant 0 : i32
    %scan3A_591 = arith.constant 0 : i32
    %scan3A_592 = arith.constant 26 : i32
    %scan3A_593 = arith.addi %scan3A_591, %scan3A_592 : i32
    %scan3A_594 = arith.constant 1 : i32
    scf.for %scan3A_656 = %scan3A_591 to %scan3A_593 step %scan3A_594  : i32 {
      %mul3A_657 = arith.constant 128 : i32
      %mul3A_658 = arith.muli %scan3A_656, %mul3A_657 : i32
      %add3A_659 = arith.constant 0 : i32
      %add3A_660 = arith.addi %add3A_659, %scan3A_656 : i32
      %dma_start3A_661 = arith.constant 0 : i32
      %dma_start3A_662 = tpu.memref_slice %arg8[%mul3A_658, %dma_start3A_661] : memref<3328x16xbf16, #tpu.memory_space<vmem>> -> memref<128x16xbf16, #tpu.memory_space<vmem>>
      %dma_start3A_663 = arith.constant 0 : i32
      %dma_start3A_664 = tpu.memref_slice %arg7[%add3A_660, %dma_start3A_663] : memref<79x128xi32, #tpu.memory_space<vmem>> -> memref<1x128xi32, #tpu.memory_space<vmem>>
      %dma_start3A_665 = tpu.memref_squeeze %dma_start3A_664 : memref<1x128xi32, #tpu.memory_space<vmem>> -> memref<128xi32, #tpu.memory_space<vmem>>
      %dma_start3A_666 = arith.constant 0 : i32
      %dma_start3A_667 = arith.constant 0 : i32
      %dma_start3A_668 = tpu.memref_slice %arg12[%dma_start3A_666, %dma_start3A_667] : memref<10240x16xbf16, #tpu.memory_space<vmem_shared>> -> memref<10240x16xbf16, #tpu.memory_space<vmem_shared>>
      tpu.enqueue_indirect_dma source(%dma_start3A_662 : memref<128x16xbf16, #tpu.memory_space<vmem>>) target(%dma_start3A_668 : memref<10240x16xbf16, #tpu.memory_space<vmem_shared>>) offsets(%dma_start3A_665 : memref<128xi32, #tpu.memory_space<vmem>>) semaphore(%arg15 : memref<!tpu.dma_semaphore, #tpu.memory_space<semaphore_mem>>) {add = true}
    }
    %scan3A_595 = arith.constant 26 : i32
    %dma_start3A_596 = arith.constant 3328 : i32
    %dma_start3A_597 = tpu.memref_slice %arg6[%dma_start3A_596] : memref<10112xi32, #tpu.memory_space<vmem>> -> memref<3328xi32, #tpu.memory_space<vmem>>
    %dma_start3A_598 = arith.constant 0 : i32
    %dma_start3A_599 = arith.constant 0 : i32
    %dma_start3A_600 = tpu.memref_slice %arg2[%dma_start3A_598, %dma_start3A_599] : memref<10000x16xbf16, #tpu.memory_space<hbm>> -> memref<10000x16xbf16, #tpu.memory_space<hbm>>
    tpu.enqueue_indirect_dma source(%dma_start3A_600 : memref<10000x16xbf16, #tpu.memory_space<hbm>>) target(%arg9 : memref<3328x16xbf16, #tpu.memory_space<vmem>>) offsets(%dma_start3A_597 : memref<3328xi32, #tpu.memory_space<vmem>>) semaphore(%arg14 : memref<!tpu.dma_semaphore, #tpu.memory_space<semaphore_mem>>)
    %dma_wait3A_601 = arith.constant 3328 : i32
    %dma_wait3A_602 = tpu.memref_slice %arg6[%dma_wait3A_601] : memref<10112xi32, #tpu.memory_space<vmem>> -> memref<3328xi32, #tpu.memory_space<vmem>>
    %dma_wait3A_603 = arith.constant 0 : i32
    %dma_wait3A_604 = arith.constant 0 : i32
    %dma_wait3A_605 = tpu.memref_slice %arg2[%dma_wait3A_603, %dma_wait3A_604] : memref<10000x16xbf16, #tpu.memory_space<hbm>> -> memref<10000x16xbf16, #tpu.memory_space<hbm>>
    tpu.wait_indirect_dma semaphore(%arg14 : memref<!tpu.dma_semaphore, #tpu.memory_space<semaphore_mem>>) src(%dma_wait3A_605 : memref<10000x16xbf16, #tpu.memory_space<hbm>>) dst(%arg9 : memref<3328x16xbf16, #tpu.memory_space<vmem>>)
    %scan3A_606 = arith.constant 0 : i32
    %scan3A_607 = arith.constant 0 : i32
    %scan3A_608 = arith.constant 26 : i32
    %scan3A_609 = arith.addi %scan3A_607, %scan3A_608 : i32
    %scan3A_610 = arith.constant 1 : i32
    scf.for %scan3A_656 = %scan3A_607 to %scan3A_609 step %scan3A_610  : i32 {
      %mul3A_657 = arith.constant 128 : i32
      %mul3A_658 = arith.muli %scan3A_656, %mul3A_657 : i32
      %add3A_659 = arith.constant 26 : i32
      %add3A_660 = arith.addi %add3A_659, %scan3A_656 : i32
      %dma_start3A_661 = arith.constant 0 : i32
      %dma_start3A_662 = tpu.memref_slice %arg9[%mul3A_658, %dma_start3A_661] : memref<3328x16xbf16, #tpu.memory_space<vmem>> -> memref<128x16xbf16, #tpu.memory_space<vmem>>
      %dma_start3A_663 = arith.constant 0 : i32
      %dma_start3A_664 = tpu.memref_slice %arg7[%add3A_660, %dma_start3A_663] : memref<79x128xi32, #tpu.memory_space<vmem>> -> memref<1x128xi32, #tpu.memory_space<vmem>>
      %dma_start3A_665 = tpu.memref_squeeze %dma_start3A_664 : memref<1x128xi32, #tpu.memory_space<vmem>> -> memref<128xi32, #tpu.memory_space<vmem>>
      %dma_start3A_666 = arith.constant 0 : i32
      %dma_start3A_667 = arith.constant 0 : i32
      %dma_start3A_668 = tpu.memref_slice %arg12[%dma_start3A_666, %dma_start3A_667] : memref<10240x16xbf16, #tpu.memory_space<vmem_shared>> -> memref<10240x16xbf16, #tpu.memory_space<vmem_shared>>
      tpu.enqueue_indirect_dma source(%dma_start3A_662 : memref<128x16xbf16, #tpu.memory_space<vmem>>) target(%dma_start3A_668 : memref<10240x16xbf16, #tpu.memory_space<vmem_shared>>) offsets(%dma_start3A_665 : memref<128xi32, #tpu.memory_space<vmem>>) semaphore(%arg16 : memref<!tpu.dma_semaphore, #tpu.memory_space<semaphore_mem>>) {add = true}
    }
    %scan3A_611 = arith.constant 26 : i32
    %scan3A_612 = arith.constant 0 : i32
    %scan3A_613 = arith.constant 0 : i32
    %scan3A_614 = arith.constant 26 : i32
    %scan3A_615 = arith.addi %scan3A_613, %scan3A_614 : i32
    %scan3A_616 = arith.constant 1 : i32
    scf.for %scan3A_656 = %scan3A_613 to %scan3A_615 step %scan3A_616  : i32 {
      %mul3A_657 = arith.constant 128 : i32
      %mul3A_658 = arith.muli %scan3A_656, %mul3A_657 : i32
      %add3A_659 = arith.constant 0 : i32
      %add3A_660 = arith.addi %add3A_659, %scan3A_656 : i32
      %dma_wait3A_661 = arith.constant 0 : i32
      %dma_wait3A_662 = tpu.memref_slice %arg8[%mul3A_658, %dma_wait3A_661] : memref<3328x16xbf16, #tpu.memory_space<vmem>> -> memref<128x16xbf16, #tpu.memory_space<vmem>>
      %dma_wait3A_663 = arith.constant 0 : i32
      %dma_wait3A_664 = tpu.memref_slice %arg7[%add3A_660, %dma_wait3A_663] : memref<79x128xi32, #tpu.memory_space<vmem>> -> memref<1x128xi32, #tpu.memory_space<vmem>>
      %dma_wait3A_665 = tpu.memref_squeeze %dma_wait3A_664 : memref<1x128xi32, #tpu.memory_space<vmem>> -> memref<128xi32, #tpu.memory_space<vmem>>
      %dma_wait3A_666 = arith.constant 0 : i32
      %dma_wait3A_667 = arith.constant 0 : i32
      %dma_wait3A_668 = tpu.memref_slice %arg12[%dma_wait3A_666, %dma_wait3A_667] : memref<10240x16xbf16, #tpu.memory_space<vmem_shared>> -> memref<10240x16xbf16, #tpu.memory_space<vmem_shared>>
      tpu.wait_indirect_dma semaphore(%arg15 : memref<!tpu.dma_semaphore, #tpu.memory_space<semaphore_mem>>) src(%dma_wait3A_662 : memref<128x16xbf16, #tpu.memory_space<vmem>>) dst(%dma_wait3A_668 : memref<10240x16xbf16, #tpu.memory_space<vmem_shared>>)
    }
    %scan3A_617 = arith.constant 26 : i32
    %dma_start3A_618 = arith.constant 6656 : i32
    %dma_start3A_619 = tpu.memref_slice %arg6[%dma_start3A_618] : memref<10112xi32, #tpu.memory_space<vmem>> -> memref<3328xi32, #tpu.memory_space<vmem>>
    %dma_start3A_620 = arith.constant 0 : i32
    %dma_start3A_621 = arith.constant 0 : i32
    %dma_start3A_622 = tpu.memref_slice %arg2[%dma_start3A_620, %dma_start3A_621] : memref<10000x16xbf16, #tpu.memory_space<hbm>> -> memref<10000x16xbf16, #tpu.memory_space<hbm>>
    tpu.enqueue_indirect_dma source(%dma_start3A_622 : memref<10000x16xbf16, #tpu.memory_space<hbm>>) target(%arg8 : memref<3328x16xbf16, #tpu.memory_space<vmem>>) offsets(%dma_start3A_619 : memref<3328xi32, #tpu.memory_space<vmem>>) semaphore(%arg13 : memref<!tpu.dma_semaphore, #tpu.memory_space<semaphore_mem>>)
    %dma_wait3A_623 = arith.constant 6656 : i32
    %dma_wait3A_624 = tpu.memref_slice %arg6[%dma_wait3A_623] : memref<10112xi32, #tpu.memory_space<vmem>> -> memref<3328xi32, #tpu.memory_space<vmem>>
    %dma_wait3A_625 = arith.constant 0 : i32
    %dma_wait3A_626 = arith.constant 0 : i32
    %dma_wait3A_627 = tpu.memref_slice %arg2[%dma_wait3A_625, %dma_wait3A_626] : memref<10000x16xbf16, #tpu.memory_space<hbm>> -> memref<10000x16xbf16, #tpu.memory_space<hbm>>
    tpu.wait_indirect_dma semaphore(%arg13 : memref<!tpu.dma_semaphore, #tpu.memory_space<semaphore_mem>>) src(%dma_wait3A_627 : memref<10000x16xbf16, #tpu.memory_space<hbm>>) dst(%arg8 : memref<3328x16xbf16, #tpu.memory_space<vmem>>)
    %scan3A_628 = arith.constant 0 : i32
    %scan3A_629 = arith.constant 0 : i32
    %scan3A_630 = arith.constant 26 : i32
    %scan3A_631 = arith.addi %scan3A_629, %scan3A_630 : i32
    %scan3A_632 = arith.constant 1 : i32
    scf.for %scan3A_656 = %scan3A_629 to %scan3A_631 step %scan3A_632  : i32 {
      %mul3A_657 = arith.constant 128 : i32
      %mul3A_658 = arith.muli %scan3A_656, %mul3A_657 : i32
      %add3A_659 = arith.constant 52 : i32
      %add3A_660 = arith.addi %add3A_659, %scan3A_656 : i32
      %dma_start3A_661 = arith.constant 0 : i32
      %dma_start3A_662 = tpu.memref_slice %arg8[%mul3A_658, %dma_start3A_661] : memref<3328x16xbf16, #tpu.memory_space<vmem>> -> memref<128x16xbf16, #tpu.memory_space<vmem>>
      %dma_start3A_663 = arith.constant 0 : i32
      %dma_start3A_664 = tpu.memref_slice %arg7[%add3A_660, %dma_start3A_663] : memref<79x128xi32, #tpu.memory_space<vmem>> -> memref<1x128xi32, #tpu.memory_space<vmem>>
      %dma_start3A_665 = tpu.memref_squeeze %dma_start3A_664 : memref<1x128xi32, #tpu.memory_space<vmem>> -> memref<128xi32, #tpu.memory_space<vmem>>
      %dma_start3A_666 = arith.constant 0 : i32
      %dma_start3A_667 = arith.constant 0 : i32
      %dma_start3A_668 = tpu.memref_slice %arg12[%dma_start3A_666, %dma_start3A_667] : memref<10240x16xbf16, #tpu.memory_space<vmem_shared>> -> memref<10240x16xbf16, #tpu.memory_space<vmem_shared>>
      tpu.enqueue_indirect_dma source(%dma_start3A_662 : memref<128x16xbf16, #tpu.memory_space<vmem>>) target(%dma_start3A_668 : memref<10240x16xbf16, #tpu.memory_space<vmem_shared>>) offsets(%dma_start3A_665 : memref<128xi32, #tpu.memory_space<vmem>>) semaphore(%arg15 : memref<!tpu.dma_semaphore, #tpu.memory_space<semaphore_mem>>) {add = true}
    }
    %scan3A_633 = arith.constant 26 : i32
    %scan3A_634 = arith.constant 0 : i32
    %scan3A_635 = arith.constant 0 : i32
    %scan3A_636 = arith.constant 26 : i32
    %scan3A_637 = arith.addi %scan3A_635, %scan3A_636 : i32
    %scan3A_638 = arith.constant 1 : i32
    scf.for %scan3A_656 = %scan3A_635 to %scan3A_637 step %scan3A_638  : i32 {
      %mul3A_657 = arith.constant 128 : i32
      %mul3A_658 = arith.muli %scan3A_656, %mul3A_657 : i32
      %add3A_659 = arith.constant 26 : i32
      %add3A_660 = arith.addi %add3A_659, %scan3A_656 : i32
      %dma_wait3A_661 = arith.constant 0 : i32
      %dma_wait3A_662 = tpu.memref_slice %arg9[%mul3A_658, %dma_wait3A_661] : memref<3328x16xbf16, #tpu.memory_space<vmem>> -> memref<128x16xbf16, #tpu.memory_space<vmem>>
      %dma_wait3A_663 = arith.constant 0 : i32
      %dma_wait3A_664 = tpu.memref_slice %arg7[%add3A_660, %dma_wait3A_663] : memref<79x128xi32, #tpu.memory_space<vmem>> -> memref<1x128xi32, #tpu.memory_space<vmem>>
      %dma_wait3A_665 = tpu.memref_squeeze %dma_wait3A_664 : memref<1x128xi32, #tpu.memory_space<vmem>> -> memref<128xi32, #tpu.memory_space<vmem>>
      %dma_wait3A_666 = arith.constant 0 : i32
      %dma_wait3A_667 = arith.constant 0 : i32
      %dma_wait3A_668 = tpu.memref_slice %arg12[%dma_wait3A_666, %dma_wait3A_667] : memref<10240x16xbf16, #tpu.memory_space<vmem_shared>> -> memref<10240x16xbf16, #tpu.memory_space<vmem_shared>>
      tpu.wait_indirect_dma semaphore(%arg16 : memref<!tpu.dma_semaphore, #tpu.memory_space<semaphore_mem>>) src(%dma_wait3A_662 : memref<128x16xbf16, #tpu.memory_space<vmem>>) dst(%dma_wait3A_668 : memref<10240x16xbf16, #tpu.memory_space<vmem_shared>>)
    }
    %scan3A_639 = arith.constant 26 : i32
    %scan3A_640 = arith.constant 0 : i32
    %scan3A_641 = arith.constant 0 : i32
    %scan3A_642 = arith.constant 26 : i32
    %scan3A_643 = arith.addi %scan3A_641, %scan3A_642 : i32
    %scan3A_644 = arith.constant 1 : i32
    scf.for %scan3A_656 = %scan3A_641 to %scan3A_643 step %scan3A_644  : i32 {
      %mul3A_657 = arith.constant 128 : i32
      %mul3A_658 = arith.muli %scan3A_656, %mul3A_657 : i32
      %add3A_659 = arith.constant 52 : i32
      %add3A_660 = arith.addi %add3A_659, %scan3A_656 : i32
      %dma_wait3A_661 = arith.constant 0 : i32
      %dma_wait3A_662 = tpu.memref_slice %arg8[%mul3A_658, %dma_wait3A_661] : memref<3328x16xbf16, #tpu.memory_space<vmem>> -> memref<128x16xbf16, #tpu.memory_space<vmem>>
      %dma_wait3A_663 = arith.constant 0 : i32
      %dma_wait3A_664 = tpu.memref_slice %arg7[%add3A_660, %dma_wait3A_663] : memref<79x128xi32, #tpu.memory_space<vmem>> -> memref<1x128xi32, #tpu.memory_space<vmem>>
      %dma_wait3A_665 = tpu.memref_squeeze %dma_wait3A_664 : memref<1x128xi32, #tpu.memory_space<vmem>> -> memref<128xi32, #tpu.memory_space<vmem>>
      %dma_wait3A_666 = arith.constant 0 : i32
      %dma_wait3A_667 = arith.constant 0 : i32
      %dma_wait3A_668 = tpu.memref_slice %arg12[%dma_wait3A_666, %dma_wait3A_667] : memref<10240x16xbf16, #tpu.memory_space<vmem_shared>> -> memref<10240x16xbf16, #tpu.memory_space<vmem_shared>>
      tpu.wait_indirect_dma semaphore(%arg15 : memref<!tpu.dma_semaphore, #tpu.memory_space<semaphore_mem>>) src(%dma_wait3A_662 : memref<128x16xbf16, #tpu.memory_space<vmem>>) dst(%dma_wait3A_668 : memref<10240x16xbf16, #tpu.memory_space<vmem_shared>>)
    }
    %scan3A_645 = arith.constant 26 : i32
    %lt3A_646 = arith.constant 4 : i32
    %lt3A_647 = arith.cmpi slt, %add3A, %lt3A_646 : i32
    %convert_element_type3A_648 = arith.extui %lt3A_647 : i1 to i32
    %cond3A_649 = arith.constant 0 : i32
    %cond3A_650 = arith.cmpi ne, %convert_element_type3A_648, %cond3A_649 : i32
    scf.if %cond3A_650 {
      %dma_start3A_656 = arith.constant 9984 : i32
      %dma_start3A_657 = tpu.memref_slice %arg6[%dma_start3A_656] : memref<10112xi32, #tpu.memory_space<vmem>> -> memref<128xi32, #tpu.memory_space<vmem>>
      %dma_start3A_658 = arith.constant 0 : i32
      %dma_start3A_659 = arith.constant 0 : i32
      %dma_start3A_660 = tpu.memref_slice %arg2[%dma_start3A_658, %dma_start3A_659] : memref<10000x16xbf16, #tpu.memory_space<hbm>> -> memref<10000x16xbf16, #tpu.memory_space<hbm>>
      tpu.enqueue_indirect_dma source(%dma_start3A_660 : memref<10000x16xbf16, #tpu.memory_space<hbm>>) target(%arg10 : memref<128x16xbf16, #tpu.memory_space<vmem>>) offsets(%dma_start3A_657 : memref<128xi32, #tpu.memory_space<vmem>>) semaphore(%arg13 : memref<!tpu.dma_semaphore, #tpu.memory_space<semaphore_mem>>)
      %dma_wait3A_661 = arith.constant 9984 : i32
      %dma_wait3A_662 = tpu.memref_slice %arg6[%dma_wait3A_661] : memref<10112xi32, #tpu.memory_space<vmem>> -> memref<128xi32, #tpu.memory_space<vmem>>
      %dma_wait3A_663 = arith.constant 0 : i32
      %dma_wait3A_664 = arith.constant 0 : i32
      %dma_wait3A_665 = tpu.memref_slice %arg2[%dma_wait3A_663, %dma_wait3A_664] : memref<10000x16xbf16, #tpu.memory_space<hbm>> -> memref<10000x16xbf16, #tpu.memory_space<hbm>>
      tpu.wait_indirect_dma semaphore(%arg13 : memref<!tpu.dma_semaphore, #tpu.memory_space<semaphore_mem>>) src(%dma_wait3A_665 : memref<10000x16xbf16, #tpu.memory_space<hbm>>) dst(%arg10 : memref<128x16xbf16, #tpu.memory_space<vmem>>)
      %run_scoped3A = arith.constant 78 : i32
      "tpu.region"() ({
        %run_scoped3A_666 = tpu.sem_alloc : memref<!tpu.dma_semaphore, #tpu.memory_space<semaphore_mem>>
        %dma_start3A_667 = arith.constant 0 : i32
        %dma_start3A_668 = tpu.memref_slice %arg7[%run_scoped3A, %dma_start3A_667] : memref<79x128xi32, #tpu.memory_space<vmem>> -> memref<1x128xi32, #tpu.memory_space<vmem>>
        %dma_start3A_669 = tpu.memref_squeeze %dma_start3A_668 : memref<1x128xi32, #tpu.memory_space<vmem>> -> memref<128xi32, #tpu.memory_space<vmem>>
        %dma_start3A_670 = arith.constant 0 : i32
        %dma_start3A_671 = arith.constant 0 : i32
        %dma_start3A_672 = tpu.memref_slice %arg12[%dma_start3A_670, %dma_start3A_671] : memref<10240x16xbf16, #tpu.memory_space<vmem_shared>> -> memref<10240x16xbf16, #tpu.memory_space<vmem_shared>>
        tpu.enqueue_indirect_dma source(%arg10 : memref<128x16xbf16, #tpu.memory_space<vmem>>) target(%dma_start3A_672 : memref<10240x16xbf16, #tpu.memory_space<vmem_shared>>) offsets(%dma_start3A_669 : memref<128xi32, #tpu.memory_space<vmem>>) semaphore(%run_scoped3A_666 : memref<!tpu.dma_semaphore, #tpu.memory_space<semaphore_mem>>) {add = true}
        %dma_wait3A_673 = arith.constant 0 : i32
        %dma_wait3A_674 = tpu.memref_slice %arg7[%run_scoped3A, %dma_wait3A_673] : memref<79x128xi32, #tpu.memory_space<vmem>> -> memref<1x128xi32, #tpu.memory_space<vmem>>
        %dma_wait3A_675 = tpu.memref_squeeze %dma_wait3A_674 : memref<1x128xi32, #tpu.memory_space<vmem>> -> memref<128xi32, #tpu.memory_space<vmem>>
        %dma_wait3A_676 = arith.constant 0 : i32
        %dma_wait3A_677 = arith.constant 0 : i32
        %dma_wait3A_678 = tpu.memref_slice %arg12[%dma_wait3A_676, %dma_wait3A_677] : memref<10240x16xbf16, #tpu.memory_space<vmem_shared>> -> memref<10240x16xbf16, #tpu.memory_space<vmem_shared>>
        tpu.wait_indirect_dma semaphore(%run_scoped3A_666 : memref<!tpu.dma_semaphore, #tpu.memory_space<semaphore_mem>>) src(%arg10 : memref<128x16xbf16, #tpu.memory_space<vmem>>) dst(%dma_wait3A_678 : memref<10240x16xbf16, #tpu.memory_space<vmem_shared>>)
        tpu.yield
      }) : () -> ()
    } else {
    }
    %barrier3A_651 = arith.constant 0 : index
    tpu.barrier barrier_id(%barrier3A_651)
    %mul3A_652 = arith.constant 640 : i32
    %mul3A_653 = arith.muli %arg1, %mul3A_652 : i32
    %mul3A_654 = arith.constant 640 : i32
    %mul3A_655 = arith.muli %arg1, %mul3A_654 : i32
    "tpu.region"() ({
      %run_scoped3A = tpu.sem_alloc : memref<!tpu.dma_semaphore, #tpu.memory_space<semaphore_mem>>
      %dma_start3A_656 = arith.constant 0 : i32
      %dma_start3A_657 = tpu.memref_slice %arg5[%arg0, %mul3A_655, %dma_start3A_656] : memref<2x10240x16xbf16, #tpu.memory_space<hbm>> -> memref<1x640x16xbf16, #tpu.memory_space<hbm>>
      %dma_start3A_658 = tpu.memref_squeeze %dma_start3A_657 : memref<1x640x16xbf16, #tpu.memory_space<hbm>> -> memref<640x16xbf16, #tpu.memory_space<hbm>>
      %dma_start3A_659 = arith.constant 0 : i32
      %dma_start3A_660 = tpu.memref_slice %arg12[%mul3A_653, %dma_start3A_659] : memref<10240x16xbf16, #tpu.memory_space<vmem_shared>> -> memref<640x16xbf16, #tpu.memory_space<vmem_shared>>
      tpu.enqueue_dma source(%dma_start3A_660 : memref<640x16xbf16, #tpu.memory_space<vmem_shared>>) target(%dma_start3A_658 : memref<640x16xbf16, #tpu.memory_space<hbm>>) target_semaphore(%run_scoped3A : memref<!tpu.dma_semaphore, #tpu.memory_space<semaphore_mem>>)
      %dma_wait3A_661 = arith.constant 0 : i32
      %dma_wait3A_662 = tpu.memref_slice %arg5[%arg0, %mul3A_655, %dma_wait3A_661] : memref<2x10240x16xbf16, #tpu.memory_space<hbm>> -> memref<1x640x16xbf16, #tpu.memory_space<hbm>>
      %dma_wait3A_663 = tpu.memref_squeeze %dma_wait3A_662 : memref<1x640x16xbf16, #tpu.memory_space<hbm>> -> memref<640x16xbf16, #tpu.memory_space<hbm>>
      %dma_wait3A_664 = arith.constant 0 : i32
      %dma_wait3A_665 = tpu.memref_slice %arg12[%mul3A_653, %dma_wait3A_664] : memref<10240x16xbf16, #tpu.memory_space<vmem_shared>> -> memref<640x16xbf16, #tpu.memory_space<vmem_shared>>
      tpu.wait_dma2 semaphore(%run_scoped3A : memref<!tpu.dma_semaphore, #tpu.memory_space<semaphore_mem>>) src(%dma_wait3A_665 : memref<640x16xbf16, #tpu.memory_space<vmem_shared>>) dst(%dma_wait3A_663 : memref<640x16xbf16, #tpu.memory_space<hbm>>)
      tpu.yield
    }) : () -> ()
    return
  }
}

module attributes {stable_mosaic.version = 14 : i64} {
  func.func @_tc1_body(%arg0: memref<10000x128xf32, #tpu.memory_space<vmem>>, %arg1: memref<128x16xf32, #tpu.memory_space<vmem>>, %arg2: memref<2x10240xf32, #tpu.memory_space<vmem>>, %arg3: memref<10000x16xbf16, #tpu.memory_space<vmem>>, %arg4: memref<10000x1xf32, #tpu.memory_space<vmem>>) attributes {dimension_semantics = [], scalar_prefetch = 0 : i64, scratch_operands = 0 : i64, tpu.core_type = #tpu.core_type<tc>} {
    %get3A = arith.constant 0 : index
    %get3A_0 = arith.constant 0 : index
    %get3A_1 = vector.load %arg2[%get3A, %get3A_0] : memref<2x10240xf32, #tpu.memory_space<vmem>>, vector<1x10240xf32>
    %get3A_2 = vector.shape_cast %get3A_1 : vector<1x10240xf32> to vector<10240xf32>
    %get3A_3 = arith.constant 1 : index
    %get3A_4 = arith.constant 0 : index
    %get3A_5 = vector.load %arg2[%get3A_3, %get3A_4] : memref<2x10240xf32, #tpu.memory_space<vmem>>, vector<1x10240xf32>
    %get3A_6 = vector.shape_cast %get3A_5 : vector<1x10240xf32> to vector<10240xf32>
    %add3A = arith.addf %get3A_2, %get3A_6 : vector<10240xf32>
    %add3A_7 = arith.constant 1.000000e+00 : f32
    %add3A_8 = vector.broadcast %add3A_7 : f32 to vector<10240xf32>
    %add3A_9 = arith.addf %add3A, %add3A_8 : vector<10240xf32>
    %max3A = arith.constant 1.000000e+00 : f32
    %max3A_10 = vector.broadcast %max3A : f32 to vector<10240xf32>
    %max3A_11 = arith.maximumf %add3A_9, %max3A_10 : vector<10240xf32>
    %rsqrt3A = math.rsqrt %max3A_11 : vector<10240xf32>
    %slice3A = vector.extract_strided_slice %rsqrt3A {offsets = [0], sizes = [10000], strides = [1]} : vector<10240xf32> to vector<10000xf32>
    %broadcast_in_dim3A = vector.shape_cast %slice3A : vector<10000xf32> to vector<10000x1xf32>
    %get3A_12 = arith.constant 0 : index
    %get3A_13 = arith.constant 0 : index
    %get3A_14 = vector.load %arg0[%get3A_12, %get3A_13] : memref<10000x128xf32, #tpu.memory_space<vmem>>, vector<10000x128xf32>
    %get3A_15 = arith.constant 0 : index
    %get3A_16 = arith.constant 0 : index
    %get3A_17 = vector.load %arg1[%get3A_15, %get3A_16] : memref<128x16xf32, #tpu.memory_space<vmem>>, vector<128x16xf32>
    %dot_general3A = arith.constant dense<0.000000e+00> : vector<10000x16xf32>
    %dot_general3A_18 = tpu.matmul %get3A_14, %get3A_17, %dot_general3A {dimension_numbers = #tpu.dot_dimension_numbers<[1], [0], [0], [1], [0, 0, 1, 1], [], []>, transpose_lhs_hint = false} : vector<10000x128xf32>, vector<128x16xf32>, vector<10000x16xf32> -> vector<10000x16xf32>
    %mul3A = vector.broadcast %broadcast_in_dim3A : vector<10000x1xf32> to vector<10000x16xf32>
    %mul3A_19 = arith.mulf %dot_general3A_18, %mul3A : vector<10000x16xf32>
    %convert_element_type3A = arith.truncf %mul3A_19 : vector<10000x16xf32> to vector<10000x16xbf16>
    %swap3A = arith.constant 0 : index
    %swap3A_20 = arith.constant 0 : index
    %swap3A_21 = vector.load %arg3[%swap3A, %swap3A_20] : memref<10000x16xbf16, #tpu.memory_space<vmem>>, vector<10000x16xbf16>
    tpu.vector_store %arg3[%swap3A, %swap3A_20], %convert_element_type3A {strides = array<i32>} : memref<10000x16xbf16, #tpu.memory_space<vmem>>, vector<10000x16xbf16>,
    %swap3A_22 = arith.constant 0 : index
    %swap3A_23 = arith.constant 0 : index
    %swap3A_24 = vector.load %arg4[%swap3A_22, %swap3A_23] : memref<10000x1xf32, #tpu.memory_space<vmem>>, vector<10000x1xf32>
    tpu.vector_store %arg4[%swap3A_22, %swap3A_23], %broadcast_in_dim3A {strides = array<i32>} : memref<10000x1xf32, #tpu.memory_space<vmem>>, vector<10000x1xf32>,
    return
  }
}

module attributes {stable_mosaic.version = 14 : i64} {
  func.func @_tc2_body(%arg0: memref<2x10240x16xbf16, #tpu.memory_space<vmem>>, %arg1: memref<10000x16xbf16, #tpu.memory_space<vmem>>, %arg2: memref<10000x1xf32, #tpu.memory_space<vmem>>, %arg3: memref<16x16xf32, #tpu.memory_space<vmem>>, %arg4: memref<1x16xf32, #tpu.memory_space<vmem>>, %arg5: memref<10000x16xbf16, #tpu.memory_space<vmem>>) attributes {dimension_semantics = [], scalar_prefetch = 0 : i64, scratch_operands = 0 : i64, tpu.core_type = #tpu.core_type<tc>} {
    %get3A = arith.constant 0 : index
    %get3A_0 = arith.constant 0 : index
    %get3A_1 = vector.load %arg2[%get3A, %get3A_0] : memref<10000x1xf32, #tpu.memory_space<vmem>>, vector<10000x1xf32>
    %get3A_2 = arith.constant 0 : index
    %get3A_3 = arith.constant 0 : index
    %get3A_4 = arith.constant 0 : index
    %get3A_5 = vector.load %arg0[%get3A_2, %get3A_3, %get3A_4] : memref<2x10240x16xbf16, #tpu.memory_space<vmem>>, vector<1x10000x16xbf16>
    %get3A_6 = vector.shape_cast %get3A_5 : vector<1x10000x16xbf16> to vector<10000x16xbf16>
    %convert_element_type3A = arith.extf %get3A_6 : vector<10000x16xbf16> to vector<10000x16xf32>
    %get3A_7 = arith.constant 1 : index
    %get3A_8 = arith.constant 0 : index
    %get3A_9 = arith.constant 0 : index
    %get3A_10 = vector.load %arg0[%get3A_7, %get3A_8, %get3A_9] : memref<2x10240x16xbf16, #tpu.memory_space<vmem>>, vector<1x10000x16xbf16>
    %get3A_11 = vector.shape_cast %get3A_10 : vector<1x10000x16xbf16> to vector<10000x16xbf16>
    %convert_element_type3A_12 = arith.extf %get3A_11 : vector<10000x16xbf16> to vector<10000x16xf32>
    %add3A = arith.addf %convert_element_type3A, %convert_element_type3A_12 : vector<10000x16xf32>
    %get3A_13 = arith.constant 0 : index
    %get3A_14 = arith.constant 0 : index
    %get3A_15 = vector.load %arg1[%get3A_13, %get3A_14] : memref<10000x16xbf16, #tpu.memory_space<vmem>>, vector<10000x16xbf16>
    %convert_element_type3A_16 = arith.extf %get3A_15 : vector<10000x16xbf16> to vector<10000x16xf32>
    %add3A_17 = arith.addf %add3A, %convert_element_type3A_16 : vector<10000x16xf32>
    %mul3A = vector.broadcast %get3A_1 : vector<10000x1xf32> to vector<10000x16xf32>
    %mul3A_18 = arith.mulf %add3A_17, %mul3A : vector<10000x16xf32>
    %get3A_19 = arith.constant 0 : index
    %get3A_20 = arith.constant 0 : index
    %get3A_21 = vector.load %arg4[%get3A_19, %get3A_20] : memref<1x16xf32, #tpu.memory_space<vmem>>, vector<1x16xf32>
    %add3A_22 = vector.broadcast %get3A_21 : vector<1x16xf32> to vector<10000x16xf32>
    %add3A_23 = arith.addf %mul3A_18, %add3A_22 : vector<10000x16xf32>
    %max3A = arith.constant 0.000000e+00 : f32
    %max3A_24 = vector.broadcast %max3A : f32 to vector<10000x16xf32>
    %max3A_25 = arith.maximumf %add3A_23, %max3A_24 : vector<10000x16xf32>
    %get3A_26 = arith.constant 0 : index
    %get3A_27 = arith.constant 0 : index
    %get3A_28 = vector.load %arg3[%get3A_26, %get3A_27] : memref<16x16xf32, #tpu.memory_space<vmem>>, vector<16x16xf32>
    %dot_general3A = arith.constant dense<0.000000e+00> : vector<10000x16xf32>
    %dot_general3A_29 = tpu.matmul %max3A_25, %get3A_28, %dot_general3A {dimension_numbers = #tpu.dot_dimension_numbers<[1], [0], [0], [1], [0, 0, 1, 1], [], []>, transpose_lhs_hint = false} : vector<10000x16xf32>, vector<16x16xf32>, vector<10000x16xf32> -> vector<10000x16xf32>
    %mul3A_30 = vector.broadcast %get3A_1 : vector<10000x1xf32> to vector<10000x16xf32>
    %mul3A_31 = arith.mulf %dot_general3A_29, %mul3A_30 : vector<10000x16xf32>
    %convert_element_type3A_32 = arith.truncf %mul3A_31 : vector<10000x16xf32> to vector<10000x16xbf16>
    %swap3A = arith.constant 0 : index
    %swap3A_33 = arith.constant 0 : index
    %swap3A_34 = vector.load %arg5[%swap3A, %swap3A_33] : memref<10000x16xbf16, #tpu.memory_space<vmem>>, vector<10000x16xbf16>
    tpu.vector_store %arg5[%swap3A, %swap3A_33], %convert_element_type3A_32 {strides = array<i32>} : memref<10000x16xbf16, #tpu.memory_space<vmem>>, vector<10000x16xbf16>,
    return
  }
}

module attributes {stable_mosaic.version = 14 : i64} {
  func.func @_tc3_body(%arg0: memref<2x10240x16xbf16, #tpu.memory_space<vmem>>, %arg1: memref<10000x16xbf16, #tpu.memory_space<vmem>>, %arg2: memref<10000x1xf32, #tpu.memory_space<vmem>>, %arg3: memref<1x16xf32, #tpu.memory_space<vmem>>, %arg4: memref<1x10000xi32, #tpu.memory_space<vmem>>, %arg5: memref<64x10xf32, #tpu.memory_space<vmem>>) attributes {dimension_semantics = [], scalar_prefetch = 0 : i64, scratch_operands = 0 : i64, tpu.core_type = #tpu.core_type<tc>} {
    %get3A = arith.constant 0 : index
    %get3A_0 = arith.constant 0 : index
    %get3A_1 = vector.load %arg2[%get3A, %get3A_0] : memref<10000x1xf32, #tpu.memory_space<vmem>>, vector<10000x1xf32>
    %get3A_2 = arith.constant 0 : index
    %get3A_3 = arith.constant 0 : index
    %get3A_4 = arith.constant 0 : index
    %get3A_5 = vector.load %arg0[%get3A_2, %get3A_3, %get3A_4] : memref<2x10240x16xbf16, #tpu.memory_space<vmem>>, vector<1x10000x16xbf16>
    %get3A_6 = vector.shape_cast %get3A_5 : vector<1x10000x16xbf16> to vector<10000x16xbf16>
    %convert_element_type3A = arith.extf %get3A_6 : vector<10000x16xbf16> to vector<10000x16xf32>
    %get3A_7 = arith.constant 1 : index
    %get3A_8 = arith.constant 0 : index
    %get3A_9 = arith.constant 0 : index
    %get3A_10 = vector.load %arg0[%get3A_7, %get3A_8, %get3A_9] : memref<2x10240x16xbf16, #tpu.memory_space<vmem>>, vector<1x10000x16xbf16>
    %get3A_11 = vector.shape_cast %get3A_10 : vector<1x10000x16xbf16> to vector<10000x16xbf16>
    %convert_element_type3A_12 = arith.extf %get3A_11 : vector<10000x16xbf16> to vector<10000x16xf32>
    %add3A = arith.addf %convert_element_type3A, %convert_element_type3A_12 : vector<10000x16xf32>
    %get3A_13 = arith.constant 0 : index
    %get3A_14 = arith.constant 0 : index
    %get3A_15 = vector.load %arg1[%get3A_13, %get3A_14] : memref<10000x16xbf16, #tpu.memory_space<vmem>>, vector<10000x16xbf16>
    %convert_element_type3A_16 = arith.extf %get3A_15 : vector<10000x16xbf16> to vector<10000x16xf32>
    %add3A_17 = arith.addf %add3A, %convert_element_type3A_16 : vector<10000x16xf32>
    %mul3A = vector.broadcast %get3A_1 : vector<10000x1xf32> to vector<10000x16xf32>
    %mul3A_18 = arith.mulf %add3A_17, %mul3A : vector<10000x16xf32>
    %get3A_19 = arith.constant 0 : index
    %get3A_20 = arith.constant 0 : index
    %get3A_21 = vector.load %arg3[%get3A_19, %get3A_20] : memref<1x16xf32, #tpu.memory_space<vmem>>, vector<1x16xf32>
    %add3A_22 = vector.broadcast %get3A_21 : vector<1x16xf32> to vector<10000x16xf32>
    %add3A_23 = arith.addf %mul3A_18, %add3A_22 : vector<10000x16xf32>
    %iota3A = tpu.iota {dimensions = array<i32: 0>} : vector<64x10000xi32>
    %get3A_24 = arith.constant 0 : index
    %get3A_25 = arith.constant 0 : index
    %get3A_26 = vector.load %arg4[%get3A_24, %get3A_25] : memref<1x10000xi32, #tpu.memory_space<vmem>>, vector<1x10000xi32>
    %eq3A = vector.broadcast %get3A_26 : vector<1x10000xi32> to vector<64x10000xi32>
    %eq3A_27 = arith.cmpi eq, %iota3A, %eq3A : vector<64x10000xi32>
    %jit3A = arith.constant 1.000000e+00 : f32
    %jit3A_28 = arith.constant 0.000000e+00 : f32
    %broadcast_in_dim3A = vector.broadcast %jit3A : f32 to vector<64x10000xf32>
    %broadcast_in_dim3A_29 = vector.broadcast %jit3A_28 : f32 to vector<64x10000xf32>
    %select_n3A = arith.select %eq3A_27, %broadcast_in_dim3A, %broadcast_in_dim3A_29 : vector<64x10000xi1>, vector<64x10000xf32>
    %dot_general3A = arith.constant dense<0.000000e+00> : vector<64x16xf32>
    %dot_general3A_30 = tpu.matmul %select_n3A, %add3A_23, %dot_general3A {dimension_numbers = #tpu.dot_dimension_numbers<[1], [0], [0], [1], [0, 0, 1, 1], [], []>, transpose_lhs_hint = false} : vector<64x10000xf32>, vector<10000x16xf32>, vector<64x16xf32> -> vector<64x16xf32>
    %reduce_sum3A = arith.constant dense<0.000000e+00> : vector<64xf32>
    %reduce_sum3A_31 = vector.multi_reduction <add>, %select_n3A, %reduce_sum3A [1] : vector<64x10000xf32> to vector<64xf32>
    %broadcast_in_dim3A_32 = vector.shape_cast %reduce_sum3A_31 : vector<64xf32> to vector<64x1xf32>
    %slice3A = vector.extract_strided_slice %dot_general3A_30 {offsets = [0, 0], sizes = [64, 10], strides = [1, 1]} : vector<64x16xf32> to vector<64x10xf32>
    %max3A = arith.constant 1.000000e+00 : f32
    %max3A_33 = vector.broadcast %max3A : f32 to vector<64x1xf32>
    %max3A_34 = arith.maximumf %broadcast_in_dim3A_32, %max3A_33 : vector<64x1xf32>
    %div3A = vector.broadcast %max3A_34 : vector<64x1xf32> to vector<64x10xf32>
    %div3A_35 = arith.divf %slice3A, %div3A : vector<64x10xf32>
    %reduce_max3A = arith.constant dense<0xFF800000> : vector<64xf32>
    %reduce_max3A_36 = vector.multi_reduction <maximumf>, %div3A_35, %reduce_max3A [1] : vector<64x10xf32> to vector<64xf32>
    %broadcast_in_dim3A_37 = vector.shape_cast %reduce_max3A_36 : vector<64xf32> to vector<64x1xf32>
    %sub3A = vector.broadcast %broadcast_in_dim3A_37 : vector<64x1xf32> to vector<64x10xf32>
    %sub3A_38 = arith.subf %div3A_35, %sub3A : vector<64x10xf32>
    %exp3A = math.exp %sub3A_38 : vector<64x10xf32>
    %reduce_sum3A_39 = arith.constant dense<0.000000e+00> : vector<64xf32>
    %reduce_sum3A_40 = vector.multi_reduction <add>, %exp3A, %reduce_sum3A_39 [1] : vector<64x10xf32> to vector<64xf32>
    %broadcast_in_dim3A_41 = vector.shape_cast %reduce_sum3A_40 : vector<64xf32> to vector<64x1xf32>
    %log3A = math.log %broadcast_in_dim3A_41 : vector<64x1xf32>
    %sub3A_42 = vector.broadcast %log3A : vector<64x1xf32> to vector<64x10xf32>
    %sub3A_43 = arith.subf %sub3A_38, %sub3A_42 : vector<64x10xf32>
    %swap3A = arith.constant 0 : index
    %swap3A_44 = arith.constant 0 : index
    %swap3A_45 = vector.load %arg5[%swap3A, %swap3A_44] : memref<64x10xf32, #tpu.memory_space<vmem>>, vector<64x10xf32>
    tpu.vector_store %arg5[%swap3A, %swap3A_44], %sub3A_43 {strides = array<i32>} : memref<64x10xf32, #tpu.memory_space<vmem>>, vector<64x10xf32>,
    return
  }
}

</mosaic_0001>

<sc_bundles>
// kernel: kernel.11.cloned.1.call-start
scs
__scs_entry_jumppad:
0x0: {  	(pc) =	sbr.rel $0x88, $3  }
0x1: {  	(tag) =	ssettag $0x0;
	lr =	simm.s32 $0x1  }
0x2: {  	[smem:$0x3F9A] =	sst lr;
	_ =	strace $0xD0000000  }
0x3: {  	_ = 	snop  }
0x4: {  	_ = 	snop  }
0x5: {  	_ = 	snop  }
0x6: {  	_ = 	snop  }
0x7: {  	_ = 	snop  }
__scs_overlays_trampoline_lowered:
0x8: {  	[smem:$0x3FA9] =	sst s0  }
0x9: {  	[smem:$0x3FAA] =	sst s1  }
0xa: {  	[smem:$0x3FAB] =	sst s2  }
0xb: {  	[smem:$0x3FAC] =	sst s3  }
0xc: {  	[smem:$0x3FAD] =	sst s4  }
0xd: {  	[smem:$0x3FAE] =	sst s5  }
0xe: {  	[smem:$0x3FAF] =	sst s6  }
0xf: {  	[smem:$0x3FB0] =	sst s7  }
0x10: {  	[smem:$0x3FB1] =	sst s8  }
0x11: {  	[smem:$0x3FB2] =	sst s9;
	s0 =	simm.s32 @!p0 $0x0  }
0x12: {  	s1 =	sld [smem:$0x3F98];
	s0 =	simm.s32 @p0 $0x1  }
0x13: {  	[smem:$0x3FB3] =	sst s0;
	s0 =	simm.s32 @!p1 $0x0  }
0x14: {  	s2 =	sld [smem:$0x3F97];
	s0 =	simm.s32 @p1 $0x1  }
0x15: {  	[smem:$0x3FB4] =	sst s0;
	s0 =	simm.s32 @!p2 $0x0  }
0x16: {  	s3 =	sld [smem:$0x3FDB];
	s0 =	simm.s32 @p2 $0x1  }
0x17: {  	s4 =	simm.s32 $0x1BF5;
	[smem:$0x3FB6] =	sst s0  }
0x18: {  	s0 =	sld [smem:$0x3F99];
	_ =	swait.ge [sflag:s4], $0x0  }
0x19: {  	s7 =	sld [smem:$0x3F9A]  }
0x1a: {  	s8 =	sadd.s32 $0xFFFFE003, lr  }
0x1b: {  	s9 =	sadd.s32 $0xFFFFFEF7, lr;
	s5 =	simm.s32 $0xFFFFFFFF;
	p2 =	slt.u32 s8, $0xFFFFF086  }
0x1c: {  	p1 =	slt.u32 s9, $0xF7A;
	s5 =	simm.s32 @!p2 $0x0  }
0x1d: {  	s5 =	simm.s32 @p1 $0x1;
	p0 =	seq.s32 s7, s2  }
0x1e: {  	s7 =	smul.u32 @!p0 $0xF7A, s2;
	p2 =	seq.s32 @!p0 s5, $0x0  }
0x1f: {  	s9 =	smul.u32 $0xF7A, s1;
	s8 =	simm.s32 @!p0 $0x1BF5;
	p2 =	por !p2, p0  }
0x20: {  	[sflag:s8] =	ssyncset.s32 @!p0 $0xFFFFF086;
	s6 =	sadd.s32 @!p0 s3, s7;
	s7 =	simm.s32 @!p0 $0x108  }
0x21: {  	s3 =	sadd.s32 s3, s9;
	s6 =	sadd.s32 @!p0 $0x88, s6;
	s7 =	simm.s32 @p2 $0x1082  }
0x22: {  	[simem:s7], [sflag:s8] =	dma.local @!p0 [hbm:s6], $0xF7A  }
0x23: {  	s9 =	sor.u32 $0xD0000000, s2;
	s6 =	simm.s32 $0x108;
	_ =	swait.ge @!p0 [sflag:s8], $0x0  }
0x24: {  	s3 =	sadd.s32 $0x88, s3;
	s6 =	simm.s32 @!p1 $0x1082;
	[sflag:s4] =	ssyncset.s32 $0xFFFFF086  }
0x25: {  	[simem:s6], [sflag:s4] =	dma.local [hbm:s3], $0xF7A  }
0x26: {  	[smem:$0x3F9A] =	sst s1;
	(tag) =	ssettag s2;
	_ =	strace s9  }
0x27: {  	s1 =	sld [smem:$0x3FAA]  }
0x28: {  	s2 =	sld [smem:$0x3FAB]  }
0x29: {  	s4 =	sld [smem:$0x3FAD]  }
0x2a: {  	p0 =	seq.s32 s5, $0x0;
	s5 =	sld [smem:$0x3FAE]  }
0x2b: {  	s6 =	sld [smem:$0x3FAF]  }
0x2c: {  	s7 =	sld [smem:$0x3FB0]  }
0x2d: {  	s3 =	simm.s32 $0x108;
	s8 =	sld [smem:$0x3FB1]  }
0x2e: {  	s3 =	simm.s32 @!p0 $0x1082;
	s9 =	sld [smem:$0x3FB2]  }
0x2f: {  	lr =	sadd.s32 s0, s3;
	s0 =	sld [smem:$0x3FA9]  }
0x30: {  	s3 =	sld [smem:$0x3FAC]  }
0x31: {  	[smem:$0x3FB5] =	sst s10  }
0x32: {  	s10 =	sld [smem:$0x3FB3];
	_ =	sdelay $0x3  }
0x33: {  	p0 =	seq.s32 s10, $0x1;
	s10 =	sld [smem:$0x3FB5];
	_ =	sdelay $0x3  }
0x34: {  	[smem:$0x3FB5] =	sst s10  }
0x35: {  	s10 =	sld [smem:$0x3FB4];
	_ =	sdelay $0x3  }
0x36: {  	p1 =	seq.s32 s10, $0x1;
	s10 =	sld [smem:$0x3FB5];
	_ =	sdelay $0x3  }
0x37: {  	[smem:$0x3FB5] =	sst s10  }
0x38: {  	s10 =	sld [smem:$0x3FB6]  }
0x39: {  	_ = 	snop;
	(pc) =	sbr.ind lr, $3  }
0x3a: {  	_ = 	snop  }
0x3b: {  	_ = 	snop  }
0x3c: {  	p2 =	seq.s32 s10, $0x1;
	s10 =	sld [smem:$0x3FB5]  }
0x3d: {  	_ =	shalt  }
0x3e: {  	_ =	shalt  }
0x3f: {  	_ =	shalt  }
0x40: {  	_ =	shalt  }
0x41: {  	_ =	shalt  }
0x42: {  	_ =	shalt  }
0x43: {  	_ =	shalt  }
0x44: {  	_ =	shalt  }
0x45: {  	_ =	shalt  }
0x46: {  	_ =	shalt  }
0x47: {  	_ =	shalt  }
0x48: {  	_ =	shalt  }
0x49: {  	_ =	shalt  }
0x4a: {  	_ =	shalt  }
0x4b: {  	_ =	shalt  }
0x4c: {  	_ =	shalt  }
0x4d: {  	_ =	shalt  }
0x4e: {  	_ =	shalt  }
0x4f: {  	_ =	shalt  }
0x50: {  	_ =	shalt  }
0x51: {  	_ =	shalt  }
0x52: {  	_ =	shalt  }
0x53: {  	_ =	shalt  }
0x54: {  	_ =	shalt  }
0x55: {  	_ =	shalt  }
0x56: {  	_ =	shalt  }
0x57: {  	_ =	shalt  }
0x58: {  	_ =	shalt  }
0x59: {  	_ =	shalt  }
0x5a: {  	_ =	shalt  }
0x5b: {  	_ =	shalt  }
0x5c: {  	_ =	shalt  }
0x5d: {  	_ =	shalt  }
0x5e: {  	_ =	shalt  }
0x5f: {  	_ =	shalt  }
0x60: {  	_ =	shalt  }
0x61: {  	_ =	shalt  }
0x62: {  	_ =	shalt  }
0x63: {  	_ =	shalt  }
0x64: {  	_ =	shalt  }
0x65: {  	_ =	shalt  }
0x66: {  	_ =	shalt  }
0x67: {  	_ =	shalt  }
0x68: {  	_ =	shalt  }
0x69: {  	_ =	shalt  }
0x6a: {  	_ =	shalt  }
0x6b: {  	_ =	shalt  }
0x6c: {  	_ =	shalt  }
0x6d: {  	_ =	shalt  }
0x6e: {  	_ =	shalt  }
0x6f: {  	_ =	shalt  }
0x70: {  	_ =	shalt  }
0x71: {  	_ =	shalt  }
0x72: {  	_ =	shalt  }
0x73: {  	_ =	shalt  }
0x74: {  	_ =	shalt  }
0x75: {  	_ =	shalt  }
0x76: {  	_ =	shalt  }
0x77: {  	_ =	shalt  }
0x78: {  	_ =	shalt  }
0x79: {  	_ =	shalt  }
0x7a: {  	_ =	shalt  }
0x7b: {  	_ =	shalt  }
0x7c: {  	_ =	shalt  }
0x7d: {  	_ =	shalt  }
0x7e: {  	_ =	shalt  }
0x7f: {  	_ =	shalt  }
0x80: {  	_ =	shalt  }
0x81: {  	_ =	shalt  }
0x82: {  	_ =	shalt  }
0x83: {  	_ =	shalt  }
0x84: {  	_ =	shalt  }
0x85: {  	_ =	shalt  }
0x86: {  	_ =	shalt  }
0x87: {  	_ =	shalt  }
.Lfunc_end0:
.L_simem_size_0:
called_computation.1_lowered:
.L_overlay_start_0:
0x88: {  	s2 =	sld [smem:$0x3FD9]  }
0x89: {  	s3 =	sld [smem:$0x3FFE];
	_ =	sdelay $0x1  }
0x8a: {  	s1 =	srdreg.scid  }
0x8b: {  	s0 =	sand.u32 $0x1, s1  }
0x8c: {  	s16 =	sshll.u32 s0, $0xA;
	s2 =	sadd.s32 s3, s2  }
0x8d: {  	s2 =	sadd.s32 s2, s16  }
0x8e: {  	[smem:$0x3FC1] =	sst s2  }
0x8f: {  	_ = 	snop  }
0x90: {  	(tm) =	ssettm $0x1  }
0x91: {  	s17 =	sld [smem:$0x3FFB];
	_ =	sdelay $0x3  }
0x92: {  	_ =	strace s17  }
0x93: {  	s2 =	sld [smem:$0x3FFC];
	_ =	sdelay $0x3  }
0x94: {  	_ =	strace s2  }
0x95: {  	s2 =	sld [smem:$0x3FFD];
	_ =	sdelay $0x3  }
0x96: {  	_ =	strace s2  }
0x97: {  	_ =	strace $0x8FFFFFFF  }
0x98: {  	s18 =	sld [smem:$0x3FDB];
	_ =	sdelay $0x1  }
0x99: {  	s19 =	simm.s32 $_scs_section_size  }
0x9a: {  	s4 =	simm.s32 $_size__tile_overlayer_lowered;
	s5 =	simm.s32 $_tile_overlayer_lowered  }
0x9b: {  	s22 =	simm.s32 $0x1BFF;
	s21 =	sshll.u32 s5, $0x1;
	s2 =	sadd.s32 s19, s18  }
0x9c: {  	s6 =	simm.s32 $0x0;
	s20 =	sshll.u32 s4, $0x1;
	s4 =	sadd.s32 s21, s2  }
0x9d: {  	[timem:s6], [sflag:s22] =	dma.local [hbm:s4], s20  }
0x9e: {  	_ =	swait.ge [sflag:s22], s20  }
0x9f: {  	s3 =	ssub.s32 $0x0, s20;
	[sflag:s22] =	ssyncset.done $0x0  }
0xa0: {  	[sflag:s22] =	ssyncadd.s32 s3;
	_ =	sdelay $0x1  }
0xa1: {  	s23 =	simm.s32 $0x1B8B  }
0xa2: {  	_ =	swait.ge [sflag:s23], $0x1  }
0xa3: {  	[sflag:s23] =	ssyncset.done $0x0  }
0xa4: {  	s25 =	simm.s32 $0x1B8E;
	s24 =	sld [smem:$0x3FFE];
	[sflag:s23] =	ssyncadd.s32 $0xFFFFFFFF  }
0xa5: {  	s26 =	simm.s32 $execute0_lowered;
	[smem:$0x3FD2] =	sst s25  }
0xa6: {  	s4 =	sshll.u32 s26, $0x1;
	_ =	strace $0x80000049;
	[dreg:$0x1] =	wrdreg $0xFFFFFFFF  }
0xa7: {  	s28 =	simm.s32 $_size_execute0_lowered;
	s2 =	sadd.s32 s2, s4;
	[dreg:$0x0] =	wrdreg $0x0  }
0xa8: {  	s4 =	sshll.u32 s28, $0x1;
	[dreg:$0x2] =	wrdreg s2  }
0xa9: {  	[dreg:$0x3] =	wrdreg s4  }
0xaa: {  	[dreg:$0x4] =	wrdreg $0xC0  }
0xab: {  	_ =	task [dreg:s6], $0x5FFFF  }
0xac: {  	[dreg:$0x1] =	wrdreg $0xFFFFFFFF  }
0xad: {  	[dreg:$0x0] =	wrdreg $0x60  }
0xae: {  	[dreg:$0x2] =	wrdreg s24  }
0xaf: {  	[dreg:$0x3] =	wrdreg $0x128000  }
0xb0: {  	[dreg:$0x4] =	wrdreg $0x9  }
0xb1: {  	_ =	task.clear_ibuf [dreg:s6], $0x5FFFF;
	_ =	strace $0x90000049  }
0xb2: {  	s29 =	simm.s32 $0x9;
	_ =	strace $0x8000004B  }
0xb3: {  	_ =	swait.ge [sflag:s29], $0x1  }
0xb4: {  	[sflag:s29] =	ssyncadd.s32 $0xFFFFFFFF  }
0xb5: {  	_ =	strace $0x9000004B  }
0xb6: {  	_ =	sfence  }
0xb7: {  	s30 =	sld [smem:$0x0];
	_ =	sdelay $0x2  }
0xb8: {  	s31 =	sshll.u32 s1, $0xD;
	s1 =	sshrl.u32 s1, $0x2  }
0xb9: {  	s3 =	sand.u32 $0x4000, s31;
	s1 =	sadd.s32 s1, s30  }
0xba: {  	s0 =	sor.u32 s3, s0;
	s1 =	sshll.u32 s1, $0x11  }
0xbb: {  	s0 =	sor.u32 s1, s0  }
0xbc: {  	s0 =	sadd.s32 $0x8F2B, s0  }
0xbd: {  	[sflag:s0] =	ssyncadd.remote.s32 $0x1  }
0xbe: {  	_ =	sfence.sel $0xFFFF  }
0xbf: {  	[dreg:$0x0] =	wrdreg $0xFFFFFFFF;
	(pc) =	sbr.abs _section_cstart, $3  }
0xc0: {  	[dreg:$0x1] =	wrdreg $0xFFFFFFFF  }
0xc1: {  	_ =	task.clear_ibuf [dreg:s6], $0x2FFFF;
	_ =	strace $0x9FFFFFFF  }
0xc2: {  	(tm) =	ssettm $0x7FFFFFFF  }
0xc3: {  	_ =	shalt  }
tec
execute0_lowered:
.L_overlay_start_1:
0x0: {  	(tag) =	ssettag $0x1  }
0x1: {  	s1 =	rddreg [dreg:$0x0]  }
0x2: {  	s2 =	rddreg [dreg:$0x1];
	s0 =	simm.s32 $0x0  }
0x3: {  	s19 =	simm.s32 $0x12308;
	[smem:$0x7FF] =	sst s0  }
0x4: {  	s20 =	simm.s32 $0x12310;
	_ =	strace $0x8000004A;
	[dreg:$0xb] =	wrdreg s19  }
0x5: {  	s21 =	simm.s32 $0x12318;
	[dreg:$0xc] =	wrdreg s20  }
0x6: {  	s22 =	simm.s32 $0x12320;
	[dreg:$0xd] =	wrdreg s21  }
0x7: {  	s23 =	simm.s32 $0x12328;
	[dreg:$0xe] =	wrdreg s22  }
0x8: {  	s24 =	simm.s32 $0x12330;
	[dreg:$0xf] =	wrdreg s23  }
0x9: {  	s25 =	simm.s32 $0x12338;
	[dreg:$0x10] =	wrdreg s24  }
0xa: {  	[dreg:$0x11] =	wrdreg s25;
	s19 =	simm.s32 $0x123C0  }
0xb: {  	s20 =	simm.s32 $0x123C8;
	[smem:$0x70D] =	sst s19  }
0xc: {  	s21 =	simm.s32 $0x123D0;
	[smem:$0x70E] =	sst s20  }
0xd: {  	s22 =	simm.s32 $0x123D8;
	[smem:$0x70F] =	sst s21  }
0xe: {  	s11 =	stileid.u32;
	s23 =	simm.s32 $0x123E0;
	[smem:$0x710] =	sst s22  }
0xf: {  	s26 =	smul.u32 $0x5000, s11;
	s24 =	simm.s32 $0x123E8;
	[smem:$0x711] =	sst s23  }
0x10: {  	s25 =	simm.s32 $0x123F0;
	[smem:$0x712] =	sst s24  }
0x11: {  	s0 =	sshrl.u32 s26, $0x2;
	s26 =	simm.s32 $0x12340;
	[smem:$0x713] =	sst s25  }
0x12: {  	s19 =	simm.s32 $0x12478;
	[dreg:$0x12] =	wrdreg s26  }
0x13: {  	s20 =	simm.s32 $0x12480;
	[smem:$0x724] =	sst s19  }
0x14: {  	s3 =	srdreg.scid;
	s21 =	simm.s32 $0x12488;
	[smem:$0x725] =	sst s20  }
0x15: {  	s5 =	sand.u32 $0x1, s3;
	s22 =	simm.s32 $0x12490;
	[smem:$0x726] =	sst s21  }
0x16: {  	s3 =	smul.u32 $0x2800, s11;
	s23 =	simm.s32 $0x12498;
	[smem:$0x727] =	sst s22  }
0x17: {  	s7 =	sshll.u32 s5, $0x4;
	s24 =	simm.s32 $0x124A0;
	[smem:$0x728] =	sst s23  }
0x18: {  	s25 =	simm.s32 $0x124A8;
	s8 =	sadd.s32 s0, s2;
	[smem:$0x729] =	sst s24  }
0x19: {  	s0 =	sor.u32 s11, s7;
	s7 =	simm.s32 $0x12360;
	[smem:$0x72A] =	sst s25  }
0x1a: {  	s14 =	sshll.u32 s11, $0x4;
	s11 =	simm.s32 $0x12380;
	[dreg:$0x16] =	wrdreg s7  }
0x1b: {  	s26 =	simm.s32 $0x123F8;
	[dreg:$0x1a] =	wrdreg s11  }
0x1c: {  	s19 =	simm.s32 $0x12530;
	[smem:$0x714] =	sst s26  }
0x1d: {  	s20 =	simm.s32 $0x12538;
	[smem:$0x73B] =	sst s19  }
0x1e: {  	s21 =	simm.s32 $0x12540;
	[smem:$0x73C] =	sst s20  }
0x1f: {  	s22 =	simm.s32 $0x12548;
	[smem:$0x73D] =	sst s21  }
0x20: {  	s23 =	simm.s32 $0x12550;
	[smem:$0x73E] =	sst s22  }
0x21: {  	s24 =	simm.s32 $0x12558;
	[smem:$0x73F] =	sst s23  }
0x22: {  	s25 =	simm.s32 $0x12560;
	[smem:$0x740] =	sst s24  }
0x23: {  	s28 =	sadd.s32 $0x500, s8;
	[smem:$0x741] =	sst s25  }
0x24: {  	s29 =	sadd.s32 $0xA00, s8;
	[dreg:$0x3] =	wrdreg s28  }
0x25: {  	s12 =	sadd.s32 $0xF00, s8;
	[dreg:$0x4] =	wrdreg s29  }
0x26: {  	s8 =	sor.u32 $0x9C00, s14;
	s14 =	simm.s32 $0x12398;
	[dreg:$0x5] =	wrdreg s12  }
0x27: {  	s7 =	simm.s32 $0x12418;
	[dreg:$0x1d] =	wrdreg s14  }
0x28: {  	s11 =	simm.s32 $0x12438;
	[smem:$0x718] =	sst s7  }
0x29: {  	s26 =	simm.s32 $0x124B0;
	[smem:$0x71C] =	sst s11  }
0x2a: {  	s19 =	simm.s32 $0x125E8;
	[smem:$0x72B] =	sst s26  }
0x2b: {  	s20 =	simm.s32 $0x125F0;
	[smem:$0x752] =	sst s19  }
0x2c: {  	s21 =	simm.s32 $0x125F8;
	[smem:$0x753] =	sst s20  }
0x2d: {  	s9 =	smul.u32 $0x28000, s5;
	s22 =	simm.s32 $0x12600;
	[smem:$0x754] =	sst s21  }
0x2e: {  	s23 =	simm.s32 $0x12608;
	[smem:$0x755] =	sst s22  }
0x2f: {  	s9 =	sadd.s32 s3, s9;
	s24 =	simm.s32 $0x12610;
	[smem:$0x756] =	sst s23  }
0x30: {  	s3 =	sshrl.u32 s3, $0x1;
	s25 =	simm.s32 $0x12618;
	[smem:$0x757] =	sst s24  }
0x31: {  	s6 =	sadd.s32 $0xB600, s1;
	s3 =	sadd.s32 s3, s2;
	[smem:$0x758] =	sst s25  }
0x32: {  	s17 =	sadd.s32 s6, s8;
	[smem:$0x7E9] =	sst s3  }
0x33: {  	s28 =	simm.s32 $0x12348;
	[dreg:$0x9] =	wrdreg s17  }
0x34: {  	s9 =	sshrl.u32 s9, $0x4;
	s29 =	simm.s32 $0x12350;
	[dreg:$0x13] =	wrdreg s28  }
0x35: {  	s16 =	sadd.s32 s9, s1;
	s9 =	simm.s32 $0x12370;
	[dreg:$0x14] =	wrdreg s29  }
0x36: {  	s12 =	simm.s32 $0x12388;
	[dreg:$0x18] =	wrdreg s9  }
0x37: {  	s14 =	simm.s32 $0x12450;
	[dreg:$0x1b] =	wrdreg s12  }
0x38: {  	s7 =	simm.s32 $0x124D0;
	[smem:$0x71F] =	sst s14  }
0x39: {  	s11 =	simm.s32 $0x124F0;
	[smem:$0x72F] =	sst s7  }
0x3a: {  	s26 =	simm.s32 $0x12568;
	[smem:$0x733] =	sst s11  }
0x3b: {  	s19 =	simm.s32 $0x126A0;
	[smem:$0x742] =	sst s26  }
0x3c: {  	s20 =	simm.s32 $0x126A8;
	[smem:$0x769] =	sst s19  }
0x3d: {  	s21 =	simm.s32 $0x126B0;
	[smem:$0x76A] =	sst s20  }
0x3e: {  	s22 =	simm.s32 $0x126B8;
	[smem:$0x76B] =	sst s21  }
0x3f: {  	s23 =	simm.s32 $0x126C0;
	[smem:$0x76C] =	sst s22  }
0x40: {  	s24 =	simm.s32 $0x126C8;
	[smem:$0x76D] =	sst s23  }
0x41: {  	s10 =	smul.u32 $0x4E0, s0;
	s25 =	simm.s32 $0x126D0;
	[smem:$0x76E] =	sst s24  }
0x42: {  	s4 =	sadd.s32 $0x1800, s1;
	s1 =	sadd.s32 $0x15400, s1;
	[smem:$0x76F] =	sst s25  }
0x43: {  	s13 =	sadd.s32 s4, s10;
	[smem:$0x7E3] =	sst s1  }
0x44: {  	s15 =	sadd.s32 s6, s10;
	[dreg:$0x6] =	wrdreg s13  }
0x45: {  	s4 =	sadd.s32 s4, s8;
	[dreg:$0x7] =	wrdreg s15  }
0x46: {  	s18 =	sadd.s32 $0x17C00, s16;
	[dreg:$0x8] =	wrdreg s4  }
0x47: {  	s6 =	simm.s32 $0x12358;
	[dreg:$0xa] =	wrdreg s18  }
0x48: {  	s8 =	simm.s32 $0x12368;
	[dreg:$0x15] =	wrdreg s6  }
0x49: {  	s10 =	simm.s32 $0x12378;
	[dreg:$0x17] =	wrdreg s8  }
0x4a: {  	s16 =	simm.s32 $0x123A8;
	[dreg:$0x19] =	wrdreg s10  }
0x4b: {  	s17 =	simm.s32 $0x123B0;
	[dreg:$0x1f] =	wrdreg s16  }
0x4c: {  	s28 =	simm.s32 $0x12400;
	[smem:$0x70B] =	sst s17  }
0x4d: {  	s29 =	simm.s32 $0x12408;
	[smem:$0x715] =	sst s28  }
0x4e: {  	s9 =	simm.s32 $0x12428;
	[smem:$0x716] =	sst s29  }
0x4f: {  	s12 =	simm.s32 $0x12440;
	[smem:$0x71A] =	sst s9  }
0x50: {  	s14 =	simm.s32 $0x12508;
	[smem:$0x71D] =	sst s12  }
0x51: {  	s7 =	simm.s32 $0x12588;
	[smem:$0x736] =	sst s14  }
0x52: {  	s11 =	simm.s32 $0x125A8;
	[smem:$0x746] =	sst s7  }
0x53: {  	s26 =	simm.s32 $0x12620;
	[smem:$0x74A] =	sst s11  }
0x54: {  	s19 =	simm.s32 $0x12758;
	[smem:$0x759] =	sst s26  }
0x55: {  	s20 =	simm.s32 $0x12760;
	[smem:$0x780] =	sst s19  }
0x56: {  	s21 =	simm.s32 $0x12768;
	[smem:$0x781] =	sst s20  }
0x57: {  	s22 =	simm.s32 $0x12770;
	[smem:$0x782] =	sst s21  }
0x58: {  	s23 =	simm.s32 $0x12778;
	[smem:$0x783] =	sst s22  }
0x59: {  	s24 =	simm.s32 $0x12780;
	[smem:$0x784] =	sst s23  }
0x5a: {  	s25 =	simm.s32 $0x12788;
	[smem:$0x785] =	sst s24  }
0x5b: {  	s13 =	simm.s32 $0x12390;
	[smem:$0x786] =	sst s25  }
0x5c: {  	s15 =	simm.s32 $0x123A0;
	[dreg:$0x1c] =	wrdreg s13  }
0x5d: {  	s18 =	simm.s32 $0x123B8;
	[dreg:$0x1e] =	wrdreg s15  }
0x5e: {  	s6 =	simm.s32 $0x12410;
	[smem:$0x70C] =	sst s18  }
0x5f: {  	s8 =	simm.s32 $0x12420;
	[smem:$0x717] =	sst s6  }
0x60: {  	s10 =	simm.s32 $0x12430;
	[smem:$0x719] =	sst s8  }
0x61: {  	s16 =	simm.s32 $0x12460;
	[smem:$0x71B] =	sst s10  }
0x62: {  	s17 =	simm.s32 $0x12468;
	[smem:$0x721] =	sst s16  }
0x63: {  	s28 =	simm.s32 $0x124B8;
	[smem:$0x722] =	sst s17  }
0x64: {  	s29 =	simm.s32 $0x124C0;
	[smem:$0x72C] =	sst s28  }
0x65: {  	s9 =	simm.s32 $0x124E0;
	[smem:$0x72D] =	sst s29  }
0x66: {  	s12 =	simm.s32 $0x124F8;
	[smem:$0x731] =	sst s9  }
0x67: {  	s14 =	simm.s32 $0x125C0;
	[smem:$0x734] =	sst s12  }
0x68: {  	s7 =	simm.s32 $0x12640;
	[smem:$0x74D] =	sst s14  }
0x69: {  	s11 =	simm.s32 $0x12660;
	[smem:$0x75D] =	sst s7  }
0x6a: {  	s26 =	simm.s32 $0x126D8;
	[smem:$0x761] =	sst s11  }
0x6b: {  	s19 =	simm.s32 $0x2900;
	[smem:$0x770] =	sst s26  }
0x6c: {  	s20 =	simm.s32 $0x2980;
	[smem:$0x797] =	sst s19  }
0x6d: {  	s21 =	simm.s32 $0x2A00;
	[smem:$0x798] =	sst s20  }
0x6e: {  	s22 =	simm.s32 $0x2A80;
	[smem:$0x799] =	sst s21  }
0x6f: {  	s23 =	simm.s32 $0x2B00;
	[smem:$0x79A] =	sst s22  }
0x70: {  	s24 =	simm.s32 $0x2B80;
	[smem:$0x79B] =	sst s23  }
0x71: {  	s25 =	simm.s32 $0x2C00;
	[smem:$0x79C] =	sst s24  }
0x72: {  	s13 =	simm.s32 $0x12448;
	[smem:$0x79D] =	sst s25  }
0x73: {  	s15 =	simm.s32 $0x12458;
	[smem:$0x71E] =	sst s13  }
0x74: {  	s18 =	simm.s32 $0x12470;
	[smem:$0x720] =	sst s15  }
0x75: {  	s6 =	simm.s32 $0x124C8;
	[smem:$0x723] =	sst s18  }
0x76: {  	s8 =	simm.s32 $0x124D8;
	[smem:$0x72E] =	sst s6  }
0x77: {  	s10 =	simm.s32 $0x124E8;
	[smem:$0x730] =	sst s8  }
0x78: {  	s16 =	simm.s32 $0x12518;
	[smem:$0x732] =	sst s10  }
0x79: {  	s17 =	simm.s32 $0x12520;
	[smem:$0x738] =	sst s16  }
0x7a: {  	s28 =	simm.s32 $0x12570;
	[smem:$0x739] =	sst s17  }
0x7b: {  	s29 =	simm.s32 $0x12578;
	[smem:$0x743] =	sst s28  }
0x7c: {  	s9 =	simm.s32 $0x12598;
	[smem:$0x744] =	sst s29  }
0x7d: {  	s12 =	simm.s32 $0x125B0;
	[smem:$0x748] =	sst s9  }
0x7e: {  	s14 =	simm.s32 $0x12678;
	[smem:$0x74B] =	sst s12  }
0x7f: {  	s7 =	simm.s32 $0x126F8;
	[smem:$0x764] =	sst s14  }
0x80: {  	s11 =	simm.s32 $0x12718;
	[smem:$0x774] =	sst s7  }
0x81: {  	s26 =	simm.s32 $0x12790;
	[smem:$0x778] =	sst s11  }
0x82: {  	s19 =	simm.s32 $0x3480;
	[smem:$0x787] =	sst s26  }
0x83: {  	s20 =	simm.s32 $0x3500;
	[smem:$0x7AE] =	sst s19  }
0x84: {  	s21 =	simm.s32 $0xBB00;
	[smem:$0x7AF] =	sst s20  }
0x85: {  	s22 =	simm.s32 $0x3580;
	[smem:$0x7B0] =	sst s21  }
0x86: {  	s23 =	simm.s32 $0xBF00;
	[smem:$0x7B1] =	sst s22  }
0x87: {  	s24 =	simm.s32 $0x3600;
	[smem:$0x7B2] =	sst s23  }
0x88: {  	s25 =	simm.s32 $0xC300;
	[smem:$0x7B3] =	sst s24  }
0x89: {  	s13 =	simm.s32 $0x12500;
	[smem:$0x7B4] =	sst s25  }
0x8a: {  	s15 =	simm.s32 $0x12510;
	[smem:$0x735] =	sst s13  }
0x8b: {  	s18 =	simm.s32 $0x12528;
	[smem:$0x737] =	sst s15  }
0x8c: {  	s6 =	simm.s32 $0x12580;
	[smem:$0x73A] =	sst s18  }
0x8d: {  	s8 =	simm.s32 $0x12590;
	[smem:$0x745] =	sst s6  }
0x8e: {  	s10 =	simm.s32 $0x125A0;
	[smem:$0x747] =	sst s8  }
0x8f: {  	s16 =	simm.s32 $0x125D0;
	[smem:$0x749] =	sst s10  }
0x90: {  	s17 =	simm.s32 $0x125D8;
	[smem:$0x74F] =	sst s16  }
0x91: {  	s28 =	simm.s32 $0x12628;
	[smem:$0x750] =	sst s17  }
0x92: {  	s29 =	simm.s32 $0x12630;
	[smem:$0x75A] =	sst s28  }
0x93: {  	s9 =	simm.s32 $0x12650;
	[smem:$0x75B] =	sst s29  }
0x94: {  	s12 =	simm.s32 $0x12668;
	[smem:$0x75F] =	sst s9  }
0x95: {  	s14 =	simm.s32 $0x12730;
	[smem:$0x762] =	sst s12  }
0x96: {  	s7 =	simm.s32 $0x127B0;
	[smem:$0x77B] =	sst s14  }
0x97: {  	s11 =	simm.s32 $0x127D0;
	[smem:$0x78B] =	sst s7  }
0x98: {  	s26 =	simm.s32 $0x2C80;
	[smem:$0x78F] =	sst s11  }
0x99: {  	s19 =	simm.s32 $0x3A80;
	[smem:$0x79E] =	sst s26  }
0x9a: {  	s20 =	simm.s32 $0xE700;
	[smem:$0x7C5] =	sst s19  }
0x9b: {  	s21 =	simm.s32 $0x3B00;
	[smem:$0x7C6] =	sst s20  }
0x9c: {  	s22 =	simm.s32 $0xEB00;
	[smem:$0x7C7] =	sst s21  }
0x9d: {  	s23 =	simm.s32 $0x3B80;
	[smem:$0x7C8] =	sst s22  }
0x9e: {  	s24 =	simm.s32 $0xEF00;
	[smem:$0x7C9] =	sst s23  }
0x9f: {  	s25 =	simm.s32 $0x3C00;
	[smem:$0x7CA] =	sst s24  }
0xa0: {  	s13 =	simm.s32 $0x125B8;
	[smem:$0x7CB] =	sst s25  }
0xa1: {  	s15 =	simm.s32 $0x125C8;
	[smem:$0x74C] =	sst s13  }
0xa2: {  	s18 =	simm.s32 $0x125E0;
	[smem:$0x74E] =	sst s15  }
0xa3: {  	s6 =	simm.s32 $0x12638;
	[smem:$0x751] =	sst s18  }
0xa4: {  	s8 =	simm.s32 $0x12648;
	[smem:$0x75C] =	sst s6  }
0xa5: {  	s10 =	simm.s32 $0x12658;
	[smem:$0x75E] =	sst s8  }
0xa6: {  	s16 =	simm.s32 $0x12688;
	[smem:$0x760] =	sst s10  }
0xa7: {  	s17 =	simm.s32 $0x12690;
	[smem:$0x766] =	sst s16  }
0xa8: {  	s28 =	simm.s32 $0x126E0;
	[smem:$0x767] =	sst s17  }
0xa9: {  	s29 =	simm.s32 $0x126E8;
	[smem:$0x771] =	sst s28  }
0xaa: {  	s9 =	simm.s32 $0x12708;
	[smem:$0x772] =	sst s29  }
0xab: {  	s12 =	simm.s32 $0x12720;
	[smem:$0x776] =	sst s9  }
0xac: {  	s14 =	simm.s32 $0x127E8;
	[smem:$0x779] =	sst s12  }
0xad: {  	s7 =	simm.s32 $0x2E80;
	[smem:$0x792] =	sst s14  }
0xae: {  	s11 =	simm.s32 $0x3080;
	[smem:$0x7A2] =	sst s7  }
0xaf: {  	s26 =	simm.s32 $0x3680;
	[smem:$0x7A6] =	sst s11  }
0xb0: {  	s19 =	simm.s32 $0x11300;
	[smem:$0x7B5] =	sst s26  }
0xb1: {  	s20 =	simm.s32 $0x4080;
	[smem:$0x7DC] =	sst s19  }
0xb2: {  	s21 =	simm.s32 $0x11700;
	[smem:$0x7DD] =	sst s20  }
0xb3: {  	s22 =	simm.s32 $0x4100;
	[smem:$0x7DE] =	sst s21  }
0xb4: {  	s23 =	simm.s32 $0x11B00;
	[smem:$0x7DF] =	sst s22  }
0xb5: {  	s24 =	simm.s32 $0x1A00;
	[smem:$0x7E0] =	sst s23  }
0xb6: {  	s25 =	simm.s32 $0x4180;
	[smem:$0x7E1] =	sst s24  }
0xb7: {  	s13 =	simm.s32 $0x12670;
	[smem:$0x7E2] =	sst s25  }
0xb8: {  	s15 =	simm.s32 $0x12680;
	[smem:$0x763] =	sst s13  }
0xb9: {  	s18 =	simm.s32 $0x12698;
	[smem:$0x765] =	sst s15  }
0xba: {  	s6 =	simm.s32 $0x126F0;
	[smem:$0x768] =	sst s18  }
0xbb: {  	s8 =	simm.s32 $0x12700;
	[smem:$0x773] =	sst s6  }
0xbc: {  	s10 =	simm.s32 $0x12710;
	[smem:$0x775] =	sst s8  }
0xbd: {  	s16 =	simm.s32 $0x12740;
	[smem:$0x777] =	sst s10  }
0xbe: {  	s17 =	simm.s32 $0x12748;
	[smem:$0x77D] =	sst s16  }
0xbf: {  	s28 =	simm.s32 $0x12798;
	[smem:$0x77E] =	sst s17  }
0xc0: {  	s29 =	simm.s32 $0x127A0;
	[smem:$0x788] =	sst s28  }
0xc1: {  	s9 =	simm.s32 $0x127C0;
	[smem:$0x789] =	sst s29  }
0xc2: {  	s12 =	simm.s32 $0x127D8;
	[smem:$0x78D] =	sst s9  }
0xc3: {  	s14 =	simm.s32 $0x3200;
	[smem:$0x790] =	sst s12  }
0xc4: {  	s7 =	simm.s32 $0x3780;
	[smem:$0x7A9] =	sst s14  }
0xc5: {  	s11 =	simm.s32 $0x3880;
	[smem:$0x7B9] =	sst s7  }
0xc6: {  	s26 =	simm.s32 $0xF300;
	[smem:$0x7BD] =	sst s11  }
0xc7: {  	s19 =	simm.s32 $0x4980;
	[smem:$0x7CC] =	sst s26  }
0xc8: {  	s20 =	simm.s32 $0x4A00;
	[smem:$0x7F4] =	sst s19  }
0xc9: {  	s21 =	simm.s32 $0x4A80;
	[smem:$0x7F5] =	sst s20  }
0xca: {  	s22 =	simm.s32 $0x4B00;
	[smem:$0x7F6] =	sst s21  }
0xcb: {  	s23 =	simm.s32 $0x4B80;
	[smem:$0x7F7] =	sst s22  }
0xcc: {  	s24 =	simm.s32 $0x4C00;
	[smem:$0x7F8] =	sst s23  }
0xcd: {  	s25 =	simm.s32 $0x4C80;
	[smem:$0x7F9] =	sst s24  }
0xce: {  	s13 =	simm.s32 $0x12728;
	[smem:$0x7FA] =	sst s25  }
0xcf: {  	s15 =	simm.s32 $0x12738;
	[smem:$0x77A] =	sst s13  }
0xd0: {  	s18 =	simm.s32 $0x12750;
	[smem:$0x77C] =	sst s15  }
0xd1: {  	s6 =	simm.s32 $0x127A8;
	[smem:$0x77F] =	sst s18  }
0xd2: {  	s8 =	simm.s32 $0x127B8;
	[smem:$0x78A] =	sst s6  }
0xd3: {  	s10 =	simm.s32 $0x127C8;
	[smem:$0x78C] =	sst s8  }
0xd4: {  	s16 =	simm.s32 $0x127F8;
	[smem:$0x78E] =	sst s10  }
0xd5: {  	s17 =	simm.s32 $0x2800;
	[smem:$0x794] =	sst s16  }
0xd6: {  	s28 =	simm.s32 $0x2D00;
	[smem:$0x795] =	sst s17  }
0xd7: {  	s29 =	simm.s32 $0x2D80;
	[smem:$0x79F] =	sst s28  }
0xd8: {  	s9 =	simm.s32 $0x2F80;
	[smem:$0x7A0] =	sst s29  }
0xd9: {  	s12 =	simm.s32 $0x3100;
	[smem:$0x7A4] =	sst s9  }
0xda: {  	s14 =	simm.s32 $0xDB00;
	[smem:$0x7A7] =	sst s12  }
0xdb: {  	s7 =	simm.s32 $0xFB00;
	[smem:$0x7C0] =	sst s14  }
0xdc: {  	s11 =	simm.s32 $0x10300;
	[smem:$0x7D0] =	sst s7  }
0xdd: {  	s26 =	simm.s32 $0x4200;
	[smem:$0x7D4] =	sst s11  }
0xde: {  	s13 =	simm.s32 $0x127E0;
	[smem:$0x7E4] =	sst s26  }
0xdf: {  	s15 =	simm.s32 $0x127F0;
	[smem:$0x791] =	sst s13  }
0xe0: {  	s18 =	simm.s32 $0x2880;
	[smem:$0x793] =	sst s15  }
0xe1: {  	s6 =	simm.s32 $0x2E00;
	[smem:$0x796] =	sst s18  }
0xe2: {  	s8 =	simm.s32 $0x2F00;
	[smem:$0x7A1] =	sst s6  }
0xe3: {  	s10 =	simm.s32 $0x3000;
	[smem:$0x7A3] =	sst s8  }
0xe4: {  	s16 =	simm.s32 $0x3300;
	[smem:$0x7A5] =	sst s10  }
0xe5: {  	s17 =	simm.s32 $0x3380;
	[smem:$0x7AB] =	sst s16  }
0xe6: {  	s28 =	simm.s32 $0xC700;
	[smem:$0x7AC] =	sst s17  }
0xe7: {  	s29 =	simm.s32 $0x3700;
	[smem:$0x7B6] =	sst s28  }
0xe8: {  	s9 =	simm.s32 $0x3800;
	[smem:$0x7B7] =	sst s29  }
0xe9: {  	s12 =	simm.s32 $0xD700;
	[smem:$0x7BB] =	sst s9  }
0xea: {  	s14 =	simm.s32 $0x3F00;
	[smem:$0x7BE] =	sst s12  }
0xeb: {  	s7 =	simm.s32 $0x4380;
	[smem:$0x7D7] =	sst s14  }
0xec: {  	s11 =	simm.s32 $0x4580;
	[smem:$0x7E7] =	sst s7  }
0xed: {  	s26 =	simm.s32 $0x4D00;
	[smem:$0x7EC] =	sst s11  }
0xee: {  	s13 =	simm.s32 $0x3180;
	[smem:$0x7FB] =	sst s26  }
0xef: {  	s15 =	simm.s32 $0x3280;
	[smem:$0x7A8] =	sst s13  }
0xf0: {  	s18 =	simm.s32 $0x3400;
	[smem:$0x7AA] =	sst s15  }
0xf1: {  	s6 =	simm.s32 $0xCB00;
	[smem:$0x7AD] =	sst s18  }
0xf2: {  	s8 =	simm.s32 $0xCF00;
	[smem:$0x7B8] =	sst s6  }
0xf3: {  	s10 =	simm.s32 $0xD300;
	[smem:$0x7BA] =	sst s8  }
0xf4: {  	s16 =	simm.s32 $0xDF00;
	[smem:$0x7BC] =	sst s10  }
0xf5: {  	s17 =	simm.s32 $0x3A00;
	[smem:$0x7C2] =	sst s16  }
0xf6: {  	s28 =	simm.s32 $0x3C80;
	[smem:$0x7C3] =	sst s17  }
0xf7: {  	s29 =	simm.s32 $0xF700;
	[smem:$0x7CD] =	sst s28  }
0xf8: {  	s9 =	simm.s32 $0xFF00;
	[smem:$0x7CE] =	sst s29  }
0xf9: {  	s12 =	simm.s32 $0x3E80;
	[smem:$0x7D2] =	sst s9  }
0xfa: {  	s14 =	simm.s32 $0x4700;
	[smem:$0x7D5] =	sst s12  }
0xfb: {  	s13 =	simm.s32 $0x3900;
	[smem:$0x7EF] =	sst s14  }
0xfc: {  	s30 =	simm.s32 $0x5300;
	s15 =	simm.s32 $0x3980;
	[smem:$0x7BF] =	sst s13  }
0xfd: {  	s31 =	simm.s32 $0x5700;
	s18 =	simm.s32 $0xE300;
	[smem:$0x7C1] =	sst s15  }
0xfe: {  	s5 =	ssub.s32 $0x2, s5;
	s6 =	simm.s32 $0x3D00;
	[smem:$0x7C4] =	sst s18  }
0xff: {  	p0 =	sgt.u32 s0, $0x3;
	s8 =	simm.s32 $0x3D80;
	[smem:$0x7CF] =	sst s6  }
0x100: {  	s3 =	simm.s32 $0x6300;
	s10 =	simm.s32 $0x3E00;
	[smem:$0x7D1] =	sst s8  }
0x101: {  	s4 =	sshrl.u32 s5, $0x1;
	s16 =	simm.s32 $0x3F80;
	[smem:$0x7D3] =	sst s10  }
0x102: {  	s20 =	simm.s32 $0x3;
	s17 =	simm.s32 $0x10F00;
	[smem:$0x7D9] =	sst s16  }
0x103: {  	s21 =	simm.s32 $0x4;
	s28 =	simm.s32 $0x4280;
	[smem:$0x7DA] =	sst s17  }
0x104: {  	s19 =	simm.s32 $0xD00;
	s29 =	simm.s32 $0x4300;
	[smem:$0x7E5] =	sst s28  }
0x105: {  	s7 =	simm.s32 $0x4F00;
	s9 =	simm.s32 $0x4480;
	[smem:$0x7E6] =	sst s29  }
0x106: {  	s11 =	simm.s32 $0x5B00;
	s12 =	simm.s32 $0x4600;
	[smem:$0x7EA] =	sst s9  }
0x107: {  	s14 =	simm.s32 $0x6B00;
	s13 =	simm.s32 $0x10700;
	[smem:$0x7ED] =	sst s12  }
0x108: {  	s15 =	simm.s32 $0x10B00;
	s18 =	simm.s32 $0x4000;
	[smem:$0x7D6] =	sst s13  }
0x109: {  	s6 =	ssub.s32 s5, s4;
	s8 =	simm.s32 $0x4400;
	[smem:$0x7D8] =	sst s15  }
0x10a: {  	s10 =	simm.s32 $0x4500;
	s16 =	simm.s32 $0x4800;
	[smem:$0x7DB] =	sst s18  }
0x10b: {  	s17 =	simm.s32 $0x4880;
	s28 =	simm.s32 $0x4D80;
	[smem:$0x7E8] =	sst s8  }
0x10c: {  	s29 =	simm.s32 $0x4E00;
	s4 =	simm.s32 $0x1;
	[smem:$0x7EB] =	sst s10  }
0x10d: {  	s9 =	simm.s32 $0x6700;
	s5 =	simm.s32 $0x8300;
	[smem:$0x7F1] =	sst s16  }
0x10e: {  	s12 =	simm.s32 $0x8700;
	s6 =	smax.u32 s6, $0x1;
	[smem:$0x7F2] =	sst s17  }
0x10f: {  	s13 =	simm.s32 $0x4680;
	s8 =	simm.s32 $0x5;
	[smem:$0x7FC] =	sst s28  }
0x110: {  	s15 =	simm.s32 $0x4780;
	s18 =	simm.s32 $0x4900;
	[smem:$0x7FD] =	sst s29  }
0x111: {  	s16 =	simm.s32 $0x7300;
	s17 =	simm.s32 $0x7700;
	[smem:$0x7EE] =	sst s13  }
0x112: {  	s10 =	simm.s32 $0x7F00;
	[smem:$0x7F0] =	sst s15;
	s13 =	simm.s32 $0x80  }
0x113: {  	v0 =	vimm.bf16 $0.0e+00;
	[smem:$0x7F3] =	sst s18;
	s15 =	simm.s32 $0x6F00;
	s18 =	simm.s32 $0x7B00  }
.LBB2_1:
0x114: {  	s22 =	rddreg [dreg:$0xb]  }
0x115: {  	s23 =	rddreg [dreg:$0xc];
	s0 =	simm.s32 $0x12300  }
0x116: {  	s24 =	rddreg [dreg:$0xd];
	[tilespmem:s0+$0x0] =	vst.msk $0xff, v0  }
0x117: {  	s26 =	rddreg [dreg:$0xe];
	[tilespmem:s22+$0x0] =	vst.msk $0xff, v0  }
0x118: {  	s28 =	rddreg [dreg:$0xf];
	[tilespmem:s23+$0x0] =	vst.msk $0xff, v0  }
0x119: {  	s29 =	rddreg [dreg:$0x10];
	[tilespmem:s24+$0x0] =	vst.msk $0xff, v0  }
0x11a: {  	s1 =	rddreg [dreg:$0x11];
	[tilespmem:s26+$0x0] =	vst.msk $0xff, v0  }
0x11b: {  	s25 =	rddreg [dreg:$0x12];
	[tilespmem:s28+$0x0] =	vst.msk $0xff, v0  }
0x11c: {  	s26 =	rddreg [dreg:$0x13];
	[tilespmem:s29+$0x0] =	vst.msk $0xff, v0  }
0x11d: {  	s28 =	rddreg [dreg:$0x14];
	[tilespmem:s1+$0x0] =	vst.msk $0xff, v0  }
0x11e: {  	s29 =	rddreg [dreg:$0x15];
	[tilespmem:s25+$0x0] =	vst.msk $0xff, v0  }
0x11f: {  	s1 =	rddreg [dreg:$0x16];
	[tilespmem:s26+$0x0] =	vst.msk $0xff, v0  }
0x120: {  	s25 =	rddreg [dreg:$0x17];
	[tilespmem:s28+$0x0] =	vst.msk $0xff, v0  }
0x121: {  	s26 =	rddreg [dreg:$0x18];
	[tilespmem:s29+$0x0] =	vst.msk $0xff, v0  }
0x122: {  	s28 =	rddreg [dreg:$0x19];
	[tilespmem:s1+$0x0] =	vst.msk $0xff, v0  }
0x123: {  	s29 =	rddreg [dreg:$0x1a];
	[tilespmem:s25+$0x0] =	vst.msk $0xff, v0  }
0x124: {  	s1 =	rddreg [dreg:$0x1b];
	[tilespmem:s26+$0x0] =	vst.msk $0xff, v0  }
0x125: {  	s25 =	rddreg [dreg:$0x1c];
	[tilespmem:s28+$0x0] =	vst.msk $0xff, v0  }
0x126: {  	s26 =	rddreg [dreg:$0x1d];
	[tilespmem:s29+$0x0] =	vst.msk $0xff, v0  }
0x127: {  	s28 =	rddreg [dreg:$0x1e];
	[tilespmem:s1+$0x0] =	vst.msk $0xff, v0  }
0x128: {  	s29 =	rddreg [dreg:$0x1f];
	[tilespmem:s25+$0x0] =	vst.msk $0xff, v0  }
0x129: {  	s1 =	sld [smem:$0x70B];
	[tilespmem:s26+$0x0] =	vst.msk $0xff, v0  }
0x12a: {  	s25 =	sld [smem:$0x70C];
	[tilespmem:s28+$0x0] =	vst.msk $0xff, v0  }
0x12b: {  	s26 =	sld [smem:$0x70D];
	[tilespmem:s29+$0x0] =	vst.msk $0xff, v0  }
0x12c: {  	s28 =	sld [smem:$0x70E];
	[tilespmem:s1+$0x0] =	vst.msk $0xff, v0  }
0x12d: {  	s29 =	sld [smem:$0x70F];
	[tilespmem:s25+$0x0] =	vst.msk $0xff, v0  }
0x12e: {  	s1 =	sld [smem:$0x710];
	[tilespmem:s26+$0x0] =	vst.msk $0xff, v0  }
0x12f: {  	s25 =	sld [smem:$0x711];
	[tilespmem:s28+$0x0] =	vst.msk $0xff, v0  }
0x130: {  	s26 =	sld [smem:$0x712];
	[tilespmem:s29+$0x0] =	vst.msk $0xff, v0  }
0x131: {  	s28 =	sld [smem:$0x713];
	[tilespmem:s1+$0x0] =	vst.msk $0xff, v0  }
0x132: {  	s29 =	sld [smem:$0x714];
	[tilespmem:s25+$0x0] =	vst.msk $0xff, v0  }
0x133: {  	s1 =	sld [smem:$0x715];
	[tilespmem:s26+$0x0] =	vst.msk $0xff, v0  }
0x134: {  	s25 =	sld [smem:$0x716];
	[tilespmem:s28+$0x0] =	vst.msk $0xff, v0  }
0x135: {  	s26 =	sld [smem:$0x717];
	[tilespmem:s29+$0x0] =	vst.msk $0xff, v0  }
0x136: {  	s28 =	sld [smem:$0x718];
	[tilespmem:s1+$0x0] =	vst.msk $0xff, v0  }
0x137: {  	s29 =	sld [smem:$0x719];
	[tilespmem:s25+$0x0] =	vst.msk $0xff, v0  }
0x138: {  	s1 =	sld [smem:$0x71A];
	[tilespmem:s26+$0x0] =	vst.msk $0xff, v0  }
0x139: {  	s25 =	sld [smem:$0x71B];
	[tilespmem:s28+$0x0] =	vst.msk $0xff, v0  }
0x13a: {  	s26 =	sld [smem:$0x71C];
	[tilespmem:s29+$0x0] =	vst.msk $0xff, v0  }
0x13b: {  	s28 =	sld [smem:$0x71D];
	[tilespmem:s1+$0x0] =	vst.msk $0xff, v0  }
0x13c: {  	s29 =	sld [smem:$0x71E];
	[tilespmem:s25+$0x0] =	vst.msk $0xff, v0  }
0x13d: {  	s1 =	sld [smem:$0x71F];
	[tilespmem:s26+$0x0] =	vst.msk $0xff, v0  }
0x13e: {  	s25 =	sld [smem:$0x720];
	[tilespmem:s28+$0x0] =	vst.msk $0xff, v0  }
0x13f: {  	s26 =	sld [smem:$0x721];
	[tilespmem:s29+$0x0] =	vst.msk $0xff, v0  }
0x140: {  	s28 =	sld [smem:$0x722];
	[tilespmem:s1+$0x0] =	vst.msk $0xff, v0  }
0x141: {  	s29 =	sld [smem:$0x723];
	[tilespmem:s25+$0x0] =	vst.msk $0xff, v0  }
0x142: {  	s1 =	sld [smem:$0x724];
	[tilespmem:s26+$0x0] =	vst.msk $0xff, v0  }
0x143: {  	s25 =	sld [smem:$0x725];
	[tilespmem:s28+$0x0] =	vst.msk $0xff, v0  }
0x144: {  	s26 =	sld [smem:$0x726];
	[tilespmem:s29+$0x0] =	vst.msk $0xff, v0  }
0x145: {  	s28 =	sld [smem:$0x727];
	[tilespmem:s1+$0x0] =	vst.msk $0xff, v0  }
0x146: {  	s29 =	sld [smem:$0x728];
	[tilespmem:s25+$0x0] =	vst.msk $0xff, v0  }
0x147: {  	s1 =	sld [smem:$0x729];
	[tilespmem:s26+$0x0] =	vst.msk $0xff, v0  }
0x148: {  	s25 =	sld [smem:$0x72A];
	[tilespmem:s28+$0x0] =	vst.msk $0xff, v0  }
0x149: {  	s26 =	sld [smem:$0x72B];
	[tilespmem:s29+$0x0] =	vst.msk $0xff, v0  }
0x14a: {  	s28 =	sld [smem:$0x72C];
	[tilespmem:s1+$0x0] =	vst.msk $0xff, v0  }
0x14b: {  	s29 =	sld [smem:$0x72D];
	[tilespmem:s25+$0x0] =	vst.msk $0xff, v0  }
0x14c: {  	s1 =	sld [smem:$0x72E];
	[tilespmem:s26+$0x0] =	vst.msk $0xff, v0  }
0x14d: {  	s25 =	sld [smem:$0x72F];
	[tilespmem:s28+$0x0] =	vst.msk $0xff, v0  }
0x14e: {  	s26 =	sld [smem:$0x730];
	[tilespmem:s29+$0x0] =	vst.msk $0xff, v0  }
0x14f: {  	s28 =	sld [smem:$0x731];
	[tilespmem:s1+$0x0] =	vst.msk $0xff, v0  }
0x150: {  	s29 =	sld [smem:$0x732];
	[tilespmem:s25+$0x0] =	vst.msk $0xff, v0  }
0x151: {  	s1 =	sld [smem:$0x733];
	[tilespmem:s26+$0x0] =	vst.msk $0xff, v0  }
0x152: {  	s25 =	sld [smem:$0x734];
	[tilespmem:s28+$0x0] =	vst.msk $0xff, v0  }
0x153: {  	s26 =	sld [smem:$0x735];
	[tilespmem:s29+$0x0] =	vst.msk $0xff, v0  }
0x154: {  	s28 =	sld [smem:$0x736];
	[tilespmem:s1+$0x0] =	vst.msk $0xff, v0  }
0x155: {  	s29 =	sld [smem:$0x737];
	[tilespmem:s25+$0x0] =	vst.msk $0xff, v0  }
0x156: {  	s1 =	sld [smem:$0x738];
	[tilespmem:s26+$0x0] =	vst.msk $0xff, v0  }
0x157: {  	s25 =	sld [smem:$0x739];
	[tilespmem:s28+$0x0] =	vst.msk $0xff, v0  }
0x158: {  	s26 =	sld [smem:$0x73A];
	[tilespmem:s29+$0x0] =	vst.msk $0xff, v0  }
0x159: {  	s28 =	sld [smem:$0x73B];
	[tilespmem:s1+$0x0] =	vst.msk $0xff, v0  }
0x15a: {  	s29 =	sld [smem:$0x73C];
	[tilespmem:s25+$0x0] =	vst.msk $0xff, v0  }
0x15b: {  	s1 =	sld [smem:$0x73D];
	[tilespmem:s26+$0x0] =	vst.msk $0xff, v0  }
0x15c: {  	s25 =	sld [smem:$0x73E];
	[tilespmem:s28+$0x0] =	vst.msk $0xff, v0  }
0x15d: {  	s26 =	sld [smem:$0x73F];
	[tilespmem:s29+$0x0] =	vst.msk $0xff, v0  }
0x15e: {  	s28 =	sld [smem:$0x740];
	[tilespmem:s1+$0x0] =	vst.msk $0xff, v0  }
0x15f: {  	s29 =	sld [smem:$0x741];
	[tilespmem:s25+$0x0] =	vst.msk $0xff, v0  }
0x160: {  	s1 =	sld [smem:$0x742];
	[tilespmem:s26+$0x0] =	vst.msk $0xff, v0  }
0x161: {  	s25 =	sld [smem:$0x743];
	[tilespmem:s28+$0x0] =	vst.msk $0xff, v0  }
0x162: {  	s26 =	sld [smem:$0x744];
	[tilespmem:s29+$0x0] =	vst.msk $0xff, v0  }
0x163: {  	s28 =	sld [smem:$0x745];
	[tilespmem:s1+$0x0] =	vst.msk $0xff, v0  }
0x164: {  	s29 =	sld [smem:$0x746];
	[tilespmem:s25+$0x0] =	vst.msk $0xff, v0  }
0x165: {  	s1 =	sld [smem:$0x747];
	[tilespmem:s26+$0x0] =	vst.msk $0xff, v0  }
0x166: {  	s25 =	sld [smem:$0x748];
	[tilespmem:s28+$0x0] =	vst.msk $0xff, v0  }
0x167: {  	s26 =	sld [smem:$0x749];
	[tilespmem:s29+$0x0] =	vst.msk $0xff, v0  }
0x168: {  	s28 =	sld [smem:$0x74A];
	[tilespmem:s1+$0x0] =	vst.msk $0xff, v0  }
0x169: {  	s29 =	sld [smem:$0x74B];
	[tilespmem:s25+$0x0] =	vst.msk $0xff, v0  }
0x16a: {  	s1 =	sld [smem:$0x74C];
	[tilespmem:s26+$0x0] =	vst.msk $0xff, v0  }
0x16b: {  	s25 =	sld [smem:$0x74D];
	[tilespmem:s28+$0x0] =	vst.msk $0xff, v0  }
0x16c: {  	s26 =	sld [smem:$0x74E];
	[tilespmem:s29+$0x0] =	vst.msk $0xff, v0  }
0x16d: {  	s28 =	sld [smem:$0x74F];
	[tilespmem:s1+$0x0] =	vst.msk $0xff, v0  }
0x16e: {  	s29 =	sld [smem:$0x750];
	[tilespmem:s25+$0x0] =	vst.msk $0xff, v0  }
0x16f: {  	s1 =	sld [smem:$0x751];
	[tilespmem:s26+$0x0] =	vst.msk $0xff, v0  }
0x170: {  	s25 =	sld [smem:$0x752];
	[tilespmem:s28+$0x0] =	vst.msk $0xff, v0  }
0x171: {  	s26 =	sld [smem:$0x753];
	[tilespmem:s29+$0x0] =	vst.msk $0xff, v0  }
0x172: {  	s28 =	sld [smem:$0x754];
	[tilespmem:s1+$0x0] =	vst.msk $0xff, v0  }
0x173: {  	s29 =	sld [smem:$0x755];
	[tilespmem:s25+$0x0] =	vst.msk $0xff, v0  }
0x174: {  	s1 =	sld [smem:$0x756];
	[tilespmem:s26+$0x0] =	vst.msk $0xff, v0  }
0x175: {  	s25 =	sld [smem:$0x757];
	[tilespmem:s28+$0x0] =	vst.msk $0xff, v0  }
0x176: {  	s26 =	sld [smem:$0x758];
	[tilespmem:s29+$0x0] =	vst.msk $0xff, v0  }
0x177: {  	s28 =	sld [smem:$0x759];
	[tilespmem:s1+$0x0] =	vst.msk $0xff, v0  }
0x178: {  	s29 =	sld [smem:$0x75A];
	[tilespmem:s25+$0x0] =	vst.msk $0xff, v0  }
0x179: {  	s1 =	sld [smem:$0x75B];
	[tilespmem:s26+$0x0] =	vst.msk $0xff, v0  }
0x17a: {  	s24 =	sld [smem:$0x75C];
	[tilespmem:s28+$0x0] =	vst.msk $0xff, v0  }
0x17b: {  	[tilespmem:s29+$0x0] =	vst.msk $0xff, v0  }
0x17c: {  	s25 =	sld [smem:$0x75D];
	[tilespmem:s1+$0x0] =	vst.msk $0xff, v0  }
0x17d: {  	s26 =	sld [smem:$0x75E];
	[tilespmem:s24+$0x0] =	vst.msk $0xff, v0  }
0x17e: {  	s22 =	sld [smem:$0x75F]  }
0x17f: {  	[tilespmem:s25+$0x0] =	vst.msk $0xff, v0;
	s28 =	sld [smem:$0x760]  }
0x180: {  	[tilespmem:s26+$0x0] =	vst.msk $0xff, v0;
	s29 =	sld [smem:$0x761]  }
0x181: {  	s1 =	sld [smem:$0x762];
	[tilespmem:s22+$0x0] =	vst.msk $0xff, v0  }
0x182: {  	s25 =	sld [smem:$0x763];
	[tilespmem:s28+$0x0] =	vst.msk $0xff, v0  }
0x183: {  	s26 =	sld [smem:$0x764];
	[tilespmem:s29+$0x0] =	vst.msk $0xff, v0  }
0x184: {  	s28 =	sld [smem:$0x765];
	[tilespmem:s1+$0x0] =	vst.msk $0xff, v0  }
0x185: {  	s29 =	sld [smem:$0x766];
	[tilespmem:s25+$0x0] =	vst.msk $0xff, v0  }
0x186: {  	s1 =	sld [smem:$0x767];
	[tilespmem:s26+$0x0] =	vst.msk $0xff, v0  }
0x187: {  	s25 =	sld [smem:$0x768];
	[tilespmem:s28+$0x0] =	vst.msk $0xff, v0  }
0x188: {  	s26 =	sld [smem:$0x769];
	[tilespmem:s29+$0x0] =	vst.msk $0xff, v0  }
0x189: {  	s28 =	sld [smem:$0x76A];
	[tilespmem:s1+$0x0] =	vst.msk $0xff, v0  }
0x18a: {  	s29 =	sld [smem:$0x76B];
	[tilespmem:s25+$0x0] =	vst.msk $0xff, v0  }
0x18b: {  	s1 =	sld [smem:$0x76C];
	[tilespmem:s26+$0x0] =	vst.msk $0xff, v0  }
0x18c: {  	s25 =	sld [smem:$0x76D];
	[tilespmem:s28+$0x0] =	vst.msk $0xff, v0  }
0x18d: {  	s26 =	sld [smem:$0x76E];
	[tilespmem:s29+$0x0] =	vst.msk $0xff, v0  }
0x18e: {  	s28 =	sld [smem:$0x76F];
	[tilespmem:s1+$0x0] =	vst.msk $0xff, v0  }
0x18f: {  	s29 =	sld [smem:$0x770];
	[tilespmem:s25+$0x0] =	vst.msk $0xff, v0  }
0x190: {  	s1 =	sld [smem:$0x771];
	[tilespmem:s26+$0x0] =	vst.msk $0xff, v0  }
0x191: {  	s25 =	sld [smem:$0x772];
	[tilespmem:s28+$0x0] =	vst.msk $0xff, v0  }
0x192: {  	s26 =	sld [smem:$0x773];
	[tilespmem:s29+$0x0] =	vst.msk $0xff, v0  }
0x193: {  	s28 =	sld [smem:$0x774];
	[tilespmem:s1+$0x0] =	vst.msk $0xff, v0  }
0x194: {  	s29 =	sld [smem:$0x775];
	[tilespmem:s25+$0x0] =	vst.msk $0xff, v0  }
0x195: {  	s1 =	sld [smem:$0x776];
	[tilespmem:s26+$0x0] =	vst.msk $0xff, v0  }
0x196: {  	s25 =	sld [smem:$0x777];
	[tilespmem:s28+$0x0] =	vst.msk $0xff, v0  }
0x197: {  	s26 =	sld [smem:$0x778];
	[tilespmem:s29+$0x0] =	vst.msk $0xff, v0  }
0x198: {  	s28 =	sld [smem:$0x779];
	[tilespmem:s1+$0x0] =	vst.msk $0xff, v0  }
0x199: {  	s29 =	sld [smem:$0x77A];
	[tilespmem:s25+$0x0] =	vst.msk $0xff, v0  }
0x19a: {  	s1 =	sld [smem:$0x77B];
	[tilespmem:s26+$0x0] =	vst.msk $0xff, v0  }
0x19b: {  	s25 =	sld [smem:$0x77C];
	[tilespmem:s28+$0x0] =	vst.msk $0xff, v0  }
0x19c: {  	s26 =	sld [smem:$0x77D];
	[tilespmem:s29+$0x0] =	vst.msk $0xff, v0  }
0x19d: {  	s28 =	sld [smem:$0x77E];
	[tilespmem:s1+$0x0] =	vst.msk $0xff, v0  }
0x19e: {  	s29 =	sld [smem:$0x77F];
	[tilespmem:s25+$0x0] =	vst.msk $0xff, v0  }
0x19f: {  	s1 =	sld [smem:$0x780];
	[tilespmem:s26+$0x0] =	vst.msk $0xff, v0  }
0x1a0: {  	s25 =	sld [smem:$0x781];
	[tilespmem:s28+$0x0] =	vst.msk $0xff, v0  }
0x1a1: {  	s26 =	sld [smem:$0x782];
	[tilespmem:s29+$0x0] =	vst.msk $0xff, v0  }
0x1a2: {  	s28 =	sld [smem:$0x783];
	[tilespmem:s1+$0x0] =	vst.msk $0xff, v0  }
0x1a3: {  	s29 =	sld [smem:$0x784];
	[tilespmem:s25+$0x0] =	vst.msk $0xff, v0  }
0x1a4: {  	s1 =	sld [smem:$0x785];
	[tilespmem:s26+$0x0] =	vst.msk $0xff, v0  }
0x1a5: {  	s25 =	sld [smem:$0x786];
	[tilespmem:s28+$0x0] =	vst.msk $0xff, v0  }
0x1a6: {  	s26 =	sld [smem:$0x787];
	[tilespmem:s29+$0x0] =	vst.msk $0xff, v0  }
0x1a7: {  	s28 =	sld [smem:$0x788];
	[tilespmem:s1+$0x0] =	vst.msk $0xff, v0  }
0x1a8: {  	s29 =	sld [smem:$0x789];
	[tilespmem:s25+$0x0] =	vst.msk $0xff, v0  }
0x1a9: {  	s1 =	sld [smem:$0x78A];
	[tilespmem:s26+$0x0] =	vst.msk $0xff, v0  }
0x1aa: {  	s25 =	sld [smem:$0x78B];
	[tilespmem:s28+$0x0] =	vst.msk $0xff, v0  }
0x1ab: {  	s26 =	sld [smem:$0x78C];
	[tilespmem:s29+$0x0] =	vst.msk $0xff, v0  }
0x1ac: {  	s28 =	sld [smem:$0x78D];
	[tilespmem:s1+$0x0] =	vst.msk $0xff, v0  }
0x1ad: {  	s29 =	sld [smem:$0x78E];
	[tilespmem:s25+$0x0] =	vst.msk $0xff, v0  }
0x1ae: {  	s1 =	sld [smem:$0x78F];
	[tilespmem:s26+$0x0] =	vst.msk $0xff, v0  }
0x1af: {  	s25 =	sld [smem:$0x790];
	[tilespmem:s28+$0x0] =	vst.msk $0xff, v0  }
0x1b0: {  	s26 =	sld [smem:$0x791];
	[tilespmem:s29+$0x0] =	vst.msk $0xff, v0  }
0x1b1: {  	s28 =	sld [smem:$0x792];
	[tilespmem:s1+$0x0] =	vst.msk $0xff, v0  }
0x1b2: {  	s29 =	sld [smem:$0x793];
	[tilespmem:s25+$0x0] =	vst.msk $0xff, v0  }
0x1b3: {  	s1 =	sld [smem:$0x794];
	[tilespmem:s26+$0x0] =	vst.msk $0xff, v0  }
0x1b4: {  	[tilespmem:s28+$0x0] =	vst.msk $0xff, v0  }
0x1b5: {  	[tilespmem:s29+$0x0] =	vst.msk $0xff, v0  }
0x1b6: {  	[tilespmem:s1+$0x0] =	vst.msk $0xff, v0;
	s1 =	sld [smem:$0x7E9];
	_ =	sdelay $0x2  }
0x1b7: {  	[spmem:s1] =	stream.linear.scatter [tilespmem:s0], [sflag:$0x5], $0x500, $0x38;
	[tilespmem:$0x13C00] =	vst v63  }
0x1b8: {  	_ =	swait.ge [sflag:s8], $0x500  }
0x1b9: {  	[sflag:s8] =	ssyncset.done $0x0  }
0x1ba: {  	s25 =	rddreg [dreg:$0x3];
	[sflag:s8] =	ssyncadd.s32 $0xFFFFFB00  }
0x1bb: {  	[spmem:s25] =	stream.linear.scatter [tilespmem:s0], [sflag:$0x5], $0x500, $0x38;
	[tilespmem:$0x13C00] =	vst v63  }
0x1bc: {  	_ =	swait.ge [sflag:s8], $0x500  }
0x1bd: {  	[sflag:s8] =	ssyncset.done $0x0  }
0x1be: {  	s26 =	rddreg [dreg:$0x4];
	[sflag:s8] =	ssyncadd.s32 $0xFFFFFB00  }
0x1bf: {  	[spmem:s26] =	stream.linear.scatter [tilespmem:s0], [sflag:$0x5], $0x500, $0x38;
	[tilespmem:$0x13C00] =	vst v63  }
0x1c0: {  	_ =	swait.ge [sflag:s8], $0x500  }
0x1c1: {  	[sflag:s8] =	ssyncset.done $0x0  }
0x1c2: {  	s28 =	rddreg [dreg:$0x5];
	[sflag:s8] =	ssyncadd.s32 $0xFFFFFB00  }
0x1c3: {  	[spmem:s28] =	stream.linear.scatter [tilespmem:s0], [sflag:$0x5], $0x500, $0x38;
	[tilespmem:$0x13C00] =	vst v63  }
0x1c4: {  	_ =	swait.ge [sflag:s8], $0x500  }
0x1c5: {  	[sflag:s8] =	ssyncset.done $0x0  }
0x1c6: {  	s28 =	simm.s32 $0x0;
	s29 =	rddreg [dreg:$0x6];
	[sflag:s8] =	ssyncadd.s32 $0xFFFFFB00  }
0x1c7: {  	[tilespmem:s28], [sflag:$0x5] =	stream.linear.gather [hbm4b:s29+s28], $0x2700, $0x38;
	[tilespmem:$0x13C00] =	vst v63  }
0x1c8: {  	_ =	swait.ge [sflag:s8], $0x2700  }
0x1c9: {  	[sflag:s8] =	ssyncset.done $0x0  }
0x1ca: {  	s29 =	simm.s32 $0x2780;
	s0 =	rddreg [dreg:$0x7];
	[sflag:s8] =	ssyncadd.s32 $0xFFFFD900  }
0x1cb: {  	[tilespmem:s29], [sflag:$0x5] =	stream.linear.gather [hbm4b:s0+s28], $0x2700, $0x38;
	[tilespmem:$0x13C00] =	vst v63  }
0x1cc: {  	_ =	swait.ge [sflag:s8], $0x2700  }
0x1cd: {  	s25 =	simm.s32 @!p0 $0x0;
	[sflag:s8] =	ssyncset.done $0x0  }
0x1ce: {  	s0 =	simm.s32 @!p0 $0x2700;
	s22 =	rddreg [dreg:$0x8];
	[sflag:s8] =	ssyncadd.s32 $0xFFFFD900  }
0x1cf: {  	[tilespmem:s0], [sflag:$0x5] =	stream.linear.gather @!p0 [hbm4b:s22+s25], $0x80, $0x38;
	[tilespmem:$0x13C00] =	vst v63  }
0x1d0: {  	s22 =	simm.s32 @!p0 $0x5  }
0x1d1: {  	_ =	swait.ge @!p0 [sflag:s22], $0x80  }
0x1d2: {  	[sflag:s22] =	ssyncset.done @!p0 $0x0  }
0x1d3: {  	s0 =	simm.s32 @!p0 $0x4E80;
	s26 =	rddreg [dreg:$0x9];
	[sflag:s22] =	ssyncadd.s32 @!p0 $0xFFFFFF80  }
0x1d4: {  	[tilespmem:s0], [sflag:$0x5] =	stream.linear.gather @!p0 [hbm4b:s26+s25], $0x80, $0x38;
	[tilespmem:$0x13C00] =	vst v63  }
0x1d5: {  	_ =	swait.ge @!p0 [sflag:s22], $0x80  }
0x1d6: {  	[sflag:s22] =	ssyncset.done @!p0 $0x0  }
0x1d7: {  	[sflag:s22] =	ssyncadd.s32 @!p0 $0xFFFFFF80  }
0x1d8: {  	[bflag:$0x0] =	sbarrier.arrive $0xFFFF  }
0x1d9: {  	s0 =	sld [smem:$0x7E3];
	_ =	sdelay $0x2  }
0x1da: {  	[tilespmem:s7], [sflag:$0x1] =	stream.indirect.gather [hbm4b:s0+s19], $0x8, s28, s19, $0xb8;
	[tilespmem:$0x13C00] =	vst v63  }
0x1db: {  	_ =	swait.ge [sflag:s4], $0x6800  }
0x1dc: {  	[sflag:s4] =	ssyncset.done $0x0  }
0x1dd: {  	s1 =	sld [smem:$0x795];
	[sflag:s4] =	ssyncadd.s32 $0xFFFF9800  }
0x1de: {  	[spmem:s2] =	stream.indirect.scatter.add.bf16 [tilespmem:s7], [sflag:$0x3], $0x8, s29, s13, $0xb8;
	[tilespmem:$0x13C00] =	vst v63  }
0x1df: {  	s23 =	sld [smem:$0x796]  }
0x1e0: {  	[spmem:s2] =	stream.indirect.scatter.add.bf16 [tilespmem:s30], [sflag:$0x3], $0x8, s1, s13, $0xb8;
	[tilespmem:$0x13C00] =	vst v63  }
0x1e1: {  	s24 =	sld [smem:$0x797]  }
0x1e2: {  	[spmem:s2] =	stream.indirect.scatter.add.bf16 [tilespmem:s31], [sflag:$0x3], $0x8, s23, s13, $0xb8;
	[tilespmem:$0x13C00] =	vst v63  }
0x1e3: {  	s28 =	sld [smem:$0x798]  }
0x1e4: {  	[spmem:s2] =	stream.indirect.scatter.add.bf16 [tilespmem:s11], [sflag:$0x3], $0x8, s24, s13, $0xb8;
	[tilespmem:$0x13C00] =	vst v63  }
0x1e5: {  	s29 =	sld [smem:$0x799];
	s1 =	simm.s32 $0x5F00  }
0x1e6: {  	[spmem:s2] =	stream.indirect.scatter.add.bf16 [tilespmem:s1], [sflag:$0x3], $0x8, s28, s13, $0xb8;
	[tilespmem:$0x13C00] =	vst v63  }
0x1e7: {  	s23 =	sld [smem:$0x79A]  }
0x1e8: {  	[spmem:s2] =	stream.indirect.scatter.add.bf16 [tilespmem:s3], [sflag:$0x3], $0x8, s29, s13, $0xb8;
	[tilespmem:$0x13C00] =	vst v63  }
0x1e9: {  	s24 =	sld [smem:$0x79B]  }
0x1ea: {  	[spmem:s2] =	stream.indirect.scatter.add.bf16 [tilespmem:s9], [sflag:$0x3], $0x8, s23, s13, $0xb8;
	[tilespmem:$0x13C00] =	vst v63  }
0x1eb: {  	s28 =	sld [smem:$0x79C]  }
0x1ec: {  	[spmem:s2] =	stream.indirect.scatter.add.bf16 [tilespmem:s14], [sflag:$0x3], $0x8, s24, s13, $0xb8;
	[tilespmem:$0x13C00] =	vst v63  }
0x1ed: {  	s29 =	sld [smem:$0x79D]  }
0x1ee: {  	[spmem:s2] =	stream.indirect.scatter.add.bf16 [tilespmem:s15], [sflag:$0x3], $0x8, s28, s13, $0xb8;
	[tilespmem:$0x13C00] =	vst v63  }
0x1ef: {  	s23 =	sld [smem:$0x79E]  }
0x1f0: {  	[spmem:s2] =	stream.indirect.scatter.add.bf16 [tilespmem:s16], [sflag:$0x3], $0x8, s29, s13, $0xb8;
	[tilespmem:$0x13C00] =	vst v63  }
0x1f1: {  	s24 =	sld [smem:$0x79F]  }
0x1f2: {  	[spmem:s2] =	stream.indirect.scatter.add.bf16 [tilespmem:s17], [sflag:$0x3], $0x8, s23, s13, $0xb8;
	[tilespmem:$0x13C00] =	vst v63  }
0x1f3: {  	s28 =	sld [smem:$0x7A0]  }
0x1f4: {  	[spmem:s2] =	stream.indirect.scatter.add.bf16 [tilespmem:s18], [sflag:$0x3], $0x8, s24, s13, $0xb8;
	[tilespmem:$0x13C00] =	vst v63  }
0x1f5: {  	s29 =	sld [smem:$0x7A1]  }
0x1f6: {  	[spmem:s2] =	stream.indirect.scatter.add.bf16 [tilespmem:s10], [sflag:$0x3], $0x8, s28, s13, $0xb8;
	[tilespmem:$0x13C00] =	vst v63  }
0x1f7: {  	s23 =	sld [smem:$0x7A2]  }
0x1f8: {  	[spmem:s2] =	stream.indirect.scatter.add.bf16 [tilespmem:s5], [sflag:$0x3], $0x8, s29, s13, $0xb8;
	[tilespmem:$0x13C00] =	vst v63  }
0x1f9: {  	s24 =	sld [smem:$0x7A3]  }
0x1fa: {  	[spmem:s2] =	stream.indirect.scatter.add.bf16 [tilespmem:s12], [sflag:$0x3], $0x8, s23, s13, $0xb8;
	[tilespmem:$0x13C00] =	vst v63  }
0x1fb: {  	s28 =	sld [smem:$0x7A4];
	s23 =	simm.s32 $0x8B00  }
0x1fc: {  	[spmem:s2] =	stream.indirect.scatter.add.bf16 [tilespmem:s23], [sflag:$0x3], $0x8, s24, s13, $0xb8;
	[tilespmem:$0x13C00] =	vst v63  }
0x1fd: {  	s25 =	sld [smem:$0x7A5];
	s24 =	simm.s32 $0x8F00  }
0x1fe: {  	[spmem:s2] =	stream.indirect.scatter.add.bf16 [tilespmem:s24], [sflag:$0x3], $0x8, s28, s13, $0xb8;
	[tilespmem:$0x13C00] =	vst v63  }
0x1ff: {  	s26 =	sld [smem:$0x7A6];
	s29 =	simm.s32 $0x9300  }
0x200: {  	[spmem:s2] =	stream.indirect.scatter.add.bf16 [tilespmem:s29], [sflag:$0x3], $0x8, s25, s13, $0xb8;
	[tilespmem:$0x13C00] =	vst v63  }
0x201: {  	s25 =	sld [smem:$0x7A7];
	s29 =	simm.s32 $0x9700  }
0x202: {  	[spmem:s2] =	stream.indirect.scatter.add.bf16 [tilespmem:s29], [sflag:$0x3], $0x8, s26, s13, $0xb8;
	[tilespmem:$0x13C00] =	vst v63  }
0x203: {  	s26 =	sld [smem:$0x7A8];
	s29 =	simm.s32 $0x9B00  }
0x204: {  	[spmem:s2] =	stream.indirect.scatter.add.bf16 [tilespmem:s29], [sflag:$0x3], $0x8, s25, s13, $0xb8;
	[tilespmem:$0x13C00] =	vst v63  }
0x205: {  	s25 =	sld [smem:$0x7A9];
	s29 =	simm.s32 $0x9F00  }
0x206: {  	[spmem:s2] =	stream.indirect.scatter.add.bf16 [tilespmem:s29], [sflag:$0x3], $0x8, s26, s13, $0xb8;
	[tilespmem:$0x13C00] =	vst v63  }
0x207: {  	s26 =	sld [smem:$0x7AA];
	s29 =	simm.s32 $0xA300  }
0x208: {  	[spmem:s2] =	stream.indirect.scatter.add.bf16 [tilespmem:s29], [sflag:$0x3], $0x8, s25, s13, $0xb8;
	[tilespmem:$0x13C00] =	vst v63  }
0x209: {  	s25 =	sld [smem:$0x7AB];
	s29 =	simm.s32 $0xA700  }
0x20a: {  	[spmem:s2] =	stream.indirect.scatter.add.bf16 [tilespmem:s29], [sflag:$0x3], $0x8, s26, s13, $0xb8;
	[tilespmem:$0x13C00] =	vst v63  }
0x20b: {  	s26 =	sld [smem:$0x7AC];
	s29 =	simm.s32 $0xAB00  }
0x20c: {  	[spmem:s2] =	stream.indirect.scatter.add.bf16 [tilespmem:s29], [sflag:$0x3], $0x8, s25, s13, $0xb8;
	[tilespmem:$0x13C00] =	vst v63  }
0x20d: {  	s25 =	sld [smem:$0x7AD];
	s29 =	simm.s32 $0xAF00  }
0x20e: {  	[spmem:s2] =	stream.indirect.scatter.add.bf16 [tilespmem:s29], [sflag:$0x3], $0x8, s26, s13, $0xb8;
	[tilespmem:$0x13C00] =	vst v63  }
0x20f: {  	s28 =	simm.s32 $0xB300  }
0x210: {  	[spmem:s2] =	stream.indirect.scatter.add.bf16 [tilespmem:s28], [sflag:$0x3], $0x8, s25, s13, $0xb8;
	[tilespmem:$0x13C00] =	vst v63  }
0x211: {  	s29 =	simm.s32 $0xB700;
	s28 =	simm.s32 $0x2  }
0x212: {  	[tilespmem:s29], [sflag:$0x2] =	stream.indirect.gather [hbm4b:s0+s19], $0x8, s19, s19, $0xb8;
	[tilespmem:$0x13C00] =	vst v63  }
0x213: {  	_ =	swait.ge [sflag:s28], $0x6800  }
0x214: {  	s25 =	sld [smem:$0x7AE]  }
0x215: {  	[sflag:s28] =	ssyncset.done $0x0;
	s26 =	sld [smem:$0x7AF]  }
0x216: {  	[sflag:s28] =	ssyncadd.s32 $0xFFFF9800;
	s28 =	sld [smem:$0x7B0]  }
0x217: {  	[spmem:s2] =	stream.indirect.scatter.add.bf16 [tilespmem:s29], [sflag:$0x4], $0x8, s25, s13, $0xb8;
	[tilespmem:$0x13C00] =	vst v63  }
0x218: {  	s25 =	sld [smem:$0x7B1]  }
0x219: {  	[spmem:s2] =	stream.indirect.scatter.add.bf16 [tilespmem:s28], [sflag:$0x4], $0x8, s26, s13, $0xb8;
	[tilespmem:$0x13C00] =	vst v63  }
0x21a: {  	s26 =	sld [smem:$0x7B2]  }
0x21b: {  	s29 =	sld [smem:$0x7B4]  }
0x21c: {  	s28 =	sld [smem:$0x7B3]  }
0x21d: {  	[spmem:s2] =	stream.indirect.scatter.add.bf16 [tilespmem:s26], [sflag:$0x4], $0x8, s25, s13, $0xb8;
	[tilespmem:$0x13C00] =	vst v63  }
0x21e: {  	s25 =	sld [smem:$0x7B5]  }
0x21f: {  	s26 =	sld [smem:$0x7B6]  }
0x220: {  	[spmem:s2] =	stream.indirect.scatter.add.bf16 [tilespmem:s29], [sflag:$0x4], $0x8, s28, s13, $0xb8;
	[tilespmem:$0x13C00] =	vst v63  }
0x221: {  	s28 =	sld [smem:$0x7B7]  }
0x222: {  	s29 =	sld [smem:$0x7B8]  }
0x223: {  	[spmem:s2] =	stream.indirect.scatter.add.bf16 [tilespmem:s26], [sflag:$0x4], $0x8, s25, s13, $0xb8;
	[tilespmem:$0x13C00] =	vst v63  }
0x224: {  	s25 =	sld [smem:$0x7B9]  }
0x225: {  	s26 =	sld [smem:$0x7BA]  }
0x226: {  	[spmem:s2] =	stream.indirect.scatter.add.bf16 [tilespmem:s29], [sflag:$0x4], $0x8, s28, s13, $0xb8;
	[tilespmem:$0x13C00] =	vst v63  }
0x227: {  	s28 =	sld [smem:$0x7BB]  }
0x228: {  	s29 =	sld [smem:$0x7BC]  }
0x229: {  	[spmem:s2] =	stream.indirect.scatter.add.bf16 [tilespmem:s26], [sflag:$0x4], $0x8, s25, s13, $0xb8;
	[tilespmem:$0x13C00] =	vst v63  }
0x22a: {  	s25 =	sld [smem:$0x7BD]  }
0x22b: {  	s26 =	sld [smem:$0x7BE]  }
0x22c: {  	[spmem:s2] =	stream.indirect.scatter.add.bf16 [tilespmem:s29], [sflag:$0x4], $0x8, s28, s13, $0xb8;
	[tilespmem:$0x13C00] =	vst v63  }
0x22d: {  	s28 =	sld [smem:$0x7BF]  }
0x22e: {  	s29 =	sld [smem:$0x7C0]  }
0x22f: {  	[spmem:s2] =	stream.indirect.scatter.add.bf16 [tilespmem:s26], [sflag:$0x4], $0x8, s25, s13, $0xb8;
	[tilespmem:$0x13C00] =	vst v63  }
0x230: {  	s25 =	sld [smem:$0x7C1]  }
0x231: {  	s26 =	sld [smem:$0x7C2]  }
0x232: {  	[spmem:s2] =	stream.indirect.scatter.add.bf16 [tilespmem:s29], [sflag:$0x4], $0x8, s28, s13, $0xb8;
	[tilespmem:$0x13C00] =	vst v63  }
0x233: {  	s28 =	sld [smem:$0x7C3]  }
0x234: {  	s29 =	sld [smem:$0x7C4]  }
0x235: {  	[spmem:s2] =	stream.indirect.scatter.add.bf16 [tilespmem:s26], [sflag:$0x4], $0x8, s25, s13, $0xb8;
	[tilespmem:$0x13C00] =	vst v63  }
0x236: {  	s25 =	sld [smem:$0x7C5]  }
0x237: {  	s26 =	sld [smem:$0x7C6]  }
0x238: {  	[spmem:s2] =	stream.indirect.scatter.add.bf16 [tilespmem:s29], [sflag:$0x4], $0x8, s28, s13, $0xb8;
	[tilespmem:$0x13C00] =	vst v63  }
0x239: {  	s28 =	sld [smem:$0x7C7]  }
0x23a: {  	s29 =	sld [smem:$0x7C8]  }
0x23b: {  	[spmem:s2] =	stream.indirect.scatter.add.bf16 [tilespmem:s26], [sflag:$0x4], $0x8, s25, s13, $0xb8;
	[tilespmem:$0x13C00] =	vst v63  }
0x23c: {  	s25 =	sld [smem:$0x7C9]  }
0x23d: {  	s26 =	sld [smem:$0x7CA]  }
0x23e: {  	[spmem:s2] =	stream.indirect.scatter.add.bf16 [tilespmem:s29], [sflag:$0x4], $0x8, s28, s13, $0xb8;
	[tilespmem:$0x13C00] =	vst v63  }
0x23f: {  	s28 =	sld [smem:$0x7CB]  }
0x240: {  	s29 =	sld [smem:$0x7CC]  }
0x241: {  	[spmem:s2] =	stream.indirect.scatter.add.bf16 [tilespmem:s26], [sflag:$0x4], $0x8, s25, s13, $0xb8;
	[tilespmem:$0x13C00] =	vst v63  }
0x242: {  	s25 =	sld [smem:$0x7CD]  }
0x243: {  	s26 =	sld [smem:$0x7CE]  }
0x244: {  	[spmem:s2] =	stream.indirect.scatter.add.bf16 [tilespmem:s29], [sflag:$0x4], $0x8, s28, s13, $0xb8;
	[tilespmem:$0x13C00] =	vst v63  }
0x245: {  	s28 =	sld [smem:$0x7CF]  }
0x246: {  	s29 =	sld [smem:$0x7D0]  }
0x247: {  	[spmem:s2] =	stream.indirect.scatter.add.bf16 [tilespmem:s26], [sflag:$0x4], $0x8, s25, s13, $0xb8;
	[tilespmem:$0x13C00] =	vst v63  }
0x248: {  	s25 =	sld [smem:$0x7D1]  }
0x249: {  	s26 =	sld [smem:$0x7D2]  }
0x24a: {  	[spmem:s2] =	stream.indirect.scatter.add.bf16 [tilespmem:s29], [sflag:$0x4], $0x8, s28, s13, $0xb8;
	[tilespmem:$0x13C00] =	vst v63  }
0x24b: {  	s28 =	sld [smem:$0x7D3]  }
0x24c: {  	s29 =	sld [smem:$0x7D4]  }
0x24d: {  	[spmem:s2] =	stream.indirect.scatter.add.bf16 [tilespmem:s26], [sflag:$0x4], $0x8, s25, s13, $0xb8;
	[tilespmem:$0x13C00] =	vst v63  }
0x24e: {  	s25 =	sld [smem:$0x7D5]  }
0x24f: {  	s26 =	sld [smem:$0x7D6]  }
0x250: {  	[spmem:s2] =	stream.indirect.scatter.add.bf16 [tilespmem:s29], [sflag:$0x4], $0x8, s28, s13, $0xb8;
	[tilespmem:$0x13C00] =	vst v63  }
0x251: {  	s28 =	sld [smem:$0x7D7]  }
0x252: {  	s29 =	sld [smem:$0x7D8]  }
0x253: {  	[spmem:s2] =	stream.indirect.scatter.add.bf16 [tilespmem:s26], [sflag:$0x4], $0x8, s25, s13, $0xb8;
	[tilespmem:$0x13C00] =	vst v63  }
0x254: {  	s25 =	sld [smem:$0x7D9]  }
0x255: {  	s26 =	sld [smem:$0x7DA]  }
0x256: {  	[spmem:s2] =	stream.indirect.scatter.add.bf16 [tilespmem:s29], [sflag:$0x4], $0x8, s28, s13, $0xb8;
	[tilespmem:$0x13C00] =	vst v63  }
0x257: {  	s28 =	sld [smem:$0x7DB]  }
0x258: {  	s29 =	sld [smem:$0x7DC]  }
0x259: {  	[spmem:s2] =	stream.indirect.scatter.add.bf16 [tilespmem:s26], [sflag:$0x4], $0x8, s25, s13, $0xb8;
	[tilespmem:$0x13C00] =	vst v63  }
0x25a: {  	s25 =	sld [smem:$0x7DD]  }
0x25b: {  	s26 =	sld [smem:$0x7DE]  }
0x25c: {  	[spmem:s2] =	stream.indirect.scatter.add.bf16 [tilespmem:s29], [sflag:$0x4], $0x8, s28, s13, $0xb8;
	[tilespmem:$0x13C00] =	vst v63  }
0x25d: {  	s28 =	sld [smem:$0x7DF]  }
0x25e: {  	s29 =	sld [smem:$0x7E0]  }
0x25f: {  	[spmem:s2] =	stream.indirect.scatter.add.bf16 [tilespmem:s26], [sflag:$0x4], $0x8, s25, s13, $0xb8;
	[tilespmem:$0x13C00] =	vst v63  }
0x260: {  	_ = 	snop  }
0x261: {  	[spmem:s2] =	stream.indirect.scatter.add.bf16 [tilespmem:s29], [sflag:$0x4], $0x8, s28, s13, $0xb8;
	[tilespmem:$0x13C00] =	vst v63  }
0x262: {  	_ =	swait.ge [sflag:s20], $0x400  }
0x263: {  	[sflag:s20] =	ssyncset.done $0x0  }
0x264: {  	[sflag:s20] =	ssyncadd.s32 $0xFFFFFC00  }
0x265: {  	_ =	swait.ge [sflag:s20], $0x400  }
0x266: {  	[sflag:s20] =	ssyncset.done $0x0  }
0x267: {  	[sflag:s20] =	ssyncadd.s32 $0xFFFFFC00  }
0x268: {  	_ =	swait.ge [sflag:s20], $0x400  }
0x269: {  	[sflag:s20] =	ssyncset.done $0x0  }
0x26a: {  	[sflag:s20] =	ssyncadd.s32 $0xFFFFFC00  }
0x26b: {  	_ =	swait.ge [sflag:s20], $0x400  }
0x26c: {  	[sflag:s20] =	ssyncset.done $0x0  }
0x26d: {  	[sflag:s20] =	ssyncadd.s32 $0xFFFFFC00  }
0x26e: {  	_ =	swait.ge [sflag:s20], $0x400  }
0x26f: {  	[sflag:s20] =	ssyncset.done $0x0  }
0x270: {  	[sflag:s20] =	ssyncadd.s32 $0xFFFFFC00  }
0x271: {  	_ =	swait.ge [sflag:s20], $0x400  }
0x272: {  	[sflag:s20] =	ssyncset.done $0x0  }
0x273: {  	[sflag:s20] =	ssyncadd.s32 $0xFFFFFC00  }
0x274: {  	_ =	swait.ge [sflag:s20], $0x400  }
0x275: {  	[sflag:s20] =	ssyncset.done $0x0  }
0x276: {  	[sflag:s20] =	ssyncadd.s32 $0xFFFFFC00  }
0x277: {  	_ =	swait.ge [sflag:s20], $0x400  }
0x278: {  	[sflag:s20] =	ssyncset.done $0x0  }
0x279: {  	[sflag:s20] =	ssyncadd.s32 $0xFFFFFC00  }
0x27a: {  	_ =	swait.ge [sflag:s20], $0x400  }
0x27b: {  	[sflag:s20] =	ssyncset.done $0x0  }
0x27c: {  	[sflag:s20] =	ssyncadd.s32 $0xFFFFFC00  }
0x27d: {  	_ =	swait.ge [sflag:s20], $0x400  }
0x27e: {  	[sflag:s20] =	ssyncset.done $0x0  }
0x27f: {  	[sflag:s20] =	ssyncadd.s32 $0xFFFFFC00  }
0x280: {  	_ =	swait.ge [sflag:s20], $0x400  }
0x281: {  	[sflag:s20] =	ssyncset.done $0x0  }
0x282: {  	[sflag:s20] =	ssyncadd.s32 $0xFFFFFC00  }
0x283: {  	_ =	swait.ge [sflag:s20], $0x400  }
0x284: {  	[sflag:s20] =	ssyncset.done $0x0  }
0x285: {  	[sflag:s20] =	ssyncadd.s32 $0xFFFFFC00  }
0x286: {  	_ =	swait.ge [sflag:s20], $0x400  }
0x287: {  	[sflag:s20] =	ssyncset.done $0x0  }
0x288: {  	[sflag:s20] =	ssyncadd.s32 $0xFFFFFC00  }
0x289: {  	_ =	swait.ge [sflag:s20], $0x400  }
0x28a: {  	[sflag:s20] =	ssyncset.done $0x0  }
0x28b: {  	[sflag:s20] =	ssyncadd.s32 $0xFFFFFC00  }
0x28c: {  	_ =	swait.ge [sflag:s20], $0x400  }
0x28d: {  	[sflag:s20] =	ssyncset.done $0x0  }
0x28e: {  	[sflag:s20] =	ssyncadd.s32 $0xFFFFFC00  }
0x28f: {  	_ =	swait.ge [sflag:s20], $0x400  }
0x290: {  	[sflag:s20] =	ssyncset.done $0x0  }
0x291: {  	[sflag:s20] =	ssyncadd.s32 $0xFFFFFC00  }
0x292: {  	_ =	swait.ge [sflag:s20], $0x400  }
0x293: {  	[sflag:s20] =	ssyncset.done $0x0  }
0x294: {  	[sflag:s20] =	ssyncadd.s32 $0xFFFFFC00  }
0x295: {  	_ =	swait.ge [sflag:s20], $0x400  }
0x296: {  	[sflag:s20] =	ssyncset.done $0x0  }
0x297: {  	[sflag:s20] =	ssyncadd.s32 $0xFFFFFC00  }
0x298: {  	_ =	swait.ge [sflag:s20], $0x400  }
0x299: {  	[sflag:s20] =	ssyncset.done $0x0  }
0x29a: {  	[sflag:s20] =	ssyncadd.s32 $0xFFFFFC00  }
0x29b: {  	_ =	swait.ge [sflag:s20], $0x400  }
0x29c: {  	[sflag:s20] =	ssyncset.done $0x0  }
0x29d: {  	[sflag:s20] =	ssyncadd.s32 $0xFFFFFC00  }
0x29e: {  	_ =	swait.ge [sflag:s20], $0x400  }
0x29f: {  	[sflag:s20] =	ssyncset.done $0x0  }
0x2a0: {  	[sflag:s20] =	ssyncadd.s32 $0xFFFFFC00  }
0x2a1: {  	_ =	swait.ge [sflag:s20], $0x400  }
0x2a2: {  	[sflag:s20] =	ssyncset.done $0x0  }
0x2a3: {  	[sflag:s20] =	ssyncadd.s32 $0xFFFFFC00  }
0x2a4: {  	_ =	swait.ge [sflag:s20], $0x400  }
0x2a5: {  	[sflag:s20] =	ssyncset.done $0x0  }
0x2a6: {  	[sflag:s20] =	ssyncadd.s32 $0xFFFFFC00  }
0x2a7: {  	_ =	swait.ge [sflag:s20], $0x400  }
0x2a8: {  	[sflag:s20] =	ssyncset.done $0x0  }
0x2a9: {  	[sflag:s20] =	ssyncadd.s32 $0xFFFFFC00  }
0x2aa: {  	_ =	swait.ge [sflag:s20], $0x400  }
0x2ab: {  	[sflag:s20] =	ssyncset.done $0x0  }
0x2ac: {  	[sflag:s20] =	ssyncadd.s32 $0xFFFFFC00  }
0x2ad: {  	_ =	swait.ge [sflag:s20], $0x400  }
0x2ae: {  	s29 =	sld [smem:$0x7E1]  }
0x2af: {  	[sflag:s20] =	ssyncset.done $0x0  }
0x2b0: {  	[sflag:s20] =	ssyncadd.s32 $0xFFFFFC00  }
0x2b1: {  	[tilespmem:s7], [sflag:$0x1] =	stream.indirect.gather [hbm4b:s0+s19], $0x8, s29, s19, $0xb8;
	[tilespmem:$0x13C00] =	vst v63  }
0x2b2: {  	_ =	swait.ge [sflag:s4], $0x6800  }
0x2b3: {  	s26 =	sld [smem:$0x7E2]  }
0x2b4: {  	[sflag:s4] =	ssyncset.done $0x0  }
0x2b5: {  	s28 =	sld [smem:$0x7E4];
	[sflag:s4] =	ssyncadd.s32 $0xFFFF9800  }
0x2b6: {  	[spmem:s2] =	stream.indirect.scatter.add.bf16 [tilespmem:s7], [sflag:$0x3], $0x8, s26, s13, $0xb8;
	[tilespmem:$0x13C00] =	vst v63  }
0x2b7: {  	s29 =	sld [smem:$0x7E5]  }
0x2b8: {  	[spmem:s2] =	stream.indirect.scatter.add.bf16 [tilespmem:s30], [sflag:$0x3], $0x8, s28, s13, $0xb8;
	[tilespmem:$0x13C00] =	vst v63  }
0x2b9: {  	s28 =	sld [smem:$0x7E6]  }
0x2ba: {  	[spmem:s2] =	stream.indirect.scatter.add.bf16 [tilespmem:s31], [sflag:$0x3], $0x8, s29, s13, $0xb8;
	[tilespmem:$0x13C00] =	vst v63  }
0x2bb: {  	s29 =	sld [smem:$0x7E7]  }
0x2bc: {  	[spmem:s2] =	stream.indirect.scatter.add.bf16 [tilespmem:s11], [sflag:$0x3], $0x8, s28, s13, $0xb8;
	[tilespmem:$0x13C00] =	vst v63  }
0x2bd: {  	s28 =	sld [smem:$0x7E8]  }
0x2be: {  	[spmem:s2] =	stream.indirect.scatter.add.bf16 [tilespmem:s1], [sflag:$0x3], $0x8, s29, s13, $0xb8;
	[tilespmem:$0x13C00] =	vst v63  }
0x2bf: {  	s29 =	sld [smem:$0x7EA]  }
0x2c0: {  	[spmem:s2] =	stream.indirect.scatter.add.bf16 [tilespmem:s3], [sflag:$0x3], $0x8, s28, s13, $0xb8;
	[tilespmem:$0x13C00] =	vst v63  }
0x2c1: {  	s1 =	sld [smem:$0x7EB]  }
0x2c2: {  	[spmem:s2] =	stream.indirect.scatter.add.bf16 [tilespmem:s9], [sflag:$0x3], $0x8, s29, s13, $0xb8;
	[tilespmem:$0x13C00] =	vst v63  }
0x2c3: {  	s28 =	sld [smem:$0x7EC]  }
0x2c4: {  	[spmem:s2] =	stream.indirect.scatter.add.bf16 [tilespmem:s14], [sflag:$0x3], $0x8, s1, s13, $0xb8;
	[tilespmem:$0x13C00] =	vst v63  }
0x2c5: {  	s29 =	sld [smem:$0x7ED]  }
0x2c6: {  	[spmem:s2] =	stream.indirect.scatter.add.bf16 [tilespmem:s15], [sflag:$0x3], $0x8, s28, s13, $0xb8;
	[tilespmem:$0x13C00] =	vst v63  }
0x2c7: {  	s1 =	sld [smem:$0x7EE]  }
0x2c8: {  	[spmem:s2] =	stream.indirect.scatter.add.bf16 [tilespmem:s16], [sflag:$0x3], $0x8, s29, s13, $0xb8;
	[tilespmem:$0x13C00] =	vst v63  }
0x2c9: {  	s28 =	sld [smem:$0x7EF]  }
0x2ca: {  	[spmem:s2] =	stream.indirect.scatter.add.bf16 [tilespmem:s17], [sflag:$0x3], $0x8, s1, s13, $0xb8;
	[tilespmem:$0x13C00] =	vst v63  }
0x2cb: {  	s29 =	sld [smem:$0x7F0]  }
0x2cc: {  	[spmem:s2] =	stream.indirect.scatter.add.bf16 [tilespmem:s18], [sflag:$0x3], $0x8, s28, s13, $0xb8;
	[tilespmem:$0x13C00] =	vst v63  }
0x2cd: {  	s1 =	sld [smem:$0x7F1]  }
0x2ce: {  	[spmem:s2] =	stream.indirect.scatter.add.bf16 [tilespmem:s10], [sflag:$0x3], $0x8, s29, s13, $0xb8;
	[tilespmem:$0x13C00] =	vst v63  }
0x2cf: {  	s28 =	sld [smem:$0x7F2]  }
0x2d0: {  	[spmem:s2] =	stream.indirect.scatter.add.bf16 [tilespmem:s5], [sflag:$0x3], $0x8, s1, s13, $0xb8;
	[tilespmem:$0x13C00] =	vst v63  }
0x2d1: {  	s29 =	sld [smem:$0x7F3]  }
0x2d2: {  	[spmem:s2] =	stream.indirect.scatter.add.bf16 [tilespmem:s12], [sflag:$0x3], $0x8, s28, s13, $0xb8;
	[tilespmem:$0x13C00] =	vst v63  }
0x2d3: {  	s1 =	sld [smem:$0x7F4]  }
0x2d4: {  	[spmem:s2] =	stream.indirect.scatter.add.bf16 [tilespmem:s23], [sflag:$0x3], $0x8, s29, s13, $0xb8;
	[tilespmem:$0x13C00] =	vst v63  }
0x2d5: {  	s23 =	sld [smem:$0x7F5]  }
0x2d6: {  	[spmem:s2] =	stream.indirect.scatter.add.bf16 [tilespmem:s24], [sflag:$0x3], $0x8, s1, s13, $0xb8;
	[tilespmem:$0x13C00] =	vst v63  }
0x2d7: {  	s28 =	simm.s32 $0x9300;
	s24 =	sld [smem:$0x7F6]  }
0x2d8: {  	[spmem:s2] =	stream.indirect.scatter.add.bf16 [tilespmem:s28], [sflag:$0x3], $0x8, s23, s13, $0xb8;
	[tilespmem:$0x13C00] =	vst v63  }
0x2d9: {  	s29 =	sld [smem:$0x7F7];
	s23 =	simm.s32 $0x9700  }
0x2da: {  	[spmem:s2] =	stream.indirect.scatter.add.bf16 [tilespmem:s23], [sflag:$0x3], $0x8, s24, s13, $0xb8;
	[tilespmem:$0x13C00] =	vst v63  }
0x2db: {  	s28 =	simm.s32 $0x9B00;
	s24 =	sld [smem:$0x7F8]  }
0x2dc: {  	[spmem:s2] =	stream.indirect.scatter.add.bf16 [tilespmem:s28], [sflag:$0x3], $0x8, s29, s13, $0xb8;
	[tilespmem:$0x13C00] =	vst v63  }
0x2dd: {  	s23 =	simm.s32 $0x9F00;
	s29 =	sld [smem:$0x7F9]  }
0x2de: {  	[spmem:s2] =	stream.indirect.scatter.add.bf16 [tilespmem:s23], [sflag:$0x3], $0x8, s24, s13, $0xb8;
	[tilespmem:$0x13C00] =	vst v63  }
0x2df: {  	s28 =	simm.s32 $0xA300;
	s24 =	sld [smem:$0x7FA]  }
0x2e0: {  	[spmem:s2] =	stream.indirect.scatter.add.bf16 [tilespmem:s28], [sflag:$0x3], $0x8, s29, s13, $0xb8;
	[tilespmem:$0x13C00] =	vst v63  }
0x2e1: {  	s23 =	simm.s32 $0xA700;
	s29 =	sld [smem:$0x7FB]  }
0x2e2: {  	[spmem:s2] =	stream.indirect.scatter.add.bf16 [tilespmem:s23], [sflag:$0x3], $0x8, s24, s13, $0xb8;
	[tilespmem:$0x13C00] =	vst v63  }
0x2e3: {  	s28 =	simm.s32 $0xAB00;
	s24 =	sld [smem:$0x7FC]  }
0x2e4: {  	[spmem:s2] =	stream.indirect.scatter.add.bf16 [tilespmem:s28], [sflag:$0x3], $0x8, s29, s13, $0xb8;
	[tilespmem:$0x13C00] =	vst v63  }
0x2e5: {  	s23 =	simm.s32 $0xAF00;
	s29 =	sld [smem:$0x7FD]  }
0x2e6: {  	[spmem:s2] =	stream.indirect.scatter.add.bf16 [tilespmem:s23], [sflag:$0x3], $0x8, s24, s13, $0xb8;
	[tilespmem:$0x13C00] =	vst v63  }
0x2e7: {  	s24 =	simm.s32 $0xB300  }
0x2e8: {  	[spmem:s2] =	stream.indirect.scatter.add.bf16 [tilespmem:s24], [sflag:$0x3], $0x8, s29, s13, $0xb8;
	[tilespmem:$0x13C00] =	vst v63  }
0x2e9: {  	_ =	swait.ge [sflag:s21], $0x400  }
0x2ea: {  	[sflag:s21] =	ssyncset.done $0x0  }
0x2eb: {  	[sflag:s21] =	ssyncadd.s32 $0xFFFFFC00  }
0x2ec: {  	_ =	swait.ge [sflag:s21], $0x400  }
0x2ed: {  	[sflag:s21] =	ssyncset.done $0x0  }
0x2ee: {  	[sflag:s21] =	ssyncadd.s32 $0xFFFFFC00  }
0x2ef: {  	_ =	swait.ge [sflag:s21], $0x400  }
0x2f0: {  	[sflag:s21] =	ssyncset.done $0x0  }
0x2f1: {  	[sflag:s21] =	ssyncadd.s32 $0xFFFFFC00  }
0x2f2: {  	_ =	swait.ge [sflag:s21], $0x400  }
0x2f3: {  	[sflag:s21] =	ssyncset.done $0x0  }
0x2f4: {  	[sflag:s21] =	ssyncadd.s32 $0xFFFFFC00  }
0x2f5: {  	_ =	swait.ge [sflag:s21], $0x400  }
0x2f6: {  	[sflag:s21] =	ssyncset.done $0x0  }
0x2f7: {  	[sflag:s21] =	ssyncadd.s32 $0xFFFFFC00  }
0x2f8: {  	_ =	swait.ge [sflag:s21], $0x400  }
0x2f9: {  	[sflag:s21] =	ssyncset.done $0x0  }
0x2fa: {  	[sflag:s21] =	ssyncadd.s32 $0xFFFFFC00  }
0x2fb: {  	_ =	swait.ge [sflag:s21], $0x400  }
0x2fc: {  	[sflag:s21] =	ssyncset.done $0x0  }
0x2fd: {  	[sflag:s21] =	ssyncadd.s32 $0xFFFFFC00  }
0x2fe: {  	_ =	swait.ge [sflag:s21], $0x400  }
0x2ff: {  	[sflag:s21] =	ssyncset.done $0x0  }
0x300: {  	[sflag:s21] =	ssyncadd.s32 $0xFFFFFC00  }
0x301: {  	_ =	swait.ge [sflag:s21], $0x400  }
0x302: {  	[sflag:s21] =	ssyncset.done $0x0  }
0x303: {  	[sflag:s21] =	ssyncadd.s32 $0xFFFFFC00  }
0x304: {  	_ =	swait.ge [sflag:s21], $0x400  }
0x305: {  	[sflag:s21] =	ssyncset.done $0x0  }
0x306: {  	[sflag:s21] =	ssyncadd.s32 $0xFFFFFC00  }
0x307: {  	_ =	swait.ge [sflag:s21], $0x400  }
0x308: {  	[sflag:s21] =	ssyncset.done $0x0  }
0x309: {  	[sflag:s21] =	ssyncadd.s32 $0xFFFFFC00  }
0x30a: {  	_ =	swait.ge [sflag:s21], $0x400  }
0x30b: {  	[sflag:s21] =	ssyncset.done $0x0  }
0x30c: {  	[sflag:s21] =	ssyncadd.s32 $0xFFFFFC00  }
0x30d: {  	_ =	swait.ge [sflag:s21], $0x400  }
0x30e: {  	[sflag:s21] =	ssyncset.done $0x0  }
0x30f: {  	[sflag:s21] =	ssyncadd.s32 $0xFFFFFC00  }
0x310: {  	_ =	swait.ge [sflag:s21], $0x400  }
0x311: {  	[sflag:s21] =	ssyncset.done $0x0  }
0x312: {  	[sflag:s21] =	ssyncadd.s32 $0xFFFFFC00  }
0x313: {  	_ =	swait.ge [sflag:s21], $0x400  }
0x314: {  	[sflag:s21] =	ssyncset.done $0x0  }
0x315: {  	[sflag:s21] =	ssyncadd.s32 $0xFFFFFC00  }
0x316: {  	_ =	swait.ge [sflag:s21], $0x400  }
0x317: {  	[sflag:s21] =	ssyncset.done $0x0  }
0x318: {  	[sflag:s21] =	ssyncadd.s32 $0xFFFFFC00  }
0x319: {  	_ =	swait.ge [sflag:s21], $0x400  }
0x31a: {  	[sflag:s21] =	ssyncset.done $0x0  }
0x31b: {  	[sflag:s21] =	ssyncadd.s32 $0xFFFFFC00  }
0x31c: {  	_ =	swait.ge [sflag:s21], $0x400  }
0x31d: {  	[sflag:s21] =	ssyncset.done $0x0  }
0x31e: {  	[sflag:s21] =	ssyncadd.s32 $0xFFFFFC00  }
0x31f: {  	_ =	swait.ge [sflag:s21], $0x400  }
0x320: {  	[sflag:s21] =	ssyncset.done $0x0  }
0x321: {  	[sflag:s21] =	ssyncadd.s32 $0xFFFFFC00  }
0x322: {  	_ =	swait.ge [sflag:s21], $0x400  }
0x323: {  	[sflag:s21] =	ssyncset.done $0x0  }
0x324: {  	[sflag:s21] =	ssyncadd.s32 $0xFFFFFC00  }
0x325: {  	_ =	swait.ge [sflag:s21], $0x400  }
0x326: {  	[sflag:s21] =	ssyncset.done $0x0  }
0x327: {  	[sflag:s21] =	ssyncadd.s32 $0xFFFFFC00  }
0x328: {  	_ =	swait.ge [sflag:s21], $0x400  }
0x329: {  	[sflag:s21] =	ssyncset.done $0x0  }
0x32a: {  	[sflag:s21] =	ssyncadd.s32 $0xFFFFFC00  }
0x32b: {  	_ =	swait.ge [sflag:s21], $0x400  }
0x32c: {  	[sflag:s21] =	ssyncset.done $0x0  }
0x32d: {  	[sflag:s21] =	ssyncadd.s32 $0xFFFFFC00  }
0x32e: {  	_ =	swait.ge [sflag:s21], $0x400  }
0x32f: {  	[sflag:s21] =	ssyncset.done $0x0  }
0x330: {  	[sflag:s21] =	ssyncadd.s32 $0xFFFFFC00  }
0x331: {  	_ =	swait.ge [sflag:s21], $0x400  }
0x332: {  	[sflag:s21] =	ssyncset.done $0x0  }
0x333: {  	[sflag:s21] =	ssyncadd.s32 $0xFFFFFC00  }
0x334: {  	_ =	swait.ge [sflag:s21], $0x400  }
0x335: {  	[sflag:s21] =	ssyncset.done $0x0  }
0x336: {  	[sflag:s21] =	ssyncadd.s32 $0xFFFFFC00  }
0x337: {  	_ =	swait.ge [sflag:s20], $0x400  }
0x338: {  	[sflag:s20] =	ssyncset.done $0x0  }
0x339: {  	[sflag:s20] =	ssyncadd.s32 $0xFFFFFC00  }
0x33a: {  	_ =	swait.ge [sflag:s20], $0x400  }
0x33b: {  	[sflag:s20] =	ssyncset.done $0x0  }
0x33c: {  	[sflag:s20] =	ssyncadd.s32 $0xFFFFFC00  }
0x33d: {  	_ =	swait.ge [sflag:s20], $0x400  }
0x33e: {  	[sflag:s20] =	ssyncset.done $0x0  }
0x33f: {  	[sflag:s20] =	ssyncadd.s32 $0xFFFFFC00  }
0x340: {  	_ =	swait.ge [sflag:s20], $0x400  }
0x341: {  	[sflag:s20] =	ssyncset.done $0x0  }
0x342: {  	[sflag:s20] =	ssyncadd.s32 $0xFFFFFC00  }
0x343: {  	_ =	swait.ge [sflag:s20], $0x400  }
0x344: {  	[sflag:s20] =	ssyncset.done $0x0  }
0x345: {  	[sflag:s20] =	ssyncadd.s32 $0xFFFFFC00  }
0x346: {  	_ =	swait.ge [sflag:s20], $0x400  }
0x347: {  	[sflag:s20] =	ssyncset.done $0x0  }
0x348: {  	[sflag:s20] =	ssyncadd.s32 $0xFFFFFC00  }
0x349: {  	_ =	swait.ge [sflag:s20], $0x400  }
0x34a: {  	[sflag:s20] =	ssyncset.done $0x0  }
0x34b: {  	[sflag:s20] =	ssyncadd.s32 $0xFFFFFC00  }
0x34c: {  	_ =	swait.ge [sflag:s20], $0x400  }
0x34d: {  	[sflag:s20] =	ssyncset.done $0x0  }
0x34e: {  	[sflag:s20] =	ssyncadd.s32 $0xFFFFFC00  }
0x34f: {  	_ =	swait.ge [sflag:s20], $0x400  }
0x350: {  	[sflag:s20] =	ssyncset.done $0x0  }
0x351: {  	[sflag:s20] =	ssyncadd.s32 $0xFFFFFC00  }
0x352: {  	_ =	swait.ge [sflag:s20], $0x400  }
0x353: {  	[sflag:s20] =	ssyncset.done $0x0  }
0x354: {  	[sflag:s20] =	ssyncadd.s32 $0xFFFFFC00  }
0x355: {  	_ =	swait.ge [sflag:s20], $0x400  }
0x356: {  	[sflag:s20] =	ssyncset.done $0x0  }
0x357: {  	[sflag:s20] =	ssyncadd.s32 $0xFFFFFC00  }
0x358: {  	_ =	swait.ge [sflag:s20], $0x400  }
0x359: {  	[sflag:s20] =	ssyncset.done $0x0  }
0x35a: {  	[sflag:s20] =	ssyncadd.s32 $0xFFFFFC00  }
0x35b: {  	_ =	swait.ge [sflag:s20], $0x400  }
0x35c: {  	[sflag:s20] =	ssyncset.done $0x0  }
0x35d: {  	[sflag:s20] =	ssyncadd.s32 $0xFFFFFC00  }
0x35e: {  	_ =	swait.ge [sflag:s20], $0x400  }
0x35f: {  	[sflag:s20] =	ssyncset.done $0x0  }
0x360: {  	[sflag:s20] =	ssyncadd.s32 $0xFFFFFC00  }
0x361: {  	_ =	swait.ge [sflag:s20], $0x400  }
0x362: {  	[sflag:s20] =	ssyncset.done $0x0  }
0x363: {  	[sflag:s20] =	ssyncadd.s32 $0xFFFFFC00  }
0x364: {  	_ =	swait.ge [sflag:s20], $0x400  }
0x365: {  	[sflag:s20] =	ssyncset.done $0x0  }
0x366: {  	[sflag:s20] =	ssyncadd.s32 $0xFFFFFC00  }
0x367: {  	_ =	swait.ge [sflag:s20], $0x400  }
0x368: {  	[sflag:s20] =	ssyncset.done $0x0  }
0x369: {  	[sflag:s20] =	ssyncadd.s32 $0xFFFFFC00  }
0x36a: {  	_ =	swait.ge [sflag:s20], $0x400  }
0x36b: {  	[sflag:s20] =	ssyncset.done $0x0  }
0x36c: {  	[sflag:s20] =	ssyncadd.s32 $0xFFFFFC00  }
0x36d: {  	_ =	swait.ge [sflag:s20], $0x400  }
0x36e: {  	[sflag:s20] =	ssyncset.done $0x0  }
0x36f: {  	[sflag:s20] =	ssyncadd.s32 $0xFFFFFC00  }
0x370: {  	_ =	swait.ge [sflag:s20], $0x400  }
0x371: {  	[sflag:s20] =	ssyncset.done $0x0  }
0x372: {  	[sflag:s20] =	ssyncadd.s32 $0xFFFFFC00  }
0x373: {  	_ =	swait.ge [sflag:s20], $0x400  }
0x374: {  	[sflag:s20] =	ssyncset.done $0x0  }
0x375: {  	[sflag:s20] =	ssyncadd.s32 $0xFFFFFC00  }
0x376: {  	_ =	swait.ge [sflag:s20], $0x400  }
0x377: {  	[sflag:s20] =	ssyncset.done $0x0  }
0x378: {  	[sflag:s20] =	ssyncadd.s32 $0xFFFFFC00  }
0x379: {  	_ =	swait.ge [sflag:s20], $0x400  }
0x37a: {  	[sflag:s20] =	ssyncset.done $0x0  }
0x37b: {  	[sflag:s20] =	ssyncadd.s32 $0xFFFFFC00  }
0x37c: {  	_ =	swait.ge [sflag:s20], $0x400  }
0x37d: {  	[sflag:s20] =	ssyncset.done $0x0  }
0x37e: {  	[sflag:s20] =	ssyncadd.s32 $0xFFFFFC00  }
0x37f: {  	_ =	swait.ge [sflag:s20], $0x400  }
0x380: {  	[sflag:s20] =	ssyncset.done $0x0  }
0x381: {  	[sflag:s20] =	ssyncadd.s32 $0xFFFFFC00  }
0x382: {  	_ =	swait.ge [sflag:s20], $0x400  }
0x383: {  	s25 =	simm.s32 @!p0 $0x80;
	s26 =	simm.s32 @!p0 $0x11F00;
	[sflag:s20] =	ssyncset.done $0x0  }
0x384: {  	s1 =	simm.s32 @!p0 $0x2700;
	s23 =	simm.s32 @!p0 $0x1;
	[sflag:s20] =	ssyncadd.s32 $0xFFFFFC00  }
0x385: {  	[tilespmem:s26], [sflag:$0x1] =	stream.indirect.gather @!p0 [hbm4b:s0+s25], $0x8, s1, s25, $0xb8;
	[tilespmem:$0x13C00] =	vst v63  }
0x386: {  	_ =	swait.ge @!p0 [sflag:s23], $0x400  }
0x387: {  	[sflag:s23] =	ssyncset.done @!p0 $0x0  }
0x388: {  	s0 =	simm.s32 @!p0 $0x4E80;
	[sflag:s23] =	ssyncadd.s32 @!p0 $0xFFFFFC00  }
0x389: {  	[spmem:s2] =	stream.indirect.scatter.add.bf16 @!p0 [tilespmem:s26], [sflag:$0x5], $0x8, s0, s25, $0xb8;
	[tilespmem:$0x13C00] =	vst v63  }
0x38a: {  	_ =	swait.ge @!p0 [sflag:s22], $0x400  }
0x38b: {  	[sflag:s22] =	ssyncset.done @!p0 $0x0  }
0x38c: {  	[sflag:s22] =	ssyncadd.s32 @!p0 $0xFFFFFC00  }
0x38d: {  	[bflag:$0x0] =	sbarrier.arrive $0xFFFF  }
0x38e: {  	s26 =	stileid.u32;
	s28 =	sld [smem:$0x7E9]  }
0x38f: {  	s6 =	sadd.s32 $0xFFFFFFFF, s6;
	s23 =	sshll.u32 s26, $0x6  }
0x390: {  	p1 =	sne.s32 s6, $0x0;
	s23 =	sor.u32 $0x1C05, s23  }
.Ltmp0:
0x391: {  	s25 =	rddreg [dreg:$0xa];
	s29 =	sshrl.u32 s28, $0x3;
	(pc) =	sbr.rel @p1 .LBB2_1-.Ltmp0, $4  }
0x392: {  	[hbm:s25], [sflag:s23] =	dma.local [spmem:s29], $0x280  }
0x393: {  	_ =	swait.ge [sflag:s8], $0x280  }
0x394: {  	[sflag:s8] =	ssyncset.done $0x0  }
0x395: {  	[sflag:s8] =	ssyncadd.s32 $0xFFFFFD80  }
0x396: {  	_ =	sfence.sel $0x180000  }
0x397: {  	[bflag:$0x0] =	sbarrier.arrive $0xFFFF  }
0x398: {  	_ =	strace $0x9000004A  }
0x399: {  	s0 =	stileid.u32;
	[bflag:$0x2] =	sbarrier.arrive $0xFFFF  }
0x39a: {  	p0 =	sne.s32 s0, $0x0;
	s0 =	rddreg [dreg:$0x2]  }
0x39b: {  	s0 =	sadd.s32 @!p0 $0x100000, s0  }
0x39c: {  	[sflag:s0] =	ssyncadd.tile.s32 @!p0 $0x1;
	_ =	shalt  }
.Lfunc_end2:
_tile_overlayer_lowered:
.L_overlay_start_2:
0x39d: {  	(tag) =	ssettag $0x2  }
0x39e: {  	s0 =	rddreg [dreg:$0x0];
	s2 =	stileid.u32  }
0x39f: {  	s1 =	rddreg [dreg:$0x1];
	p0 =	sne.s32 s2, $0x0  }
0x3a0: {  	s3 =	rddreg [dreg:$0x2];
	[bflag:$0x3] =	sbarrier.arrive $0xFFFF;
	s2 =	simm.s32 @!p0 $0x1C05  }
0x3a1: {  	[timem:s3], [sflag:s2] =	dma.local @!p0 [hbm:s0], s1  }
0x3a2: {  	s0 =	simm.s32 @!p0 $0x5  }
0x3a3: {  	_ =	swait.ge @!p0 [sflag:s0], s1  }
0x3a4: {  	s1 =	ssub.s32 @!p0 $0x0, s1;
	[sflag:s0] =	ssyncset.done @!p0 $0x0  }
0x3a5: {  	[sflag:s0] =	ssyncadd.s32 @!p0 s1  }
0x3a6: {  	[bflag:$0x3] =	sbarrier.arrive $0xFFFF  }
0x3a7: {  	_ =	shalt  }

// kernel: kernel.14.cloned.1.call-start
scs
__scs_entry_jumppad:
0x0: {  	(pc) =	sbr.rel $0x88, $3  }
0x1: {  	(tag) =	ssettag $0x0;
	lr =	simm.s32 $0x1  }
0x2: {  	[smem:$0x3F9A] =	sst lr;
	_ =	strace $0xD0000000  }
0x3: {  	_ = 	snop  }
0x4: {  	_ = 	snop  }
0x5: {  	_ = 	snop  }
0x6: {  	_ = 	snop  }
0x7: {  	_ = 	snop  }
__scs_overlays_trampoline_lowered:
0x8: {  	[smem:$0x3FA9] =	sst s0  }
0x9: {  	[smem:$0x3FAA] =	sst s1  }
0xa: {  	[smem:$0x3FAB] =	sst s2  }
0xb: {  	[smem:$0x3FAC] =	sst s3  }
0xc: {  	[smem:$0x3FAD] =	sst s4  }
0xd: {  	[smem:$0x3FAE] =	sst s5  }
0xe: {  	[smem:$0x3FAF] =	sst s6  }
0xf: {  	[smem:$0x3FB0] =	sst s7  }
0x10: {  	[smem:$0x3FB1] =	sst s8  }
0x11: {  	[smem:$0x3FB2] =	sst s9;
	s0 =	simm.s32 @!p0 $0x0  }
0x12: {  	s1 =	sld [smem:$0x3F98];
	s0 =	simm.s32 @p0 $0x1  }
0x13: {  	[smem:$0x3FB3] =	sst s0;
	s0 =	simm.s32 @!p1 $0x0  }
0x14: {  	s2 =	sld [smem:$0x3F97];
	s0 =	simm.s32 @p1 $0x1  }
0x15: {  	[smem:$0x3FB4] =	sst s0;
	s0 =	simm.s32 @!p2 $0x0  }
0x16: {  	s3 =	sld [smem:$0x3FDB];
	s0 =	simm.s32 @p2 $0x1  }
0x17: {  	s4 =	simm.s32 $0x1BF5;
	[smem:$0x3FB6] =	sst s0  }
0x18: {  	s0 =	sld [smem:$0x3F99];
	_ =	swait.ge [sflag:s4], $0x0  }
0x19: {  	s7 =	sld [smem:$0x3F9A]  }
0x1a: {  	s8 =	sadd.s32 $0xFFFFE003, lr  }
0x1b: {  	s9 =	sadd.s32 $0xFFFFFEF7, lr;
	s5 =	simm.s32 $0xFFFFFFFF;
	p2 =	slt.u32 s8, $0xFFFFF086  }
0x1c: {  	p1 =	slt.u32 s9, $0xF7A;
	s5 =	simm.s32 @!p2 $0x0  }
0x1d: {  	s5 =	simm.s32 @p1 $0x1;
	p0 =	seq.s32 s7, s2  }
0x1e: {  	s7 =	smul.u32 @!p0 $0xF7A, s2;
	p2 =	seq.s32 @!p0 s5, $0x0  }
0x1f: {  	s9 =	smul.u32 $0xF7A, s1;
	s8 =	simm.s32 @!p0 $0x1BF5;
	p2 =	por !p2, p0  }
0x20: {  	[sflag:s8] =	ssyncset.s32 @!p0 $0xFFFFF086;
	s6 =	sadd.s32 @!p0 s3, s7;
	s7 =	simm.s32 @!p0 $0x108  }
0x21: {  	s3 =	sadd.s32 s3, s9;
	s6 =	sadd.s32 @!p0 $0x88, s6;
	s7 =	simm.s32 @p2 $0x1082  }
0x22: {  	[simem:s7], [sflag:s8] =	dma.local @!p0 [hbm:s6], $0xF7A  }
0x23: {  	s9 =	sor.u32 $0xD0000000, s2;
	s6 =	simm.s32 $0x108;
	_ =	swait.ge @!p0 [sflag:s8], $0x0  }
0x24: {  	s3 =	sadd.s32 $0x88, s3;
	s6 =	simm.s32 @!p1 $0x1082;
	[sflag:s4] =	ssyncset.s32 $0xFFFFF086  }
0x25: {  	[simem:s6], [sflag:s4] =	dma.local [hbm:s3], $0xF7A  }
0x26: {  	[smem:$0x3F9A] =	sst s1;
	(tag) =	ssettag s2;
	_ =	strace s9  }
0x27: {  	s1 =	sld [smem:$0x3FAA]  }
0x28: {  	s2 =	sld [smem:$0x3FAB]  }
0x29: {  	s4 =	sld [smem:$0x3FAD]  }
0x2a: {  	p0 =	seq.s32 s5, $0x0;
	s5 =	sld [smem:$0x3FAE]  }
0x2b: {  	s6 =	sld [smem:$0x3FAF]  }
0x2c: {  	s7 =	sld [smem:$0x3FB0]  }
0x2d: {  	s3 =	simm.s32 $0x108;
	s8 =	sld [smem:$0x3FB1]  }
0x2e: {  	s3 =	simm.s32 @!p0 $0x1082;
	s9 =	sld [smem:$0x3FB2]  }
0x2f: {  	lr =	sadd.s32 s0, s3;
	s0 =	sld [smem:$0x3FA9]  }
0x30: {  	s3 =	sld [smem:$0x3FAC]  }
0x31: {  	[smem:$0x3FB5] =	sst s10  }
0x32: {  	s10 =	sld [smem:$0x3FB3];
	_ =	sdelay $0x3  }
0x33: {  	p0 =	seq.s32 s10, $0x1;
	s10 =	sld [smem:$0x3FB5];
	_ =	sdelay $0x3  }
0x34: {  	[smem:$0x3FB5] =	sst s10  }
0x35: {  	s10 =	sld [smem:$0x3FB4];
	_ =	sdelay $0x3  }
0x36: {  	p1 =	seq.s32 s10, $0x1;
	s10 =	sld [smem:$0x3FB5];
	_ =	sdelay $0x3  }
0x37: {  	[smem:$0x3FB5] =	sst s10  }
0x38: {  	s10 =	sld [smem:$0x3FB6]  }
0x39: {  	_ = 	snop;
	(pc) =	sbr.ind lr, $3  }
0x3a: {  	_ = 	snop  }
0x3b: {  	_ = 	snop  }
0x3c: {  	p2 =	seq.s32 s10, $0x1;
	s10 =	sld [smem:$0x3FB5]  }
0x3d: {  	_ =	shalt  }
0x3e: {  	_ =	shalt  }
0x3f: {  	_ =	shalt  }
0x40: {  	_ =	shalt  }
0x41: {  	_ =	shalt  }
0x42: {  	_ =	shalt  }
0x43: {  	_ =	shalt  }
0x44: {  	_ =	shalt  }
0x45: {  	_ =	shalt  }
0x46: {  	_ =	shalt  }
0x47: {  	_ =	shalt  }
0x48: {  	_ =	shalt  }
0x49: {  	_ =	shalt  }
0x4a: {  	_ =	shalt  }
0x4b: {  	_ =	shalt  }
0x4c: {  	_ =	shalt  }
0x4d: {  	_ =	shalt  }
0x4e: {  	_ =	shalt  }
0x4f: {  	_ =	shalt  }
0x50: {  	_ =	shalt  }
0x51: {  	_ =	shalt  }
0x52: {  	_ =	shalt  }
0x53: {  	_ =	shalt  }
0x54: {  	_ =	shalt  }
0x55: {  	_ =	shalt  }
0x56: {  	_ =	shalt  }
0x57: {  	_ =	shalt  }
0x58: {  	_ =	shalt  }
0x59: {  	_ =	shalt  }
0x5a: {  	_ =	shalt  }
0x5b: {  	_ =	shalt  }
0x5c: {  	_ =	shalt  }
0x5d: {  	_ =	shalt  }
0x5e: {  	_ =	shalt  }
0x5f: {  	_ =	shalt  }
0x60: {  	_ =	shalt  }
0x61: {  	_ =	shalt  }
0x62: {  	_ =	shalt  }
0x63: {  	_ =	shalt  }
0x64: {  	_ =	shalt  }
0x65: {  	_ =	shalt  }
0x66: {  	_ =	shalt  }
0x67: {  	_ =	shalt  }
0x68: {  	_ =	shalt  }
0x69: {  	_ =	shalt  }
0x6a: {  	_ =	shalt  }
0x6b: {  	_ =	shalt  }
0x6c: {  	_ =	shalt  }
0x6d: {  	_ =	shalt  }
0x6e: {  	_ =	shalt  }
0x6f: {  	_ =	shalt  }
0x70: {  	_ =	shalt  }
0x71: {  	_ =	shalt  }
0x72: {  	_ =	shalt  }
0x73: {  	_ =	shalt  }
0x74: {  	_ =	shalt  }
0x75: {  	_ =	shalt  }
0x76: {  	_ =	shalt  }
0x77: {  	_ =	shalt  }
0x78: {  	_ =	shalt  }
0x79: {  	_ =	shalt  }
0x7a: {  	_ =	shalt  }
0x7b: {  	_ =	shalt  }
0x7c: {  	_ =	shalt  }
0x7d: {  	_ =	shalt  }
0x7e: {  	_ =	shalt  }
0x7f: {  	_ =	shalt  }
0x80: {  	_ =	shalt  }
0x81: {  	_ =	shalt  }
0x82: {  	_ =	shalt  }
0x83: {  	_ =	shalt  }
0x84: {  	_ =	shalt  }
0x85: {  	_ =	shalt  }
0x86: {  	_ =	shalt  }
0x87: {  	_ =	shalt  }
.Lfunc_end0:
.L_simem_size_0:
called_computation.2_lowered:
.L_overlay_start_0:
0x88: {  	s2 =	sld [smem:$0x3FD9]  }
0x89: {  	s3 =	sld [smem:$0x3FFE];
	_ =	sdelay $0x1  }
0x8a: {  	s1 =	srdreg.scid  }
0x8b: {  	s0 =	sand.u32 $0x1, s1  }
0x8c: {  	s16 =	sshll.u32 s0, $0xA;
	s2 =	sadd.s32 s3, s2  }
0x8d: {  	s2 =	sadd.s32 s2, s16  }
0x8e: {  	[smem:$0x3FC1] =	sst s2  }
0x8f: {  	_ = 	snop  }
0x90: {  	(tm) =	ssettm $0x1  }
0x91: {  	s17 =	sld [smem:$0x3FFB];
	_ =	sdelay $0x3  }
0x92: {  	_ =	strace s17  }
0x93: {  	s2 =	sld [smem:$0x3FFC];
	_ =	sdelay $0x3  }
0x94: {  	_ =	strace s2  }
0x95: {  	s2 =	sld [smem:$0x3FFD];
	_ =	sdelay $0x3  }
0x96: {  	_ =	strace s2  }
0x97: {  	_ =	strace $0x8FFFFFFF  }
0x98: {  	s18 =	sld [smem:$0x3FDB];
	_ =	sdelay $0x1  }
0x99: {  	s19 =	simm.s32 $_scs_section_size  }
0x9a: {  	s4 =	simm.s32 $_size__tile_overlayer_lowered;
	s5 =	simm.s32 $_tile_overlayer_lowered  }
0x9b: {  	s22 =	simm.s32 $0x1BFF;
	s21 =	sshll.u32 s5, $0x1;
	s2 =	sadd.s32 s19, s18  }
0x9c: {  	s6 =	simm.s32 $0x0;
	s20 =	sshll.u32 s4, $0x1;
	s4 =	sadd.s32 s21, s2  }
0x9d: {  	[timem:s6], [sflag:s22] =	dma.local [hbm:s4], s20  }
0x9e: {  	_ =	swait.ge [sflag:s22], s20  }
0x9f: {  	s3 =	ssub.s32 $0x0, s20;
	[sflag:s22] =	ssyncset.done $0x0  }
0xa0: {  	[sflag:s22] =	ssyncadd.s32 s3;
	_ =	sdelay $0x1  }
0xa1: {  	s23 =	simm.s32 $0x1B8B  }
0xa2: {  	_ =	swait.ge [sflag:s23], $0x1  }
0xa3: {  	[sflag:s23] =	ssyncset.done $0x0  }
0xa4: {  	s25 =	simm.s32 $0x1B8E;
	s24 =	sld [smem:$0x3FFE];
	[sflag:s23] =	ssyncadd.s32 $0xFFFFFFFF  }
0xa5: {  	s26 =	simm.s32 $execute0_lowered;
	[smem:$0x3FD2] =	sst s25  }
0xa6: {  	s4 =	sshll.u32 s26, $0x1;
	_ =	strace $0x8000004C;
	[dreg:$0x1] =	wrdreg $0xFFFFFFFF  }
0xa7: {  	s28 =	simm.s32 $_size_execute0_lowered;
	s2 =	sadd.s32 s2, s4;
	[dreg:$0x0] =	wrdreg $0x0  }
0xa8: {  	s4 =	sshll.u32 s28, $0x1;
	[dreg:$0x2] =	wrdreg s2  }
0xa9: {  	[dreg:$0x3] =	wrdreg s4  }
0xaa: {  	[dreg:$0x4] =	wrdreg $0xC0  }
0xab: {  	_ =	task [dreg:s6], $0x5FFFF  }
0xac: {  	[dreg:$0x1] =	wrdreg $0xFFFFFFFF  }
0xad: {  	[dreg:$0x0] =	wrdreg $0x60  }
0xae: {  	[dreg:$0x2] =	wrdreg s24  }
0xaf: {  	[dreg:$0x3] =	wrdreg $0x128000  }
0xb0: {  	[dreg:$0x4] =	wrdreg $0x9  }
0xb1: {  	_ =	task.clear_ibuf [dreg:s6], $0x5FFFF;
	_ =	strace $0x9000004C  }
0xb2: {  	s29 =	simm.s32 $0x9;
	_ =	strace $0x8000004E  }
0xb3: {  	_ =	swait.ge [sflag:s29], $0x1  }
0xb4: {  	[sflag:s29] =	ssyncadd.s32 $0xFFFFFFFF  }
0xb5: {  	_ =	strace $0x9000004E  }
0xb6: {  	_ =	sfence  }
0xb7: {  	s30 =	sld [smem:$0x0];
	_ =	sdelay $0x2  }
0xb8: {  	s31 =	sshll.u32 s1, $0xD;
	s1 =	sshrl.u32 s1, $0x2  }
0xb9: {  	s3 =	sand.u32 $0x4000, s31;
	s1 =	sadd.s32 s1, s30  }
0xba: {  	s0 =	sor.u32 s3, s0;
	s1 =	sshll.u32 s1, $0x11  }
0xbb: {  	s0 =	sor.u32 s1, s0  }
0xbc: {  	s0 =	sadd.s32 $0x8F2B, s0  }
0xbd: {  	[sflag:s0] =	ssyncadd.remote.s32 $0x1  }
0xbe: {  	_ =	sfence.sel $0xFFFF  }
0xbf: {  	[dreg:$0x0] =	wrdreg $0xFFFFFFFF;
	(pc) =	sbr.abs _section_cstart, $3  }
0xc0: {  	[dreg:$0x1] =	wrdreg $0xFFFFFFFF  }
0xc1: {  	_ =	task.clear_ibuf [dreg:s6], $0x2FFFF;
	_ =	strace $0x9FFFFFFF  }
0xc2: {  	(tm) =	ssettm $0x7FFFFFFF  }
0xc3: {  	_ =	shalt  }
tec
execute0_lowered:
.L_overlay_start_1:
0x0: {  	(tag) =	ssettag $0x1  }
0x1: {  	s1 =	rddreg [dreg:$0x0]  }
0x2: {  	s2 =	rddreg [dreg:$0x1];
	s0 =	simm.s32 $0x0  }
0x3: {  	s19 =	simm.s32 $0x12308;
	[smem:$0x7FF] =	sst s0  }
0x4: {  	s20 =	simm.s32 $0x12310;
	_ =	strace $0x8000004D;
	[dreg:$0xb] =	wrdreg s19  }
0x5: {  	s21 =	simm.s32 $0x12318;
	[dreg:$0xc] =	wrdreg s20  }
0x6: {  	s22 =	simm.s32 $0x12320;
	[dreg:$0xd] =	wrdreg s21  }
0x7: {  	s23 =	simm.s32 $0x12328;
	[dreg:$0xe] =	wrdreg s22  }
0x8: {  	s24 =	simm.s32 $0x12330;
	[dreg:$0xf] =	wrdreg s23  }
0x9: {  	s25 =	simm.s32 $0x12338;
	[dreg:$0x10] =	wrdreg s24  }
0xa: {  	[dreg:$0x11] =	wrdreg s25;
	s19 =	simm.s32 $0x123C0  }
0xb: {  	s20 =	simm.s32 $0x123C8;
	[smem:$0x70D] =	sst s19  }
0xc: {  	s21 =	simm.s32 $0x123D0;
	[smem:$0x70E] =	sst s20  }
0xd: {  	s22 =	simm.s32 $0x123D8;
	[smem:$0x70F] =	sst s21  }
0xe: {  	s11 =	stileid.u32;
	s23 =	simm.s32 $0x123E0;
	[smem:$0x710] =	sst s22  }
0xf: {  	s26 =	smul.u32 $0x5000, s11;
	s24 =	simm.s32 $0x123E8;
	[smem:$0x711] =	sst s23  }
0x10: {  	s25 =	simm.s32 $0x123F0;
	[smem:$0x712] =	sst s24  }
0x11: {  	s0 =	sshrl.u32 s26, $0x2;
	s26 =	simm.s32 $0x12340;
	[smem:$0x713] =	sst s25  }
0x12: {  	s19 =	simm.s32 $0x12478;
	[dreg:$0x12] =	wrdreg s26  }
0x13: {  	s20 =	simm.s32 $0x12480;
	[smem:$0x724] =	sst s19  }
0x14: {  	s3 =	srdreg.scid;
	s21 =	simm.s32 $0x12488;
	[smem:$0x725] =	sst s20  }
0x15: {  	s5 =	sand.u32 $0x1, s3;
	s22 =	simm.s32 $0x12490;
	[smem:$0x726] =	sst s21  }
0x16: {  	s3 =	smul.u32 $0x2800, s11;
	s23 =	simm.s32 $0x12498;
	[smem:$0x727] =	sst s22  }
0x17: {  	s7 =	sshll.u32 s5, $0x4;
	s24 =	simm.s32 $0x124A0;
	[smem:$0x728] =	sst s23  }
0x18: {  	s25 =	simm.s32 $0x124A8;
	s8 =	sadd.s32 s0, s2;
	[smem:$0x729] =	sst s24  }
0x19: {  	s0 =	sor.u32 s11, s7;
	s7 =	simm.s32 $0x12360;
	[smem:$0x72A] =	sst s25  }
0x1a: {  	s14 =	sshll.u32 s11, $0x4;
	s11 =	simm.s32 $0x12380;
	[dreg:$0x16] =	wrdreg s7  }
0x1b: {  	s26 =	simm.s32 $0x123F8;
	[dreg:$0x1a] =	wrdreg s11  }
0x1c: {  	s19 =	simm.s32 $0x12530;
	[smem:$0x714] =	sst s26  }
0x1d: {  	s20 =	simm.s32 $0x12538;
	[smem:$0x73B] =	sst s19  }
0x1e: {  	s21 =	simm.s32 $0x12540;
	[smem:$0x73C] =	sst s20  }
0x1f: {  	s22 =	simm.s32 $0x12548;
	[smem:$0x73D] =	sst s21  }
0x20: {  	s23 =	simm.s32 $0x12550;
	[smem:$0x73E] =	sst s22  }
0x21: {  	s24 =	simm.s32 $0x12558;
	[smem:$0x73F] =	sst s23  }
0x22: {  	s25 =	simm.s32 $0x12560;
	[smem:$0x740] =	sst s24  }
0x23: {  	s28 =	sadd.s32 $0x500, s8;
	[smem:$0x741] =	sst s25  }
0x24: {  	s29 =	sadd.s32 $0xA00, s8;
	[dreg:$0x3] =	wrdreg s28  }
0x25: {  	s12 =	sadd.s32 $0xF00, s8;
	[dreg:$0x4] =	wrdreg s29  }
0x26: {  	s8 =	sor.u32 $0x9C00, s14;
	s14 =	simm.s32 $0x12398;
	[dreg:$0x5] =	wrdreg s12  }
0x27: {  	s7 =	simm.s32 $0x12418;
	[dreg:$0x1d] =	wrdreg s14  }
0x28: {  	s11 =	simm.s32 $0x12438;
	[smem:$0x718] =	sst s7  }
0x29: {  	s26 =	simm.s32 $0x124B0;
	[smem:$0x71C] =	sst s11  }
0x2a: {  	s19 =	simm.s32 $0x125E8;
	[smem:$0x72B] =	sst s26  }
0x2b: {  	s20 =	simm.s32 $0x125F0;
	[smem:$0x752] =	sst s19  }
0x2c: {  	s21 =	simm.s32 $0x125F8;
	[smem:$0x753] =	sst s20  }
0x2d: {  	s9 =	smul.u32 $0x28000, s5;
	s22 =	simm.s32 $0x12600;
	[smem:$0x754] =	sst s21  }
0x2e: {  	s23 =	simm.s32 $0x12608;
	[smem:$0x755] =	sst s22  }
0x2f: {  	s9 =	sadd.s32 s3, s9;
	s24 =	simm.s32 $0x12610;
	[smem:$0x756] =	sst s23  }
0x30: {  	s3 =	sshrl.u32 s3, $0x1;
	s25 =	simm.s32 $0x12618;
	[smem:$0x757] =	sst s24  }
0x31: {  	s6 =	sadd.s32 $0xB600, s1;
	s3 =	sadd.s32 s3, s2;
	[smem:$0x758] =	sst s25  }
0x32: {  	s17 =	sadd.s32 s6, s8;
	[smem:$0x7E9] =	sst s3  }
0x33: {  	s28 =	simm.s32 $0x12348;
	[dreg:$0x9] =	wrdreg s17  }
0x34: {  	s9 =	sshrl.u32 s9, $0x4;
	s29 =	simm.s32 $0x12350;
	[dreg:$0x13] =	wrdreg s28  }
0x35: {  	s16 =	sadd.s32 s9, s1;
	s9 =	simm.s32 $0x12370;
	[dreg:$0x14] =	wrdreg s29  }
0x36: {  	s12 =	simm.s32 $0x12388;
	[dreg:$0x18] =	wrdreg s9  }
0x37: {  	s14 =	simm.s32 $0x12450;
	[dreg:$0x1b] =	wrdreg s12  }
0x38: {  	s7 =	simm.s32 $0x124D0;
	[smem:$0x71F] =	sst s14  }
0x39: {  	s11 =	simm.s32 $0x124F0;
	[smem:$0x72F] =	sst s7  }
0x3a: {  	s26 =	simm.s32 $0x12568;
	[smem:$0x733] =	sst s11  }
0x3b: {  	s19 =	simm.s32 $0x126A0;
	[smem:$0x742] =	sst s26  }
0x3c: {  	s20 =	simm.s32 $0x126A8;
	[smem:$0x769] =	sst s19  }
0x3d: {  	s21 =	simm.s32 $0x126B0;
	[smem:$0x76A] =	sst s20  }
0x3e: {  	s22 =	simm.s32 $0x126B8;
	[smem:$0x76B] =	sst s21  }
0x3f: {  	s23 =	simm.s32 $0x126C0;
	[smem:$0x76C] =	sst s22  }
0x40: {  	s24 =	simm.s32 $0x126C8;
	[smem:$0x76D] =	sst s23  }
0x41: {  	s10 =	smul.u32 $0x4E0, s0;
	s25 =	simm.s32 $0x126D0;
	[smem:$0x76E] =	sst s24  }
0x42: {  	s4 =	sadd.s32 $0x1800, s1;
	s1 =	sadd.s32 $0x15400, s1;
	[smem:$0x76F] =	sst s25  }
0x43: {  	s13 =	sadd.s32 s4, s10;
	[smem:$0x7E3] =	sst s1  }
0x44: {  	s15 =	sadd.s32 s6, s10;
	[dreg:$0x6] =	wrdreg s13  }
0x45: {  	s4 =	sadd.s32 s4, s8;
	[dreg:$0x7] =	wrdreg s15  }
0x46: {  	s18 =	sadd.s32 $0x17C00, s16;
	[dreg:$0x8] =	wrdreg s4  }
0x47: {  	s6 =	simm.s32 $0x12358;
	[dreg:$0xa] =	wrdreg s18  }
0x48: {  	s8 =	simm.s32 $0x12368;
	[dreg:$0x15] =	wrdreg s6  }
0x49: {  	s10 =	simm.s32 $0x12378;
	[dreg:$0x17] =	wrdreg s8  }
0x4a: {  	s16 =	simm.s32 $0x123A8;
	[dreg:$0x19] =	wrdreg s10  }
0x4b: {  	s17 =	simm.s32 $0x123B0;
	[dreg:$0x1f] =	wrdreg s16  }
0x4c: {  	s28 =	simm.s32 $0x12400;
	[smem:$0x70B] =	sst s17  }
0x4d: {  	s29 =	simm.s32 $0x12408;
	[smem:$0x715] =	sst s28  }
0x4e: {  	s9 =	simm.s32 $0x12428;
	[smem:$0x716] =	sst s29  }
0x4f: {  	s12 =	simm.s32 $0x12440;
	[smem:$0x71A] =	sst s9  }
0x50: {  	s14 =	simm.s32 $0x12508;
	[smem:$0x71D] =	sst s12  }
0x51: {  	s7 =	simm.s32 $0x12588;
	[smem:$0x736] =	sst s14  }
0x52: {  	s11 =	simm.s32 $0x125A8;
	[smem:$0x746] =	sst s7  }
0x53: {  	s26 =	simm.s32 $0x12620;
	[smem:$0x74A] =	sst s11  }
0x54: {  	s19 =	simm.s32 $0x12758;
	[smem:$0x759] =	sst s26  }
0x55: {  	s20 =	simm.s32 $0x12760;
	[smem:$0x780] =	sst s19  }
0x56: {  	s21 =	simm.s32 $0x12768;
	[smem:$0x781] =	sst s20  }
0x57: {  	s22 =	simm.s32 $0x12770;
	[smem:$0x782] =	sst s21  }
0x58: {  	s23 =	simm.s32 $0x12778;
	[smem:$0x783] =	sst s22  }
0x59: {  	s24 =	simm.s32 $0x12780;
	[smem:$0x784] =	sst s23  }
0x5a: {  	s25 =	simm.s32 $0x12788;
	[smem:$0x785] =	sst s24  }
0x5b: {  	s13 =	simm.s32 $0x12390;
	[smem:$0x786] =	sst s25  }
0x5c: {  	s15 =	simm.s32 $0x123A0;
	[dreg:$0x1c] =	wrdreg s13  }
0x5d: {  	s18 =	simm.s32 $0x123B8;
	[dreg:$0x1e] =	wrdreg s15  }
0x5e: {  	s6 =	simm.s32 $0x12410;
	[smem:$0x70C] =	sst s18  }
0x5f: {  	s8 =	simm.s32 $0x12420;
	[smem:$0x717] =	sst s6  }
0x60: {  	s10 =	simm.s32 $0x12430;
	[smem:$0x719] =	sst s8  }
0x61: {  	s16 =	simm.s32 $0x12460;
	[smem:$0x71B] =	sst s10  }
0x62: {  	s17 =	simm.s32 $0x12468;
	[smem:$0x721] =	sst s16  }
0x63: {  	s28 =	simm.s32 $0x124B8;
	[smem:$0x722] =	sst s17  }
0x64: {  	s29 =	simm.s32 $0x124C0;
	[smem:$0x72C] =	sst s28  }
0x65: {  	s9 =	simm.s32 $0x124E0;
	[smem:$0x72D] =	sst s29  }
0x66: {  	s12 =	simm.s32 $0x124F8;
	[smem:$0x731] =	sst s9  }
0x67: {  	s14 =	simm.s32 $0x125C0;
	[smem:$0x734] =	sst s12  }
0x68: {  	s7 =	simm.s32 $0x12640;
	[smem:$0x74D] =	sst s14  }
0x69: {  	s11 =	simm.s32 $0x12660;
	[smem:$0x75D] =	sst s7  }
0x6a: {  	s26 =	simm.s32 $0x126D8;
	[smem:$0x761] =	sst s11  }
0x6b: {  	s19 =	simm.s32 $0x2900;
	[smem:$0x770] =	sst s26  }
0x6c: {  	s20 =	simm.s32 $0x2980;
	[smem:$0x797] =	sst s19  }
0x6d: {  	s21 =	simm.s32 $0x2A00;
	[smem:$0x798] =	sst s20  }
0x6e: {  	s22 =	simm.s32 $0x2A80;
	[smem:$0x799] =	sst s21  }
0x6f: {  	s23 =	simm.s32 $0x2B00;
	[smem:$0x79A] =	sst s22  }
0x70: {  	s24 =	simm.s32 $0x2B80;
	[smem:$0x79B] =	sst s23  }
0x71: {  	s25 =	simm.s32 $0x2C00;
	[smem:$0x79C] =	sst s24  }
0x72: {  	s13 =	simm.s32 $0x12448;
	[smem:$0x79D] =	sst s25  }
0x73: {  	s15 =	simm.s32 $0x12458;
	[smem:$0x71E] =	sst s13  }
0x74: {  	s18 =	simm.s32 $0x12470;
	[smem:$0x720] =	sst s15  }
0x75: {  	s6 =	simm.s32 $0x124C8;
	[smem:$0x723] =	sst s18  }
0x76: {  	s8 =	simm.s32 $0x124D8;
	[smem:$0x72E] =	sst s6  }
0x77: {  	s10 =	simm.s32 $0x124E8;
	[smem:$0x730] =	sst s8  }
0x78: {  	s16 =	simm.s32 $0x12518;
	[smem:$0x732] =	sst s10  }
0x79: {  	s17 =	simm.s32 $0x12520;
	[smem:$0x738] =	sst s16  }
0x7a: {  	s28 =	simm.s32 $0x12570;
	[smem:$0x739] =	sst s17  }
0x7b: {  	s29 =	simm.s32 $0x12578;
	[smem:$0x743] =	sst s28  }
0x7c: {  	s9 =	simm.s32 $0x12598;
	[smem:$0x744] =	sst s29  }
0x7d: {  	s12 =	simm.s32 $0x125B0;
	[smem:$0x748] =	sst s9  }
0x7e: {  	s14 =	simm.s32 $0x12678;
	[smem:$0x74B] =	sst s12  }
0x7f: {  	s7 =	simm.s32 $0x126F8;
	[smem:$0x764] =	sst s14  }
0x80: {  	s11 =	simm.s32 $0x12718;
	[smem:$0x774] =	sst s7  }
0x81: {  	s26 =	simm.s32 $0x12790;
	[smem:$0x778] =	sst s11  }
0x82: {  	s19 =	simm.s32 $0x3480;
	[smem:$0x787] =	sst s26  }
0x83: {  	s20 =	simm.s32 $0x3500;
	[smem:$0x7AE] =	sst s19  }
0x84: {  	s21 =	simm.s32 $0xBB00;
	[smem:$0x7AF] =	sst s20  }
0x85: {  	s22 =	simm.s32 $0x3580;
	[smem:$0x7B0] =	sst s21  }
0x86: {  	s23 =	simm.s32 $0xBF00;
	[smem:$0x7B1] =	sst s22  }
0x87: {  	s24 =	simm.s32 $0x3600;
	[smem:$0x7B2] =	sst s23  }
0x88: {  	s25 =	simm.s32 $0xC300;
	[smem:$0x7B3] =	sst s24  }
0x89: {  	s13 =	simm.s32 $0x12500;
	[smem:$0x7B4] =	sst s25  }
0x8a: {  	s15 =	simm.s32 $0x12510;
	[smem:$0x735] =	sst s13  }
0x8b: {  	s18 =	simm.s32 $0x12528;
	[smem:$0x737] =	sst s15  }
0x8c: {  	s6 =	simm.s32 $0x12580;
	[smem:$0x73A] =	sst s18  }
0x8d: {  	s8 =	simm.s32 $0x12590;
	[smem:$0x745] =	sst s6  }
0x8e: {  	s10 =	simm.s32 $0x125A0;
	[smem:$0x747] =	sst s8  }
0x8f: {  	s16 =	simm.s32 $0x125D0;
	[smem:$0x749] =	sst s10  }
0x90: {  	s17 =	simm.s32 $0x125D8;
	[smem:$0x74F] =	sst s16  }
0x91: {  	s28 =	simm.s32 $0x12628;
	[smem:$0x750] =	sst s17  }
0x92: {  	s29 =	simm.s32 $0x12630;
	[smem:$0x75A] =	sst s28  }
0x93: {  	s9 =	simm.s32 $0x12650;
	[smem:$0x75B] =	sst s29  }
0x94: {  	s12 =	simm.s32 $0x12668;
	[smem:$0x75F] =	sst s9  }
0x95: {  	s14 =	simm.s32 $0x12730;
	[smem:$0x762] =	sst s12  }
0x96: {  	s7 =	simm.s32 $0x127B0;
	[smem:$0x77B] =	sst s14  }
0x97: {  	s11 =	simm.s32 $0x127D0;
	[smem:$0x78B] =	sst s7  }
0x98: {  	s26 =	simm.s32 $0x2C80;
	[smem:$0x78F] =	sst s11  }
0x99: {  	s19 =	simm.s32 $0x3A80;
	[smem:$0x79E] =	sst s26  }
0x9a: {  	s20 =	simm.s32 $0xE700;
	[smem:$0x7C5] =	sst s19  }
0x9b: {  	s21 =	simm.s32 $0x3B00;
	[smem:$0x7C6] =	sst s20  }
0x9c: {  	s22 =	simm.s32 $0xEB00;
	[smem:$0x7C7] =	sst s21  }
0x9d: {  	s23 =	simm.s32 $0x3B80;
	[smem:$0x7C8] =	sst s22  }
0x9e: {  	s24 =	simm.s32 $0xEF00;
	[smem:$0x7C9] =	sst s23  }
0x9f: {  	s25 =	simm.s32 $0x3C00;
	[smem:$0x7CA] =	sst s24  }
0xa0: {  	s13 =	simm.s32 $0x125B8;
	[smem:$0x7CB] =	sst s25  }
0xa1: {  	s15 =	simm.s32 $0x125C8;
	[smem:$0x74C] =	sst s13  }
0xa2: {  	s18 =	simm.s32 $0x125E0;
	[smem:$0x74E] =	sst s15  }
0xa3: {  	s6 =	simm.s32 $0x12638;
	[smem:$0x751] =	sst s18  }
0xa4: {  	s8 =	simm.s32 $0x12648;
	[smem:$0x75C] =	sst s6  }
0xa5: {  	s10 =	simm.s32 $0x12658;
	[smem:$0x75E] =	sst s8  }
0xa6: {  	s16 =	simm.s32 $0x12688;
	[smem:$0x760] =	sst s10  }
0xa7: {  	s17 =	simm.s32 $0x12690;
	[smem:$0x766] =	sst s16  }
0xa8: {  	s28 =	simm.s32 $0x126E0;
	[smem:$0x767] =	sst s17  }
0xa9: {  	s29 =	simm.s32 $0x126E8;
	[smem:$0x771] =	sst s28  }
0xaa: {  	s9 =	simm.s32 $0x12708;
	[smem:$0x772] =	sst s29  }
0xab: {  	s12 =	simm.s32 $0x12720;
	[smem:$0x776] =	sst s9  }
0xac: {  	s14 =	simm.s32 $0x127E8;
	[smem:$0x779] =	sst s12  }
0xad: {  	s7 =	simm.s32 $0x2E80;
	[smem:$0x792] =	sst s14  }
0xae: {  	s11 =	simm.s32 $0x3080;
	[smem:$0x7A2] =	sst s7  }
0xaf: {  	s26 =	simm.s32 $0x3680;
	[smem:$0x7A6] =	sst s11  }
0xb0: {  	s19 =	simm.s32 $0x11300;
	[smem:$0x7B5] =	sst s26  }
0xb1: {  	s20 =	simm.s32 $0x4080;
	[smem:$0x7DC] =	sst s19  }
0xb2: {  	s21 =	simm.s32 $0x11700;
	[smem:$0x7DD] =	sst s20  }
0xb3: {  	s22 =	simm.s32 $0x4100;
	[smem:$0x7DE] =	sst s21  }
0xb4: {  	s23 =	simm.s32 $0x11B00;
	[smem:$0x7DF] =	sst s22  }
0xb5: {  	s24 =	simm.s32 $0x1A00;
	[smem:$0x7E0] =	sst s23  }
0xb6: {  	s25 =	simm.s32 $0x4180;
	[smem:$0x7E1] =	sst s24  }
0xb7: {  	s13 =	simm.s32 $0x12670;
	[smem:$0x7E2] =	sst s25  }
0xb8: {  	s15 =	simm.s32 $0x12680;
	[smem:$0x763] =	sst s13  }
0xb9: {  	s18 =	simm.s32 $0x12698;
	[smem:$0x765] =	sst s15  }
0xba: {  	s6 =	simm.s32 $0x126F0;
	[smem:$0x768] =	sst s18  }
0xbb: {  	s8 =	simm.s32 $0x12700;
	[smem:$0x773] =	sst s6  }
0xbc: {  	s10 =	simm.s32 $0x12710;
	[smem:$0x775] =	sst s8  }
0xbd: {  	s16 =	simm.s32 $0x12740;
	[smem:$0x777] =	sst s10  }
0xbe: {  	s17 =	simm.s32 $0x12748;
	[smem:$0x77D] =	sst s16  }
0xbf: {  	s28 =	simm.s32 $0x12798;
	[smem:$0x77E] =	sst s17  }
0xc0: {  	s29 =	simm.s32 $0x127A0;
	[smem:$0x788] =	sst s28  }
0xc1: {  	s9 =	simm.s32 $0x127C0;
	[smem:$0x789] =	sst s29  }
0xc2: {  	s12 =	simm.s32 $0x127D8;
	[smem:$0x78D] =	sst s9  }
0xc3: {  	s14 =	simm.s32 $0x3200;
	[smem:$0x790] =	sst s12  }
0xc4: {  	s7 =	simm.s32 $0x3780;
	[smem:$0x7A9] =	sst s14  }
0xc5: {  	s11 =	simm.s32 $0x3880;
	[smem:$0x7B9] =	sst s7  }
0xc6: {  	s26 =	simm.s32 $0xF300;
	[smem:$0x7BD] =	sst s11  }
0xc7: {  	s19 =	simm.s32 $0x4980;
	[smem:$0x7CC] =	sst s26  }
0xc8: {  	s20 =	simm.s32 $0x4A00;
	[smem:$0x7F4] =	sst s19  }
0xc9: {  	s21 =	simm.s32 $0x4A80;
	[smem:$0x7F5] =	sst s20  }
0xca: {  	s22 =	simm.s32 $0x4B00;
	[smem:$0x7F6] =	sst s21  }
0xcb: {  	s23 =	simm.s32 $0x4B80;
	[smem:$0x7F7] =	sst s22  }
0xcc: {  	s24 =	simm.s32 $0x4C00;
	[smem:$0x7F8] =	sst s23  }
0xcd: {  	s25 =	simm.s32 $0x4C80;
	[smem:$0x7F9] =	sst s24  }
0xce: {  	s13 =	simm.s32 $0x12728;
	[smem:$0x7FA] =	sst s25  }
0xcf: {  	s15 =	simm.s32 $0x12738;
	[smem:$0x77A] =	sst s13  }
0xd0: {  	s18 =	simm.s32 $0x12750;
	[smem:$0x77C] =	sst s15  }
0xd1: {  	s6 =	simm.s32 $0x127A8;
	[smem:$0x77F] =	sst s18  }
0xd2: {  	s8 =	simm.s32 $0x127B8;
	[smem:$0x78A] =	sst s6  }
0xd3: {  	s10 =	simm.s32 $0x127C8;
	[smem:$0x78C] =	sst s8  }
0xd4: {  	s16 =	simm.s32 $0x127F8;
	[smem:$0x78E] =	sst s10  }
0xd5: {  	s17 =	simm.s32 $0x2800;
	[smem:$0x794] =	sst s16  }
0xd6: {  	s28 =	simm.s32 $0x2D00;
	[smem:$0x795] =	sst s17  }
0xd7: {  	s29 =	simm.s32 $0x2D80;
	[smem:$0x79F] =	sst s28  }
0xd8: {  	s9 =	simm.s32 $0x2F80;
	[smem:$0x7A0] =	sst s29  }
0xd9: {  	s12 =	simm.s32 $0x3100;
	[smem:$0x7A4] =	sst s9  }
0xda: {  	s14 =	simm.s32 $0xDB00;
	[smem:$0x7A7] =	sst s12  }
0xdb: {  	s7 =	simm.s32 $0xFB00;
	[smem:$0x7C0] =	sst s14  }
0xdc: {  	s11 =	simm.s32 $0x10300;
	[smem:$0x7D0] =	sst s7  }
0xdd: {  	s26 =	simm.s32 $0x4200;
	[smem:$0x7D4] =	sst s11  }
0xde: {  	s13 =	simm.s32 $0x127E0;
	[smem:$0x7E4] =	sst s26  }
0xdf: {  	s15 =	simm.s32 $0x127F0;
	[smem:$0x791] =	sst s13  }
0xe0: {  	s18 =	simm.s32 $0x2880;
	[smem:$0x793] =	sst s15  }
0xe1: {  	s6 =	simm.s32 $0x2E00;
	[smem:$0x796] =	sst s18  }
0xe2: {  	s8 =	simm.s32 $0x2F00;
	[smem:$0x7A1] =	sst s6  }
0xe3: {  	s10 =	simm.s32 $0x3000;
	[smem:$0x7A3] =	sst s8  }
0xe4: {  	s16 =	simm.s32 $0x3300;
	[smem:$0x7A5] =	sst s10  }
0xe5: {  	s17 =	simm.s32 $0x3380;
	[smem:$0x7AB] =	sst s16  }
0xe6: {  	s28 =	simm.s32 $0xC700;
	[smem:$0x7AC] =	sst s17  }
0xe7: {  	s29 =	simm.s32 $0x3700;
	[smem:$0x7B6] =	sst s28  }
0xe8: {  	s9 =	simm.s32 $0x3800;
	[smem:$0x7B7] =	sst s29  }
0xe9: {  	s12 =	simm.s32 $0xD700;
	[smem:$0x7BB] =	sst s9  }
0xea: {  	s14 =	simm.s32 $0x3F00;
	[smem:$0x7BE] =	sst s12  }
0xeb: {  	s7 =	simm.s32 $0x4380;
	[smem:$0x7D7] =	sst s14  }
0xec: {  	s11 =	simm.s32 $0x4580;
	[smem:$0x7E7] =	sst s7  }
0xed: {  	s26 =	simm.s32 $0x4D00;
	[smem:$0x7EC] =	sst s11  }
0xee: {  	s13 =	simm.s32 $0x3180;
	[smem:$0x7FB] =	sst s26  }
0xef: {  	s15 =	simm.s32 $0x3280;
	[smem:$0x7A8] =	sst s13  }
0xf0: {  	s18 =	simm.s32 $0x3400;
	[smem:$0x7AA] =	sst s15  }
0xf1: {  	s6 =	simm.s32 $0xCB00;
	[smem:$0x7AD] =	sst s18  }
0xf2: {  	s8 =	simm.s32 $0xCF00;
	[smem:$0x7B8] =	sst s6  }
0xf3: {  	s10 =	simm.s32 $0xD300;
	[smem:$0x7BA] =	sst s8  }
0xf4: {  	s16 =	simm.s32 $0xDF00;
	[smem:$0x7BC] =	sst s10  }
0xf5: {  	s17 =	simm.s32 $0x3A00;
	[smem:$0x7C2] =	sst s16  }
0xf6: {  	s28 =	simm.s32 $0x3C80;
	[smem:$0x7C3] =	sst s17  }
0xf7: {  	s29 =	simm.s32 $0xF700;
	[smem:$0x7CD] =	sst s28  }
0xf8: {  	s9 =	simm.s32 $0xFF00;
	[smem:$0x7CE] =	sst s29  }
0xf9: {  	s12 =	simm.s32 $0x3E80;
	[smem:$0x7D2] =	sst s9  }
0xfa: {  	s14 =	simm.s32 $0x4700;
	[smem:$0x7D5] =	sst s12  }
0xfb: {  	s13 =	simm.s32 $0x3900;
	[smem:$0x7EF] =	sst s14  }
0xfc: {  	s30 =	simm.s32 $0x5300;
	s15 =	simm.s32 $0x3980;
	[smem:$0x7BF] =	sst s13  }
0xfd: {  	s31 =	simm.s32 $0x5700;
	s18 =	simm.s32 $0xE300;
	[smem:$0x7C1] =	sst s15  }
0xfe: {  	s5 =	ssub.s32 $0x2, s5;
	s6 =	simm.s32 $0x3D00;
	[smem:$0x7C4] =	sst s18  }
0xff: {  	p0 =	sgt.u32 s0, $0x3;
	s8 =	simm.s32 $0x3D80;
	[smem:$0x7CF] =	sst s6  }
0x100: {  	s3 =	simm.s32 $0x6300;
	s10 =	simm.s32 $0x3E00;
	[smem:$0x7D1] =	sst s8  }
0x101: {  	s4 =	sshrl.u32 s5, $0x1;
	s16 =	simm.s32 $0x3F80;
	[smem:$0x7D3] =	sst s10  }
0x102: {  	s20 =	simm.s32 $0x3;
	s17 =	simm.s32 $0x10F00;
	[smem:$0x7D9] =	sst s16  }
0x103: {  	s21 =	simm.s32 $0x4;
	s28 =	simm.s32 $0x4280;
	[smem:$0x7DA] =	sst s17  }
0x104: {  	s19 =	simm.s32 $0xD00;
	s29 =	simm.s32 $0x4300;
	[smem:$0x7E5] =	sst s28  }
0x105: {  	s7 =	simm.s32 $0x4F00;
	s9 =	simm.s32 $0x4480;
	[smem:$0x7E6] =	sst s29  }
0x106: {  	s11 =	simm.s32 $0x5B00;
	s12 =	simm.s32 $0x4600;
	[smem:$0x7EA] =	sst s9  }
0x107: {  	s14 =	simm.s32 $0x6B00;
	s13 =	simm.s32 $0x10700;
	[smem:$0x7ED] =	sst s12  }
0x108: {  	s15 =	simm.s32 $0x10B00;
	s18 =	simm.s32 $0x4000;
	[smem:$0x7D6] =	sst s13  }
0x109: {  	s6 =	ssub.s32 s5, s4;
	s8 =	simm.s32 $0x4400;
	[smem:$0x7D8] =	sst s15  }
0x10a: {  	s10 =	simm.s32 $0x4500;
	s16 =	simm.s32 $0x4800;
	[smem:$0x7DB] =	sst s18  }
0x10b: {  	s17 =	simm.s32 $0x4880;
	s28 =	simm.s32 $0x4D80;
	[smem:$0x7E8] =	sst s8  }
0x10c: {  	s29 =	simm.s32 $0x4E00;
	s4 =	simm.s32 $0x1;
	[smem:$0x7EB] =	sst s10  }
0x10d: {  	s9 =	simm.s32 $0x6700;
	s5 =	simm.s32 $0x8300;
	[smem:$0x7F1] =	sst s16  }
0x10e: {  	s12 =	simm.s32 $0x8700;
	s6 =	smax.u32 s6, $0x1;
	[smem:$0x7F2] =	sst s17  }
0x10f: {  	s13 =	simm.s32 $0x4680;
	s8 =	simm.s32 $0x5;
	[smem:$0x7FC] =	sst s28  }
0x110: {  	s15 =	simm.s32 $0x4780;
	s18 =	simm.s32 $0x4900;
	[smem:$0x7FD] =	sst s29  }
0x111: {  	s16 =	simm.s32 $0x7300;
	s17 =	simm.s32 $0x7700;
	[smem:$0x7EE] =	sst s13  }
0x112: {  	s10 =	simm.s32 $0x7F00;
	[smem:$0x7F0] =	sst s15;
	s13 =	simm.s32 $0x80  }
0x113: {  	v0 =	vimm.bf16 $0.0e+00;
	[smem:$0x7F3] =	sst s18;
	s15 =	simm.s32 $0x6F00;
	s18 =	simm.s32 $0x7B00  }
.LBB2_1:
0x114: {  	s22 =	rddreg [dreg:$0xb]  }
0x115: {  	s23 =	rddreg [dreg:$0xc];
	s0 =	simm.s32 $0x12300  }
0x116: {  	s24 =	rddreg [dreg:$0xd];
	[tilespmem:s0+$0x0] =	vst.msk $0xff, v0  }
0x117: {  	s26 =	rddreg [dreg:$0xe];
	[tilespmem:s22+$0x0] =	vst.msk $0xff, v0  }
0x118: {  	s28 =	rddreg [dreg:$0xf];
	[tilespmem:s23+$0x0] =	vst.msk $0xff, v0  }
0x119: {  	s29 =	rddreg [dreg:$0x10];
	[tilespmem:s24+$0x0] =	vst.msk $0xff, v0  }
0x11a: {  	s1 =	rddreg [dreg:$0x11];
	[tilespmem:s26+$0x0] =	vst.msk $0xff, v0  }
0x11b: {  	s25 =	rddreg [dreg:$0x12];
	[tilespmem:s28+$0x0] =	vst.msk $0xff, v0  }
0x11c: {  	s26 =	rddreg [dreg:$0x13];
	[tilespmem:s29+$0x0] =	vst.msk $0xff, v0  }
0x11d: {  	s28 =	rddreg [dreg:$0x14];
	[tilespmem:s1+$0x0] =	vst.msk $0xff, v0  }
0x11e: {  	s29 =	rddreg [dreg:$0x15];
	[tilespmem:s25+$0x0] =	vst.msk $0xff, v0  }
0x11f: {  	s1 =	rddreg [dreg:$0x16];
	[tilespmem:s26+$0x0] =	vst.msk $0xff, v0  }
0x120: {  	s25 =	rddreg [dreg:$0x17];
	[tilespmem:s28+$0x0] =	vst.msk $0xff, v0  }
0x121: {  	s26 =	rddreg [dreg:$0x18];
	[tilespmem:s29+$0x0] =	vst.msk $0xff, v0  }
0x122: {  	s28 =	rddreg [dreg:$0x19];
	[tilespmem:s1+$0x0] =	vst.msk $0xff, v0  }
0x123: {  	s29 =	rddreg [dreg:$0x1a];
	[tilespmem:s25+$0x0] =	vst.msk $0xff, v0  }
0x124: {  	s1 =	rddreg [dreg:$0x1b];
	[tilespmem:s26+$0x0] =	vst.msk $0xff, v0  }
0x125: {  	s25 =	rddreg [dreg:$0x1c];
	[tilespmem:s28+$0x0] =	vst.msk $0xff, v0  }
0x126: {  	s26 =	rddreg [dreg:$0x1d];
	[tilespmem:s29+$0x0] =	vst.msk $0xff, v0  }
0x127: {  	s28 =	rddreg [dreg:$0x1e];
	[tilespmem:s1+$0x0] =	vst.msk $0xff, v0  }
0x128: {  	s29 =	rddreg [dreg:$0x1f];
	[tilespmem:s25+$0x0] =	vst.msk $0xff, v0  }
0x129: {  	s1 =	sld [smem:$0x70B];
	[tilespmem:s26+$0x0] =	vst.msk $0xff, v0  }
0x12a: {  	s25 =	sld [smem:$0x70C];
	[tilespmem:s28+$0x0] =	vst.msk $0xff, v0  }
0x12b: {  	s26 =	sld [smem:$0x70D];
	[tilespmem:s29+$0x0] =	vst.msk $0xff, v0  }
0x12c: {  	s28 =	sld [smem:$0x70E];
	[tilespmem:s1+$0x0] =	vst.msk $0xff, v0  }
0x12d: {  	s29 =	sld [smem:$0x70F];
	[tilespmem:s25+$0x0] =	vst.msk $0xff, v0  }
0x12e: {  	s1 =	sld [smem:$0x710];
	[tilespmem:s26+$0x0] =	vst.msk $0xff, v0  }
0x12f: {  	s25 =	sld [smem:$0x711];
	[tilespmem:s28+$0x0] =	vst.msk $0xff, v0  }
0x130: {  	s26 =	sld [smem:$0x712];
	[tilespmem:s29+$0x0] =	vst.msk $0xff, v0  }
0x131: {  	s28 =	sld [smem:$0x713];
	[tilespmem:s1+$0x0] =	vst.msk $0xff, v0  }
0x132: {  	s29 =	sld [smem:$0x714];
	[tilespmem:s25+$0x0] =	vst.msk $0xff, v0  }
0x133: {  	s1 =	sld [smem:$0x715];
	[tilespmem:s26+$0x0] =	vst.msk $0xff, v0  }
0x134: {  	s25 =	sld [smem:$0x716];
	[tilespmem:s28+$0x0] =	vst.msk $0xff, v0  }
0x135: {  	s26 =	sld [smem:$0x717];
	[tilespmem:s29+$0x0] =	vst.msk $0xff, v0  }
0x136: {  	s28 =	sld [smem:$0x718];
	[tilespmem:s1+$0x0] =	vst.msk $0xff, v0  }
0x137: {  	s29 =	sld [smem:$0x719];
	[tilespmem:s25+$0x0] =	vst.msk $0xff, v0  }
0x138: {  	s1 =	sld [smem:$0x71A];
	[tilespmem:s26+$0x0] =	vst.msk $0xff, v0  }
0x139: {  	s25 =	sld [smem:$0x71B];
	[tilespmem:s28+$0x0] =	vst.msk $0xff, v0  }
0x13a: {  	s26 =	sld [smem:$0x71C];
	[tilespmem:s29+$0x0] =	vst.msk $0xff, v0  }
0x13b: {  	s28 =	sld [smem:$0x71D];
	[tilespmem:s1+$0x0] =	vst.msk $0xff, v0  }
0x13c: {  	s29 =	sld [smem:$0x71E];
	[tilespmem:s25+$0x0] =	vst.msk $0xff, v0  }
0x13d: {  	s1 =	sld [smem:$0x71F];
	[tilespmem:s26+$0x0] =	vst.msk $0xff, v0  }
0x13e: {  	s25 =	sld [smem:$0x720];
	[tilespmem:s28+$0x0] =	vst.msk $0xff, v0  }
0x13f: {  	s26 =	sld [smem:$0x721];
	[tilespmem:s29+$0x0] =	vst.msk $0xff, v0  }
0x140: {  	s28 =	sld [smem:$0x722];
	[tilespmem:s1+$0x0] =	vst.msk $0xff, v0  }
0x141: {  	s29 =	sld [smem:$0x723];
	[tilespmem:s25+$0x0] =	vst.msk $0xff, v0  }
0x142: {  	s1 =	sld [smem:$0x724];
	[tilespmem:s26+$0x0] =	vst.msk $0xff, v0  }
0x143: {  	s25 =	sld [smem:$0x725];
	[tilespmem:s28+$0x0] =	vst.msk $0xff, v0  }
0x144: {  	s26 =	sld [smem:$0x726];
	[tilespmem:s29+$0x0] =	vst.msk $0xff, v0  }
0x145: {  	s28 =	sld [smem:$0x727];
	[tilespmem:s1+$0x0] =	vst.msk $0xff, v0  }
0x146: {  	s29 =	sld [smem:$0x728];
	[tilespmem:s25+$0x0] =	vst.msk $0xff, v0  }
0x147: {  	s1 =	sld [smem:$0x729];
	[tilespmem:s26+$0x0] =	vst.msk $0xff, v0  }
0x148: {  	s25 =	sld [smem:$0x72A];
	[tilespmem:s28+$0x0] =	vst.msk $0xff, v0  }
0x149: {  	s26 =	sld [smem:$0x72B];
	[tilespmem:s29+$0x0] =	vst.msk $0xff, v0  }
0x14a: {  	s28 =	sld [smem:$0x72C];
	[tilespmem:s1+$0x0] =	vst.msk $0xff, v0  }
0x14b: {  	s29 =	sld [smem:$0x72D];
	[tilespmem:s25+$0x0] =	vst.msk $0xff, v0  }
0x14c: {  	s1 =	sld [smem:$0x72E];
	[tilespmem:s26+$0x0] =	vst.msk $0xff, v0  }
0x14d: {  	s25 =	sld [smem:$0x72F];
	[tilespmem:s28+$0x0] =	vst.msk $0xff, v0  }
0x14e: {  	s26 =	sld [smem:$0x730];
	[tilespmem:s29+$0x0] =	vst.msk $0xff, v0  }
0x14f: {  	s28 =	sld [smem:$0x731];
	[tilespmem:s1+$0x0] =	vst.msk $0xff, v0  }
0x150: {  	s29 =	sld [smem:$0x732];
	[tilespmem:s25+$0x0] =	vst.msk $0xff, v0  }
0x151: {  	s1 =	sld [smem:$0x733];
	[tilespmem:s26+$0x0] =	vst.msk $0xff, v0  }
0x152: {  	s25 =	sld [smem:$0x734];
	[tilespmem:s28+$0x0] =	vst.msk $0xff, v0  }
0x153: {  	s26 =	sld [smem:$0x735];
	[tilespmem:s29+$0x0] =	vst.msk $0xff, v0  }
0x154: {  	s28 =	sld [smem:$0x736];
	[tilespmem:s1+$0x0] =	vst.msk $0xff, v0  }
0x155: {  	s29 =	sld [smem:$0x737];
	[tilespmem:s25+$0x0] =	vst.msk $0xff, v0  }
0x156: {  	s1 =	sld [smem:$0x738];
	[tilespmem:s26+$0x0] =	vst.msk $0xff, v0  }
0x157: {  	s25 =	sld [smem:$0x739];
	[tilespmem:s28+$0x0] =	vst.msk $0xff, v0  }
0x158: {  	s26 =	sld [smem:$0x73A];
	[tilespmem:s29+$0x0] =	vst.msk $0xff, v0  }
0x159: {  	s28 =	sld [smem:$0x73B];
	[tilespmem:s1+$0x0] =	vst.msk $0xff, v0  }
0x15a: {  	s29 =	sld [smem:$0x73C];
	[tilespmem:s25+$0x0] =	vst.msk $0xff, v0  }
0x15b: {  	s1 =	sld [smem:$0x73D];
	[tilespmem:s26+$0x0] =	vst.msk $0xff, v0  }
0x15c: {  	s25 =	sld [smem:$0x73E];
	[tilespmem:s28+$0x0] =	vst.msk $0xff, v0  }
0x15d: {  	s26 =	sld [smem:$0x73F];
	[tilespmem:s29+$0x0] =	vst.msk $0xff, v0  }
0x15e: {  	s28 =	sld [smem:$0x740];
	[tilespmem:s1+$0x0] =	vst.msk $0xff, v0  }
0x15f: {  	s29 =	sld [smem:$0x741];
	[tilespmem:s25+$0x0] =	vst.msk $0xff, v0  }
0x160: {  	s1 =	sld [smem:$0x742];
	[tilespmem:s26+$0x0] =	vst.msk $0xff, v0  }
0x161: {  	s25 =	sld [smem:$0x743];
	[tilespmem:s28+$0x0] =	vst.msk $0xff, v0  }
0x162: {  	s26 =	sld [smem:$0x744];
	[tilespmem:s29+$0x0] =	vst.msk $0xff, v0  }
0x163: {  	s28 =	sld [smem:$0x745];
	[tilespmem:s1+$0x0] =	vst.msk $0xff, v0  }
0x164: {  	s29 =	sld [smem:$0x746];
	[tilespmem:s25+$0x0] =	vst.msk $0xff, v0  }
0x165: {  	s1 =	sld [smem:$0x747];
	[tilespmem:s26+$0x0] =	vst.msk $0xff, v0  }
0x166: {  	s25 =	sld [smem:$0x748];
	[tilespmem:s28+$0x0] =	vst.msk $0xff, v0  }
0x167: {  	s26 =	sld [smem:$0x749];
	[tilespmem:s29+$0x0] =	vst.msk $0xff, v0  }
0x168: {  	s28 =	sld [smem:$0x74A];
	[tilespmem:s1+$0x0] =	vst.msk $0xff, v0  }
0x169: {  	s29 =	sld [smem:$0x74B];
	[tilespmem:s25+$0x0] =	vst.msk $0xff, v0  }
0x16a: {  	s1 =	sld [smem:$0x74C];
	[tilespmem:s26+$0x0] =	vst.msk $0xff, v0  }
0x16b: {  	s25 =	sld [smem:$0x74D];
	[tilespmem:s28+$0x0] =	vst.msk $0xff, v0  }
0x16c: {  	s26 =	sld [smem:$0x74E];
	[tilespmem:s29+$0x0] =	vst.msk $0xff, v0  }
0x16d: {  	s28 =	sld [smem:$0x74F];
	[tilespmem:s1+$0x0] =	vst.msk $0xff, v0  }
0x16e: {  	s29 =	sld [smem:$0x750];
	[tilespmem:s25+$0x0] =	vst.msk $0xff, v0  }
0x16f: {  	s1 =	sld [smem:$0x751];
	[tilespmem:s26+$0x0] =	vst.msk $0xff, v0  }
0x170: {  	s25 =	sld [smem:$0x752];
	[tilespmem:s28+$0x0] =	vst.msk $0xff, v0  }
0x171: {  	s26 =	sld [smem:$0x753];
	[tilespmem:s29+$0x0] =	vst.msk $0xff, v0  }
0x172: {  	s28 =	sld [smem:$0x754];
	[tilespmem:s1+$0x0] =	vst.msk $0xff, v0  }
0x173: {  	s29 =	sld [smem:$0x755];
	[tilespmem:s25+$0x0] =	vst.msk $0xff, v0  }
0x174: {  	s1 =	sld [smem:$0x756];
	[tilespmem:s26+$0x0] =	vst.msk $0xff, v0  }
0x175: {  	s25 =	sld [smem:$0x757];
	[tilespmem:s28+$0x0] =	vst.msk $0xff, v0  }
0x176: {  	s26 =	sld [smem:$0x758];
	[tilespmem:s29+$0x0] =	vst.msk $0xff, v0  }
0x177: {  	s28 =	sld [smem:$0x759];
	[tilespmem:s1+$0x0] =	vst.msk $0xff, v0  }
0x178: {  	s29 =	sld [smem:$0x75A];
	[tilespmem:s25+$0x0] =	vst.msk $0xff, v0  }
0x179: {  	s1 =	sld [smem:$0x75B];
	[tilespmem:s26+$0x0] =	vst.msk $0xff, v0  }
0x17a: {  	s24 =	sld [smem:$0x75C];
	[tilespmem:s28+$0x0] =	vst.msk $0xff, v0  }
0x17b: {  	[tilespmem:s29+$0x0] =	vst.msk $0xff, v0  }
0x17c: {  	s25 =	sld [smem:$0x75D];
	[tilespmem:s1+$0x0] =	vst.msk $0xff, v0  }
0x17d: {  	s26 =	sld [smem:$0x75E];
	[tilespmem:s24+$0x0] =	vst.msk $0xff, v0  }
0x17e: {  	s22 =	sld [smem:$0x75F]  }
0x17f: {  	[tilespmem:s25+$0x0] =	vst.msk $0xff, v0;
	s28 =	sld [smem:$0x760]  }
0x180: {  	[tilespmem:s26+$0x0] =	vst.msk $0xff, v0;
	s29 =	sld [smem:$0x761]  }
0x181: {  	s1 =	sld [smem:$0x762];
	[tilespmem:s22+$0x0] =	vst.msk $0xff, v0  }
0x182: {  	s25 =	sld [smem:$0x763];
	[tilespmem:s28+$0x0] =	vst.msk $0xff, v0  }
0x183: {  	s26 =	sld [smem:$0x764];
	[tilespmem:s29+$0x0] =	vst.msk $0xff, v0  }
0x184: {  	s28 =	sld [smem:$0x765];
	[tilespmem:s1+$0x0] =	vst.msk $0xff, v0  }
0x185: {  	s29 =	sld [smem:$0x766];
	[tilespmem:s25+$0x0] =	vst.msk $0xff, v0  }
0x186: {  	s1 =	sld [smem:$0x767];
	[tilespmem:s26+$0x0] =	vst.msk $0xff, v0  }
0x187: {  	s25 =	sld [smem:$0x768];
	[tilespmem:s28+$0x0] =	vst.msk $0xff, v0  }
0x188: {  	s26 =	sld [smem:$0x769];
	[tilespmem:s29+$0x0] =	vst.msk $0xff, v0  }
0x189: {  	s28 =	sld [smem:$0x76A];
	[tilespmem:s1+$0x0] =	vst.msk $0xff, v0  }
0x18a: {  	s29 =	sld [smem:$0x76B];
	[tilespmem:s25+$0x0] =	vst.msk $0xff, v0  }
0x18b: {  	s1 =	sld [smem:$0x76C];
	[tilespmem:s26+$0x0] =	vst.msk $0xff, v0  }
0x18c: {  	s25 =	sld [smem:$0x76D];
	[tilespmem:s28+$0x0] =	vst.msk $0xff, v0  }
0x18d: {  	s26 =	sld [smem:$0x76E];
	[tilespmem:s29+$0x0] =	vst.msk $0xff, v0  }
0x18e: {  	s28 =	sld [smem:$0x76F];
	[tilespmem:s1+$0x0] =	vst.msk $0xff, v0  }
0x18f: {  	s29 =	sld [smem:$0x770];
	[tilespmem:s25+$0x0] =	vst.msk $0xff, v0  }
0x190: {  	s1 =	sld [smem:$0x771];
	[tilespmem:s26+$0x0] =	vst.msk $0xff, v0  }
0x191: {  	s25 =	sld [smem:$0x772];
	[tilespmem:s28+$0x0] =	vst.msk $0xff, v0  }
0x192: {  	s26 =	sld [smem:$0x773];
	[tilespmem:s29+$0x0] =	vst.msk $0xff, v0  }
0x193: {  	s28 =	sld [smem:$0x774];
	[tilespmem:s1+$0x0] =	vst.msk $0xff, v0  }
0x194: {  	s29 =	sld [smem:$0x775];
	[tilespmem:s25+$0x0] =	vst.msk $0xff, v0  }
0x195: {  	s1 =	sld [smem:$0x776];
	[tilespmem:s26+$0x0] =	vst.msk $0xff, v0  }
0x196: {  	s25 =	sld [smem:$0x777];
	[tilespmem:s28+$0x0] =	vst.msk $0xff, v0  }
0x197: {  	s26 =	sld [smem:$0x778];
	[tilespmem:s29+$0x0] =	vst.msk $0xff, v0  }
0x198: {  	s28 =	sld [smem:$0x779];
	[tilespmem:s1+$0x0] =	vst.msk $0xff, v0  }
0x199: {  	s29 =	sld [smem:$0x77A];
	[tilespmem:s25+$0x0] =	vst.msk $0xff, v0  }
0x19a: {  	s1 =	sld [smem:$0x77B];
	[tilespmem:s26+$0x0] =	vst.msk $0xff, v0  }
0x19b: {  	s25 =	sld [smem:$0x77C];
	[tilespmem:s28+$0x0] =	vst.msk $0xff, v0  }
0x19c: {  	s26 =	sld [smem:$0x77D];
	[tilespmem:s29+$0x0] =	vst.msk $0xff, v0  }
0x19d: {  	s28 =	sld [smem:$0x77E];
	[tilespmem:s1+$0x0] =	vst.msk $0xff, v0  }
0x19e: {  	s29 =	sld [smem:$0x77F];
	[tilespmem:s25+$0x0] =	vst.msk $0xff, v0  }
0x19f: {  	s1 =	sld [smem:$0x780];
	[tilespmem:s26+$0x0] =	vst.msk $0xff, v0  }
0x1a0: {  	s25 =	sld [smem:$0x781];
	[tilespmem:s28+$0x0] =	vst.msk $0xff, v0  }
0x1a1: {  	s26 =	sld [smem:$0x782];
	[tilespmem:s29+$0x0] =	vst.msk $0xff, v0  }
0x1a2: {  	s28 =	sld [smem:$0x783];
	[tilespmem:s1+$0x0] =	vst.msk $0xff, v0  }
0x1a3: {  	s29 =	sld [smem:$0x784];
	[tilespmem:s25+$0x0] =	vst.msk $0xff, v0  }
0x1a4: {  	s1 =	sld [smem:$0x785];
	[tilespmem:s26+$0x0] =	vst.msk $0xff, v0  }
0x1a5: {  	s25 =	sld [smem:$0x786];
	[tilespmem:s28+$0x0] =	vst.msk $0xff, v0  }
0x1a6: {  	s26 =	sld [smem:$0x787];
	[tilespmem:s29+$0x0] =	vst.msk $0xff, v0  }
0x1a7: {  	s28 =	sld [smem:$0x788];
	[tilespmem:s1+$0x0] =	vst.msk $0xff, v0  }
0x1a8: {  	s29 =	sld [smem:$0x789];
	[tilespmem:s25+$0x0] =	vst.msk $0xff, v0  }
0x1a9: {  	s1 =	sld [smem:$0x78A];
	[tilespmem:s26+$0x0] =	vst.msk $0xff, v0  }
0x1aa: {  	s25 =	sld [smem:$0x78B];
	[tilespmem:s28+$0x0] =	vst.msk $0xff, v0  }
0x1ab: {  	s26 =	sld [smem:$0x78C];
	[tilespmem:s29+$0x0] =	vst.msk $0xff, v0  }
0x1ac: {  	s28 =	sld [smem:$0x78D];
	[tilespmem:s1+$0x0] =	vst.msk $0xff, v0  }
0x1ad: {  	s29 =	sld [smem:$0x78E];
	[tilespmem:s25+$0x0] =	vst.msk $0xff, v0  }
0x1ae: {  	s1 =	sld [smem:$0x78F];
	[tilespmem:s26+$0x0] =	vst.msk $0xff, v0  }
0x1af: {  	s25 =	sld [smem:$0x790];
	[tilespmem:s28+$0x0] =	vst.msk $0xff, v0  }
0x1b0: {  	s26 =	sld [smem:$0x791];
	[tilespmem:s29+$0x0] =	vst.msk $0xff, v0  }
0x1b1: {  	s28 =	sld [smem:$0x792];
	[tilespmem:s1+$0x0] =	vst.msk $0xff, v0  }
0x1b2: {  	s29 =	sld [smem:$0x793];
	[tilespmem:s25+$0x0] =	vst.msk $0xff, v0  }
0x1b3: {  	s1 =	sld [smem:$0x794];
	[tilespmem:s26+$0x0] =	vst.msk $0xff, v0  }
0x1b4: {  	[tilespmem:s28+$0x0] =	vst.msk $0xff, v0  }
0x1b5: {  	[tilespmem:s29+$0x0] =	vst.msk $0xff, v0  }
0x1b6: {  	[tilespmem:s1+$0x0] =	vst.msk $0xff, v0;
	s1 =	sld [smem:$0x7E9];
	_ =	sdelay $0x2  }
0x1b7: {  	[spmem:s1] =	stream.linear.scatter [tilespmem:s0], [sflag:$0x5], $0x500, $0x38;
	[tilespmem:$0x13C00] =	vst v63  }
0x1b8: {  	_ =	swait.ge [sflag:s8], $0x500  }
0x1b9: {  	[sflag:s8] =	ssyncset.done $0x0  }
0x1ba: {  	s25 =	rddreg [dreg:$0x3];
	[sflag:s8] =	ssyncadd.s32 $0xFFFFFB00  }
0x1bb: {  	[spmem:s25] =	stream.linear.scatter [tilespmem:s0], [sflag:$0x5], $0x500, $0x38;
	[tilespmem:$0x13C00] =	vst v63  }
0x1bc: {  	_ =	swait.ge [sflag:s8], $0x500  }
0x1bd: {  	[sflag:s8] =	ssyncset.done $0x0  }
0x1be: {  	s26 =	rddreg [dreg:$0x4];
	[sflag:s8] =	ssyncadd.s32 $0xFFFFFB00  }
0x1bf: {  	[spmem:s26] =	stream.linear.scatter [tilespmem:s0], [sflag:$0x5], $0x500, $0x38;
	[tilespmem:$0x13C00] =	vst v63  }
0x1c0: {  	_ =	swait.ge [sflag:s8], $0x500  }
0x1c1: {  	[sflag:s8] =	ssyncset.done $0x0  }
0x1c2: {  	s28 =	rddreg [dreg:$0x5];
	[sflag:s8] =	ssyncadd.s32 $0xFFFFFB00  }
0x1c3: {  	[spmem:s28] =	stream.linear.scatter [tilespmem:s0], [sflag:$0x5], $0x500, $0x38;
	[tilespmem:$0x13C00] =	vst v63  }
0x1c4: {  	_ =	swait.ge [sflag:s8], $0x500  }
0x1c5: {  	[sflag:s8] =	ssyncset.done $0x0  }
0x1c6: {  	s28 =	simm.s32 $0x0;
	s29 =	rddreg [dreg:$0x6];
	[sflag:s8] =	ssyncadd.s32 $0xFFFFFB00  }
0x1c7: {  	[tilespmem:s28], [sflag:$0x5] =	stream.linear.gather [hbm4b:s29+s28], $0x2700, $0x38;
	[tilespmem:$0x13C00] =	vst v63  }
0x1c8: {  	_ =	swait.ge [sflag:s8], $0x2700  }
0x1c9: {  	[sflag:s8] =	ssyncset.done $0x0  }
0x1ca: {  	s29 =	simm.s32 $0x2780;
	s0 =	rddreg [dreg:$0x7];
	[sflag:s8] =	ssyncadd.s32 $0xFFFFD900  }
0x1cb: {  	[tilespmem:s29], [sflag:$0x5] =	stream.linear.gather [hbm4b:s0+s28], $0x2700, $0x38;
	[tilespmem:$0x13C00] =	vst v63  }
0x1cc: {  	_ =	swait.ge [sflag:s8], $0x2700  }
0x1cd: {  	s25 =	simm.s32 @!p0 $0x0;
	[sflag:s8] =	ssyncset.done $0x0  }
0x1ce: {  	s0 =	simm.s32 @!p0 $0x2700;
	s22 =	rddreg [dreg:$0x8];
	[sflag:s8] =	ssyncadd.s32 $0xFFFFD900  }
0x1cf: {  	[tilespmem:s0], [sflag:$0x5] =	stream.linear.gather @!p0 [hbm4b:s22+s25], $0x80, $0x38;
	[tilespmem:$0x13C00] =	vst v63  }
0x1d0: {  	s22 =	simm.s32 @!p0 $0x5  }
0x1d1: {  	_ =	swait.ge @!p0 [sflag:s22], $0x80  }
0x1d2: {  	[sflag:s22] =	ssyncset.done @!p0 $0x0  }
0x1d3: {  	s0 =	simm.s32 @!p0 $0x4E80;
	s26 =	rddreg [dreg:$0x9];
	[sflag:s22] =	ssyncadd.s32 @!p0 $0xFFFFFF80  }
0x1d4: {  	[tilespmem:s0], [sflag:$0x5] =	stream.linear.gather @!p0 [hbm4b:s26+s25], $0x80, $0x38;
	[tilespmem:$0x13C00] =	vst v63  }
0x1d5: {  	_ =	swait.ge @!p0 [sflag:s22], $0x80  }
0x1d6: {  	[sflag:s22] =	ssyncset.done @!p0 $0x0  }
0x1d7: {  	[sflag:s22] =	ssyncadd.s32 @!p0 $0xFFFFFF80  }
0x1d8: {  	[bflag:$0x0] =	sbarrier.arrive $0xFFFF  }
0x1d9: {  	s0 =	sld [smem:$0x7E3];
	_ =	sdelay $0x2  }
0x1da: {  	[tilespmem:s7], [sflag:$0x1] =	stream.indirect.gather [hbm4b:s0+s19], $0x8, s28, s19, $0xb8;
	[tilespmem:$0x13C00] =	vst v63  }
0x1db: {  	_ =	swait.ge [sflag:s4], $0x6800  }
0x1dc: {  	[sflag:s4] =	ssyncset.done $0x0  }
0x1dd: {  	s1 =	sld [smem:$0x795];
	[sflag:s4] =	ssyncadd.s32 $0xFFFF9800  }
0x1de: {  	[spmem:s2] =	stream.indirect.scatter.add.bf16 [tilespmem:s7], [sflag:$0x3], $0x8, s29, s13, $0xb8;
	[tilespmem:$0x13C00] =	vst v63  }
0x1df: {  	s23 =	sld [smem:$0x796]  }
0x1e0: {  	[spmem:s2] =	stream.indirect.scatter.add.bf16 [tilespmem:s30], [sflag:$0x3], $0x8, s1, s13, $0xb8;
	[tilespmem:$0x13C00] =	vst v63  }
0x1e1: {  	s24 =	sld [smem:$0x797]  }
0x1e2: {  	[spmem:s2] =	stream.indirect.scatter.add.bf16 [tilespmem:s31], [sflag:$0x3], $0x8, s23, s13, $0xb8;
	[tilespmem:$0x13C00] =	vst v63  }
0x1e3: {  	s28 =	sld [smem:$0x798]  }
0x1e4: {  	[spmem:s2] =	stream.indirect.scatter.add.bf16 [tilespmem:s11], [sflag:$0x3], $0x8, s24, s13, $0xb8;
	[tilespmem:$0x13C00] =	vst v63  }
0x1e5: {  	s29 =	sld [smem:$0x799];
	s1 =	simm.s32 $0x5F00  }
0x1e6: {  	[spmem:s2] =	stream.indirect.scatter.add.bf16 [tilespmem:s1], [sflag:$0x3], $0x8, s28, s13, $0xb8;
	[tilespmem:$0x13C00] =	vst v63  }
0x1e7: {  	s23 =	sld [smem:$0x79A]  }
0x1e8: {  	[spmem:s2] =	stream.indirect.scatter.add.bf16 [tilespmem:s3], [sflag:$0x3], $0x8, s29, s13, $0xb8;
	[tilespmem:$0x13C00] =	vst v63  }
0x1e9: {  	s24 =	sld [smem:$0x79B]  }
0x1ea: {  	[spmem:s2] =	stream.indirect.scatter.add.bf16 [tilespmem:s9], [sflag:$0x3], $0x8, s23, s13, $0xb8;
	[tilespmem:$0x13C00] =	vst v63  }
0x1eb: {  	s28 =	sld [smem:$0x79C]  }
0x1ec: {  	[spmem:s2] =	stream.indirect.scatter.add.bf16 [tilespmem:s14], [sflag:$0x3], $0x8, s24, s13, $0xb8;
	[tilespmem:$0x13C00] =	vst v63  }
0x1ed: {  	s29 =	sld [smem:$0x79D]  }
0x1ee: {  	[spmem:s2] =	stream.indirect.scatter.add.bf16 [tilespmem:s15], [sflag:$0x3], $0x8, s28, s13, $0xb8;
	[tilespmem:$0x13C00] =	vst v63  }
0x1ef: {  	s23 =	sld [smem:$0x79E]  }
0x1f0: {  	[spmem:s2] =	stream.indirect.scatter.add.bf16 [tilespmem:s16], [sflag:$0x3], $0x8, s29, s13, $0xb8;
	[tilespmem:$0x13C00] =	vst v63  }
0x1f1: {  	s24 =	sld [smem:$0x79F]  }
0x1f2: {  	[spmem:s2] =	stream.indirect.scatter.add.bf16 [tilespmem:s17], [sflag:$0x3], $0x8, s23, s13, $0xb8;
	[tilespmem:$0x13C00] =	vst v63  }
0x1f3: {  	s28 =	sld [smem:$0x7A0]  }
0x1f4: {  	[spmem:s2] =	stream.indirect.scatter.add.bf16 [tilespmem:s18], [sflag:$0x3], $0x8, s24, s13, $0xb8;
	[tilespmem:$0x13C00] =	vst v63  }
0x1f5: {  	s29 =	sld [smem:$0x7A1]  }
0x1f6: {  	[spmem:s2] =	stream.indirect.scatter.add.bf16 [tilespmem:s10], [sflag:$0x3], $0x8, s28, s13, $0xb8;
	[tilespmem:$0x13C00] =	vst v63  }
0x1f7: {  	s23 =	sld [smem:$0x7A2]  }
0x1f8: {  	[spmem:s2] =	stream.indirect.scatter.add.bf16 [tilespmem:s5], [sflag:$0x3], $0x8, s29, s13, $0xb8;
	[tilespmem:$0x13C00] =	vst v63  }
0x1f9: {  	s24 =	sld [smem:$0x7A3]  }
0x1fa: {  	[spmem:s2] =	stream.indirect.scatter.add.bf16 [tilespmem:s12], [sflag:$0x3], $0x8, s23, s13, $0xb8;
	[tilespmem:$0x13C00] =	vst v63  }
0x1fb: {  	s28 =	sld [smem:$0x7A4];
	s23 =	simm.s32 $0x8B00  }
0x1fc: {  	[spmem:s2] =	stream.indirect.scatter.add.bf16 [tilespmem:s23], [sflag:$0x3], $0x8, s24, s13, $0xb8;
	[tilespmem:$0x13C00] =	vst v63  }
0x1fd: {  	s25 =	sld [smem:$0x7A5];
	s24 =	simm.s32 $0x8F00  }
0x1fe: {  	[spmem:s2] =	stream.indirect.scatter.add.bf16 [tilespmem:s24], [sflag:$0x3], $0x8, s28, s13, $0xb8;
	[tilespmem:$0x13C00] =	vst v63  }
0x1ff: {  	s26 =	sld [smem:$0x7A6];
	s29 =	simm.s32 $0x9300  }
0x200: {  	[spmem:s2] =	stream.indirect.scatter.add.bf16 [tilespmem:s29], [sflag:$0x3], $0x8, s25, s13, $0xb8;
	[tilespmem:$0x13C00] =	vst v63  }
0x201: {  	s25 =	sld [smem:$0x7A7];
	s29 =	simm.s32 $0x9700  }
0x202: {  	[spmem:s2] =	stream.indirect.scatter.add.bf16 [tilespmem:s29], [sflag:$0x3], $0x8, s26, s13, $0xb8;
	[tilespmem:$0x13C00] =	vst v63  }
0x203: {  	s26 =	sld [smem:$0x7A8];
	s29 =	simm.s32 $0x9B00  }
0x204: {  	[spmem:s2] =	stream.indirect.scatter.add.bf16 [tilespmem:s29], [sflag:$0x3], $0x8, s25, s13, $0xb8;
	[tilespmem:$0x13C00] =	vst v63  }
0x205: {  	s25 =	sld [smem:$0x7A9];
	s29 =	simm.s32 $0x9F00  }
0x206: {  	[spmem:s2] =	stream.indirect.scatter.add.bf16 [tilespmem:s29], [sflag:$0x3], $0x8, s26, s13, $0xb8;
	[tilespmem:$0x13C00] =	vst v63  }
0x207: {  	s26 =	sld [smem:$0x7AA];
	s29 =	simm.s32 $0xA300  }
0x208: {  	[spmem:s2] =	stream.indirect.scatter.add.bf16 [tilespmem:s29], [sflag:$0x3], $0x8, s25, s13, $0xb8;
	[tilespmem:$0x13C00] =	vst v63  }
0x209: {  	s25 =	sld [smem:$0x7AB];
	s29 =	simm.s32 $0xA700  }
0x20a: {  	[spmem:s2] =	stream.indirect.scatter.add.bf16 [tilespmem:s29], [sflag:$0x3], $0x8, s26, s13, $0xb8;
	[tilespmem:$0x13C00] =	vst v63  }
0x20b: {  	s26 =	sld [smem:$0x7AC];
	s29 =	simm.s32 $0xAB00  }
0x20c: {  	[spmem:s2] =	stream.indirect.scatter.add.bf16 [tilespmem:s29], [sflag:$0x3], $0x8, s25, s13, $0xb8;
	[tilespmem:$0x13C00] =	vst v63  }
0x20d: {  	s25 =	sld [smem:$0x7AD];
	s29 =	simm.s32 $0xAF00  }
0x20e: {  	[spmem:s2] =	stream.indirect.scatter.add.bf16 [tilespmem:s29], [sflag:$0x3], $0x8, s26, s13, $0xb8;
	[tilespmem:$0x13C00] =	vst v63  }
0x20f: {  	s28 =	simm.s32 $0xB300  }
0x210: {  	[spmem:s2] =	stream.indirect.scatter.add.bf16 [tilespmem:s28], [sflag:$0x3], $0x8, s25, s13, $0xb8;
	[tilespmem:$0x13C00] =	vst v63  }
0x211: {  	s29 =	simm.s32 $0xB700;
	s28 =	simm.s32 $0x2  }
0x212: {  	[tilespmem:s29], [sflag:$0x2] =	stream.indirect.gather [hbm4b:s0+s19], $0x8, s19, s19, $0xb8;
	[tilespmem:$0x13C00] =	vst v63  }
0x213: {  	_ =	swait.ge [sflag:s28], $0x6800  }
0x214: {  	s25 =	sld [smem:$0x7AE]  }
0x215: {  	[sflag:s28] =	ssyncset.done $0x0;
	s26 =	sld [smem:$0x7AF]  }
0x216: {  	[sflag:s28] =	ssyncadd.s32 $0xFFFF9800;
	s28 =	sld [smem:$0x7B0]  }
0x217: {  	[spmem:s2] =	stream.indirect.scatter.add.bf16 [tilespmem:s29], [sflag:$0x4], $0x8, s25, s13, $0xb8;
	[tilespmem:$0x13C00] =	vst v63  }
0x218: {  	s25 =	sld [smem:$0x7B1]  }
0x219: {  	[spmem:s2] =	stream.indirect.scatter.add.bf16 [tilespmem:s28], [sflag:$0x4], $0x8, s26, s13, $0xb8;
	[tilespmem:$0x13C00] =	vst v63  }
0x21a: {  	s26 =	sld [smem:$0x7B2]  }
0x21b: {  	s29 =	sld [smem:$0x7B4]  }
0x21c: {  	s28 =	sld [smem:$0x7B3]  }
0x21d: {  	[spmem:s2] =	stream.indirect.scatter.add.bf16 [tilespmem:s26], [sflag:$0x4], $0x8, s25, s13, $0xb8;
	[tilespmem:$0x13C00] =	vst v63  }
0x21e: {  	s25 =	sld [smem:$0x7B5]  }
0x21f: {  	s26 =	sld [smem:$0x7B6]  }
0x220: {  	[spmem:s2] =	stream.indirect.scatter.add.bf16 [tilespmem:s29], [sflag:$0x4], $0x8, s28, s13, $0xb8;
	[tilespmem:$0x13C00] =	vst v63  }
0x221: {  	s28 =	sld [smem:$0x7B7]  }
0x222: {  	s29 =	sld [smem:$0x7B8]  }
0x223: {  	[spmem:s2] =	stream.indirect.scatter.add.bf16 [tilespmem:s26], [sflag:$0x4], $0x8, s25, s13, $0xb8;
	[tilespmem:$0x13C00] =	vst v63  }
0x224: {  	s25 =	sld [smem:$0x7B9]  }
0x225: {  	s26 =	sld [smem:$0x7BA]  }
0x226: {  	[spmem:s2] =	stream.indirect.scatter.add.bf16 [tilespmem:s29], [sflag:$0x4], $0x8, s28, s13, $0xb8;
	[tilespmem:$0x13C00] =	vst v63  }
0x227: {  	s28 =	sld [smem:$0x7BB]  }
0x228: {  	s29 =	sld [smem:$0x7BC]  }
0x229: {  	[spmem:s2] =	stream.indirect.scatter.add.bf16 [tilespmem:s26], [sflag:$0x4], $0x8, s25, s13, $0xb8;
	[tilespmem:$0x13C00] =	vst v63  }
0x22a: {  	s25 =	sld [smem:$0x7BD]  }
0x22b: {  	s26 =	sld [smem:$0x7BE]  }
0x22c: {  	[spmem:s2] =	stream.indirect.scatter.add.bf16 [tilespmem:s29], [sflag:$0x4], $0x8, s28, s13, $0xb8;
	[tilespmem:$0x13C00] =	vst v63  }
0x22d: {  	s28 =	sld [smem:$0x7BF]  }
0x22e: {  	s29 =	sld [smem:$0x7C0]  }
0x22f: {  	[spmem:s2] =	stream.indirect.scatter.add.bf16 [tilespmem:s26], [sflag:$0x4], $0x8, s25, s13, $0xb8;
	[tilespmem:$0x13C00] =	vst v63  }
0x230: {  	s25 =	sld [smem:$0x7C1]  }
0x231: {  	s26 =	sld [smem:$0x7C2]  }
0x232: {  	[spmem:s2] =	stream.indirect.scatter.add.bf16 [tilespmem:s29], [sflag:$0x4], $0x8, s28, s13, $0xb8;
	[tilespmem:$0x13C00] =	vst v63  }
0x233: {  	s28 =	sld [smem:$0x7C3]  }
0x234: {  	s29 =	sld [smem:$0x7C4]  }
0x235: {  	[spmem:s2] =	stream.indirect.scatter.add.bf16 [tilespmem:s26], [sflag:$0x4], $0x8, s25, s13, $0xb8;
	[tilespmem:$0x13C00] =	vst v63  }
0x236: {  	s25 =	sld [smem:$0x7C5]  }
0x237: {  	s26 =	sld [smem:$0x7C6]  }
0x238: {  	[spmem:s2] =	stream.indirect.scatter.add.bf16 [tilespmem:s29], [sflag:$0x4], $0x8, s28, s13, $0xb8;
	[tilespmem:$0x13C00] =	vst v63  }
0x239: {  	s28 =	sld [smem:$0x7C7]  }
0x23a: {  	s29 =	sld [smem:$0x7C8]  }
0x23b: {  	[spmem:s2] =	stream.indirect.scatter.add.bf16 [tilespmem:s26], [sflag:$0x4], $0x8, s25, s13, $0xb8;
	[tilespmem:$0x13C00] =	vst v63  }
0x23c: {  	s25 =	sld [smem:$0x7C9]  }
0x23d: {  	s26 =	sld [smem:$0x7CA]  }
0x23e: {  	[spmem:s2] =	stream.indirect.scatter.add.bf16 [tilespmem:s29], [sflag:$0x4], $0x8, s28, s13, $0xb8;
	[tilespmem:$0x13C00] =	vst v63  }
0x23f: {  	s28 =	sld [smem:$0x7CB]  }
0x240: {  	s29 =	sld [smem:$0x7CC]  }
0x241: {  	[spmem:s2] =	stream.indirect.scatter.add.bf16 [tilespmem:s26], [sflag:$0x4], $0x8, s25, s13, $0xb8;
	[tilespmem:$0x13C00] =	vst v63  }
0x242: {  	s25 =	sld [smem:$0x7CD]  }
0x243: {  	s26 =	sld [smem:$0x7CE]  }
0x244: {  	[spmem:s2] =	stream.indirect.scatter.add.bf16 [tilespmem:s29], [sflag:$0x4], $0x8, s28, s13, $0xb8;
	[tilespmem:$0x13C00] =	vst v63  }
0x245: {  	s28 =	sld [smem:$0x7CF]  }
0x246: {  	s29 =	sld [smem:$0x7D0]  }
0x247: {  	[spmem:s2] =	stream.indirect.scatter.add.bf16 [tilespmem:s26], [sflag:$0x4], $0x8, s25, s13, $0xb8;
	[tilespmem:$0x13C00] =	vst v63  }
0x248: {  	s25 =	sld [smem:$0x7D1]  }
0x249: {  	s26 =	sld [smem:$0x7D2]  }
0x24a: {  	[spmem:s2] =	stream.indirect.scatter.add.bf16 [tilespmem:s29], [sflag:$0x4], $0x8, s28, s13, $0xb8;
	[tilespmem:$0x13C00] =	vst v63  }
0x24b: {  	s28 =	sld [smem:$0x7D3]  }
0x24c: {  	s29 =	sld [smem:$0x7D4]  }
0x24d: {  	[spmem:s2] =	stream.indirect.scatter.add.bf16 [tilespmem:s26], [sflag:$0x4], $0x8, s25, s13, $0xb8;
	[tilespmem:$0x13C00] =	vst v63  }
0x24e: {  	s25 =	sld [smem:$0x7D5]  }
0x24f: {  	s26 =	sld [smem:$0x7D6]  }
0x250: {  	[spmem:s2] =	stream.indirect.scatter.add.bf16 [tilespmem:s29], [sflag:$0x4], $0x8, s28, s13, $0xb8;
	[tilespmem:$0x13C00] =	vst v63  }
0x251: {  	s28 =	sld [smem:$0x7D7]  }
0x252: {  	s29 =	sld [smem:$0x7D8]  }
0x253: {  	[spmem:s2] =	stream.indirect.scatter.add.bf16 [tilespmem:s26], [sflag:$0x4], $0x8, s25, s13, $0xb8;
	[tilespmem:$0x13C00] =	vst v63  }
0x254: {  	s25 =	sld [smem:$0x7D9]  }
0x255: {  	s26 =	sld [smem:$0x7DA]  }
0x256: {  	[spmem:s2] =	stream.indirect.scatter.add.bf16 [tilespmem:s29], [sflag:$0x4], $0x8, s28, s13, $0xb8;
	[tilespmem:$0x13C00] =	vst v63  }
0x257: {  	s28 =	sld [smem:$0x7DB]  }
0x258: {  	s29 =	sld [smem:$0x7DC]  }
0x259: {  	[spmem:s2] =	stream.indirect.scatter.add.bf16 [tilespmem:s26], [sflag:$0x4], $0x8, s25, s13, $0xb8;
	[tilespmem:$0x13C00] =	vst v63  }
0x25a: {  	s25 =	sld [smem:$0x7DD]  }
0x25b: {  	s26 =	sld [smem:$0x7DE]  }
0x25c: {  	[spmem:s2] =	stream.indirect.scatter.add.bf16 [tilespmem:s29], [sflag:$0x4], $0x8, s28, s13, $0xb8;
	[tilespmem:$0x13C00] =	vst v63  }
0x25d: {  	s28 =	sld [smem:$0x7DF]  }
0x25e: {  	s29 =	sld [smem:$0x7E0]  }
0x25f: {  	[spmem:s2] =	stream.indirect.scatter.add.bf16 [tilespmem:s26], [sflag:$0x4], $0x8, s25, s13, $0xb8;
	[tilespmem:$0x13C00] =	vst v63  }
0x260: {  	_ = 	snop  }
0x261: {  	[spmem:s2] =	stream.indirect.scatter.add.bf16 [tilespmem:s29], [sflag:$0x4], $0x8, s28, s13, $0xb8;
	[tilespmem:$0x13C00] =	vst v63  }
0x262: {  	_ =	swait.ge [sflag:s20], $0x400  }
0x263: {  	[sflag:s20] =	ssyncset.done $0x0  }
0x264: {  	[sflag:s20] =	ssyncadd.s32 $0xFFFFFC00  }
0x265: {  	_ =	swait.ge [sflag:s20], $0x400  }
0x266: {  	[sflag:s20] =	ssyncset.done $0x0  }
0x267: {  	[sflag:s20] =	ssyncadd.s32 $0xFFFFFC00  }
0x268: {  	_ =	swait.ge [sflag:s20], $0x400  }
0x269: {  	[sflag:s20] =	ssyncset.done $0x0  }
0x26a: {  	[sflag:s20] =	ssyncadd.s32 $0xFFFFFC00  }
0x26b: {  	_ =	swait.ge [sflag:s20], $0x400  }
0x26c: {  	[sflag:s20] =	ssyncset.done $0x0  }
0x26d: {  	[sflag:s20] =	ssyncadd.s32 $0xFFFFFC00  }
0x26e: {  	_ =	swait.ge [sflag:s20], $0x400  }
0x26f: {  	[sflag:s20] =	ssyncset.done $0x0  }
0x270: {  	[sflag:s20] =	ssyncadd.s32 $0xFFFFFC00  }
0x271: {  	_ =	swait.ge [sflag:s20], $0x400  }
0x272: {  	[sflag:s20] =	ssyncset.done $0x0  }
0x273: {  	[sflag:s20] =	ssyncadd.s32 $0xFFFFFC00  }
0x274: {  	_ =	swait.ge [sflag:s20], $0x400  }
0x275: {  	[sflag:s20] =	ssyncset.done $0x0  }
0x276: {  	[sflag:s20] =	ssyncadd.s32 $0xFFFFFC00  }
0x277: {  	_ =	swait.ge [sflag:s20], $0x400  }
0x278: {  	[sflag:s20] =	ssyncset.done $0x0  }
0x279: {  	[sflag:s20] =	ssyncadd.s32 $0xFFFFFC00  }
0x27a: {  	_ =	swait.ge [sflag:s20], $0x400  }
0x27b: {  	[sflag:s20] =	ssyncset.done $0x0  }
0x27c: {  	[sflag:s20] =	ssyncadd.s32 $0xFFFFFC00  }
0x27d: {  	_ =	swait.ge [sflag:s20], $0x400  }
0x27e: {  	[sflag:s20] =	ssyncset.done $0x0  }
0x27f: {  	[sflag:s20] =	ssyncadd.s32 $0xFFFFFC00  }
0x280: {  	_ =	swait.ge [sflag:s20], $0x400  }
0x281: {  	[sflag:s20] =	ssyncset.done $0x0  }
0x282: {  	[sflag:s20] =	ssyncadd.s32 $0xFFFFFC00  }
0x283: {  	_ =	swait.ge [sflag:s20], $0x400  }
0x284: {  	[sflag:s20] =	ssyncset.done $0x0  }
0x285: {  	[sflag:s20] =	ssyncadd.s32 $0xFFFFFC00  }
0x286: {  	_ =	swait.ge [sflag:s20], $0x400  }
0x287: {  	[sflag:s20] =	ssyncset.done $0x0  }
0x288: {  	[sflag:s20] =	ssyncadd.s32 $0xFFFFFC00  }
0x289: {  	_ =	swait.ge [sflag:s20], $0x400  }
0x28a: {  	[sflag:s20] =	ssyncset.done $0x0  }
0x28b: {  	[sflag:s20] =	ssyncadd.s32 $0xFFFFFC00  }
0x28c: {  	_ =	swait.ge [sflag:s20], $0x400  }
0x28d: {  	[sflag:s20] =	ssyncset.done $0x0  }
0x28e: {  	[sflag:s20] =	ssyncadd.s32 $0xFFFFFC00  }
0x28f: {  	_ =	swait.ge [sflag:s20], $0x400  }
0x290: {  	[sflag:s20] =	ssyncset.done $0x0  }
0x291: {  	[sflag:s20] =	ssyncadd.s32 $0xFFFFFC00  }
0x292: {  	_ =	swait.ge [sflag:s20], $0x400  }
0x293: {  	[sflag:s20] =	ssyncset.done $0x0  }
0x294: {  	[sflag:s20] =	ssyncadd.s32 $0xFFFFFC00  }
0x295: {  	_ =	swait.ge [sflag:s20], $0x400  }
0x296: {  	[sflag:s20] =	ssyncset.done $0x0  }
0x297: {  	[sflag:s20] =	ssyncadd.s32 $0xFFFFFC00  }
0x298: {  	_ =	swait.ge [sflag:s20], $0x400  }
0x299: {  	[sflag:s20] =	ssyncset.done $0x0  }
0x29a: {  	[sflag:s20] =	ssyncadd.s32 $0xFFFFFC00  }
0x29b: {  	_ =	swait.ge [sflag:s20], $0x400  }
0x29c: {  	[sflag:s20] =	ssyncset.done $0x0  }
0x29d: {  	[sflag:s20] =	ssyncadd.s32 $0xFFFFFC00  }
0x29e: {  	_ =	swait.ge [sflag:s20], $0x400  }
0x29f: {  	[sflag:s20] =	ssyncset.done $0x0  }
0x2a0: {  	[sflag:s20] =	ssyncadd.s32 $0xFFFFFC00  }
0x2a1: {  	_ =	swait.ge [sflag:s20], $0x400  }
0x2a2: {  	[sflag:s20] =	ssyncset.done $0x0  }
0x2a3: {  	[sflag:s20] =	ssyncadd.s32 $0xFFFFFC00  }
0x2a4: {  	_ =	swait.ge [sflag:s20], $0x400  }
0x2a5: {  	[sflag:s20] =	ssyncset.done $0x0  }
0x2a6: {  	[sflag:s20] =	ssyncadd.s32 $0xFFFFFC00  }
0x2a7: {  	_ =	swait.ge [sflag:s20], $0x400  }
0x2a8: {  	[sflag:s20] =	ssyncset.done $0x0  }
0x2a9: {  	[sflag:s20] =	ssyncadd.s32 $0xFFFFFC00  }
0x2aa: {  	_ =	swait.ge [sflag:s20], $0x400  }
0x2ab: {  	[sflag:s20] =	ssyncset.done $0x0  }
0x2ac: {  	[sflag:s20] =	ssyncadd.s32 $0xFFFFFC00  }
0x2ad: {  	_ =	swait.ge [sflag:s20], $0x400  }
0x2ae: {  	s29 =	sld [smem:$0x7E1]  }
0x2af: {  	[sflag:s20] =	ssyncset.done $0x0  }
0x2b0: {  	[sflag:s20] =	ssyncadd.s32 $0xFFFFFC00  }
0x2b1: {  	[tilespmem:s7], [sflag:$0x1] =	stream.indirect.gather [hbm4b:s0+s19], $0x8, s29, s19, $0xb8;
	[tilespmem:$0x13C00] =	vst v63  }
0x2b2: {  	_ =	swait.ge [sflag:s4], $0x6800  }
0x2b3: {  	s26 =	sld [smem:$0x7E2]  }
0x2b4: {  	[sflag:s4] =	ssyncset.done $0x0  }
0x2b5: {  	s28 =	sld [smem:$0x7E4];
	[sflag:s4] =	ssyncadd.s32 $0xFFFF9800  }
0x2b6: {  	[spmem:s2] =	stream.indirect.scatter.add.bf16 [tilespmem:s7], [sflag:$0x3], $0x8, s26, s13, $0xb8;
	[tilespmem:$0x13C00] =	vst v63  }
0x2b7: {  	s29 =	sld [smem:$0x7E5]  }
0x2b8: {  	[spmem:s2] =	stream.indirect.scatter.add.bf16 [tilespmem:s30], [sflag:$0x3], $0x8, s28, s13, $0xb8;
	[tilespmem:$0x13C00] =	vst v63  }
0x2b9: {  	s28 =	sld [smem:$0x7E6]  }
0x2ba: {  	[spmem:s2] =	stream.indirect.scatter.add.bf16 [tilespmem:s31], [sflag:$0x3], $0x8, s29, s13, $0xb8;
	[tilespmem:$0x13C00] =	vst v63  }
0x2bb: {  	s29 =	sld [smem:$0x7E7]  }
0x2bc: {  	[spmem:s2] =	stream.indirect.scatter.add.bf16 [tilespmem:s11], [sflag:$0x3], $0x8, s28, s13, $0xb8;
	[tilespmem:$0x13C00] =	vst v63  }
0x2bd: {  	s28 =	sld [smem:$0x7E8]  }
0x2be: {  	[spmem:s2] =	stream.indirect.scatter.add.bf16 [tilespmem:s1], [sflag:$0x3], $0x8, s29, s13, $0xb8;
	[tilespmem:$0x13C00] =	vst v63  }
0x2bf: {  	s29 =	sld [smem:$0x7EA]  }
0x2c0: {  	[spmem:s2] =	stream.indirect.scatter.add.bf16 [tilespmem:s3], [sflag:$0x3], $0x8, s28, s13, $0xb8;
	[tilespmem:$0x13C00] =	vst v63  }
0x2c1: {  	s1 =	sld [smem:$0x7EB]  }
0x2c2: {  	[spmem:s2] =	stream.indirect.scatter.add.bf16 [tilespmem:s9], [sflag:$0x3], $0x8, s29, s13, $0xb8;
	[tilespmem:$0x13C00] =	vst v63  }
0x2c3: {  	s28 =	sld [smem:$0x7EC]  }
0x2c4: {  	[spmem:s2] =	stream.indirect.scatter.add.bf16 [tilespmem:s14], [sflag:$0x3], $0x8, s1, s13, $0xb8;
	[tilespmem:$0x13C00] =	vst v63  }
0x2c5: {  	s29 =	sld [smem:$0x7ED]  }
0x2c6: {  	[spmem:s2] =	stream.indirect.scatter.add.bf16 [tilespmem:s15], [sflag:$0x3], $0x8, s28, s13, $0xb8;
	[tilespmem:$0x13C00] =	vst v63  }
0x2c7: {  	s1 =	sld [smem:$0x7EE]  }
0x2c8: {  	[spmem:s2] =	stream.indirect.scatter.add.bf16 [tilespmem:s16], [sflag:$0x3], $0x8, s29, s13, $0xb8;
	[tilespmem:$0x13C00] =	vst v63  }
0x2c9: {  	s28 =	sld [smem:$0x7EF]  }
0x2ca: {  	[spmem:s2] =	stream.indirect.scatter.add.bf16 [tilespmem:s17], [sflag:$0x3], $0x8, s1, s13, $0xb8;
	[tilespmem:$0x13C00] =	vst v63  }
0x2cb: {  	s29 =	sld [smem:$0x7F0]  }
0x2cc: {  	[spmem:s2] =	stream.indirect.scatter.add.bf16 [tilespmem:s18], [sflag:$0x3], $0x8, s28, s13, $0xb8;
	[tilespmem:$0x13C00] =	vst v63  }
0x2cd: {  	s1 =	sld [smem:$0x7F1]  }
0x2ce: {  	[spmem:s2] =	stream.indirect.scatter.add.bf16 [tilespmem:s10], [sflag:$0x3], $0x8, s29, s13, $0xb8;
	[tilespmem:$0x13C00] =	vst v63  }
0x2cf: {  	s28 =	sld [smem:$0x7F2]  }
0x2d0: {  	[spmem:s2] =	stream.indirect.scatter.add.bf16 [tilespmem:s5], [sflag:$0x3], $0x8, s1, s13, $0xb8;
	[tilespmem:$0x13C00] =	vst v63  }
0x2d1: {  	s29 =	sld [smem:$0x7F3]  }
0x2d2: {  	[spmem:s2] =	stream.indirect.scatter.add.bf16 [tilespmem:s12], [sflag:$0x3], $0x8, s28, s13, $0xb8;
	[tilespmem:$0x13C00] =	vst v63  }
0x2d3: {  	s1 =	sld [smem:$0x7F4]  }
0x2d4: {  	[spmem:s2] =	stream.indirect.scatter.add.bf16 [tilespmem:s23], [sflag:$0x3], $0x8, s29, s13, $0xb8;
	[tilespmem:$0x13C00] =	vst v63  }
0x2d5: {  	s23 =	sld [smem:$0x7F5]  }
0x2d6: {  	[spmem:s2] =	stream.indirect.scatter.add.bf16 [tilespmem:s24], [sflag:$0x3], $0x8, s1, s13, $0xb8;
	[tilespmem:$0x13C00] =	vst v63  }
0x2d7: {  	s28 =	simm.s32 $0x9300;
	s24 =	sld [smem:$0x7F6]  }
0x2d8: {  	[spmem:s2] =	stream.indirect.scatter.add.bf16 [tilespmem:s28], [sflag:$0x3], $0x8, s23, s13, $0xb8;
	[tilespmem:$0x13C00] =	vst v63  }
0x2d9: {  	s29 =	sld [smem:$0x7F7];
	s23 =	simm.s32 $0x9700  }
0x2da: {  	[spmem:s2] =	stream.indirect.scatter.add.bf16 [tilespmem:s23], [sflag:$0x3], $0x8, s24, s13, $0xb8;
	[tilespmem:$0x13C00] =	vst v63  }
0x2db: {  	s28 =	simm.s32 $0x9B00;
	s24 =	sld [smem:$0x7F8]  }
0x2dc: {  	[spmem:s2] =	stream.indirect.scatter.add.bf16 [tilespmem:s28], [sflag:$0x3], $0x8, s29, s13, $0xb8;
	[tilespmem:$0x13C00] =	vst v63  }
0x2dd: {  	s23 =	simm.s32 $0x9F00;
	s29 =	sld [smem:$0x7F9]  }
0x2de: {  	[spmem:s2] =	stream.indirect.scatter.add.bf16 [tilespmem:s23], [sflag:$0x3], $0x8, s24, s13, $0xb8;
	[tilespmem:$0x13C00] =	vst v63  }
0x2df: {  	s28 =	simm.s32 $0xA300;
	s24 =	sld [smem:$0x7FA]  }
0x2e0: {  	[spmem:s2] =	stream.indirect.scatter.add.bf16 [tilespmem:s28], [sflag:$0x3], $0x8, s29, s13, $0xb8;
	[tilespmem:$0x13C00] =	vst v63  }
0x2e1: {  	s23 =	simm.s32 $0xA700;
	s29 =	sld [smem:$0x7FB]  }
0x2e2: {  	[spmem:s2] =	stream.indirect.scatter.add.bf16 [tilespmem:s23], [sflag:$0x3], $0x8, s24, s13, $0xb8;
	[tilespmem:$0x13C00] =	vst v63  }
0x2e3: {  	s28 =	simm.s32 $0xAB00;
	s24 =	sld [smem:$0x7FC]  }
0x2e4: {  	[spmem:s2] =	stream.indirect.scatter.add.bf16 [tilespmem:s28], [sflag:$0x3], $0x8, s29, s13, $0xb8;
	[tilespmem:$0x13C00] =	vst v63  }
0x2e5: {  	s23 =	simm.s32 $0xAF00;
	s29 =	sld [smem:$0x7FD]  }
0x2e6: {  	[spmem:s2] =	stream.indirect.scatter.add.bf16 [tilespmem:s23], [sflag:$0x3], $0x8, s24, s13, $0xb8;
	[tilespmem:$0x13C00] =	vst v63  }
0x2e7: {  	s24 =	simm.s32 $0xB300  }
0x2e8: {  	[spmem:s2] =	stream.indirect.scatter.add.bf16 [tilespmem:s24], [sflag:$0x3], $0x8, s29, s13, $0xb8;
	[tilespmem:$0x13C00] =	vst v63  }
0x2e9: {  	_ =	swait.ge [sflag:s21], $0x400  }
0x2ea: {  	[sflag:s21] =	ssyncset.done $0x0  }
0x2eb: {  	[sflag:s21] =	ssyncadd.s32 $0xFFFFFC00  }
0x2ec: {  	_ =	swait.ge [sflag:s21], $0x400  }
0x2ed: {  	[sflag:s21] =	ssyncset.done $0x0  }
0x2ee: {  	[sflag:s21] =	ssyncadd.s32 $0xFFFFFC00  }
0x2ef: {  	_ =	swait.ge [sflag:s21], $0x400  }
0x2f0: {  	[sflag:s21] =	ssyncset.done $0x0  }
0x2f1: {  	[sflag:s21] =	ssyncadd.s32 $0xFFFFFC00  }
0x2f2: {  	_ =	swait.ge [sflag:s21], $0x400  }
0x2f3: {  	[sflag:s21] =	ssyncset.done $0x0  }
0x2f4: {  	[sflag:s21] =	ssyncadd.s32 $0xFFFFFC00  }
0x2f5: {  	_ =	swait.ge [sflag:s21], $0x400  }
0x2f6: {  	[sflag:s21] =	ssyncset.done $0x0  }
0x2f7: {  	[sflag:s21] =	ssyncadd.s32 $0xFFFFFC00  }
0x2f8: {  	_ =	swait.ge [sflag:s21], $0x400  }
0x2f9: {  	[sflag:s21] =	ssyncset.done $0x0  }
0x2fa: {  	[sflag:s21] =	ssyncadd.s32 $0xFFFFFC00  }
0x2fb: {  	_ =	swait.ge [sflag:s21], $0x400  }
0x2fc: {  	[sflag:s21] =	ssyncset.done $0x0  }
0x2fd: {  	[sflag:s21] =	ssyncadd.s32 $0xFFFFFC00  }
0x2fe: {  	_ =	swait.ge [sflag:s21], $0x400  }
0x2ff: {  	[sflag:s21] =	ssyncset.done $0x0  }
0x300: {  	[sflag:s21] =	ssyncadd.s32 $0xFFFFFC00  }
0x301: {  	_ =	swait.ge [sflag:s21], $0x400  }
0x302: {  	[sflag:s21] =	ssyncset.done $0x0  }
0x303: {  	[sflag:s21] =	ssyncadd.s32 $0xFFFFFC00  }
0x304: {  	_ =	swait.ge [sflag:s21], $0x400  }
0x305: {  	[sflag:s21] =	ssyncset.done $0x0  }
0x306: {  	[sflag:s21] =	ssyncadd.s32 $0xFFFFFC00  }
0x307: {  	_ =	swait.ge [sflag:s21], $0x400  }
0x308: {  	[sflag:s21] =	ssyncset.done $0x0  }
0x309: {  	[sflag:s21] =	ssyncadd.s32 $0xFFFFFC00  }
0x30a: {  	_ =	swait.ge [sflag:s21], $0x400  }
0x30b: {  	[sflag:s21] =	ssyncset.done $0x0  }
0x30c: {  	[sflag:s21] =	ssyncadd.s32 $0xFFFFFC00  }
0x30d: {  	_ =	swait.ge [sflag:s21], $0x400  }
0x30e: {  	[sflag:s21] =	ssyncset.done $0x0  }
0x30f: {  	[sflag:s21] =	ssyncadd.s32 $0xFFFFFC00  }
0x310: {  	_ =	swait.ge [sflag:s21], $0x400  }
0x311: {  	[sflag:s21] =	ssyncset.done $0x0  }
0x312: {  	[sflag:s21] =	ssyncadd.s32 $0xFFFFFC00  }
0x313: {  	_ =	swait.ge [sflag:s21], $0x400  }
0x314: {  	[sflag:s21] =	ssyncset.done $0x0  }
0x315: {  	[sflag:s21] =	ssyncadd.s32 $0xFFFFFC00  }
0x316: {  	_ =	swait.ge [sflag:s21], $0x400  }
0x317: {  	[sflag:s21] =	ssyncset.done $0x0  }
0x318: {  	[sflag:s21] =	ssyncadd.s32 $0xFFFFFC00  }
0x319: {  	_ =	swait.ge [sflag:s21], $0x400  }
0x31a: {  	[sflag:s21] =	ssyncset.done $0x0  }
0x31b: {  	[sflag:s21] =	ssyncadd.s32 $0xFFFFFC00  }
0x31c: {  	_ =	swait.ge [sflag:s21], $0x400  }
0x31d: {  	[sflag:s21] =	ssyncset.done $0x0  }
0x31e: {  	[sflag:s21] =	ssyncadd.s32 $0xFFFFFC00  }
0x31f: {  	_ =	swait.ge [sflag:s21], $0x400  }
0x320: {  	[sflag:s21] =	ssyncset.done $0x0  }
0x321: {  	[sflag:s21] =	ssyncadd.s32 $0xFFFFFC00  }
0x322: {  	_ =	swait.ge [sflag:s21], $0x400  }
0x323: {  	[sflag:s21] =	ssyncset.done $0x0  }
0x324: {  	[sflag:s21] =	ssyncadd.s32 $0xFFFFFC00  }
0x325: {  	_ =	swait.ge [sflag:s21], $0x400  }
0x326: {  	[sflag:s21] =	ssyncset.done $0x0  }
0x327: {  	[sflag:s21] =	ssyncadd.s32 $0xFFFFFC00  }
0x328: {  	_ =	swait.ge [sflag:s21], $0x400  }
0x329: {  	[sflag:s21] =	ssyncset.done $0x0  }
0x32a: {  	[sflag:s21] =	ssyncadd.s32 $0xFFFFFC00  }
0x32b: {  	_ =	swait.ge [sflag:s21], $0x400  }
0x32c: {  	[sflag:s21] =	ssyncset.done $0x0  }
0x32d: {  	[sflag:s21] =	ssyncadd.s32 $0xFFFFFC00  }
0x32e: {  	_ =	swait.ge [sflag:s21], $0x400  }
0x32f: {  	[sflag:s21] =	ssyncset.done $0x0  }
0x330: {  	[sflag:s21] =	ssyncadd.s32 $0xFFFFFC00  }
0x331: {  	_ =	swait.ge [sflag:s21], $0x400  }
0x332: {  	[sflag:s21] =	ssyncset.done $0x0  }
0x333: {  	[sflag:s21] =	ssyncadd.s32 $0xFFFFFC00  }
0x334: {  	_ =	swait.ge [sflag:s21], $0x400  }
0x335: {  	[sflag:s21] =	ssyncset.done $0x0  }
0x336: {  	[sflag:s21] =	ssyncadd.s32 $0xFFFFFC00  }
0x337: {  	_ =	swait.ge [sflag:s20], $0x400  }
0x338: {  	[sflag:s20] =	ssyncset.done $0x0  }
0x339: {  	[sflag:s20] =	ssyncadd.s32 $0xFFFFFC00  }
0x33a: {  	_ =	swait.ge [sflag:s20], $0x400  }
0x33b: {  	[sflag:s20] =	ssyncset.done $0x0  }
0x33c: {  	[sflag:s20] =	ssyncadd.s32 $0xFFFFFC00  }
0x33d: {  	_ =	swait.ge [sflag:s20], $0x400  }
0x33e: {  	[sflag:s20] =	ssyncset.done $0x0  }
0x33f: {  	[sflag:s20] =	ssyncadd.s32 $0xFFFFFC00  }
0x340: {  	_ =	swait.ge [sflag:s20], $0x400  }
0x341: {  	[sflag:s20] =	ssyncset.done $0x0  }
0x342: {  	[sflag:s20] =	ssyncadd.s32 $0xFFFFFC00  }
0x343: {  	_ =	swait.ge [sflag:s20], $0x400  }
0x344: {  	[sflag:s20] =	ssyncset.done $0x0  }
0x345: {  	[sflag:s20] =	ssyncadd.s32 $0xFFFFFC00  }
0x346: {  	_ =	swait.ge [sflag:s20], $0x400  }
0x347: {  	[sflag:s20] =	ssyncset.done $0x0  }
0x348: {  	[sflag:s20] =	ssyncadd.s32 $0xFFFFFC00  }
0x349: {  	_ =	swait.ge [sflag:s20], $0x400  }
0x34a: {  	[sflag:s20] =	ssyncset.done $0x0  }
0x34b: {  	[sflag:s20] =	ssyncadd.s32 $0xFFFFFC00  }
0x34c: {  	_ =	swait.ge [sflag:s20], $0x400  }
0x34d: {  	[sflag:s20] =	ssyncset.done $0x0  }
0x34e: {  	[sflag:s20] =	ssyncadd.s32 $0xFFFFFC00  }
0x34f: {  	_ =	swait.ge [sflag:s20], $0x400  }
0x350: {  	[sflag:s20] =	ssyncset.done $0x0  }
0x351: {  	[sflag:s20] =	ssyncadd.s32 $0xFFFFFC00  }
0x352: {  	_ =	swait.ge [sflag:s20], $0x400  }
0x353: {  	[sflag:s20] =	ssyncset.done $0x0  }
0x354: {  	[sflag:s20] =	ssyncadd.s32 $0xFFFFFC00  }
0x355: {  	_ =	swait.ge [sflag:s20], $0x400  }
0x356: {  	[sflag:s20] =	ssyncset.done $0x0  }
0x357: {  	[sflag:s20] =	ssyncadd.s32 $0xFFFFFC00  }
0x358: {  	_ =	swait.ge [sflag:s20], $0x400  }
0x359: {  	[sflag:s20] =	ssyncset.done $0x0  }
0x35a: {  	[sflag:s20] =	ssyncadd.s32 $0xFFFFFC00  }
0x35b: {  	_ =	swait.ge [sflag:s20], $0x400  }
0x35c: {  	[sflag:s20] =	ssyncset.done $0x0  }
0x35d: {  	[sflag:s20] =	ssyncadd.s32 $0xFFFFFC00  }
0x35e: {  	_ =	swait.ge [sflag:s20], $0x400  }
0x35f: {  	[sflag:s20] =	ssyncset.done $0x0  }
0x360: {  	[sflag:s20] =	ssyncadd.s32 $0xFFFFFC00  }
0x361: {  	_ =	swait.ge [sflag:s20], $0x400  }
0x362: {  	[sflag:s20] =	ssyncset.done $0x0  }
0x363: {  	[sflag:s20] =	ssyncadd.s32 $0xFFFFFC00  }
0x364: {  	_ =	swait.ge [sflag:s20], $0x400  }
0x365: {  	[sflag:s20] =	ssyncset.done $0x0  }
0x366: {  	[sflag:s20] =	ssyncadd.s32 $0xFFFFFC00  }
0x367: {  	_ =	swait.ge [sflag:s20], $0x400  }
0x368: {  	[sflag:s20] =	ssyncset.done $0x0  }
0x369: {  	[sflag:s20] =	ssyncadd.s32 $0xFFFFFC00  }
0x36a: {  	_ =	swait.ge [sflag:s20], $0x400  }
0x36b: {  	[sflag:s20] =	ssyncset.done $0x0  }
0x36c: {  	[sflag:s20] =	ssyncadd.s32 $0xFFFFFC00  }
0x36d: {  	_ =	swait.ge [sflag:s20], $0x400  }
0x36e: {  	[sflag:s20] =	ssyncset.done $0x0  }
0x36f: {  	[sflag:s20] =	ssyncadd.s32 $0xFFFFFC00  }
0x370: {  	_ =	swait.ge [sflag:s20], $0x400  }
0x371: {  	[sflag:s20] =	ssyncset.done $0x0  }
0x372: {  	[sflag:s20] =	ssyncadd.s32 $0xFFFFFC00  }
0x373: {  	_ =	swait.ge [sflag:s20], $0x400  }
0x374: {  	[sflag:s20] =	ssyncset.done $0x0  }
0x375: {  	[sflag:s20] =	ssyncadd.s32 $0xFFFFFC00  }
0x376: {  	_ =	swait.ge [sflag:s20], $0x400  }
0x377: {  	[sflag:s20] =	ssyncset.done $0x0  }
0x378: {  	[sflag:s20] =	ssyncadd.s32 $0xFFFFFC00  }
0x379: {  	_ =	swait.ge [sflag:s20], $0x400  }
0x37a: {  	[sflag:s20] =	ssyncset.done $0x0  }
0x37b: {  	[sflag:s20] =	ssyncadd.s32 $0xFFFFFC00  }
0x37c: {  	_ =	swait.ge [sflag:s20], $0x400  }
0x37d: {  	[sflag:s20] =	ssyncset.done $0x0  }
0x37e: {  	[sflag:s20] =	ssyncadd.s32 $0xFFFFFC00  }
0x37f: {  	_ =	swait.ge [sflag:s20], $0x400  }
0x380: {  	[sflag:s20] =	ssyncset.done $0x0  }
0x381: {  	[sflag:s20] =	ssyncadd.s32 $0xFFFFFC00  }
0x382: {  	_ =	swait.ge [sflag:s20], $0x400  }
0x383: {  	s25 =	simm.s32 @!p0 $0x80;
	s26 =	simm.s32 @!p0 $0x11F00;
	[sflag:s20] =	ssyncset.done $0x0  }
0x384: {  	s1 =	simm.s32 @!p0 $0x2700;
	s23 =	simm.s32 @!p0 $0x1;
	[sflag:s20] =	ssyncadd.s32 $0xFFFFFC00  }
0x385: {  	[tilespmem:s26], [sflag:$0x1] =	stream.indirect.gather @!p0 [hbm4b:s0+s25], $0x8, s1, s25, $0xb8;
	[tilespmem:$0x13C00] =	vst v63  }
0x386: {  	_ =	swait.ge @!p0 [sflag:s23], $0x400  }
0x387: {  	[sflag:s23] =	ssyncset.done @!p0 $0x0  }
0x388: {  	s0 =	simm.s32 @!p0 $0x4E80;
	[sflag:s23] =	ssyncadd.s32 @!p0 $0xFFFFFC00  }
0x389: {  	[spmem:s2] =	stream.indirect.scatter.add.bf16 @!p0 [tilespmem:s26], [sflag:$0x5], $0x8, s0, s25, $0xb8;
	[tilespmem:$0x13C00] =	vst v63  }
0x38a: {  	_ =	swait.ge @!p0 [sflag:s22], $0x400  }
0x38b: {  	[sflag:s22] =	ssyncset.done @!p0 $0x0  }
0x38c: {  	[sflag:s22] =	ssyncadd.s32 @!p0 $0xFFFFFC00  }
0x38d: {  	[bflag:$0x0] =	sbarrier.arrive $0xFFFF  }
0x38e: {  	s26 =	stileid.u32;
	s28 =	sld [smem:$0x7E9]  }
0x38f: {  	s6 =	sadd.s32 $0xFFFFFFFF, s6;
	s23 =	sshll.u32 s26, $0x6  }
0x390: {  	p1 =	sne.s32 s6, $0x0;
	s23 =	sor.u32 $0x1C05, s23  }
.Ltmp0:
0x391: {  	s25 =	rddreg [dreg:$0xa];
	s29 =	sshrl.u32 s28, $0x3;
	(pc) =	sbr.rel @p1 .LBB2_1-.Ltmp0, $4  }
0x392: {  	[hbm:s25], [sflag:s23] =	dma.local [spmem:s29], $0x280  }
0x393: {  	_ =	swait.ge [sflag:s8], $0x280  }
0x394: {  	[sflag:s8] =	ssyncset.done $0x0  }
0x395: {  	[sflag:s8] =	ssyncadd.s32 $0xFFFFFD80  }
0x396: {  	_ =	sfence.sel $0x180000  }
0x397: {  	[bflag:$0x0] =	sbarrier.arrive $0xFFFF  }
0x398: {  	_ =	strace $0x9000004D  }
0x399: {  	s0 =	stileid.u32;
	[bflag:$0x2] =	sbarrier.arrive $0xFFFF  }
0x39a: {  	p0 =	sne.s32 s0, $0x0;
	s0 =	rddreg [dreg:$0x2]  }
0x39b: {  	s0 =	sadd.s32 @!p0 $0x100000, s0  }
0x39c: {  	[sflag:s0] =	ssyncadd.tile.s32 @!p0 $0x1;
	_ =	shalt  }
.Lfunc_end2:
_tile_overlayer_lowered:
.L_overlay_start_2:
0x39d: {  	(tag) =	ssettag $0x2  }
0x39e: {  	s0 =	rddreg [dreg:$0x0];
	s2 =	stileid.u32  }
0x39f: {  	s1 =	rddreg [dreg:$0x1];
	p0 =	sne.s32 s2, $0x0  }
0x3a0: {  	s3 =	rddreg [dreg:$0x2];
	[bflag:$0x3] =	sbarrier.arrive $0xFFFF;
	s2 =	simm.s32 @!p0 $0x1C05  }
0x3a1: {  	[timem:s3], [sflag:s2] =	dma.local @!p0 [hbm:s0], s1  }
0x3a2: {  	s0 =	simm.s32 @!p0 $0x5  }
0x3a3: {  	_ =	swait.ge @!p0 [sflag:s0], s1  }
0x3a4: {  	s1 =	ssub.s32 @!p0 $0x0, s1;
	[sflag:s0] =	ssyncset.done @!p0 $0x0  }
0x3a5: {  	[sflag:s0] =	ssyncadd.s32 @!p0 s1  }
0x3a6: {  	[bflag:$0x3] =	sbarrier.arrive $0xFFFF  }
0x3a7: {  	_ =	shalt  }

// kernel: kernel.8.cloned.1.call-start
scs
__scs_entry_jumppad:
0x0: {  	(pc) =	sbr.rel $0x88, $3  }
0x1: {  	(tag) =	ssettag $0x0;
	lr =	simm.s32 $0x1  }
0x2: {  	[smem:$0x3F9A] =	sst lr;
	_ =	strace $0xD0000000  }
0x3: {  	_ = 	snop  }
0x4: {  	_ = 	snop  }
0x5: {  	_ = 	snop  }
0x6: {  	_ = 	snop  }
0x7: {  	_ = 	snop  }
__scs_overlays_trampoline_lowered:
0x8: {  	[smem:$0x3FA9] =	sst s0  }
0x9: {  	[smem:$0x3FAA] =	sst s1  }
0xa: {  	[smem:$0x3FAB] =	sst s2  }
0xb: {  	[smem:$0x3FAC] =	sst s3  }
0xc: {  	[smem:$0x3FAD] =	sst s4  }
0xd: {  	[smem:$0x3FAE] =	sst s5  }
0xe: {  	[smem:$0x3FAF] =	sst s6  }
0xf: {  	[smem:$0x3FB0] =	sst s7  }
0x10: {  	[smem:$0x3FB1] =	sst s8  }
0x11: {  	[smem:$0x3FB2] =	sst s9;
	s0 =	simm.s32 @!p0 $0x0  }
0x12: {  	s1 =	sld [smem:$0x3F98];
	s0 =	simm.s32 @p0 $0x1  }
0x13: {  	[smem:$0x3FB3] =	sst s0;
	s0 =	simm.s32 @!p1 $0x0  }
0x14: {  	s2 =	sld [smem:$0x3F97];
	s0 =	simm.s32 @p1 $0x1  }
0x15: {  	[smem:$0x3FB4] =	sst s0;
	s0 =	simm.s32 @!p2 $0x0  }
0x16: {  	s3 =	sld [smem:$0x3FDB];
	s0 =	simm.s32 @p2 $0x1  }
0x17: {  	s4 =	simm.s32 $0x1BF5;
	[smem:$0x3FB6] =	sst s0  }
0x18: {  	s0 =	sld [smem:$0x3F99];
	_ =	swait.ge [sflag:s4], $0x0  }
0x19: {  	s7 =	sld [smem:$0x3F9A]  }
0x1a: {  	s8 =	sadd.s32 $0xFFFFE003, lr  }
0x1b: {  	s9 =	sadd.s32 $0xFFFFFEF7, lr;
	s5 =	simm.s32 $0xFFFFFFFF;
	p2 =	slt.u32 s8, $0xFFFFF086  }
0x1c: {  	p1 =	slt.u32 s9, $0xF7A;
	s5 =	simm.s32 @!p2 $0x0  }
0x1d: {  	s5 =	simm.s32 @p1 $0x1;
	p0 =	seq.s32 s7, s2  }
0x1e: {  	s7 =	smul.u32 @!p0 $0xF7A, s2;
	p2 =	seq.s32 @!p0 s5, $0x0  }
0x1f: {  	s9 =	smul.u32 $0xF7A, s1;
	s8 =	simm.s32 @!p0 $0x1BF5;
	p2 =	por !p2, p0  }
0x20: {  	[sflag:s8] =	ssyncset.s32 @!p0 $0xFFFFF086;
	s6 =	sadd.s32 @!p0 s3, s7;
	s7 =	simm.s32 @!p0 $0x108  }
0x21: {  	s3 =	sadd.s32 s3, s9;
	s6 =	sadd.s32 @!p0 $0x88, s6;
	s7 =	simm.s32 @p2 $0x1082  }
0x22: {  	[simem:s7], [sflag:s8] =	dma.local @!p0 [hbm:s6], $0xF7A  }
0x23: {  	s9 =	sor.u32 $0xD0000000, s2;
	s6 =	simm.s32 $0x108;
	_ =	swait.ge @!p0 [sflag:s8], $0x0  }
0x24: {  	s3 =	sadd.s32 $0x88, s3;
	s6 =	simm.s32 @!p1 $0x1082;
	[sflag:s4] =	ssyncset.s32 $0xFFFFF086  }
0x25: {  	[simem:s6], [sflag:s4] =	dma.local [hbm:s3], $0xF7A  }
0x26: {  	[smem:$0x3F9A] =	sst s1;
	(tag) =	ssettag s2;
	_ =	strace s9  }
0x27: {  	s1 =	sld [smem:$0x3FAA]  }
0x28: {  	s2 =	sld [smem:$0x3FAB]  }
0x29: {  	s4 =	sld [smem:$0x3FAD]  }
0x2a: {  	p0 =	seq.s32 s5, $0x0;
	s5 =	sld [smem:$0x3FAE]  }
0x2b: {  	s6 =	sld [smem:$0x3FAF]  }
0x2c: {  	s7 =	sld [smem:$0x3FB0]  }
0x2d: {  	s3 =	simm.s32 $0x108;
	s8 =	sld [smem:$0x3FB1]  }
0x2e: {  	s3 =	simm.s32 @!p0 $0x1082;
	s9 =	sld [smem:$0x3FB2]  }
0x2f: {  	lr =	sadd.s32 s0, s3;
	s0 =	sld [smem:$0x3FA9]  }
0x30: {  	s3 =	sld [smem:$0x3FAC]  }
0x31: {  	[smem:$0x3FB5] =	sst s10  }
0x32: {  	s10 =	sld [smem:$0x3FB3];
	_ =	sdelay $0x3  }
0x33: {  	p0 =	seq.s32 s10, $0x1;
	s10 =	sld [smem:$0x3FB5];
	_ =	sdelay $0x3  }
0x34: {  	[smem:$0x3FB5] =	sst s10  }
0x35: {  	s10 =	sld [smem:$0x3FB4];
	_ =	sdelay $0x3  }
0x36: {  	p1 =	seq.s32 s10, $0x1;
	s10 =	sld [smem:$0x3FB5];
	_ =	sdelay $0x3  }
0x37: {  	[smem:$0x3FB5] =	sst s10  }
0x38: {  	s10 =	sld [smem:$0x3FB6]  }
0x39: {  	_ = 	snop;
	(pc) =	sbr.ind lr, $3  }
0x3a: {  	_ = 	snop  }
0x3b: {  	_ = 	snop  }
0x3c: {  	p2 =	seq.s32 s10, $0x1;
	s10 =	sld [smem:$0x3FB5]  }
0x3d: {  	_ =	shalt  }
0x3e: {  	_ =	shalt  }
0x3f: {  	_ =	shalt  }
0x40: {  	_ =	shalt  }
0x41: {  	_ =	shalt  }
0x42: {  	_ =	shalt  }
0x43: {  	_ =	shalt  }
0x44: {  	_ =	shalt  }
0x45: {  	_ =	shalt  }
0x46: {  	_ =	shalt  }
0x47: {  	_ =	shalt  }
0x48: {  	_ =	shalt  }
0x49: {  	_ =	shalt  }
0x4a: {  	_ =	shalt  }
0x4b: {  	_ =	shalt  }
0x4c: {  	_ =	shalt  }
0x4d: {  	_ =	shalt  }
0x4e: {  	_ =	shalt  }
0x4f: {  	_ =	shalt  }
0x50: {  	_ =	shalt  }
0x51: {  	_ =	shalt  }
0x52: {  	_ =	shalt  }
0x53: {  	_ =	shalt  }
0x54: {  	_ =	shalt  }
0x55: {  	_ =	shalt  }
0x56: {  	_ =	shalt  }
0x57: {  	_ =	shalt  }
0x58: {  	_ =	shalt  }
0x59: {  	_ =	shalt  }
0x5a: {  	_ =	shalt  }
0x5b: {  	_ =	shalt  }
0x5c: {  	_ =	shalt  }
0x5d: {  	_ =	shalt  }
0x5e: {  	_ =	shalt  }
0x5f: {  	_ =	shalt  }
0x60: {  	_ =	shalt  }
0x61: {  	_ =	shalt  }
0x62: {  	_ =	shalt  }
0x63: {  	_ =	shalt  }
0x64: {  	_ =	shalt  }
0x65: {  	_ =	shalt  }
0x66: {  	_ =	shalt  }
0x67: {  	_ =	shalt  }
0x68: {  	_ =	shalt  }
0x69: {  	_ =	shalt  }
0x6a: {  	_ =	shalt  }
0x6b: {  	_ =	shalt  }
0x6c: {  	_ =	shalt  }
0x6d: {  	_ =	shalt  }
0x6e: {  	_ =	shalt  }
0x6f: {  	_ =	shalt  }
0x70: {  	_ =	shalt  }
0x71: {  	_ =	shalt  }
0x72: {  	_ =	shalt  }
0x73: {  	_ =	shalt  }
0x74: {  	_ =	shalt  }
0x75: {  	_ =	shalt  }
0x76: {  	_ =	shalt  }
0x77: {  	_ =	shalt  }
0x78: {  	_ =	shalt  }
0x79: {  	_ =	shalt  }
0x7a: {  	_ =	shalt  }
0x7b: {  	_ =	shalt  }
0x7c: {  	_ =	shalt  }
0x7d: {  	_ =	shalt  }
0x7e: {  	_ =	shalt  }
0x7f: {  	_ =	shalt  }
0x80: {  	_ =	shalt  }
0x81: {  	_ =	shalt  }
0x82: {  	_ =	shalt  }
0x83: {  	_ =	shalt  }
0x84: {  	_ =	shalt  }
0x85: {  	_ =	shalt  }
0x86: {  	_ =	shalt  }
0x87: {  	_ =	shalt  }
.Lfunc_end0:
.L_simem_size_0:
called_computation_lowered:
.L_overlay_start_0:
0x88: {  	s2 =	sld [smem:$0x3FD9]  }
0x89: {  	s3 =	sld [smem:$0x3FFE];
	_ =	sdelay $0x1  }
0x8a: {  	s1 =	srdreg.scid  }
0x8b: {  	s0 =	sand.u32 $0x1, s1  }
0x8c: {  	s16 =	sshll.u32 s0, $0xA;
	s2 =	sadd.s32 s3, s2  }
0x8d: {  	s2 =	sadd.s32 s2, s16  }
0x8e: {  	[smem:$0x3FC1] =	sst s2  }
0x8f: {  	_ = 	snop  }
0x90: {  	(tm) =	ssettm $0x1  }
0x91: {  	s17 =	sld [smem:$0x3FFB];
	_ =	sdelay $0x3  }
0x92: {  	_ =	strace s17  }
0x93: {  	s2 =	sld [smem:$0x3FFC];
	_ =	sdelay $0x3  }
0x94: {  	_ =	strace s2  }
0x95: {  	s2 =	sld [smem:$0x3FFD];
	_ =	sdelay $0x3  }
0x96: {  	_ =	strace s2  }
0x97: {  	_ =	strace $0x8FFFFFFF  }
0x98: {  	s18 =	sld [smem:$0x3FDB];
	_ =	sdelay $0x1  }
0x99: {  	s19 =	simm.s32 $_scs_section_size  }
0x9a: {  	s4 =	simm.s32 $_size__tile_overlayer_lowered;
	s5 =	simm.s32 $_tile_overlayer_lowered  }
0x9b: {  	s22 =	simm.s32 $0x1BFF;
	s21 =	sshll.u32 s5, $0x1;
	s2 =	sadd.s32 s19, s18  }
0x9c: {  	s6 =	simm.s32 $0x0;
	s20 =	sshll.u32 s4, $0x1;
	s4 =	sadd.s32 s21, s2  }
0x9d: {  	[timem:s6], [sflag:s22] =	dma.local [hbm:s4], s20  }
0x9e: {  	_ =	swait.ge [sflag:s22], s20  }
0x9f: {  	s3 =	ssub.s32 $0x0, s20;
	[sflag:s22] =	ssyncset.done $0x0  }
0xa0: {  	[sflag:s22] =	ssyncadd.s32 s3;
	_ =	sdelay $0x1  }
0xa1: {  	s23 =	simm.s32 $0x1B8B  }
0xa2: {  	_ =	swait.ge [sflag:s23], $0x1  }
0xa3: {  	[sflag:s23] =	ssyncset.done $0x0  }
0xa4: {  	s25 =	simm.s32 $0x1B8E;
	s24 =	sld [smem:$0x3FFE];
	[sflag:s23] =	ssyncadd.s32 $0xFFFFFFFF  }
0xa5: {  	s26 =	simm.s32 $execute0_lowered;
	[smem:$0x3FD2] =	sst s25  }
0xa6: {  	s4 =	sshll.u32 s26, $0x1;
	_ =	strace $0x80000046;
	[dreg:$0x1] =	wrdreg $0xFFFFFFFF  }
0xa7: {  	s28 =	simm.s32 $_size_execute0_lowered;
	s2 =	sadd.s32 s2, s4;
	[dreg:$0x0] =	wrdreg $0x0  }
0xa8: {  	s4 =	sshll.u32 s28, $0x1;
	[dreg:$0x2] =	wrdreg s2  }
0xa9: {  	[dreg:$0x3] =	wrdreg s4  }
0xaa: {  	[dreg:$0x4] =	wrdreg $0xC0  }
0xab: {  	_ =	task [dreg:s6], $0x5FFFF  }
0xac: {  	[dreg:$0x1] =	wrdreg $0xFFFFFFFF  }
0xad: {  	[dreg:$0x0] =	wrdreg $0x60  }
0xae: {  	[dreg:$0x2] =	wrdreg s24  }
0xaf: {  	[dreg:$0x3] =	wrdreg $0x2A800  }
0xb0: {  	[dreg:$0x4] =	wrdreg $0x9  }
0xb1: {  	_ =	task.clear_ibuf [dreg:s6], $0x5FFFF;
	_ =	strace $0x90000046  }
0xb2: {  	s29 =	simm.s32 $0x9;
	_ =	strace $0x80000048  }
0xb3: {  	_ =	swait.ge [sflag:s29], $0x1  }
0xb4: {  	[sflag:s29] =	ssyncadd.s32 $0xFFFFFFFF  }
0xb5: {  	_ =	strace $0x90000048  }
0xb6: {  	_ =	sfence  }
0xb7: {  	s30 =	sld [smem:$0x0];
	_ =	sdelay $0x2  }
0xb8: {  	s31 =	sshll.u32 s1, $0xD;
	s1 =	sshrl.u32 s1, $0x2  }
0xb9: {  	s3 =	sand.u32 $0x4000, s31;
	s1 =	sadd.s32 s1, s30  }
0xba: {  	s0 =	sor.u32 s3, s0;
	s1 =	sshll.u32 s1, $0x11  }
0xbb: {  	s0 =	sor.u32 s1, s0  }
0xbc: {  	s0 =	sadd.s32 $0x8F2B, s0  }
0xbd: {  	[sflag:s0] =	ssyncadd.remote.s32 $0x1  }
0xbe: {  	_ =	sfence.sel $0xFFFF  }
0xbf: {  	[dreg:$0x0] =	wrdreg $0xFFFFFFFF;
	(pc) =	sbr.abs _section_cstart, $3  }
0xc0: {  	[dreg:$0x1] =	wrdreg $0xFFFFFFFF  }
0xc1: {  	_ =	task.clear_ibuf [dreg:s6], $0x2FFFF;
	_ =	strace $0x9FFFFFFF  }
0xc2: {  	(tm) =	ssettm $0x7FFFFFFF  }
0xc3: {  	_ =	shalt  }
tec
execute0_lowered:
.L_overlay_start_1:
0x0: {  	(tag) =	ssettag $0x1  }
0x1: {  	s4 =	rddreg [dreg:$0x0]  }
0x2: {  	s2 =	rddreg [dreg:$0x1]  }
0x3: {  	s0 =	rddreg [dreg:$0x2]  }
0x4: {  	s5 =	srdreg.scid;
	s1 =	stileid.u32  }
0x5: {  	s3 =	simm.s32 $0x0;
	s13 =	simm.s32 $0x1;
	s16 =	simm.s32 $0x0  }
0x6: {  	s5 =	sand.u32 $0x1, s5;
	s6 =	smul.u32 $0x280, s1;
	[smem:$0x7FF] =	sst s3  }
0x7: {  	s8 =	sadd.s32 $0xB600, s4;
	s12 =	sshll.u32 s1, $0x4;
	s14 =	sshll.u32 s1, $0x6  }
0x8: {  	s7 =	smul.u32 $0x2800, s5;
	_ =	strace $0x80000047;
	s9 =	sshll.u32 s5, $0x4  }
0x9: {  	s5 =	ssub.s32 $0x2, s5;
	s12 =	sadd.s32 s12, s8;
	s14 =	sor.u32 $0x1C02, s14  }
0xa: {  	s9 =	sor.u32 s1, s9;
	s10 =	sshrl.u32 s5, $0x1;
	s7 =	sadd.s32 s6, s7  }
0xb: {  	s11 =	smul.u32 $0x4E0, s9;
	s10 =	ssub.s32 s5, s10;
	s7 =	sshrl.u32 s7, $0x3  }
0xc: {  	p0 =	sgt.u32 s9, $0x3;
	s9 =	simm.s32 $0x2800;
	s7 =	sadd.s32 s7, s4  }
0xd: {  	s4 =	sadd.s32 s6, s2;
	s5 =	sadd.s32 s8, s11;
	s6 =	sadd.s32 $0x9C00, s12  }
0xe: {  	s8 =	smax.u32 s10, $0x1;
	s10 =	simm.s32 $0x2;
	s11 =	simm.s32 $0x80  }
0xf: {  	v0 =	vimm.f32 $1.000000000e+00;
	v1 =	vimm.f32 $0.0e+00;
	s12 =	simm.s32 $0x2780;
	s7 =	sadd.s32 $0x15400, s7;
	s15 =	sshrl.u32 s4, $0x3  }
.LBB2_1:
0x10: {  	[tilespmem:$0x2780] =	vst v0  }
0x11: {  	[tilespmem:$0x2790] =	vst v0  }
0x12: {  	[tilespmem:$0x27A0] =	vst v0  }
0x13: {  	[tilespmem:$0x27B0] =	vst v0  }
0x14: {  	[tilespmem:$0x27C0] =	vst v0  }
0x15: {  	[tilespmem:$0x27D0] =	vst v0  }
0x16: {  	[tilespmem:$0x27E0] =	vst v0  }
0x17: {  	[tilespmem:$0x27F0] =	vst v0  }
0x18: {  	[tilespmem:$0x2800] =	vst v1  }
0x19: {  	[tilespmem:$0x2810] =	vst v1  }
0x1a: {  	[tilespmem:$0x2820] =	vst v1  }
0x1b: {  	[tilespmem:$0x2830] =	vst v1  }
0x1c: {  	[tilespmem:$0x2840] =	vst v1  }
0x1d: {  	[tilespmem:$0x2850] =	vst v1  }
0x1e: {  	[tilespmem:$0x2860] =	vst v1  }
0x1f: {  	[tilespmem:$0x2870] =	vst v1  }
0x20: {  	[tilespmem:$0x2880] =	vst v1  }
0x21: {  	[tilespmem:$0x2890] =	vst v1  }
0x22: {  	[tilespmem:$0x28A0] =	vst v1  }
0x23: {  	[tilespmem:$0x28B0] =	vst v1  }
0x24: {  	[tilespmem:$0x28C0] =	vst v1  }
0x25: {  	[tilespmem:$0x28D0] =	vst v1  }
0x26: {  	[tilespmem:$0x28E0] =	vst v1  }
0x27: {  	[tilespmem:$0x28F0] =	vst v1  }
0x28: {  	[tilespmem:$0x2900] =	vst v1  }
0x29: {  	[tilespmem:$0x2910] =	vst v1  }
0x2a: {  	[tilespmem:$0x2920] =	vst v1  }
0x2b: {  	[tilespmem:$0x2930] =	vst v1  }
0x2c: {  	[tilespmem:$0x2940] =	vst v1  }
0x2d: {  	[tilespmem:$0x2950] =	vst v1  }
0x2e: {  	[tilespmem:$0x2960] =	vst v1  }
0x2f: {  	[tilespmem:$0x2970] =	vst v1  }
0x30: {  	[tilespmem:$0x2980] =	vst v1  }
0x31: {  	[tilespmem:$0x2990] =	vst v1  }
0x32: {  	[tilespmem:$0x29A0] =	vst v1  }
0x33: {  	[tilespmem:$0x29B0] =	vst v1  }
0x34: {  	[tilespmem:$0x29C0] =	vst v1  }
0x35: {  	[tilespmem:$0x29D0] =	vst v1  }
0x36: {  	[tilespmem:$0x29E0] =	vst v1  }
0x37: {  	[tilespmem:$0x29F0] =	vst v1  }
0x38: {  	[tilespmem:$0x2A00] =	vst v1  }
0x39: {  	[tilespmem:$0x2A10] =	vst v1  }
0x3a: {  	[tilespmem:$0x2A20] =	vst v1  }
0x3b: {  	[tilespmem:$0x2A30] =	vst v1  }
0x3c: {  	[tilespmem:$0x2A40] =	vst v1  }
0x3d: {  	[tilespmem:$0x2A50] =	vst v1  }
0x3e: {  	[tilespmem:$0x2A60] =	vst v1  }
0x3f: {  	[tilespmem:$0x2A70] =	vst v1  }
0x40: {  	[spmem:s4] =	stream.linear.scatter [tilespmem:s9], [sflag:$0x2], $0x280, $0x38;
	[tilespmem:$0x2D00] =	vst v63  }
0x41: {  	_ =	swait.ge [sflag:s10], $0x280  }
0x42: {  	[sflag:s10] =	ssyncset.done $0x0  }
0x43: {  	[sflag:s10] =	ssyncadd.s32 $0xFFFFFD80  }
0x44: {  	[tilespmem:s3], [sflag:$0x2] =	stream.linear.gather [hbm4b:s5+s3], $0x2700, $0x38;
	[tilespmem:$0x2D00] =	vst v63  }
0x45: {  	_ =	swait.ge [sflag:s10], $0x2700  }
0x46: {  	[sflag:s10] =	ssyncset.done $0x0  }
0x47: {  	s17 =	simm.s32 @!p0 $0x0;
	s18 =	simm.s32 @!p0 $0x2700;
	[sflag:s10] =	ssyncadd.s32 $0xFFFFD900  }
0x48: {  	[tilespmem:s18], [sflag:$0x2] =	stream.linear.gather @!p0 [hbm4b:s6+s17], $0x80, $0x38;
	[tilespmem:$0x2D00] =	vst v63  }
0x49: {  	s17 =	simm.s32 @!p0 $0x2  }
0x4a: {  	_ =	swait.ge @!p0 [sflag:s17], $0x80  }
0x4b: {  	[sflag:s17] =	ssyncset.done @!p0 $0x0  }
0x4c: {  	[sflag:s17] =	ssyncadd.s32 @!p0 $0xFFFFFF80  }
0x4d: {  	s17 =	simm.s32 $0x0;
	[bflag:$0x0] =	sbarrier.arrive $0xFFFF  }
.LBB2_2:
0x4e: {  	p1 =	sne.s32 s17, $0x9A00  }
.Ltmp0:
0x4f: {  	_ = 	snop;
	(pc) =	sbr.rel @p1 .LBB2_2-.Ltmp0, $3  }
0x50: {  	_ =	sdelay $0x1  }
0x51: {  	s18 =	sshra.s32 s17, $0x2;
	s17 =	sadd.s32 $0x200, s17  }
0x52: {  	[spmem:s2] =	stream.indirect.scatter.add.f32 [tilespmem:s12], [sflag:$0x1], $0x1, s18, s11, $0xb8;
	[tilespmem:$0x2D00] =	vst v63  }
0x53: {  	_ =	swait.ge [sflag:s13], $0x80  }
0x54: {  	s17 =	simm.s32 $0x4D;
	[sflag:s13] =	ssyncset.done $0x0  }
.LBB2_4:
0x55: {  	p1 =	sne.s32 s17, $0x1;
	s17 =	sadd.s32 $0xFFFFFFFF, s17;
	[sflag:s13] =	ssyncadd.s32 $0xFFFFFF80  }
.Ltmp1:
0x56: {  	(pc) =	sbr.rel @p1 .LBB2_4-.Ltmp1, $3  }
0x57: {  	_ =	sdelay $0x1  }
0x58: {  	_ =	swait.ge [sflag:s13], $0x80  }
0x59: {  	[sflag:s13] =	ssyncset.done $0x0  }
0x5a: {  	[sflag:s13] =	ssyncadd.s32 $0xFFFFFF80  }
0x5b: {  	s17 =	simm.s32 @!p0 $0x80;
	s18 =	simm.s32 @!p0 $0x2700;
	s19 =	simm.s32 @!p0 $0x2780  }
0x5c: {  	[spmem:s2] =	stream.indirect.scatter.add.f32 @!p0 [tilespmem:s19], [sflag:$0x2], $0x1, s18, s17, $0xb8;
	[tilespmem:$0x2D00] =	vst v63  }
0x5d: {  	s17 =	simm.s32 @!p0 $0x2  }
0x5e: {  	_ =	swait.ge @!p0 [sflag:s17], $0x80  }
0x5f: {  	s16 =	sadd.s32 $0x1, s16;
	[sflag:s17] =	ssyncset.done @!p0 $0x0  }
0x60: {  	p1 =	sne.s32 s16, s8;
	[sflag:s17] =	ssyncadd.s32 @!p0 $0xFFFFFF80  }
.Ltmp2:
0x61: {  	[bflag:$0x0] =	sbarrier.arrive $0xFFFF;
	(pc) =	sbr.rel @p1 .LBB2_1-.Ltmp2, $4  }
0x62: {  	[hbm:s7], [sflag:s14] =	dma.local [spmem:s15], $0x50  }
0x63: {  	_ =	swait.ge [sflag:s10], $0x50  }
0x64: {  	[sflag:s10] =	ssyncset.done $0x0  }
0x65: {  	[sflag:s10] =	ssyncadd.s32 $0xFFFFFFB0  }
0x66: {  	_ =	sfence.sel $0x180000  }
0x67: {  	[bflag:$0x0] =	sbarrier.arrive $0xFFFF  }
0x68: {  	p0 =	sne.s32 s1, $0x0;
	_ =	strace $0x90000047  }
0x69: {  	s0 =	sadd.s32 @!p0 $0x100000, s0;
	[bflag:$0x2] =	sbarrier.arrive $0xFFFF  }
0x6a: {  	[sflag:s0] =	ssyncadd.tile.s32 @!p0 $0x1;
	_ =	shalt  }
.Lfunc_end2:
_tile_overlayer_lowered:
.L_overlay_start_2:
0x6b: {  	(tag) =	ssettag $0x2  }
0x6c: {  	s0 =	rddreg [dreg:$0x0];
	s2 =	stileid.u32  }
0x6d: {  	s1 =	rddreg [dreg:$0x1];
	p0 =	sne.s32 s2, $0x0  }
0x6e: {  	s3 =	rddreg [dreg:$0x2];
	[bflag:$0x3] =	sbarrier.arrive $0xFFFF;
	s2 =	simm.s32 @!p0 $0x1C02  }
0x6f: {  	[timem:s3], [sflag:s2] =	dma.local @!p0 [hbm:s0], s1  }
0x70: {  	s0 =	simm.s32 @!p0 $0x2  }
0x71: {  	_ =	swait.ge @!p0 [sflag:s0], s1  }
0x72: {  	s1 =	ssub.s32 @!p0 $0x0, s1;
	[sflag:s0] =	ssyncset.done @!p0 $0x0  }
0x73: {  	[sflag:s0] =	ssyncadd.s32 @!p0 s1  }
0x74: {  	[bflag:$0x3] =	sbarrier.arrive $0xFFFF  }
0x75: {  	_ =	shalt  }

</sc_bundles>
